<compile_context>
chip_gen: v7x
topology: tpu7x:2x2x1
jax: 0.10.2.dev20260603
libtpu: 0.0.44.dev20260713+nightly
codegen_flags: <defaults>
</compile_context>

<pallas_src>
import jax
import jax.numpy as jnp
from jax import lax
from jax.experimental import pallas as pl
from jax.experimental.pallas import tpu as pltpu
from jax.experimental.pallas import tpu_sc as plsc

N_NODES = 66125
N_PAD = 66560
N_TAB = 67584
H = 2
C = 64

NC, NS = 2, 16
BLK = 4416
NBLK = 16
EB_SCAN = NBLK * BLK
EPAD = NS * EB_SCAN
CH0 = 8192
CH1 = 9216
SC1_BASE = 4 * CH0
NACC = 73728
PADROW = 9216
BT = 64
PAD_DST = 1 << 30


def _prep_body(x_ref, w_ref, asrc_ref, adst_ref, as_ref, ad_ref):
    xb = x_ref[...]
    w = w_ref[...]
    xw = lax.dot_general(xb, w, (((1,), (1,)), ((), ())),
                         preferred_element_type=jnp.float32)
    a_s = asrc_ref[...].reshape(H, C)
    a_d = adst_ref[...].reshape(H, C)
    cols = []
    for tab in (a_s, a_d):
        for h in range(H):
            v = jnp.sum(xw[:, h * C:(h + 1) * C] * tab[h][None, :], axis=1)
            cols.append(v.reshape(-1, 1))
    as_ref[...] = jnp.concatenate([cols[0], cols[1]] * 8, axis=1)
    ad_ref[...] = jnp.concatenate([cols[2], cols[3]] * 8, axis=1)


def _prep(x, W, att_src, att_dst):
    grid = (N_TAB // 2048,)
    return pl.pallas_call(
        _prep_body,
        grid=grid,
        in_specs=[
            pl.BlockSpec((2048, 64), lambda i: (i, 0)),
            pl.BlockSpec((128, 64), lambda i: (0, 0)),
            pl.BlockSpec((1, H, C), lambda i: (0, 0, 0)),
            pl.BlockSpec((1, H, C), lambda i: (0, 0, 0)),
        ],
        out_specs=[
            pl.BlockSpec((2048, 16), lambda i: (i, 0)),
            pl.BlockSpec((2048, 16), lambda i: (i, 0)),
        ],
        out_shape=[
            jax.ShapeDtypeStruct((N_TAB, 16), jnp.float32),
            jax.ShapeDtypeStruct((N_TAB, 16), jnp.float32),
        ],
    )(x, W, att_src, att_dst)


def _edge_body(x_hbm, as_hbm, ad_hbm, src_hbm, dst_hbm, acc_hbm,
               src_v, dst_v, cpack, sidx, adidx, sdidx,
               xbuf, asbuf, adbuf, srows, acc_sp, gsem, ssem):
    cid = lax.axis_index("c")
    tid = lax.axis_index("s")
    iota16 = lax.iota(jnp.int32, 16)
    zero16 = jnp.zeros((16,), jnp.float32)
    zero16i = jnp.zeros((16,), jnp.int32)
    MAXI = jnp.int32(0x7FFFFFFF)

    chs = jnp.where(cid == 0, CH0, CH1)
    rows_t = chs // NS
    ncop = rows_t // 64

    def chunk_body(j, _):
        lo = cid * SC1_BASE + j * chs

        def zrow(r, _):
            for c in range(9):
                srows[0, r, pl.ds(c * 16, 16)] = zero16
            return 0
        lax.fori_loop(0, 64, zrow, 0)

        def zacc(t, _):
            pltpu.sync_copy(srows.at[0],
                            acc_sp.at[pl.ds(tid * rows_t + t * 64, 64), :])
            return 0
        lax.fori_loop(0, ncop, zacc, 0)
        plsc.subcore_barrier()

        def block_body(blk, _):
            base = tid * EB_SCAN + blk * BLK
            pltpu.sync_copy(src_hbm.at[pl.ds(base, BLK)], src_v)
            pltpu.sync_copy(dst_hbm.at[pl.ds(base, BLK)], dst_v)

            def filt(g, k):
                off = g * 32
                s0 = src_v[pl.ds(off, 16)]
                d0 = dst_v[pl.ds(off, 16)]
                s1 = src_v[pl.ds(off + 16, 16)]
                d1 = dst_v[pl.ds(off + 16, 16)]
                v0 = (d0 >= lo) & (d0 < lo + chs)
                v1 = (d1 >= lo) & (d1 < lo + chs)
                p0 = jnp.where(v0, lax.shift_left(s0, 14) | (d0 - lo), MAXI)
                p1 = jnp.where(v1, lax.shift_left(s1, 14) | (d1 - lo), MAXI)
                ks0, _u0 = plsc.sort_key_val(p0, p0)
                ks1, _u1 = plsc.sort_key_val(p1, p1)
                c0 = plsc.all_reduce_population_count(v0)[0]
                c1 = plsc.all_reduce_population_count(v1)[0]
                cpack[pl.ds(k, 16)] = ks0
                cpack[pl.ds(k + c0, 16)] = ks1
                return k + c0 + c1
            k = lax.fori_loop(0, BLK // 32, filt, jnp.int32(0))
            kp = ((k + 63) // 64) * 64
            nb = kp // 64

            def padv(v, _):
                lane = v * 16 + iota16
                pv = cpack[pl.ds(v * 16, 16)]
                cpack[pl.ds(v * 16, 16)] = jnp.where(lane < k, pv, zero16i)
                return 0
            lax.fori_loop(k // 16, kp // 16, padv, 0)

            def cpyfn(b):
                p2 = b % 2
                p3 = b % 3

                def cpy(q, _):
                    v = cpack[pl.ds(b * 64 + q * 16, 16)]
                    s = lax.shift_right_logical(v, 14)
                    drel = v & 16383
                    lane = b * 64 + q * 16 + iota16
                    sidx[p2, pl.ds(q * 16, 16)] = s
                    adidx[p2, pl.ds(q * 16, 16)] = drel + lo
                    sdidx[p3, pl.ds(q * 16, 16)] = jnp.where(
                        lane < k, drel, PADROW)
                    return 0
                lax.fori_loop(0, 4, cpy, 0)

            def gfire(b):
                p2 = b % 2
                pltpu.async_copy(
                    x_hbm.at[plsc.Indices(sidx.at[p2])], xbuf.at[p2], gsem)
                pltpu.async_copy(
                    as_hbm.at[plsc.Indices(sidx.at[p2])], asbuf.at[p2], gsem)
                pltpu.async_copy(
                    ad_hbm.at[plsc.Indices(adidx.at[p2])], adbuf.at[p2], gsem)

            @pl.when(nb > 0)
            def _():
                cpyfn(jnp.int32(0))
                gfire(jnp.int32(0))

            def batch_body(b, _):
                par = b % 2
                p3 = b % 3

                @pl.when(b >= 2)
                def _():
                    pltpu.make_async_copy(
                        srows.at[0],
                        acc_sp.at[pl.ds(0, 64), :], ssem).wait()

                @pl.when(b + 1 < nb)
                def _():
                    cpyfn(b + 1)
                    gfire(b + 1)

                pltpu.make_async_copy(
                    x_hbm.at[pl.ds(0, 64), :], xbuf.at[par], gsem).wait()
                pltpu.make_async_copy(
                    as_hbm.at[pl.ds(0, 64), :], asbuf.at[par], gsem).wait()
                pltpu.make_async_copy(
                    ad_hbm.at[pl.ds(0, 64), :], adbuf.at[par], gsem).wait()

                def sgrp(q, _):
                    for l in range(16):
                        e = q * 16 + l
                        av = asbuf[par, e, :] + adbuf[par, e, :]
                        av = jnp.where(av >= 0.0, av, 0.2 * av)
                        wv = jnp.exp(av)
                        w0 = wv[0]
                        w1 = wv[1]
                        for r in range(4):
                            xv = xbuf[par, e, pl.ds(r * 16, 16)]
                            srows[par, e, pl.ds(r * 16, 16)] = xv * w0
                            srows[par, e, pl.ds(64 + r * 16, 16)] = xv * w1
                        srows[par, e, pl.ds(128, 16)] = jnp.where(
                            iota16 < 2, wv, 0.0)
                    return 0
                lax.fori_loop(0, 4, sgrp, 0)

                pltpu.async_copy(
                    srows.at[par],
                    acc_sp.at[plsc.Indices(sdidx.at[p3])], ssem,
                    add=True)
                return 0
            lax.fori_loop(0, nb, batch_body, 0)

            def drain(i, _):
                pltpu.make_async_copy(
                    srows.at[0], acc_sp.at[pl.ds(0, 64), :], ssem).wait()
                return 0
            lax.fori_loop(0, jnp.minimum(nb, 2), drain, 0)
            return 0
        lax.fori_loop(0, NBLK, block_body, 0)
        plsc.subcore_barrier()

        def dump(t, _):
            r = tid * rows_t + t * 64
            pltpu.sync_copy(acc_sp.at[pl.ds(r, 64), :],
                            acc_hbm.at[pl.ds(lo + r, 64), :])
            return 0
        lax.fori_loop(0, ncop, dump, 0)
        return 0
    lax.fori_loop(0, 4, chunk_body, 0)


def _edge_phase(x, as16, ad16, src_pad, dst_pad):
    mesh = plsc.VectorSubcoreMesh(core_axis_name="c", subcore_axis_name="s",
                                  num_cores=NC, num_subcores=NS)
    fn = pl.kernel(
        _edge_body,
        out_type=jax.ShapeDtypeStruct((NACC, 144), jnp.float32),
        mesh=mesh,
        compiler_params=pltpu.CompilerParams(use_tc_tiling_on_sc=False, needs_layout_passes=False),
        scratch_types=[
            pltpu.VMEM((BLK,), jnp.int32),
            pltpu.VMEM((BLK,), jnp.int32),
            pltpu.VMEM((BLK + 64,), jnp.int32),
            pltpu.VMEM((2, 64), jnp.int32),
            pltpu.VMEM((2, 64), jnp.int32),
            pltpu.VMEM((3, 64), jnp.int32),
            pltpu.VMEM((2, 64, 64), jnp.float32),
            pltpu.VMEM((2, 64, 16), jnp.float32),
            pltpu.VMEM((2, 64, 16), jnp.float32),
            pltpu.VMEM((2, 64, 144), jnp.float32),
            pltpu.VMEM_SHARED((CH1 + 64, 144), jnp.float32),
            pltpu.SemaphoreType.DMA,
            pltpu.SemaphoreType.DMA,
        ],
    )
    return fn(x, as16, ad16, src_pad, dst_pad)


def _final_body(acc_ref, w_ref, b_ref, out_ref):
    a = acc_ref[...]
    w = w_ref[...]
    outs = []
    for h in range(H):
        d = a[:, 128 + h:129 + h] + 1e-16
        m = a[:, h * C:(h + 1) * C] / d
        y = lax.dot_general(m, w[h * C:(h + 1) * C, :],
                            (((1,), (1,)), ((), ())),
                            preferred_element_type=jnp.float32)
        outs.append(y)
    out_ref[...] = jnp.concatenate(outs, axis=1) + b_ref[...][None, :]


def _final(acc, W, bias):
    grid = (N_PAD // 1024,)
    return pl.pallas_call(
        _final_body,
        grid=grid,
        in_specs=[
            pl.BlockSpec((1024, 144), lambda i: (i, 0)),
            pl.BlockSpec((128, 64), lambda i: (0, 0)),
            pl.BlockSpec((128,), lambda i: (0,)),
        ],
        out_specs=pl.BlockSpec((1024, 128), lambda i: (i, 0)),
        out_shape=jax.ShapeDtypeStruct((N_NODES, H * C), jnp.float32),
    )(acc, W, bias)


def kernel(x, W, att_src, att_dst, bias, edge_index):
    n = x.shape[0]
    loop = jnp.arange(n, dtype=edge_index.dtype)
    src = jnp.concatenate([edge_index[0], loop])
    dst = jnp.concatenate([edge_index[1], loop])
    npad = EPAD - src.shape[0]
    src_pad = jnp.concatenate([src, jnp.zeros((npad,), jnp.int32)])
    dst_pad = jnp.concatenate([dst, jnp.full((npad,), PAD_DST, jnp.int32)])
    as16, ad16 = _prep(x, W, att_src, att_dst)
    acc = _edge_phase(x, as16, ad16, src_pad, dst_pad)
    return _final(acc, W, bias)

# --- scband reference (transcript-rebuilt; emitter-appended) ---
"""Pipeline reference for scband-model-38654705664588 (READ-ONLY COPY).

The authoritative reference and input builder live on the scoring server;
editing this copy changes nothing except your own understanding.
"""

import jax, jax.numpy as jnp
import numpy as np

N_USERS = 17449
N_ITEMS = 48676
N = N_USERS + N_ITEMS
E = 1058000
H = 2
C = 64
IN = 64


def _gat_forward(x, W, att_src, att_dst, bias, edge_index):
    # PyG GATConv(in=64, out=64, heads=2, concat=True, add_self_loops=True)
    n = x.shape[0]
    # add self loops (PyG default)
    loop = jnp.arange(n, dtype=edge_index.dtype)
    src = jnp.concatenate([edge_index[0], loop])
    dst = jnp.concatenate([edge_index[1], loop])
    # shared linear transform for src and dst (in_channels is int -> lin_src == lin_dst)
    xW = (x @ W.T).reshape(n, H, C)
    a_src = (xW * att_src).sum(axis=-1)  # [N, H]
    a_dst = (xW * att_dst).sum(axis=-1)  # [N, H]
    alpha = jax.nn.leaky_relu(a_src[src] + a_dst[dst], negative_slope=0.2)  # [E', H]
    # softmax over incoming edges per destination node
    amax = jax.ops.segment_max(alpha, dst, num_segments=n)
    alpha = jnp.exp(alpha - amax[dst])
    denom = jax.ops.segment_sum(alpha, dst, num_segments=n)
    alpha = alpha / (denom[dst] + 1e-16)
    msg = xW[src] * alpha[:, :, None]  # [E', H, C]
    out = jax.ops.segment_sum(msg, dst, num_segments=n)  # [N, H, C]
    return out.reshape(n, H * C) + bias


def setup_inputs(seed: int = 0) -> dict:
    key = jax.random.key(seed)
    k1, k2, k3, k4, k5 = jax.random.split(key, 5)
    edge_index = jax.random.randint(k1, (2, E), 0, N, dtype=jnp.int32)
    # xavier_normal_ init of the user/item embedding parameters (concatenated as x)
    std_x = float(np.sqrt(2.0 / (N + IN)))
    x = jax.random.normal(k2, (N, IN), dtype=jnp.float32) * std_x
    std_w = float(np.sqrt(2.0 / (IN + H * C)))
    W = jax.random.normal(k3, (H * C, IN), dtype=jnp.float32) * std_w
    att_src = jax.random.normal(k4, (1, H, C), dtype=jnp.float32) * 0.1
    att_dst = jax.random.normal(k5, (1, H, C), dtype=jnp.float32) * 0.1
    bias = jnp.zeros((H * C,), dtype=jnp.float32)
    return {"x": x, "W": W, "att_src": att_src, "att_dst": att_dst, "bias": bias, "edge_index": edge_index}


def reference(x, W, att_src, att_dst, bias, edge_index):
    return _gat_forward(x, W, att_src, att_dst, bias, edge_index)

if __name__ == "__main__":
    import jax
    _d = setup_inputs()
    print(jax.jit(kernel)(*tuple(_d.values())))

</pallas_src>

<mosaic_0001>
#map = affine_map<(d0, d1) -> (0, 0)>
#map1 = affine_map<(d0, d1) -> (0)>
module attributes {stable_mosaic.version = 14 : i64} {
  func.func @_edge_body(%arg0: i32, %arg1: i32, %arg2: memref<66125x64xf32, #tpu.memory_space<hbm>>, %arg3: memref<67584x16xf32, #tpu.memory_space<hbm>>, %arg4: memref<67584x16xf32, #tpu.memory_space<hbm>>, %arg5: memref<1130496xi32, #tpu.memory_space<hbm>>, %arg6: memref<1130496xi32, #tpu.memory_space<hbm>>, %arg7: memref<73728x144xf32, #tpu.memory_space<hbm>>, %arg8: memref<4416xi32, #tpu.memory_space<vmem>>, %arg9: memref<4416xi32, #tpu.memory_space<vmem>>, %arg10: memref<4480xi32, #tpu.memory_space<vmem>>, %arg11: memref<2x64xi32, #tpu.memory_space<vmem>>, %arg12: memref<2x64xi32, #tpu.memory_space<vmem>>, %arg13: memref<3x64xi32, #tpu.memory_space<vmem>>, %arg14: memref<2x64x64xf32, #tpu.memory_space<vmem>>, %arg15: memref<2x64x16xf32, #tpu.memory_space<vmem>>, %arg16: memref<2x64x16xf32, #tpu.memory_space<vmem>>, %arg17: memref<2x64x144xf32, #tpu.memory_space<vmem>>, %arg18: memref<9280x144xf32, #tpu.memory_space<vmem_shared>>, %arg19: memref<!tpu.dma_semaphore, #tpu.memory_space<semaphore_mem>>, %arg20: memref<!tpu.dma_semaphore, #tpu.memory_space<semaphore_mem>>) attributes {dimension_semantics = [#tpu.dimension_semantics<core_parallel>, #tpu.dimension_semantics<subcore_parallel>], iteration_bounds = array<i64: 2, 16>, scalar_prefetch = 0 : i64, scratch_operands = 13 : i64, tpu.core_type = #tpu.core_type<sc_vector_subcore>, window_params = [{transform_indices = #map}, {transform_indices = #map}, {transform_indices = #map}, {transform_indices = #map1}, {transform_indices = #map1}, {transform_indices = #map}]} {
    %iota3A = tpu.iota {dimensions = array<i32: 0>} : vector<16xi32>
    %broadcast_in_dim3A = arith.constant 0.000000e+00 : f32
    %broadcast_in_dim3A_0 = vector.broadcast %broadcast_in_dim3A : f32 to vector<16xf32>
    %broadcast_in_dim3A_1 = arith.constant 0 : i32
    %broadcast_in_dim3A_2 = vector.broadcast %broadcast_in_dim3A_1 : i32 to vector<16xi32>
    %eq3A = arith.constant 0 : i32
    %eq3A_3 = arith.cmpi eq, %arg0, %eq3A : i32
    %jit3A = arith.constant 8192 : i32
    %jit3A_4 = arith.constant 9216 : i32
    %select_n3A = arith.select %eq3A_3, %jit3A, %jit3A_4 : i32
    %jit3A_5 = arith.constant 16 : i32
    %div3A = arith.divsi %select_n3A, %jit3A_5 : i32
    %sign3A = arith.constant 0 : i32
    %sign3A_6 = arith.cmpi sgt, %select_n3A, %sign3A : i32
    %sign3A_7 = arith.extui %sign3A_6 : i1 to i32
    %sign3A_8 = arith.constant 0 : i32
    %sign3A_9 = arith.cmpi slt, %select_n3A, %sign3A_8 : i32
    %sign3A_10 = arith.extui %sign3A_9 : i1 to i32
    %sign3A_11 = arith.subi %sign3A_7, %sign3A_10 : i32
    %sign3A_12 = arith.constant 0 : i32
    %sign3A_13 = arith.cmpi sgt, %jit3A_5, %sign3A_12 : i32
    %sign3A_14 = arith.extui %sign3A_13 : i1 to i32
    %sign3A_15 = arith.constant 0 : i32
    %sign3A_16 = arith.cmpi slt, %jit3A_5, %sign3A_15 : i32
    %sign3A_17 = arith.extui %sign3A_16 : i1 to i32
    %sign3A_18 = arith.subi %sign3A_14, %sign3A_17 : i32
    %ne3A = arith.cmpi ne, %sign3A_11, %sign3A_18 : i32
    %rem3A = arith.remsi %select_n3A, %jit3A_5 : i32
    %ne3A_19 = arith.constant 0 : i32
    %ne3A_20 = arith.cmpi ne, %rem3A, %ne3A_19 : i32
    %and3A = arith.andi %ne3A, %ne3A_20 : i1
    %sub3A = arith.constant 1 : i32
    %sub3A_21 = arith.subi %div3A, %sub3A : i32
    %select_n3A_22 = arith.select %and3A, %sub3A_21, %div3A : i32
    %jit3A_23 = arith.constant 64 : i32
    %div3A_24 = arith.divsi %select_n3A_22, %jit3A_23 : i32
    %sign3A_25 = arith.constant 0 : i32
    %sign3A_26 = arith.cmpi sgt, %select_n3A_22, %sign3A_25 : i32
    %sign3A_27 = arith.extui %sign3A_26 : i1 to i32
    %sign3A_28 = arith.constant 0 : i32
    %sign3A_29 = arith.cmpi slt, %select_n3A_22, %sign3A_28 : i32
    %sign3A_30 = arith.extui %sign3A_29 : i1 to i32
    %sign3A_31 = arith.subi %sign3A_27, %sign3A_30 : i32
    %sign3A_32 = arith.constant 0 : i32
    %sign3A_33 = arith.cmpi sgt, %jit3A_23, %sign3A_32 : i32
    %sign3A_34 = arith.extui %sign3A_33 : i1 to i32
    %sign3A_35 = arith.constant 0 : i32
    %sign3A_36 = arith.cmpi slt, %jit3A_23, %sign3A_35 : i32
    %sign3A_37 = arith.extui %sign3A_36 : i1 to i32
    %sign3A_38 = arith.subi %sign3A_34, %sign3A_37 : i32
    %ne3A_39 = arith.cmpi ne, %sign3A_31, %sign3A_38 : i32
    %rem3A_40 = arith.remsi %select_n3A_22, %jit3A_23 : i32
    %ne3A_41 = arith.constant 0 : i32
    %ne3A_42 = arith.cmpi ne, %rem3A_40, %ne3A_41 : i32
    %and3A_43 = arith.andi %ne3A_39, %ne3A_42 : i1
    %sub3A_44 = arith.constant 1 : i32
    %sub3A_45 = arith.subi %div3A_24, %sub3A_44 : i32
    %select_n3A_46 = arith.select %and3A_43, %sub3A_45, %div3A_24 : i32
    %scan3A = arith.constant 2147483647 : i32
    %scan3A_47 = arith.constant 0 : i32
    %scan3A_48 = arith.constant 0 : i32
    %scan3A_49 = arith.constant 4 : i32
    %scan3A_50 = arith.addi %scan3A_48, %scan3A_49 : i32
    %scan3A_51 = arith.constant 1 : i32
    %scan3A_52 = scf.for %scan3A_54 = %scan3A_48 to %scan3A_50 step %scan3A_51 iter_args(%scan3A_55 = %scan3A_47) -> (i32)  : i32 {
      %mul3A = arith.constant 32768 : i32
      %mul3A_56 = arith.muli %arg0, %mul3A : i32
      %mul3A_57 = arith.muli %scan3A_54, %select_n3A : i32
      %add3A = arith.addi %mul3A_56, %mul3A_57 : i32
      %scan3A_58 = arith.constant 0 : i32
      %scan3A_59 = arith.constant 0 : i32
      %scan3A_60 = arith.constant 64 : i32
      %scan3A_61 = arith.addi %scan3A_59, %scan3A_60 : i32
      %scan3A_62 = arith.constant 1 : i32
      %scan3A_63 = scf.for %scan3A_97 = %scan3A_59 to %scan3A_61 step %scan3A_62 iter_args(%scan3A_98 = %scan3A_58) -> (i32)  : i32 {
        %swap3A = arith.constant 0 : i32
        %swap3A_99 = arith.index_cast %swap3A : i32 to index
        %swap3A_100 = arith.index_cast %scan3A_97 : i32 to index
        %swap3A_101 = arith.constant 0 : index
        %swap3A_102 = tpu.vector_load %arg17[%swap3A_99, %swap3A_100, %swap3A_101] {strides = array<i32>} : memref<2x64x144xf32, #tpu.memory_space<vmem>>, vector<16xf32>,
        tpu.vector_store %arg17[%swap3A_99, %swap3A_100, %swap3A_101], %broadcast_in_dim3A_0 {strides = array<i32>} : memref<2x64x144xf32, #tpu.memory_space<vmem>>, vector<16xf32>,
        %swap3A_103 = arith.constant 0 : i32
        %swap3A_104 = arith.index_cast %swap3A_103 : i32 to index
        %swap3A_105 = arith.index_cast %scan3A_97 : i32 to index
        %swap3A_106 = arith.constant 16 : index
        %swap3A_107 = tpu.vector_load %arg17[%swap3A_104, %swap3A_105, %swap3A_106] {strides = array<i32>} : memref<2x64x144xf32, #tpu.memory_space<vmem>>, vector<16xf32>,
        tpu.vector_store %arg17[%swap3A_104, %swap3A_105, %swap3A_106], %broadcast_in_dim3A_0 {strides = array<i32>} : memref<2x64x144xf32, #tpu.memory_space<vmem>>, vector<16xf32>,
        %swap3A_108 = arith.constant 0 : i32
        %swap3A_109 = arith.index_cast %swap3A_108 : i32 to index
        %swap3A_110 = arith.index_cast %scan3A_97 : i32 to index
        %swap3A_111 = arith.constant 32 : index
        %swap3A_112 = tpu.vector_load %arg17[%swap3A_109, %swap3A_110, %swap3A_111] {strides = array<i32>} : memref<2x64x144xf32, #tpu.memory_space<vmem>>, vector<16xf32>,
        tpu.vector_store %arg17[%swap3A_109, %swap3A_110, %swap3A_111], %broadcast_in_dim3A_0 {strides = array<i32>} : memref<2x64x144xf32, #tpu.memory_space<vmem>>, vector<16xf32>,
        %swap3A_113 = arith.constant 0 : i32
        %swap3A_114 = arith.index_cast %swap3A_113 : i32 to index
        %swap3A_115 = arith.index_cast %scan3A_97 : i32 to index
        %swap3A_116 = arith.constant 48 : index
        %swap3A_117 = tpu.vector_load %arg17[%swap3A_114, %swap3A_115, %swap3A_116] {strides = array<i32>} : memref<2x64x144xf32, #tpu.memory_space<vmem>>, vector<16xf32>,
        tpu.vector_store %arg17[%swap3A_114, %swap3A_115, %swap3A_116], %broadcast_in_dim3A_0 {strides = array<i32>} : memref<2x64x144xf32, #tpu.memory_space<vmem>>, vector<16xf32>,
        %swap3A_118 = arith.constant 0 : i32
        %swap3A_119 = arith.index_cast %swap3A_118 : i32 to index
        %swap3A_120 = arith.index_cast %scan3A_97 : i32 to index
        %swap3A_121 = arith.constant 64 : index
        %swap3A_122 = tpu.vector_load %arg17[%swap3A_119, %swap3A_120, %swap3A_121] {strides = array<i32>} : memref<2x64x144xf32, #tpu.memory_space<vmem>>, vector<16xf32>,
        tpu.vector_store %arg17[%swap3A_119, %swap3A_120, %swap3A_121], %broadcast_in_dim3A_0 {strides = array<i32>} : memref<2x64x144xf32, #tpu.memory_space<vmem>>, vector<16xf32>,
        %swap3A_123 = arith.constant 0 : i32
        %swap3A_124 = arith.index_cast %swap3A_123 : i32 to index
        %swap3A_125 = arith.index_cast %scan3A_97 : i32 to index
        %swap3A_126 = arith.constant 80 : index
        %swap3A_127 = tpu.vector_load %arg17[%swap3A_124, %swap3A_125, %swap3A_126] {strides = array<i32>} : memref<2x64x144xf32, #tpu.memory_space<vmem>>, vector<16xf32>,
        tpu.vector_store %arg17[%swap3A_124, %swap3A_125, %swap3A_126], %broadcast_in_dim3A_0 {strides = array<i32>} : memref<2x64x144xf32, #tpu.memory_space<vmem>>, vector<16xf32>,
        %swap3A_128 = arith.constant 0 : i32
        %swap3A_129 = arith.index_cast %swap3A_128 : i32 to index
        %swap3A_130 = arith.index_cast %scan3A_97 : i32 to index
        %swap3A_131 = arith.constant 96 : index
        %swap3A_132 = tpu.vector_load %arg17[%swap3A_129, %swap3A_130, %swap3A_131] {strides = array<i32>} : memref<2x64x144xf32, #tpu.memory_space<vmem>>, vector<16xf32>,
        tpu.vector_store %arg17[%swap3A_129, %swap3A_130, %swap3A_131], %broadcast_in_dim3A_0 {strides = array<i32>} : memref<2x64x144xf32, #tpu.memory_space<vmem>>, vector<16xf32>,
        %swap3A_133 = arith.constant 0 : i32
        %swap3A_134 = arith.index_cast %swap3A_133 : i32 to index
        %swap3A_135 = arith.index_cast %scan3A_97 : i32 to index
        %swap3A_136 = arith.constant 112 : index
        %swap3A_137 = tpu.vector_load %arg17[%swap3A_134, %swap3A_135, %swap3A_136] {strides = array<i32>} : memref<2x64x144xf32, #tpu.memory_space<vmem>>, vector<16xf32>,
        tpu.vector_store %arg17[%swap3A_134, %swap3A_135, %swap3A_136], %broadcast_in_dim3A_0 {strides = array<i32>} : memref<2x64x144xf32, #tpu.memory_space<vmem>>, vector<16xf32>,
        %swap3A_138 = arith.constant 0 : i32
        %swap3A_139 = arith.index_cast %swap3A_138 : i32 to index
        %swap3A_140 = arith.index_cast %scan3A_97 : i32 to index
        %swap3A_141 = arith.constant 128 : index
        %swap3A_142 = tpu.vector_load %arg17[%swap3A_139, %swap3A_140, %swap3A_141] {strides = array<i32>} : memref<2x64x144xf32, #tpu.memory_space<vmem>>, vector<16xf32>,
        tpu.vector_store %arg17[%swap3A_139, %swap3A_140, %swap3A_141], %broadcast_in_dim3A_0 {strides = array<i32>} : memref<2x64x144xf32, #tpu.memory_space<vmem>>, vector<16xf32>,
        %scan3A_143 = arith.constant 0 : i32
        scf.yield %scan3A_143 : i32
      }
      %scan3A_64 = arith.constant 64 : i32
      %while3A = arith.constant 0 : i32
      %while3A_65 = arith.constant 0 : i32
      %while3A_66 = arith.subi %select_n3A_46, %while3A : i32
      %while3A_67 = arith.addi %while3A, %while3A_66 : i32
      %while3A_68 = arith.constant 1 : i32
      %while3A_69 = arith.divsi %while3A_66, %while3A_68 : i32
      %while3A_70 = arith.muli %while3A_69, %while3A_68 : i32
      %while3A_71 = arith.addi %while3A, %while3A_70 : i32
      %while3A_72 = arith.constant 1 : i32
      %while3A_73 = scf.for %while3A_97 = %while3A to %while3A_71 step %while3A_72 iter_args(%while3A_98 = %while3A_65) -> (i32)  : i32 {
        %mul3A_99 = arith.muli %arg1, %select_n3A_22 : i32
        %mul3A_100 = arith.constant 64 : i32
        %mul3A_101 = arith.muli %while3A_97, %mul3A_100 : i32
        %add3A_102 = arith.addi %mul3A_99, %mul3A_101 : i32
        %run_scoped3A = arith.constant 0 : i32
        "tpu.region"() ({
          %run_scoped3A_104 = tpu.sem_alloc : memref<!tpu.dma_semaphore, #tpu.memory_space<semaphore_mem>>
          %dma_start3A = arith.constant 0 : i32
          %dma_start3A_105 = arith.constant 0 : i32
          %dma_start3A_106 = tpu.memref_slice %arg17[%run_scoped3A, %dma_start3A, %dma_start3A_105] : memref<2x64x144xf32, #tpu.memory_space<vmem>> -> memref<1x64x144xf32, #tpu.memory_space<vmem>>
          %dma_start3A_107 = tpu.memref_squeeze %dma_start3A_106 : memref<1x64x144xf32, #tpu.memory_space<vmem>> -> memref<64x144xf32, #tpu.memory_space<vmem>>
          %dma_start3A_108 = arith.constant 0 : i32
          %dma_start3A_109 = tpu.memref_slice %arg18[%add3A_102, %dma_start3A_108] : memref<9280x144xf32, #tpu.memory_space<vmem_shared>> -> memref<64x144xf32, #tpu.memory_space<vmem_shared>>
          %dma_start3A_110 = arith.constant 0 : i32
          %dma_start3A_111 = tpu.memref_slice %arg18[%add3A_102, %dma_start3A_110] : memref<9280x144xf32, #tpu.memory_space<vmem_shared>> -> memref<64x144xf32, #tpu.memory_space<vmem_shared>>
          %dma_start3A_112 = arith.constant 0 : i32
          %dma_start3A_113 = arith.constant 0 : i32
          %dma_start3A_114 = tpu.memref_slice %arg17[%run_scoped3A, %dma_start3A_112, %dma_start3A_113] : memref<2x64x144xf32, #tpu.memory_space<vmem>> -> memref<1x64x144xf32, #tpu.memory_space<vmem>>
          %dma_start3A_115 = tpu.memref_squeeze %dma_start3A_114 : memref<1x64x144xf32, #tpu.memory_space<vmem>> -> memref<64x144xf32, #tpu.memory_space<vmem>>
          tpu.enqueue_dma source(%dma_start3A_115 : memref<64x144xf32, #tpu.memory_space<vmem>>) target(%dma_start3A_111 : memref<64x144xf32, #tpu.memory_space<vmem_shared>>) target_semaphore(%run_scoped3A_104 : memref<!tpu.dma_semaphore, #tpu.memory_space<semaphore_mem>>)
          %dma_wait3A = arith.constant 0 : i32
          %dma_wait3A_116 = arith.constant 0 : i32
          %dma_wait3A_117 = tpu.memref_slice %arg17[%run_scoped3A, %dma_wait3A, %dma_wait3A_116] : memref<2x64x144xf32, #tpu.memory_space<vmem>> -> memref<1x64x144xf32, #tpu.memory_space<vmem>>
          %dma_wait3A_118 = tpu.memref_squeeze %dma_wait3A_117 : memref<1x64x144xf32, #tpu.memory_space<vmem>> -> memref<64x144xf32, #tpu.memory_space<vmem>>
          %dma_wait3A_119 = arith.constant 0 : i32
          %dma_wait3A_120 = tpu.memref_slice %arg18[%add3A_102, %dma_wait3A_119] : memref<9280x144xf32, #tpu.memory_space<vmem_shared>> -> memref<64x144xf32, #tpu.memory_space<vmem_shared>>
          %dma_wait3A_121 = arith.constant 0 : i32
          %dma_wait3A_122 = tpu.memref_slice %arg18[%add3A_102, %dma_wait3A_121] : memref<9280x144xf32, #tpu.memory_space<vmem_shared>> -> memref<64x144xf32, #tpu.memory_space<vmem_shared>>
          %dma_wait3A_123 = arith.constant 0 : i32
          %dma_wait3A_124 = arith.constant 0 : i32
          %dma_wait3A_125 = tpu.memref_slice %arg17[%run_scoped3A, %dma_wait3A_123, %dma_wait3A_124] : memref<2x64x144xf32, #tpu.memory_space<vmem>> -> memref<1x64x144xf32, #tpu.memory_space<vmem>>
          %dma_wait3A_126 = tpu.memref_squeeze %dma_wait3A_125 : memref<1x64x144xf32, #tpu.memory_space<vmem>> -> memref<64x144xf32, #tpu.memory_space<vmem>>
          tpu.wait_dma2 semaphore(%run_scoped3A_104 : memref<!tpu.dma_semaphore, #tpu.memory_space<semaphore_mem>>) src(%dma_wait3A_126 : memref<64x144xf32, #tpu.memory_space<vmem>>) dst(%dma_wait3A_122 : memref<64x144xf32, #tpu.memory_space<vmem_shared>>)
          tpu.yield
        }) : () -> ()
        %while3A_103 = arith.constant 0 : i32
        scf.yield %while3A_103 : i32
      }
      %while3A_74 = arith.constant 1 : i32
      %while3A_75 = scf.for %while3A_97 = %while3A_71 to %while3A_67 step %while3A_74 iter_args(%while3A_98 = %while3A_73) -> (i32)  : i32 {
        %mul3A_99 = arith.muli %arg1, %select_n3A_22 : i32
        %mul3A_100 = arith.constant 64 : i32
        %mul3A_101 = arith.muli %while3A_97, %mul3A_100 : i32
        %add3A_102 = arith.addi %mul3A_99, %mul3A_101 : i32
        %run_scoped3A = arith.constant 0 : i32
        "tpu.region"() ({
          %run_scoped3A_104 = tpu.sem_alloc : memref<!tpu.dma_semaphore, #tpu.memory_space<semaphore_mem>>
          %dma_start3A = arith.constant 0 : i32
          %dma_start3A_105 = arith.constant 0 : i32
          %dma_start3A_106 = tpu.memref_slice %arg17[%run_scoped3A, %dma_start3A, %dma_start3A_105] : memref<2x64x144xf32, #tpu.memory_space<vmem>> -> memref<1x64x144xf32, #tpu.memory_space<vmem>>
          %dma_start3A_107 = tpu.memref_squeeze %dma_start3A_106 : memref<1x64x144xf32, #tpu.memory_space<vmem>> -> memref<64x144xf32, #tpu.memory_space<vmem>>
          %dma_start3A_108 = arith.constant 0 : i32
          %dma_start3A_109 = tpu.memref_slice %arg18[%add3A_102, %dma_start3A_108] : memref<9280x144xf32, #tpu.memory_space<vmem_shared>> -> memref<64x144xf32, #tpu.memory_space<vmem_shared>>
          %dma_start3A_110 = arith.constant 0 : i32
          %dma_start3A_111 = tpu.memref_slice %arg18[%add3A_102, %dma_start3A_110] : memref<9280x144xf32, #tpu.memory_space<vmem_shared>> -> memref<64x144xf32, #tpu.memory_space<vmem_shared>>
          %dma_start3A_112 = arith.constant 0 : i32
          %dma_start3A_113 = arith.constant 0 : i32
          %dma_start3A_114 = tpu.memref_slice %arg17[%run_scoped3A, %dma_start3A_112, %dma_start3A_113] : memref<2x64x144xf32, #tpu.memory_space<vmem>> -> memref<1x64x144xf32, #tpu.memory_space<vmem>>
          %dma_start3A_115 = tpu.memref_squeeze %dma_start3A_114 : memref<1x64x144xf32, #tpu.memory_space<vmem>> -> memref<64x144xf32, #tpu.memory_space<vmem>>
          tpu.enqueue_dma source(%dma_start3A_115 : memref<64x144xf32, #tpu.memory_space<vmem>>) target(%dma_start3A_111 : memref<64x144xf32, #tpu.memory_space<vmem_shared>>) target_semaphore(%run_scoped3A_104 : memref<!tpu.dma_semaphore, #tpu.memory_space<semaphore_mem>>)
          %dma_wait3A = arith.constant 0 : i32
          %dma_wait3A_116 = arith.constant 0 : i32
          %dma_wait3A_117 = tpu.memref_slice %arg17[%run_scoped3A, %dma_wait3A, %dma_wait3A_116] : memref<2x64x144xf32, #tpu.memory_space<vmem>> -> memref<1x64x144xf32, #tpu.memory_space<vmem>>
          %dma_wait3A_118 = tpu.memref_squeeze %dma_wait3A_117 : memref<1x64x144xf32, #tpu.memory_space<vmem>> -> memref<64x144xf32, #tpu.memory_space<vmem>>
          %dma_wait3A_119 = arith.constant 0 : i32
          %dma_wait3A_120 = tpu.memref_slice %arg18[%add3A_102, %dma_wait3A_119] : memref<9280x144xf32, #tpu.memory_space<vmem_shared>> -> memref<64x144xf32, #tpu.memory_space<vmem_shared>>
          %dma_wait3A_121 = arith.constant 0 : i32
          %dma_wait3A_122 = tpu.memref_slice %arg18[%add3A_102, %dma_wait3A_121] : memref<9280x144xf32, #tpu.memory_space<vmem_shared>> -> memref<64x144xf32, #tpu.memory_space<vmem_shared>>
          %dma_wait3A_123 = arith.constant 0 : i32
          %dma_wait3A_124 = arith.constant 0 : i32
          %dma_wait3A_125 = tpu.memref_slice %arg17[%run_scoped3A, %dma_wait3A_123, %dma_wait3A_124] : memref<2x64x144xf32, #tpu.memory_space<vmem>> -> memref<1x64x144xf32, #tpu.memory_space<vmem>>
          %dma_wait3A_126 = tpu.memref_squeeze %dma_wait3A_125 : memref<1x64x144xf32, #tpu.memory_space<vmem>> -> memref<64x144xf32, #tpu.memory_space<vmem>>
          tpu.wait_dma2 semaphore(%run_scoped3A_104 : memref<!tpu.dma_semaphore, #tpu.memory_space<semaphore_mem>>) src(%dma_wait3A_126 : memref<64x144xf32, #tpu.memory_space<vmem>>) dst(%dma_wait3A_122 : memref<64x144xf32, #tpu.memory_space<vmem_shared>>)
          tpu.yield
        }) : () -> ()
        %while3A_103 = arith.constant 0 : i32
        scf.yield %while3A_103 : i32
      }
      %barrier3A = arith.constant 0 : index
      tpu.barrier barrier_id(%barrier3A)
      %scan3A_76 = arith.constant 0 : i32
      %scan3A_77 = arith.constant 0 : i32
      %scan3A_78 = arith.constant 16 : i32
      %scan3A_79 = arith.addi %scan3A_77, %scan3A_78 : i32
      %scan3A_80 = arith.constant 1 : i32
      %scan3A_81 = scf.for %scan3A_97 = %scan3A_77 to %scan3A_79 step %scan3A_80 iter_args(%scan3A_98 = %scan3A_76) -> (i32)  : i32 {
        %mul3A_99 = arith.constant 70656 : i32
        %mul3A_100 = arith.muli %arg1, %mul3A_99 : i32
        %mul3A_101 = arith.constant 4416 : i32
        %mul3A_102 = arith.muli %scan3A_97, %mul3A_101 : i32
        %add3A_103 = arith.addi %mul3A_100, %mul3A_102 : i32
        "tpu.region"() ({
          %run_scoped3A = tpu.sem_alloc : memref<!tpu.dma_semaphore, #tpu.memory_space<semaphore_mem>>
          %dma_start3A = tpu.memref_slice %arg5[%add3A_103] : memref<1130496xi32, #tpu.memory_space<hbm>> -> memref<4416xi32, #tpu.memory_space<hbm>>
          %dma_start3A_250 = tpu.memref_slice %arg5[%add3A_103] : memref<1130496xi32, #tpu.memory_space<hbm>> -> memref<4416xi32, #tpu.memory_space<hbm>>
          tpu.enqueue_dma source(%dma_start3A_250 : memref<4416xi32, #tpu.memory_space<hbm>>) target(%arg8 : memref<4416xi32, #tpu.memory_space<vmem>>) target_semaphore(%run_scoped3A : memref<!tpu.dma_semaphore, #tpu.memory_space<semaphore_mem>>)
          %dma_wait3A = tpu.memref_slice %arg5[%add3A_103] : memref<1130496xi32, #tpu.memory_space<hbm>> -> memref<4416xi32, #tpu.memory_space<hbm>>
          %dma_wait3A_251 = tpu.memref_slice %arg5[%add3A_103] : memref<1130496xi32, #tpu.memory_space<hbm>> -> memref<4416xi32, #tpu.memory_space<hbm>>
          tpu.wait_dma2 semaphore(%run_scoped3A : memref<!tpu.dma_semaphore, #tpu.memory_space<semaphore_mem>>) src(%dma_wait3A_251 : memref<4416xi32, #tpu.memory_space<hbm>>) dst(%arg8 : memref<4416xi32, #tpu.memory_space<vmem>>)
          tpu.yield
        }) : () -> ()
        "tpu.region"() ({
          %run_scoped3A = tpu.sem_alloc : memref<!tpu.dma_semaphore, #tpu.memory_space<semaphore_mem>>
          %dma_start3A = tpu.memref_slice %arg6[%add3A_103] : memref<1130496xi32, #tpu.memory_space<hbm>> -> memref<4416xi32, #tpu.memory_space<hbm>>
          %dma_start3A_250 = tpu.memref_slice %arg6[%add3A_103] : memref<1130496xi32, #tpu.memory_space<hbm>> -> memref<4416xi32, #tpu.memory_space<hbm>>
          tpu.enqueue_dma source(%dma_start3A_250 : memref<4416xi32, #tpu.memory_space<hbm>>) target(%arg9 : memref<4416xi32, #tpu.memory_space<vmem>>) target_semaphore(%run_scoped3A : memref<!tpu.dma_semaphore, #tpu.memory_space<semaphore_mem>>)
          %dma_wait3A = tpu.memref_slice %arg6[%add3A_103] : memref<1130496xi32, #tpu.memory_space<hbm>> -> memref<4416xi32, #tpu.memory_space<hbm>>
          %dma_wait3A_251 = tpu.memref_slice %arg6[%add3A_103] : memref<1130496xi32, #tpu.memory_space<hbm>> -> memref<4416xi32, #tpu.memory_space<hbm>>
          tpu.wait_dma2 semaphore(%run_scoped3A : memref<!tpu.dma_semaphore, #tpu.memory_space<semaphore_mem>>) src(%dma_wait3A_251 : memref<4416xi32, #tpu.memory_space<hbm>>) dst(%arg9 : memref<4416xi32, #tpu.memory_space<vmem>>)
          tpu.yield
        }) : () -> ()
        %scan3A_104 = arith.constant 0 : i32
        %scan3A_105 = arith.constant 0 : i32
        %scan3A_106 = arith.constant 138 : i32
        %scan3A_107 = arith.addi %scan3A_105, %scan3A_106 : i32
        %scan3A_108 = arith.constant 1 : i32
        %scan3A_109 = scf.for %scan3A_250 = %scan3A_105 to %scan3A_107 step %scan3A_108 iter_args(%scan3A_251 = %scan3A_104) -> (i32)  : i32 {
          %mul3A_252 = arith.constant 32 : i32
          %mul3A_253 = arith.muli %scan3A_250, %mul3A_252 : i32
          %get3A = arith.index_cast %mul3A_253 : i32 to index
          %get3A_254 = tpu.vector_load %arg8[%get3A] {strides = array<i32>} : memref<4416xi32, #tpu.memory_space<vmem>>, vector<16xi32>,
          %get3A_255 = arith.index_cast %mul3A_253 : i32 to index
          %get3A_256 = tpu.vector_load %arg9[%get3A_255] {strides = array<i32>} : memref<4416xi32, #tpu.memory_space<vmem>>, vector<16xi32>,
          %add3A_257 = arith.constant 16 : i32
          %add3A_258 = arith.addi %mul3A_253, %add3A_257 : i32
          %get3A_259 = arith.index_cast %add3A_258 : i32 to index
          %get3A_260 = tpu.vector_load %arg8[%get3A_259] {strides = array<i32>} : memref<4416xi32, #tpu.memory_space<vmem>>, vector<16xi32>,
          %add3A_261 = arith.constant 16 : i32
          %add3A_262 = arith.addi %mul3A_253, %add3A_261 : i32
          %get3A_263 = arith.index_cast %add3A_262 : i32 to index
          %get3A_264 = tpu.vector_load %arg9[%get3A_263] {strides = array<i32>} : memref<4416xi32, #tpu.memory_space<vmem>>, vector<16xi32>,
          %ge3A = vector.broadcast %add3A : i32 to vector<16xi32>
          %ge3A_265 = arith.cmpi sge, %get3A_256, %ge3A : vector<16xi32>
          %add3A_266 = arith.addi %add3A, %select_n3A : i32
          %lt3A = vector.broadcast %add3A_266 : i32 to vector<16xi32>
          %lt3A_267 = arith.cmpi slt, %get3A_256, %lt3A : vector<16xi32>
          %and3A_268 = arith.andi %ge3A_265, %lt3A_267 : vector<16xi1>
          %ge3A_269 = vector.broadcast %add3A : i32 to vector<16xi32>
          %ge3A_270 = arith.cmpi sge, %get3A_264, %ge3A_269 : vector<16xi32>
          %add3A_271 = arith.addi %add3A, %select_n3A : i32
          %lt3A_272 = vector.broadcast %add3A_271 : i32 to vector<16xi32>
          %lt3A_273 = arith.cmpi slt, %get3A_264, %lt3A_272 : vector<16xi32>
          %and3A_274 = arith.andi %ge3A_270, %lt3A_273 : vector<16xi1>
          %shift_left3A = arith.constant 14 : i32
          %shift_left3A_275 = vector.broadcast %shift_left3A : i32 to vector<16xi32>
          %shift_left3A_276 = arith.shli %get3A_254, %shift_left3A_275 : vector<16xi32>
          %sub3A_277 = vector.broadcast %add3A : i32 to vector<16xi32>
          %sub3A_278 = arith.subi %get3A_256, %sub3A_277 : vector<16xi32>
          %or3A = arith.ori %shift_left3A_276, %sub3A_278 : vector<16xi32>
          %broadcast_in_dim3A_279 = vector.broadcast %scan3A : i32 to vector<16xi32>
          %select_n3A_280 = arith.select %and3A_268, %or3A, %broadcast_in_dim3A_279 : vector<16xi1>, vector<16xi32>
          %shift_left3A_281 = arith.constant 14 : i32
          %shift_left3A_282 = vector.broadcast %shift_left3A_281 : i32 to vector<16xi32>
          %shift_left3A_283 = arith.shli %get3A_260, %shift_left3A_282 : vector<16xi32>
          %sub3A_284 = vector.broadcast %add3A : i32 to vector<16xi32>
          %sub3A_285 = arith.subi %get3A_264, %sub3A_284 : vector<16xi32>
          %or3A_286 = arith.ori %shift_left3A_283, %sub3A_285 : vector<16xi32>
          %broadcast_in_dim3A_287 = vector.broadcast %scan3A : i32 to vector<16xi32>
          %select_n3A_288 = arith.select %and3A_274, %or3A_286, %broadcast_in_dim3A_287 : vector<16xi1>, vector<16xi32>
          %masked_sort3A = arith.constant dense<true> : vector<16xi1>
          %masked_sort3A_289 = arith.constant -2147483648 : i32
          %masked_sort3A_290 = vector.broadcast %masked_sort3A_289 : i32 to vector<16xi32>
          %masked_sort3A_291 = arith.xori %select_n3A_280, %masked_sort3A_290 : vector<16xi32>
          %masked_sort3A_292, %masked_sort3A_293, %masked_sort3A_294 = tpu.sort %masked_sort3A_291, %select_n3A_280 masked %masked_sort3A : (vector<16xi32>, vector<16xi32>, vector<16xi1>) -> (vector<16xi1>, vector<16xi32>, vector<16xi32>)
          %masked_sort3A_295 = arith.xori %masked_sort3A_293, %masked_sort3A_290 : vector<16xi32>
          %masked_sort3A_296 = arith.constant dense<true> : vector<16xi1>
          %masked_sort3A_297 = arith.constant -2147483648 : i32
          %masked_sort3A_298 = vector.broadcast %masked_sort3A_297 : i32 to vector<16xi32>
          %masked_sort3A_299 = arith.xori %select_n3A_288, %masked_sort3A_298 : vector<16xi32>
          %masked_sort3A_300, %masked_sort3A_301, %masked_sort3A_302 = tpu.sort %masked_sort3A_299, %select_n3A_288 masked %masked_sort3A_296 : (vector<16xi32>, vector<16xi32>, vector<16xi1>) -> (vector<16xi1>, vector<16xi32>, vector<16xi32>)
          %masked_sort3A_303 = arith.xori %masked_sort3A_301, %masked_sort3A_298 : vector<16xi32>
          %all_reduce_population_count3A = tpu.all_reduce %and3A_268 {dim = 0 : i64, kind = #tpu.reduction_kind<sum>} : vector<16xi1> -> vector<16xi32>
          %slice3A = vector.extract_strided_slice %all_reduce_population_count3A {offsets = [0], sizes = [1], strides = [1]} : vector<16xi32> to vector<1xi32>
          %squeeze3A = vector.extract %slice3A[0] : i32 from vector<1xi32>
          %all_reduce_population_count3A_304 = tpu.all_reduce %and3A_274 {dim = 0 : i64, kind = #tpu.reduction_kind<sum>} : vector<16xi1> -> vector<16xi32>
          %slice3A_305 = vector.extract_strided_slice %all_reduce_population_count3A_304 {offsets = [0], sizes = [1], strides = [1]} : vector<16xi32> to vector<1xi32>
          %squeeze3A_306 = vector.extract %slice3A_305[0] : i32 from vector<1xi32>
          %swap3A = arith.index_cast %scan3A_251 : i32 to index
          %swap3A_307 = tpu.vector_load %arg10[%swap3A] {strides = array<i32>} : memref<4480xi32, #tpu.memory_space<vmem>>, vector<16xi32>,
          tpu.vector_store %arg10[%swap3A], %masked_sort3A_295 {strides = array<i32>} : memref<4480xi32, #tpu.memory_space<vmem>>, vector<16xi32>,
          %add3A_308 = arith.addi %scan3A_251, %squeeze3A : i32
          %swap3A_309 = arith.index_cast %add3A_308 : i32 to index
          %swap3A_310 = tpu.vector_load %arg10[%swap3A_309] {strides = array<i32>} : memref<4480xi32, #tpu.memory_space<vmem>>, vector<16xi32>,
          tpu.vector_store %arg10[%swap3A_309], %masked_sort3A_303 {strides = array<i32>} : memref<4480xi32, #tpu.memory_space<vmem>>, vector<16xi32>,
          %add3A_311 = arith.addi %scan3A_251, %squeeze3A : i32
          %add3A_312 = arith.addi %add3A_311, %squeeze3A_306 : i32
          scf.yield %add3A_312 : i32
        }
        %scan3A_110 = arith.constant 138 : i32
        %add3A_111 = arith.constant 63 : i32
        %add3A_112 = arith.addi %scan3A_109, %add3A_111 : i32
        %jit3A_113 = arith.constant 64 : i32
        %div3A_114 = arith.divsi %add3A_112, %jit3A_113 : i32
        %sign3A_115 = arith.constant 0 : i32
        %sign3A_116 = arith.cmpi sgt, %add3A_112, %sign3A_115 : i32
        %sign3A_117 = arith.extui %sign3A_116 : i1 to i32
        %sign3A_118 = arith.constant 0 : i32
        %sign3A_119 = arith.cmpi slt, %add3A_112, %sign3A_118 : i32
        %sign3A_120 = arith.extui %sign3A_119 : i1 to i32
        %sign3A_121 = arith.subi %sign3A_117, %sign3A_120 : i32
        %sign3A_122 = arith.constant 0 : i32
        %sign3A_123 = arith.cmpi sgt, %jit3A_113, %sign3A_122 : i32
        %sign3A_124 = arith.extui %sign3A_123 : i1 to i32
        %sign3A_125 = arith.constant 0 : i32
        %sign3A_126 = arith.cmpi slt, %jit3A_113, %sign3A_125 : i32
        %sign3A_127 = arith.extui %sign3A_126 : i1 to i32
        %sign3A_128 = arith.subi %sign3A_124, %sign3A_127 : i32
        %ne3A_129 = arith.cmpi ne, %sign3A_121, %sign3A_128 : i32
        %rem3A_130 = arith.remsi %add3A_112, %jit3A_113 : i32
        %ne3A_131 = arith.constant 0 : i32
        %ne3A_132 = arith.cmpi ne, %rem3A_130, %ne3A_131 : i32
        %and3A_133 = arith.andi %ne3A_129, %ne3A_132 : i1
        %sub3A_134 = arith.constant 1 : i32
        %sub3A_135 = arith.subi %div3A_114, %sub3A_134 : i32
        %select_n3A_136 = arith.select %and3A_133, %sub3A_135, %div3A_114 : i32
        %mul3A_137 = arith.constant 64 : i32
        %mul3A_138 = arith.muli %select_n3A_136, %mul3A_137 : i32
        %jit3A_139 = arith.constant 64 : i32
        %div3A_140 = arith.divsi %mul3A_138, %jit3A_139 : i32
        %sign3A_141 = arith.constant 0 : i32
        %sign3A_142 = arith.cmpi sgt, %mul3A_138, %sign3A_141 : i32
        %sign3A_143 = arith.extui %sign3A_142 : i1 to i32
        %sign3A_144 = arith.constant 0 : i32
        %sign3A_145 = arith.cmpi slt, %mul3A_138, %sign3A_144 : i32
        %sign3A_146 = arith.extui %sign3A_145 : i1 to i32
        %sign3A_147 = arith.subi %sign3A_143, %sign3A_146 : i32
        %sign3A_148 = arith.constant 0 : i32
        %sign3A_149 = arith.cmpi sgt, %jit3A_139, %sign3A_148 : i32
        %sign3A_150 = arith.extui %sign3A_149 : i1 to i32
        %sign3A_151 = arith.constant 0 : i32
        %sign3A_152 = arith.cmpi slt, %jit3A_139, %sign3A_151 : i32
        %sign3A_153 = arith.extui %sign3A_152 : i1 to i32
        %sign3A_154 = arith.subi %sign3A_150, %sign3A_153 : i32
        %ne3A_155 = arith.cmpi ne, %sign3A_147, %sign3A_154 : i32
        %rem3A_156 = arith.remsi %mul3A_138, %jit3A_139 : i32
        %ne3A_157 = arith.constant 0 : i32
        %ne3A_158 = arith.cmpi ne, %rem3A_156, %ne3A_157 : i32
        %and3A_159 = arith.andi %ne3A_155, %ne3A_158 : i1
        %sub3A_160 = arith.constant 1 : i32
        %sub3A_161 = arith.subi %div3A_140, %sub3A_160 : i32
        %select_n3A_162 = arith.select %and3A_159, %sub3A_161, %div3A_140 : i32
        %jit3A_163 = arith.constant 16 : i32
        %div3A_164 = arith.divsi %scan3A_109, %jit3A_163 : i32
        %sign3A_165 = arith.constant 0 : i32
        %sign3A_166 = arith.cmpi sgt, %scan3A_109, %sign3A_165 : i32
        %sign3A_167 = arith.extui %sign3A_166 : i1 to i32
        %sign3A_168 = arith.constant 0 : i32
        %sign3A_169 = arith.cmpi slt, %scan3A_109, %sign3A_168 : i32
        %sign3A_170 = arith.extui %sign3A_169 : i1 to i32
        %sign3A_171 = arith.subi %sign3A_167, %sign3A_170 : i32
        %sign3A_172 = arith.constant 0 : i32
        %sign3A_173 = arith.cmpi sgt, %jit3A_163, %sign3A_172 : i32
        %sign3A_174 = arith.extui %sign3A_173 : i1 to i32
        %sign3A_175 = arith.constant 0 : i32
        %sign3A_176 = arith.cmpi slt, %jit3A_163, %sign3A_175 : i32
        %sign3A_177 = arith.extui %sign3A_176 : i1 to i32
        %sign3A_178 = arith.subi %sign3A_174, %sign3A_177 : i32
        %ne3A_179 = arith.cmpi ne, %sign3A_171, %sign3A_178 : i32
        %rem3A_180 = arith.remsi %scan3A_109, %jit3A_163 : i32
        %ne3A_181 = arith.constant 0 : i32
        %ne3A_182 = arith.cmpi ne, %rem3A_180, %ne3A_181 : i32
        %and3A_183 = arith.andi %ne3A_179, %ne3A_182 : i1
        %sub3A_184 = arith.constant 1 : i32
        %sub3A_185 = arith.subi %div3A_164, %sub3A_184 : i32
        %select_n3A_186 = arith.select %and3A_183, %sub3A_185, %div3A_164 : i32
        %jit3A_187 = arith.constant 16 : i32
        %div3A_188 = arith.divsi %mul3A_138, %jit3A_187 : i32
        %sign3A_189 = arith.constant 0 : i32
        %sign3A_190 = arith.cmpi sgt, %mul3A_138, %sign3A_189 : i32
        %sign3A_191 = arith.extui %sign3A_190 : i1 to i32
        %sign3A_192 = arith.constant 0 : i32
        %sign3A_193 = arith.cmpi slt, %mul3A_138, %sign3A_192 : i32
        %sign3A_194 = arith.extui %sign3A_193 : i1 to i32
        %sign3A_195 = arith.subi %sign3A_191, %sign3A_194 : i32
        %sign3A_196 = arith.constant 0 : i32
        %sign3A_197 = arith.cmpi sgt, %jit3A_187, %sign3A_196 : i32
        %sign3A_198 = arith.extui %sign3A_197 : i1 to i32
        %sign3A_199 = arith.constant 0 : i32
        %sign3A_200 = arith.cmpi slt, %jit3A_187, %sign3A_199 : i32
        %sign3A_201 = arith.extui %sign3A_200 : i1 to i32
        %sign3A_202 = arith.subi %sign3A_198, %sign3A_201 : i32
        %ne3A_203 = arith.cmpi ne, %sign3A_195, %sign3A_202 : i32
        %rem3A_204 = arith.remsi %mul3A_138, %jit3A_187 : i32
        %ne3A_205 = arith.constant 0 : i32
        %ne3A_206 = arith.cmpi ne, %rem3A_204, %ne3A_205 : i32
        %and3A_207 = arith.andi %ne3A_203, %ne3A_206 : i1
        %sub3A_208 = arith.constant 1 : i32
        %sub3A_209 = arith.subi %div3A_188, %sub3A_208 : i32
        %select_n3A_210 = arith.select %and3A_207, %sub3A_209, %div3A_188 : i32
        %while3A_211 = arith.constant 0 : i32
        %while3A_212 = arith.subi %select_n3A_210, %select_n3A_186 : i32
        %while3A_213 = arith.addi %select_n3A_186, %while3A_212 : i32
        %while3A_214 = arith.constant 1 : i32
        %while3A_215 = arith.divsi %while3A_212, %while3A_214 : i32
        %while3A_216 = arith.muli %while3A_215, %while3A_214 : i32
        %while3A_217 = arith.addi %select_n3A_186, %while3A_216 : i32
        %while3A_218 = arith.constant 1 : i32
        %while3A_219 = scf.for %while3A_250 = %select_n3A_186 to %while3A_217 step %while3A_218 iter_args(%while3A_251 = %while3A_211) -> (i32)  : i32 {
          %mul3A_252 = arith.constant 16 : i32
          %mul3A_253 = arith.muli %while3A_250, %mul3A_252 : i32
          %add3A_254 = vector.broadcast %mul3A_253 : i32 to vector<16xi32>
          %add3A_255 = arith.addi %add3A_254, %iota3A : vector<16xi32>
          %mul3A_256 = arith.constant 16 : i32
          %mul3A_257 = arith.muli %while3A_250, %mul3A_256 : i32
          %get3A = arith.index_cast %mul3A_257 : i32 to index
          %get3A_258 = tpu.vector_load %arg10[%get3A] {strides = array<i32>} : memref<4480xi32, #tpu.memory_space<vmem>>, vector<16xi32>,
          %lt3A = vector.broadcast %scan3A_109 : i32 to vector<16xi32>
          %lt3A_259 = arith.cmpi slt, %add3A_255, %lt3A : vector<16xi32>
          %select_n3A_260 = arith.select %lt3A_259, %get3A_258, %broadcast_in_dim3A_2 : vector<16xi1>, vector<16xi32>
          %mul3A_261 = arith.constant 16 : i32
          %mul3A_262 = arith.muli %while3A_250, %mul3A_261 : i32
          %swap3A = arith.index_cast %mul3A_262 : i32 to index
          %swap3A_263 = tpu.vector_load %arg10[%swap3A] {strides = array<i32>} : memref<4480xi32, #tpu.memory_space<vmem>>, vector<16xi32>,
          tpu.vector_store %arg10[%swap3A], %select_n3A_260 {strides = array<i32>} : memref<4480xi32, #tpu.memory_space<vmem>>, vector<16xi32>,
          %while3A_264 = arith.constant 0 : i32
          scf.yield %while3A_264 : i32
        }
        %while3A_220 = arith.constant 1 : i32
        %while3A_221 = scf.for %while3A_250 = %while3A_217 to %while3A_213 step %while3A_220 iter_args(%while3A_251 = %while3A_219) -> (i32)  : i32 {
          %mul3A_252 = arith.constant 16 : i32
          %mul3A_253 = arith.muli %while3A_250, %mul3A_252 : i32
          %add3A_254 = vector.broadcast %mul3A_253 : i32 to vector<16xi32>
          %add3A_255 = arith.addi %add3A_254, %iota3A : vector<16xi32>
          %mul3A_256 = arith.constant 16 : i32
          %mul3A_257 = arith.muli %while3A_250, %mul3A_256 : i32
          %get3A = arith.index_cast %mul3A_257 : i32 to index
          %get3A_258 = tpu.vector_load %arg10[%get3A] {strides = array<i32>} : memref<4480xi32, #tpu.memory_space<vmem>>, vector<16xi32>,
          %lt3A = vector.broadcast %scan3A_109 : i32 to vector<16xi32>
          %lt3A_259 = arith.cmpi slt, %add3A_255, %lt3A : vector<16xi32>
          %select_n3A_260 = arith.select %lt3A_259, %get3A_258, %broadcast_in_dim3A_2 : vector<16xi1>, vector<16xi32>
          %mul3A_261 = arith.constant 16 : i32
          %mul3A_262 = arith.muli %while3A_250, %mul3A_261 : i32
          %swap3A = arith.index_cast %mul3A_262 : i32 to index
          %swap3A_263 = tpu.vector_load %arg10[%swap3A] {strides = array<i32>} : memref<4480xi32, #tpu.memory_space<vmem>>, vector<16xi32>,
          tpu.vector_store %arg10[%swap3A], %select_n3A_260 {strides = array<i32>} : memref<4480xi32, #tpu.memory_space<vmem>>, vector<16xi32>,
          %while3A_264 = arith.constant 0 : i32
          scf.yield %while3A_264 : i32
        }
        %gt3A = arith.constant 0 : i32
        %gt3A_222 = arith.cmpi sgt, %select_n3A_162, %gt3A : i32
        %convert_element_type3A = arith.extui %gt3A_222 : i1 to i32
        %cond3A = arith.constant 0 : i32
        %cond3A_223 = arith.cmpi ne, %convert_element_type3A, %cond3A : i32
        scf.if %cond3A_223 {
          %jit3A_250 = arith.constant 0 : i32
          %jit3A_251 = arith.constant 2 : i32
          %eq3A_252 = arith.constant 0 : i32
          %eq3A_253 = arith.cmpi eq, %jit3A_251, %eq3A_252 : i32
          %jit3A_254 = arith.constant 1 : i32
          %select_n3A_255 = arith.select %eq3A_253, %jit3A_254, %jit3A_251 : i32
          %rem3A_256 = arith.remsi %jit3A_250, %select_n3A_255 : i32
          %ne3A_257 = arith.constant 0 : i32
          %ne3A_258 = arith.cmpi ne, %rem3A_256, %ne3A_257 : i32
          %lt3A = arith.constant 0 : i32
          %lt3A_259 = arith.cmpi slt, %rem3A_256, %lt3A : i32
          %lt3A_260 = arith.constant 0 : i32
          %lt3A_261 = arith.cmpi slt, %select_n3A_255, %lt3A_260 : i32
          %ne3A_262 = arith.xori %lt3A_259, %lt3A_261 : i1
          %and3A_263 = arith.andi %ne3A_262, %ne3A_258 : i1
          %add3A_264 = arith.addi %rem3A_256, %select_n3A_255 : i32
          %select_n3A_265 = arith.select %and3A_263, %add3A_264, %rem3A_256 : i32
          %jit3A_266 = arith.constant 0 : i32
          %jit3A_267 = arith.constant 3 : i32
          %eq3A_268 = arith.constant 0 : i32
          %eq3A_269 = arith.cmpi eq, %jit3A_267, %eq3A_268 : i32
          %jit3A_270 = arith.constant 1 : i32
          %select_n3A_271 = arith.select %eq3A_269, %jit3A_270, %jit3A_267 : i32
          %rem3A_272 = arith.remsi %jit3A_266, %select_n3A_271 : i32
          %ne3A_273 = arith.constant 0 : i32
          %ne3A_274 = arith.cmpi ne, %rem3A_272, %ne3A_273 : i32
          %lt3A_275 = arith.constant 0 : i32
          %lt3A_276 = arith.cmpi slt, %rem3A_272, %lt3A_275 : i32
          %lt3A_277 = arith.constant 0 : i32
          %lt3A_278 = arith.cmpi slt, %select_n3A_271, %lt3A_277 : i32
          %ne3A_279 = arith.xori %lt3A_276, %lt3A_278 : i1
          %and3A_280 = arith.andi %ne3A_279, %ne3A_274 : i1
          %add3A_281 = arith.addi %rem3A_272, %select_n3A_271 : i32
          %select_n3A_282 = arith.select %and3A_280, %add3A_281, %rem3A_272 : i32
          %scan3A_283 = arith.constant 0 : i32
          %scan3A_284 = arith.constant 0 : i32
          %scan3A_285 = arith.constant 0 : i32
          %scan3A_286 = arith.constant 4 : i32
          %scan3A_287 = arith.addi %scan3A_285, %scan3A_286 : i32
          %scan3A_288 = arith.constant 1 : i32
          %scan3A_289 = scf.for %scan3A_337 = %scan3A_285 to %scan3A_287 step %scan3A_288 iter_args(%scan3A_338 = %scan3A_284) -> (i32)  : i32 {
            %mul3A_339 = arith.constant 64 : i32
            %mul3A_340 = arith.muli %scan3A_283, %mul3A_339 : i32
            %mul3A_341 = arith.constant 16 : i32
            %mul3A_342 = arith.muli %scan3A_337, %mul3A_341 : i32
            %add3A_343 = arith.addi %mul3A_340, %mul3A_342 : i32
            %get3A = arith.index_cast %add3A_343 : i32 to index
            %get3A_344 = tpu.vector_load %arg10[%get3A] {strides = array<i32>} : memref<4480xi32, #tpu.memory_space<vmem>>, vector<16xi32>,
            %shift_right_logical3A = arith.constant 14 : i32
            %shift_right_logical3A_345 = vector.broadcast %shift_right_logical3A : i32 to vector<16xi32>
            %shift_right_logical3A_346 = arith.shrui %get3A_344, %shift_right_logical3A_345 : vector<16xi32>
            %and3A_347 = arith.constant 16383 : i32
            %and3A_348 = vector.broadcast %and3A_347 : i32 to vector<16xi32>
            %and3A_349 = arith.andi %get3A_344, %and3A_348 : vector<16xi32>
            %mul3A_350 = arith.constant 64 : i32
            %mul3A_351 = arith.muli %scan3A_283, %mul3A_350 : i32
            %mul3A_352 = arith.constant 16 : i32
            %mul3A_353 = arith.muli %scan3A_337, %mul3A_352 : i32
            %add3A_354 = arith.addi %mul3A_351, %mul3A_353 : i32
            %add3A_355 = vector.broadcast %add3A_354 : i32 to vector<16xi32>
            %add3A_356 = arith.addi %add3A_355, %iota3A : vector<16xi32>
            %mul3A_357 = arith.constant 16 : i32
            %mul3A_358 = arith.muli %scan3A_337, %mul3A_357 : i32
            %swap3A = arith.index_cast %select_n3A_265 : i32 to index
            %swap3A_359 = arith.index_cast %mul3A_358 : i32 to index
            %swap3A_360 = tpu.vector_load %arg11[%swap3A, %swap3A_359] {strides = array<i32>} : memref<2x64xi32, #tpu.memory_space<vmem>>, vector<16xi32>,
            tpu.vector_store %arg11[%swap3A, %swap3A_359], %shift_right_logical3A_346 {strides = array<i32>} : memref<2x64xi32, #tpu.memory_space<vmem>>, vector<16xi32>,
            %add3A_361 = vector.broadcast %add3A : i32 to vector<16xi32>
            %add3A_362 = arith.addi %and3A_349, %add3A_361 : vector<16xi32>
            %mul3A_363 = arith.constant 16 : i32
            %mul3A_364 = arith.muli %scan3A_337, %mul3A_363 : i32
            %swap3A_365 = arith.index_cast %select_n3A_265 : i32 to index
            %swap3A_366 = arith.index_cast %mul3A_364 : i32 to index
            %swap3A_367 = tpu.vector_load %arg12[%swap3A_365, %swap3A_366] {strides = array<i32>} : memref<2x64xi32, #tpu.memory_space<vmem>>, vector<16xi32>,
            tpu.vector_store %arg12[%swap3A_365, %swap3A_366], %add3A_362 {strides = array<i32>} : memref<2x64xi32, #tpu.memory_space<vmem>>, vector<16xi32>,
            %lt3A_368 = vector.broadcast %scan3A_109 : i32 to vector<16xi32>
            %lt3A_369 = arith.cmpi slt, %add3A_356, %lt3A_368 : vector<16xi32>
            %jit3A_370 = arith.constant 9216 : i32
            %broadcast_in_dim3A_371 = vector.broadcast %jit3A_370 : i32 to vector<16xi32>
            %select_n3A_372 = arith.select %lt3A_369, %and3A_349, %broadcast_in_dim3A_371 : vector<16xi1>, vector<16xi32>
            %mul3A_373 = arith.constant 16 : i32
            %mul3A_374 = arith.muli %scan3A_337, %mul3A_373 : i32
            %swap3A_375 = arith.index_cast %select_n3A_282 : i32 to index
            %swap3A_376 = arith.index_cast %mul3A_374 : i32 to index
            %swap3A_377 = tpu.vector_load %arg13[%swap3A_375, %swap3A_376] {strides = array<i32>} : memref<3x64xi32, #tpu.memory_space<vmem>>, vector<16xi32>,
            tpu.vector_store %arg13[%swap3A_375, %swap3A_376], %select_n3A_372 {strides = array<i32>} : memref<3x64xi32, #tpu.memory_space<vmem>>, vector<16xi32>,
            %scan3A_378 = arith.constant 0 : i32
            scf.yield %scan3A_378 : i32
          }
          %scan3A_290 = arith.constant 4 : i32
          %jit3A_291 = arith.constant 0 : i32
          %jit3A_292 = arith.constant 2 : i32
          %eq3A_293 = arith.constant 0 : i32
          %eq3A_294 = arith.cmpi eq, %jit3A_292, %eq3A_293 : i32
          %jit3A_295 = arith.constant 1 : i32
          %select_n3A_296 = arith.select %eq3A_294, %jit3A_295, %jit3A_292 : i32
          %rem3A_297 = arith.remsi %jit3A_291, %select_n3A_296 : i32
          %ne3A_298 = arith.constant 0 : i32
          %ne3A_299 = arith.cmpi ne, %rem3A_297, %ne3A_298 : i32
          %lt3A_300 = arith.constant 0 : i32
          %lt3A_301 = arith.cmpi slt, %rem3A_297, %lt3A_300 : i32
          %lt3A_302 = arith.constant 0 : i32
          %lt3A_303 = arith.cmpi slt, %select_n3A_296, %lt3A_302 : i32
          %ne3A_304 = arith.xori %lt3A_301, %lt3A_303 : i1
          %and3A_305 = arith.andi %ne3A_304, %ne3A_299 : i1
          %add3A_306 = arith.addi %rem3A_297, %select_n3A_296 : i32
          %select_n3A_307 = arith.select %and3A_305, %add3A_306, %rem3A_297 : i32
          %dma_start3A = arith.constant 0 : i32
          %dma_start3A_308 = arith.constant 0 : i32
          %dma_start3A_309 = tpu.memref_slice %arg14[%select_n3A_307, %dma_start3A, %dma_start3A_308] : memref<2x64x64xf32, #tpu.memory_space<vmem>> -> memref<1x64x64xf32, #tpu.memory_space<vmem>>
          %dma_start3A_310 = tpu.memref_squeeze %dma_start3A_309 : memref<1x64x64xf32, #tpu.memory_space<vmem>> -> memref<64x64xf32, #tpu.memory_space<vmem>>
          %dma_start3A_311 = arith.constant 0 : i32
          %dma_start3A_312 = tpu.memref_slice %arg11[%select_n3A_307, %dma_start3A_311] : memref<2x64xi32, #tpu.memory_space<vmem>> -> memref<1x64xi32, #tpu.memory_space<vmem>>
          %dma_start3A_313 = tpu.memref_squeeze %dma_start3A_312 : memref<1x64xi32, #tpu.memory_space<vmem>> -> memref<64xi32, #tpu.memory_space<vmem>>
          %dma_start3A_314 = arith.constant 0 : i32
          %dma_start3A_315 = arith.constant 0 : i32
          %dma_start3A_316 = tpu.memref_slice %arg2[%dma_start3A_314, %dma_start3A_315] : memref<66125x64xf32, #tpu.memory_space<hbm>> -> memref<66125x64xf32, #tpu.memory_space<hbm>>
          tpu.enqueue_indirect_dma source(%dma_start3A_316 : memref<66125x64xf32, #tpu.memory_space<hbm>>) target(%dma_start3A_310 : memref<64x64xf32, #tpu.memory_space<vmem>>) offsets(%dma_start3A_313 : memref<64xi32, #tpu.memory_space<vmem>>) semaphore(%arg19 : memref<!tpu.dma_semaphore, #tpu.memory_space<semaphore_mem>>)
          %dma_start3A_317 = arith.constant 0 : i32
          %dma_start3A_318 = arith.constant 0 : i32
          %dma_start3A_319 = tpu.memref_slice %arg15[%select_n3A_307, %dma_start3A_317, %dma_start3A_318] : memref<2x64x16xf32, #tpu.memory_space<vmem>> -> memref<1x64x16xf32, #tpu.memory_space<vmem>>
          %dma_start3A_320 = tpu.memref_squeeze %dma_start3A_319 : memref<1x64x16xf32, #tpu.memory_space<vmem>> -> memref<64x16xf32, #tpu.memory_space<vmem>>
          %dma_start3A_321 = arith.constant 0 : i32
          %dma_start3A_322 = tpu.memref_slice %arg11[%select_n3A_307, %dma_start3A_321] : memref<2x64xi32, #tpu.memory_space<vmem>> -> memref<1x64xi32, #tpu.memory_space<vmem>>
          %dma_start3A_323 = tpu.memref_squeeze %dma_start3A_322 : memref<1x64xi32, #tpu.memory_space<vmem>> -> memref<64xi32, #tpu.memory_space<vmem>>
          %dma_start3A_324 = arith.constant 0 : i32
          %dma_start3A_325 = arith.constant 0 : i32
          %dma_start3A_326 = tpu.memref_slice %arg3[%dma_start3A_324, %dma_start3A_325] : memref<67584x16xf32, #tpu.memory_space<hbm>> -> memref<67584x16xf32, #tpu.memory_space<hbm>>
          tpu.enqueue_indirect_dma source(%dma_start3A_326 : memref<67584x16xf32, #tpu.memory_space<hbm>>) target(%dma_start3A_320 : memref<64x16xf32, #tpu.memory_space<vmem>>) offsets(%dma_start3A_323 : memref<64xi32, #tpu.memory_space<vmem>>) semaphore(%arg19 : memref<!tpu.dma_semaphore, #tpu.memory_space<semaphore_mem>>)
          %dma_start3A_327 = arith.constant 0 : i32
          %dma_start3A_328 = arith.constant 0 : i32
          %dma_start3A_329 = tpu.memref_slice %arg16[%select_n3A_307, %dma_start3A_327, %dma_start3A_328] : memref<2x64x16xf32, #tpu.memory_space<vmem>> -> memref<1x64x16xf32, #tpu.memory_space<vmem>>
          %dma_start3A_330 = tpu.memref_squeeze %dma_start3A_329 : memref<1x64x16xf32, #tpu.memory_space<vmem>> -> memref<64x16xf32, #tpu.memory_space<vmem>>
          %dma_start3A_331 = arith.constant 0 : i32
          %dma_start3A_332 = tpu.memref_slice %arg12[%select_n3A_307, %dma_start3A_331] : memref<2x64xi32, #tpu.memory_space<vmem>> -> memref<1x64xi32, #tpu.memory_space<vmem>>
          %dma_start3A_333 = tpu.memref_squeeze %dma_start3A_332 : memref<1x64xi32, #tpu.memory_space<vmem>> -> memref<64xi32, #tpu.memory_space<vmem>>
          %dma_start3A_334 = arith.constant 0 : i32
          %dma_start3A_335 = arith.constant 0 : i32
          %dma_start3A_336 = tpu.memref_slice %arg4[%dma_start3A_334, %dma_start3A_335] : memref<67584x16xf32, #tpu.memory_space<hbm>> -> memref<67584x16xf32, #tpu.memory_space<hbm>>
          tpu.enqueue_indirect_dma source(%dma_start3A_336 : memref<67584x16xf32, #tpu.memory_space<hbm>>) target(%dma_start3A_330 : memref<64x16xf32, #tpu.memory_space<vmem>>) offsets(%dma_start3A_333 : memref<64xi32, #tpu.memory_space<vmem>>) semaphore(%arg19 : memref<!tpu.dma_semaphore, #tpu.memory_space<semaphore_mem>>)
        } else {
        }
        %while3A_224 = arith.constant 0 : i32
        %while3A_225 = arith.constant 0 : i32
        %while3A_226 = arith.subi %select_n3A_162, %while3A_224 : i32
        %while3A_227 = arith.addi %while3A_224, %while3A_226 : i32
        %while3A_228 = arith.constant 1 : i32
        %while3A_229 = arith.divsi %while3A_226, %while3A_228 : i32
        %while3A_230 = arith.muli %while3A_229, %while3A_228 : i32
        %while3A_231 = arith.addi %while3A_224, %while3A_230 : i32
        %while3A_232 = arith.constant 1 : i32
        %while3A_233 = scf.for %while3A_250 = %while3A_224 to %while3A_231 step %while3A_232 iter_args(%while3A_251 = %while3A_225) -> (i32)  : i32 {
          %jit3A_252 = arith.constant 2 : i32
          %eq3A_253 = arith.constant 0 : i32
          %eq3A_254 = arith.cmpi eq, %jit3A_252, %eq3A_253 : i32
          %jit3A_255 = arith.constant 1 : i32
          %select_n3A_256 = arith.select %eq3A_254, %jit3A_255, %jit3A_252 : i32
          %rem3A_257 = arith.remsi %while3A_250, %select_n3A_256 : i32
          %ne3A_258 = arith.constant 0 : i32
          %ne3A_259 = arith.cmpi ne, %rem3A_257, %ne3A_258 : i32
          %lt3A = arith.constant 0 : i32
          %lt3A_260 = arith.cmpi slt, %rem3A_257, %lt3A : i32
          %lt3A_261 = arith.constant 0 : i32
          %lt3A_262 = arith.cmpi slt, %select_n3A_256, %lt3A_261 : i32
          %ne3A_263 = arith.xori %lt3A_260, %lt3A_262 : i1
          %and3A_264 = arith.andi %ne3A_263, %ne3A_259 : i1
          %add3A_265 = arith.addi %rem3A_257, %select_n3A_256 : i32
          %select_n3A_266 = arith.select %and3A_264, %add3A_265, %rem3A_257 : i32
          %jit3A_267 = arith.constant 3 : i32
          %eq3A_268 = arith.constant 0 : i32
          %eq3A_269 = arith.cmpi eq, %jit3A_267, %eq3A_268 : i32
          %jit3A_270 = arith.constant 1 : i32
          %select_n3A_271 = arith.select %eq3A_269, %jit3A_270, %jit3A_267 : i32
          %rem3A_272 = arith.remsi %while3A_250, %select_n3A_271 : i32
          %ne3A_273 = arith.constant 0 : i32
          %ne3A_274 = arith.cmpi ne, %rem3A_272, %ne3A_273 : i32
          %lt3A_275 = arith.constant 0 : i32
          %lt3A_276 = arith.cmpi slt, %rem3A_272, %lt3A_275 : i32
          %lt3A_277 = arith.constant 0 : i32
          %lt3A_278 = arith.cmpi slt, %select_n3A_271, %lt3A_277 : i32
          %ne3A_279 = arith.xori %lt3A_276, %lt3A_278 : i1
          %and3A_280 = arith.andi %ne3A_279, %ne3A_274 : i1
          %add3A_281 = arith.addi %rem3A_272, %select_n3A_271 : i32
          %select_n3A_282 = arith.select %and3A_280, %add3A_281, %rem3A_272 : i32
          %ge3A = arith.constant 2 : i32
          %ge3A_283 = arith.cmpi sge, %while3A_250, %ge3A : i32
          %convert_element_type3A_284 = arith.extui %ge3A_283 : i1 to i32
          %cond3A_285 = arith.constant 0 : i32
          %cond3A_286 = arith.cmpi ne, %convert_element_type3A_284, %cond3A_285 : i32
          scf.if %cond3A_286 {
            %dma_wait3A_351 = arith.constant 0 : i32
            %dma_wait3A_352 = arith.constant 0 : i32
            %dma_wait3A_353 = arith.constant 0 : i32
            %dma_wait3A_354 = tpu.memref_slice %arg17[%dma_wait3A_351, %dma_wait3A_352, %dma_wait3A_353] : memref<2x64x144xf32, #tpu.memory_space<vmem>> -> memref<1x64x144xf32, #tpu.memory_space<vmem>>
            %dma_wait3A_355 = tpu.memref_squeeze %dma_wait3A_354 : memref<1x64x144xf32, #tpu.memory_space<vmem>> -> memref<64x144xf32, #tpu.memory_space<vmem>>
            %dma_wait3A_356 = arith.constant 0 : i32
            %dma_wait3A_357 = arith.constant 0 : i32
            %dma_wait3A_358 = tpu.memref_slice %arg18[%dma_wait3A_356, %dma_wait3A_357] : memref<9280x144xf32, #tpu.memory_space<vmem_shared>> -> memref<64x144xf32, #tpu.memory_space<vmem_shared>>
            %dma_wait3A_359 = arith.constant 0 : i32
            %dma_wait3A_360 = arith.constant 0 : i32
            %dma_wait3A_361 = tpu.memref_slice %arg18[%dma_wait3A_359, %dma_wait3A_360] : memref<9280x144xf32, #tpu.memory_space<vmem_shared>> -> memref<64x144xf32, #tpu.memory_space<vmem_shared>>
            %dma_wait3A_362 = arith.constant 0 : i32
            %dma_wait3A_363 = arith.constant 0 : i32
            %dma_wait3A_364 = tpu.memref_slice %arg17[%dma_wait3A_351, %dma_wait3A_362, %dma_wait3A_363] : memref<2x64x144xf32, #tpu.memory_space<vmem>> -> memref<1x64x144xf32, #tpu.memory_space<vmem>>
            %dma_wait3A_365 = tpu.memref_squeeze %dma_wait3A_364 : memref<1x64x144xf32, #tpu.memory_space<vmem>> -> memref<64x144xf32, #tpu.memory_space<vmem>>
            tpu.wait_dma2 semaphore(%arg20 : memref<!tpu.dma_semaphore, #tpu.memory_space<semaphore_mem>>) src(%dma_wait3A_365 : memref<64x144xf32, #tpu.memory_space<vmem>>) dst(%dma_wait3A_361 : memref<64x144xf32, #tpu.memory_space<vmem_shared>>)
          } else {
          }
          %add3A_287 = arith.constant 1 : i32
          %add3A_288 = arith.addi %while3A_250, %add3A_287 : i32
          %lt3A_289 = arith.cmpi slt, %add3A_288, %select_n3A_162 : i32
          %convert_element_type3A_290 = arith.extui %lt3A_289 : i1 to i32
          %cond3A_291 = arith.constant 0 : i32
          %cond3A_292 = arith.cmpi ne, %convert_element_type3A_290, %cond3A_291 : i32
          scf.if %cond3A_292 {
            %add3A_351 = arith.constant 1 : i32
            %add3A_352 = arith.addi %while3A_250, %add3A_351 : i32
            %jit3A_353 = arith.constant 2 : i32
            %eq3A_354 = arith.constant 0 : i32
            %eq3A_355 = arith.cmpi eq, %jit3A_353, %eq3A_354 : i32
            %jit3A_356 = arith.constant 1 : i32
            %select_n3A_357 = arith.select %eq3A_355, %jit3A_356, %jit3A_353 : i32
            %rem3A_358 = arith.remsi %add3A_352, %select_n3A_357 : i32
            %ne3A_359 = arith.constant 0 : i32
            %ne3A_360 = arith.cmpi ne, %rem3A_358, %ne3A_359 : i32
            %lt3A_361 = arith.constant 0 : i32
            %lt3A_362 = arith.cmpi slt, %rem3A_358, %lt3A_361 : i32
            %lt3A_363 = arith.constant 0 : i32
            %lt3A_364 = arith.cmpi slt, %select_n3A_357, %lt3A_363 : i32
            %ne3A_365 = arith.xori %lt3A_362, %lt3A_364 : i1
            %and3A_366 = arith.andi %ne3A_365, %ne3A_360 : i1
            %add3A_367 = arith.addi %rem3A_358, %select_n3A_357 : i32
            %select_n3A_368 = arith.select %and3A_366, %add3A_367, %rem3A_358 : i32
            %jit3A_369 = arith.constant 3 : i32
            %eq3A_370 = arith.constant 0 : i32
            %eq3A_371 = arith.cmpi eq, %jit3A_369, %eq3A_370 : i32
            %jit3A_372 = arith.constant 1 : i32
            %select_n3A_373 = arith.select %eq3A_371, %jit3A_372, %jit3A_369 : i32
            %rem3A_374 = arith.remsi %add3A_352, %select_n3A_373 : i32
            %ne3A_375 = arith.constant 0 : i32
            %ne3A_376 = arith.cmpi ne, %rem3A_374, %ne3A_375 : i32
            %lt3A_377 = arith.constant 0 : i32
            %lt3A_378 = arith.cmpi slt, %rem3A_374, %lt3A_377 : i32
            %lt3A_379 = arith.constant 0 : i32
            %lt3A_380 = arith.cmpi slt, %select_n3A_373, %lt3A_379 : i32
            %ne3A_381 = arith.xori %lt3A_378, %lt3A_380 : i1
            %and3A_382 = arith.andi %ne3A_381, %ne3A_376 : i1
            %add3A_383 = arith.addi %rem3A_374, %select_n3A_373 : i32
            %select_n3A_384 = arith.select %and3A_382, %add3A_383, %rem3A_374 : i32
            %scan3A_385 = arith.constant 0 : i32
            %scan3A_386 = arith.constant 0 : i32
            %scan3A_387 = arith.constant 4 : i32
            %scan3A_388 = arith.addi %scan3A_386, %scan3A_387 : i32
            %scan3A_389 = arith.constant 1 : i32
            %scan3A_390 = scf.for %scan3A_440 = %scan3A_386 to %scan3A_388 step %scan3A_389 iter_args(%scan3A_441 = %scan3A_385) -> (i32)  : i32 {
              %mul3A_442 = arith.constant 64 : i32
              %mul3A_443 = arith.muli %add3A_352, %mul3A_442 : i32
              %mul3A_444 = arith.constant 16 : i32
              %mul3A_445 = arith.muli %scan3A_440, %mul3A_444 : i32
              %add3A_446 = arith.addi %mul3A_443, %mul3A_445 : i32
              %get3A = arith.index_cast %add3A_446 : i32 to index
              %get3A_447 = tpu.vector_load %arg10[%get3A] {strides = array<i32>} : memref<4480xi32, #tpu.memory_space<vmem>>, vector<16xi32>,
              %shift_right_logical3A = arith.constant 14 : i32
              %shift_right_logical3A_448 = vector.broadcast %shift_right_logical3A : i32 to vector<16xi32>
              %shift_right_logical3A_449 = arith.shrui %get3A_447, %shift_right_logical3A_448 : vector<16xi32>
              %and3A_450 = arith.constant 16383 : i32
              %and3A_451 = vector.broadcast %and3A_450 : i32 to vector<16xi32>
              %and3A_452 = arith.andi %get3A_447, %and3A_451 : vector<16xi32>
              %mul3A_453 = arith.constant 64 : i32
              %mul3A_454 = arith.muli %add3A_352, %mul3A_453 : i32
              %mul3A_455 = arith.constant 16 : i32
              %mul3A_456 = arith.muli %scan3A_440, %mul3A_455 : i32
              %add3A_457 = arith.addi %mul3A_454, %mul3A_456 : i32
              %add3A_458 = vector.broadcast %add3A_457 : i32 to vector<16xi32>
              %add3A_459 = arith.addi %add3A_458, %iota3A : vector<16xi32>
              %mul3A_460 = arith.constant 16 : i32
              %mul3A_461 = arith.muli %scan3A_440, %mul3A_460 : i32
              %swap3A = arith.index_cast %select_n3A_368 : i32 to index
              %swap3A_462 = arith.index_cast %mul3A_461 : i32 to index
              %swap3A_463 = tpu.vector_load %arg11[%swap3A, %swap3A_462] {strides = array<i32>} : memref<2x64xi32, #tpu.memory_space<vmem>>, vector<16xi32>,
              tpu.vector_store %arg11[%swap3A, %swap3A_462], %shift_right_logical3A_449 {strides = array<i32>} : memref<2x64xi32, #tpu.memory_space<vmem>>, vector<16xi32>,
              %add3A_464 = vector.broadcast %add3A : i32 to vector<16xi32>
              %add3A_465 = arith.addi %and3A_452, %add3A_464 : vector<16xi32>
              %mul3A_466 = arith.constant 16 : i32
              %mul3A_467 = arith.muli %scan3A_440, %mul3A_466 : i32
              %swap3A_468 = arith.index_cast %select_n3A_368 : i32 to index
              %swap3A_469 = arith.index_cast %mul3A_467 : i32 to index
              %swap3A_470 = tpu.vector_load %arg12[%swap3A_468, %swap3A_469] {strides = array<i32>} : memref<2x64xi32, #tpu.memory_space<vmem>>, vector<16xi32>,
              tpu.vector_store %arg12[%swap3A_468, %swap3A_469], %add3A_465 {strides = array<i32>} : memref<2x64xi32, #tpu.memory_space<vmem>>, vector<16xi32>,
              %lt3A_471 = vector.broadcast %scan3A_109 : i32 to vector<16xi32>
              %lt3A_472 = arith.cmpi slt, %add3A_459, %lt3A_471 : vector<16xi32>
              %jit3A_473 = arith.constant 9216 : i32
              %broadcast_in_dim3A_474 = vector.broadcast %jit3A_473 : i32 to vector<16xi32>
              %select_n3A_475 = arith.select %lt3A_472, %and3A_452, %broadcast_in_dim3A_474 : vector<16xi1>, vector<16xi32>
              %mul3A_476 = arith.constant 16 : i32
              %mul3A_477 = arith.muli %scan3A_440, %mul3A_476 : i32
              %swap3A_478 = arith.index_cast %select_n3A_384 : i32 to index
              %swap3A_479 = arith.index_cast %mul3A_477 : i32 to index
              %swap3A_480 = tpu.vector_load %arg13[%swap3A_478, %swap3A_479] {strides = array<i32>} : memref<3x64xi32, #tpu.memory_space<vmem>>, vector<16xi32>,
              tpu.vector_store %arg13[%swap3A_478, %swap3A_479], %select_n3A_475 {strides = array<i32>} : memref<3x64xi32, #tpu.memory_space<vmem>>, vector<16xi32>,
              %scan3A_481 = arith.constant 0 : i32
              scf.yield %scan3A_481 : i32
            }
            %scan3A_391 = arith.constant 4 : i32
            %add3A_392 = arith.constant 1 : i32
            %add3A_393 = arith.addi %while3A_250, %add3A_392 : i32
            %jit3A_394 = arith.constant 2 : i32
            %eq3A_395 = arith.constant 0 : i32
            %eq3A_396 = arith.cmpi eq, %jit3A_394, %eq3A_395 : i32
            %jit3A_397 = arith.constant 1 : i32
            %select_n3A_398 = arith.select %eq3A_396, %jit3A_397, %jit3A_394 : i32
            %rem3A_399 = arith.remsi %add3A_393, %select_n3A_398 : i32
            %ne3A_400 = arith.constant 0 : i32
            %ne3A_401 = arith.cmpi ne, %rem3A_399, %ne3A_400 : i32
            %lt3A_402 = arith.constant 0 : i32
            %lt3A_403 = arith.cmpi slt, %rem3A_399, %lt3A_402 : i32
            %lt3A_404 = arith.constant 0 : i32
            %lt3A_405 = arith.cmpi slt, %select_n3A_398, %lt3A_404 : i32
            %ne3A_406 = arith.xori %lt3A_403, %lt3A_405 : i1
            %and3A_407 = arith.andi %ne3A_406, %ne3A_401 : i1
            %add3A_408 = arith.addi %rem3A_399, %select_n3A_398 : i32
            %select_n3A_409 = arith.select %and3A_407, %add3A_408, %rem3A_399 : i32
            %dma_start3A_410 = arith.constant 0 : i32
            %dma_start3A_411 = arith.constant 0 : i32
            %dma_start3A_412 = tpu.memref_slice %arg14[%select_n3A_409, %dma_start3A_410, %dma_start3A_411] : memref<2x64x64xf32, #tpu.memory_space<vmem>> -> memref<1x64x64xf32, #tpu.memory_space<vmem>>
            %dma_start3A_413 = tpu.memref_squeeze %dma_start3A_412 : memref<1x64x64xf32, #tpu.memory_space<vmem>> -> memref<64x64xf32, #tpu.memory_space<vmem>>
            %dma_start3A_414 = arith.constant 0 : i32
            %dma_start3A_415 = tpu.memref_slice %arg11[%select_n3A_409, %dma_start3A_414] : memref<2x64xi32, #tpu.memory_space<vmem>> -> memref<1x64xi32, #tpu.memory_space<vmem>>
            %dma_start3A_416 = tpu.memref_squeeze %dma_start3A_415 : memref<1x64xi32, #tpu.memory_space<vmem>> -> memref<64xi32, #tpu.memory_space<vmem>>
            %dma_start3A_417 = arith.constant 0 : i32
            %dma_start3A_418 = arith.constant 0 : i32
            %dma_start3A_419 = tpu.memref_slice %arg2[%dma_start3A_417, %dma_start3A_418] : memref<66125x64xf32, #tpu.memory_space<hbm>> -> memref<66125x64xf32, #tpu.memory_space<hbm>>
            tpu.enqueue_indirect_dma source(%dma_start3A_419 : memref<66125x64xf32, #tpu.memory_space<hbm>>) target(%dma_start3A_413 : memref<64x64xf32, #tpu.memory_space<vmem>>) offsets(%dma_start3A_416 : memref<64xi32, #tpu.memory_space<vmem>>) semaphore(%arg19 : memref<!tpu.dma_semaphore, #tpu.memory_space<semaphore_mem>>)
            %dma_start3A_420 = arith.constant 0 : i32
            %dma_start3A_421 = arith.constant 0 : i32
            %dma_start3A_422 = tpu.memref_slice %arg15[%select_n3A_409, %dma_start3A_420, %dma_start3A_421] : memref<2x64x16xf32, #tpu.memory_space<vmem>> -> memref<1x64x16xf32, #tpu.memory_space<vmem>>
            %dma_start3A_423 = tpu.memref_squeeze %dma_start3A_422 : memref<1x64x16xf32, #tpu.memory_space<vmem>> -> memref<64x16xf32, #tpu.memory_space<vmem>>
            %dma_start3A_424 = arith.constant 0 : i32
            %dma_start3A_425 = tpu.memref_slice %arg11[%select_n3A_409, %dma_start3A_424] : memref<2x64xi32, #tpu.memory_space<vmem>> -> memref<1x64xi32, #tpu.memory_space<vmem>>
            %dma_start3A_426 = tpu.memref_squeeze %dma_start3A_425 : memref<1x64xi32, #tpu.memory_space<vmem>> -> memref<64xi32, #tpu.memory_space<vmem>>
            %dma_start3A_427 = arith.constant 0 : i32
            %dma_start3A_428 = arith.constant 0 : i32
            %dma_start3A_429 = tpu.memref_slice %arg3[%dma_start3A_427, %dma_start3A_428] : memref<67584x16xf32, #tpu.memory_space<hbm>> -> memref<67584x16xf32, #tpu.memory_space<hbm>>
            tpu.enqueue_indirect_dma source(%dma_start3A_429 : memref<67584x16xf32, #tpu.memory_space<hbm>>) target(%dma_start3A_423 : memref<64x16xf32, #tpu.memory_space<vmem>>) offsets(%dma_start3A_426 : memref<64xi32, #tpu.memory_space<vmem>>) semaphore(%arg19 : memref<!tpu.dma_semaphore, #tpu.memory_space<semaphore_mem>>)
            %dma_start3A_430 = arith.constant 0 : i32
            %dma_start3A_431 = arith.constant 0 : i32
            %dma_start3A_432 = tpu.memref_slice %arg16[%select_n3A_409, %dma_start3A_430, %dma_start3A_431] : memref<2x64x16xf32, #tpu.memory_space<vmem>> -> memref<1x64x16xf32, #tpu.memory_space<vmem>>
            %dma_start3A_433 = tpu.memref_squeeze %dma_start3A_432 : memref<1x64x16xf32, #tpu.memory_space<vmem>> -> memref<64x16xf32, #tpu.memory_space<vmem>>
            %dma_start3A_434 = arith.constant 0 : i32
            %dma_start3A_435 = tpu.memref_slice %arg12[%select_n3A_409, %dma_start3A_434] : memref<2x64xi32, #tpu.memory_space<vmem>> -> memref<1x64xi32, #tpu.memory_space<vmem>>
            %dma_start3A_436 = tpu.memref_squeeze %dma_start3A_435 : memref<1x64xi32, #tpu.memory_space<vmem>> -> memref<64xi32, #tpu.memory_space<vmem>>
            %dma_start3A_437 = arith.constant 0 : i32
            %dma_start3A_438 = arith.constant 0 : i32
            %dma_start3A_439 = tpu.memref_slice %arg4[%dma_start3A_437, %dma_start3A_438] : memref<67584x16xf32, #tpu.memory_space<hbm>> -> memref<67584x16xf32, #tpu.memory_space<hbm>>
            tpu.enqueue_indirect_dma source(%dma_start3A_439 : memref<67584x16xf32, #tpu.memory_space<hbm>>) target(%dma_start3A_433 : memref<64x16xf32, #tpu.memory_space<vmem>>) offsets(%dma_start3A_436 : memref<64xi32, #tpu.memory_space<vmem>>) semaphore(%arg19 : memref<!tpu.dma_semaphore, #tpu.memory_space<semaphore_mem>>)
          } else {
          }
          %dma_wait3A = arith.constant 0 : i32
          %dma_wait3A_293 = arith.constant 0 : i32
          %dma_wait3A_294 = tpu.memref_slice %arg14[%select_n3A_266, %dma_wait3A, %dma_wait3A_293] : memref<2x64x64xf32, #tpu.memory_space<vmem>> -> memref<1x64x64xf32, #tpu.memory_space<vmem>>
          %dma_wait3A_295 = tpu.memref_squeeze %dma_wait3A_294 : memref<1x64x64xf32, #tpu.memory_space<vmem>> -> memref<64x64xf32, #tpu.memory_space<vmem>>
          %dma_wait3A_296 = arith.constant 0 : i32
          %dma_wait3A_297 = arith.constant 0 : i32
          %dma_wait3A_298 = tpu.memref_slice %arg2[%dma_wait3A_296, %dma_wait3A_297] : memref<66125x64xf32, #tpu.memory_space<hbm>> -> memref<64x64xf32, #tpu.memory_space<hbm>>
          %dma_wait3A_299 = arith.constant 0 : i32
          %dma_wait3A_300 = arith.constant 0 : i32
          %dma_wait3A_301 = tpu.memref_slice %arg14[%select_n3A_266, %dma_wait3A_299, %dma_wait3A_300] : memref<2x64x64xf32, #tpu.memory_space<vmem>> -> memref<1x64x64xf32, #tpu.memory_space<vmem>>
          %dma_wait3A_302 = tpu.memref_squeeze %dma_wait3A_301 : memref<1x64x64xf32, #tpu.memory_space<vmem>> -> memref<64x64xf32, #tpu.memory_space<vmem>>
          %dma_wait3A_303 = arith.constant 0 : i32
          %dma_wait3A_304 = arith.constant 0 : i32
          %dma_wait3A_305 = tpu.memref_slice %arg2[%dma_wait3A_303, %dma_wait3A_304] : memref<66125x64xf32, #tpu.memory_space<hbm>> -> memref<64x64xf32, #tpu.memory_space<hbm>>
          tpu.wait_dma2 semaphore(%arg19 : memref<!tpu.dma_semaphore, #tpu.memory_space<semaphore_mem>>) src(%dma_wait3A_305 : memref<64x64xf32, #tpu.memory_space<hbm>>) dst(%dma_wait3A_302 : memref<64x64xf32, #tpu.memory_space<vmem>>)
          %dma_wait3A_306 = arith.constant 0 : i32
          %dma_wait3A_307 = arith.constant 0 : i32
          %dma_wait3A_308 = tpu.memref_slice %arg15[%select_n3A_266, %dma_wait3A_306, %dma_wait3A_307] : memref<2x64x16xf32, #tpu.memory_space<vmem>> -> memref<1x64x16xf32, #tpu.memory_space<vmem>>
          %dma_wait3A_309 = tpu.memref_squeeze %dma_wait3A_308 : memref<1x64x16xf32, #tpu.memory_space<vmem>> -> memref<64x16xf32, #tpu.memory_space<vmem>>
          %dma_wait3A_310 = arith.constant 0 : i32
          %dma_wait3A_311 = arith.constant 0 : i32
          %dma_wait3A_312 = tpu.memref_slice %arg3[%dma_wait3A_310, %dma_wait3A_311] : memref<67584x16xf32, #tpu.memory_space<hbm>> -> memref<64x16xf32, #tpu.memory_space<hbm>>
          %dma_wait3A_313 = arith.constant 0 : i32
          %dma_wait3A_314 = arith.constant 0 : i32
          %dma_wait3A_315 = tpu.memref_slice %arg15[%select_n3A_266, %dma_wait3A_313, %dma_wait3A_314] : memref<2x64x16xf32, #tpu.memory_space<vmem>> -> memref<1x64x16xf32, #tpu.memory_space<vmem>>
          %dma_wait3A_316 = tpu.memref_squeeze %dma_wait3A_315 : memref<1x64x16xf32, #tpu.memory_space<vmem>> -> memref<64x16xf32, #tpu.memory_space<vmem>>
          %dma_wait3A_317 = arith.constant 0 : i32
          %dma_wait3A_318 = arith.constant 0 : i32
          %dma_wait3A_319 = tpu.memref_slice %arg3[%dma_wait3A_317, %dma_wait3A_318] : memref<67584x16xf32, #tpu.memory_space<hbm>> -> memref<64x16xf32, #tpu.memory_space<hbm>>
          tpu.wait_dma2 semaphore(%arg19 : memref<!tpu.dma_semaphore, #tpu.memory_space<semaphore_mem>>) src(%dma_wait3A_319 : memref<64x16xf32, #tpu.memory_space<hbm>>) dst(%dma_wait3A_316 : memref<64x16xf32, #tpu.memory_space<vmem>>)
          %dma_wait3A_320 = arith.constant 0 : i32
          %dma_wait3A_321 = arith.constant 0 : i32
          %dma_wait3A_322 = tpu.memref_slice %arg16[%select_n3A_266, %dma_wait3A_320, %dma_wait3A_321] : memref<2x64x16xf32, #tpu.memory_space<vmem>> -> memref<1x64x16xf32, #tpu.memory_space<vmem>>
          %dma_wait3A_323 = tpu.memref_squeeze %dma_wait3A_322 : memref<1x64x16xf32, #tpu.memory_space<vmem>> -> memref<64x16xf32, #tpu.memory_space<vmem>>
          %dma_wait3A_324 = arith.constant 0 : i32
          %dma_wait3A_325 = arith.constant 0 : i32
          %dma_wait3A_326 = tpu.memref_slice %arg4[%dma_wait3A_324, %dma_wait3A_325] : memref<67584x16xf32, #tpu.memory_space<hbm>> -> memref<64x16xf32, #tpu.memory_space<hbm>>
          %dma_wait3A_327 = arith.constant 0 : i32
          %dma_wait3A_328 = arith.constant 0 : i32
          %dma_wait3A_329 = tpu.memref_slice %arg16[%select_n3A_266, %dma_wait3A_327, %dma_wait3A_328] : memref<2x64x16xf32, #tpu.memory_space<vmem>> -> memref<1x64x16xf32, #tpu.memory_space<vmem>>
          %dma_wait3A_330 = tpu.memref_squeeze %dma_wait3A_329 : memref<1x64x16xf32, #tpu.memory_space<vmem>> -> memref<64x16xf32, #tpu.memory_space<vmem>>
          %dma_wait3A_331 = arith.constant 0 : i32
          %dma_wait3A_332 = arith.constant 0 : i32
          %dma_wait3A_333 = tpu.memref_slice %arg4[%dma_wait3A_331, %dma_wait3A_332] : memref<67584x16xf32, #tpu.memory_space<hbm>> -> memref<64x16xf32, #tpu.memory_space<hbm>>
          tpu.wait_dma2 semaphore(%arg19 : memref<!tpu.dma_semaphore, #tpu.memory_space<semaphore_mem>>) src(%dma_wait3A_333 : memref<64x16xf32, #tpu.memory_space<hbm>>) dst(%dma_wait3A_330 : memref<64x16xf32, #tpu.memory_space<vmem>>)
          %scan3A_334 = arith.constant 0 : i32
          %scan3A_335 = arith.constant 0 : i32
          %scan3A_336 = arith.constant 4 : i32
          %scan3A_337 = arith.addi %scan3A_335, %scan3A_336 : i32
          %scan3A_338 = arith.constant 1 : i32
          %scan3A_339 = scf.for %scan3A_351 = %scan3A_335 to %scan3A_337 step %scan3A_338 iter_args(%scan3A_352 = %scan3A_334) -> (i32)  : i32 {
            %mul3A_353 = arith.constant 16 : i32
            %mul3A_354 = arith.muli %scan3A_351, %mul3A_353 : i32
            %add3A_355 = arith.constant 0 : i32
            %add3A_356 = arith.addi %mul3A_354, %add3A_355 : i32
            %get3A = arith.index_cast %select_n3A_266 : i32 to index
            %get3A_357 = arith.index_cast %add3A_356 : i32 to index
            %get3A_358 = arith.constant 0 : index
            %get3A_359 = tpu.vector_load %arg15[%get3A, %get3A_357, %get3A_358] {strides = array<i32>} : memref<2x64x16xf32, #tpu.memory_space<vmem>>, vector<16xf32>,
            %get3A_360 = arith.index_cast %select_n3A_266 : i32 to index
            %get3A_361 = arith.index_cast %add3A_356 : i32 to index
            %get3A_362 = arith.constant 0 : index
            %get3A_363 = tpu.vector_load %arg16[%get3A_360, %get3A_361, %get3A_362] {strides = array<i32>} : memref<2x64x16xf32, #tpu.memory_space<vmem>>, vector<16xf32>,
            %add3A_364 = arith.addf %get3A_359, %get3A_363 : vector<16xf32>
            %ge3A_365 = arith.constant 0.000000e+00 : f32
            %ge3A_366 = vector.broadcast %ge3A_365 : f32 to vector<16xf32>
            %ge3A_367 = arith.cmpf oge, %add3A_364, %ge3A_366 : vector<16xf32>
            %mul3A_368 = arith.constant 2.000000e-01 : f32
            %mul3A_369 = vector.broadcast %mul3A_368 : f32 to vector<16xf32>
            %mul3A_370 = arith.mulf %mul3A_369, %add3A_364 : vector<16xf32>
            %select_n3A_371 = arith.select %ge3A_367, %add3A_364, %mul3A_370 : vector<16xi1>, vector<16xf32>
            %exp3A = math.exp %select_n3A_371 : vector<16xf32>
            %slice3A = vector.extract_strided_slice %exp3A {offsets = [0], sizes = [1], strides = [1]} : vector<16xf32> to vector<1xf32>
            %squeeze3A = vector.extract %slice3A[0] : f32 from vector<1xf32>
            %slice3A_372 = vector.extract_strided_slice %exp3A {offsets = [1], sizes = [1], strides = [1]} : vector<16xf32> to vector<1xf32>
            %squeeze3A_373 = vector.extract %slice3A_372[0] : f32 from vector<1xf32>
            %get3A_374 = arith.index_cast %select_n3A_266 : i32 to index
            %get3A_375 = arith.index_cast %add3A_356 : i32 to index
            %get3A_376 = arith.constant 0 : index
            %get3A_377 = tpu.vector_load %arg14[%get3A_374, %get3A_375, %get3A_376] {strides = array<i32>} : memref<2x64x64xf32, #tpu.memory_space<vmem>>, vector<16xf32>,
            %mul3A_378 = vector.broadcast %squeeze3A : f32 to vector<16xf32>
            %mul3A_379 = arith.mulf %get3A_377, %mul3A_378 : vector<16xf32>
            %swap3A = arith.index_cast %select_n3A_266 : i32 to index
            %swap3A_380 = arith.index_cast %add3A_356 : i32 to index
            %swap3A_381 = arith.constant 0 : index
            %swap3A_382 = tpu.vector_load %arg17[%swap3A, %swap3A_380, %swap3A_381] {strides = array<i32>} : memref<2x64x144xf32, #tpu.memory_space<vmem>>, vector<16xf32>,
            tpu.vector_store %arg17[%swap3A, %swap3A_380, %swap3A_381], %mul3A_379 {strides = array<i32>} : memref<2x64x144xf32, #tpu.memory_space<vmem>>, vector<16xf32>,
            %mul3A_383 = vector.broadcast %squeeze3A_373 : f32 to vector<16xf32>
            %mul3A_384 = arith.mulf %get3A_377, %mul3A_383 : vector<16xf32>
            %swap3A_385 = arith.index_cast %select_n3A_266 : i32 to index
            %swap3A_386 = arith.index_cast %add3A_356 : i32 to index
            %swap3A_387 = arith.constant 64 : index
            %swap3A_388 = tpu.vector_load %arg17[%swap3A_385, %swap3A_386, %swap3A_387] {strides = array<i32>} : memref<2x64x144xf32, #tpu.memory_space<vmem>>, vector<16xf32>,
            tpu.vector_store %arg17[%swap3A_385, %swap3A_386, %swap3A_387], %mul3A_384 {strides = array<i32>} : memref<2x64x144xf32, #tpu.memory_space<vmem>>, vector<16xf32>,
            %get3A_389 = arith.index_cast %select_n3A_266 : i32 to index
            %get3A_390 = arith.index_cast %add3A_356 : i32 to index
            %get3A_391 = arith.constant 16 : index
            %get3A_392 = tpu.vector_load %arg14[%get3A_389, %get3A_390, %get3A_391] {strides = array<i32>} : memref<2x64x64xf32, #tpu.memory_space<vmem>>, vector<16xf32>,
            %mul3A_393 = vector.broadcast %squeeze3A : f32 to vector<16xf32>
            %mul3A_394 = arith.mulf %get3A_392, %mul3A_393 : vector<16xf32>
            %swap3A_395 = arith.index_cast %select_n3A_266 : i32 to index
            %swap3A_396 = arith.index_cast %add3A_356 : i32 to index
            %swap3A_397 = arith.constant 16 : index
            %swap3A_398 = tpu.vector_load %arg17[%swap3A_395, %swap3A_396, %swap3A_397] {strides = array<i32>} : memref<2x64x144xf32, #tpu.memory_space<vmem>>, vector<16xf32>,
            tpu.vector_store %arg17[%swap3A_395, %swap3A_396, %swap3A_397], %mul3A_394 {strides = array<i32>} : memref<2x64x144xf32, #tpu.memory_space<vmem>>, vector<16xf32>,
            %mul3A_399 = vector.broadcast %squeeze3A_373 : f32 to vector<16xf32>
            %mul3A_400 = arith.mulf %get3A_392, %mul3A_399 : vector<16xf32>
            %swap3A_401 = arith.index_cast %select_n3A_266 : i32 to index
            %swap3A_402 = arith.index_cast %add3A_356 : i32 to index
            %swap3A_403 = arith.constant 80 : index
            %swap3A_404 = tpu.vector_load %arg17[%swap3A_401, %swap3A_402, %swap3A_403] {strides = array<i32>} : memref<2x64x144xf32, #tpu.memory_space<vmem>>, vector<16xf32>,
            tpu.vector_store %arg17[%swap3A_401, %swap3A_402, %swap3A_403], %mul3A_400 {strides = array<i32>} : memref<2x64x144xf32, #tpu.memory_space<vmem>>, vector<16xf32>,
            %get3A_405 = arith.index_cast %select_n3A_266 : i32 to index
            %get3A_406 = arith.index_cast %add3A_356 : i32 to index
            %get3A_407 = arith.constant 32 : index
            %get3A_408 = tpu.vector_load %arg14[%get3A_405, %get3A_406, %get3A_407] {strides = array<i32>} : memref<2x64x64xf32, #tpu.memory_space<vmem>>, vector<16xf32>,
            %mul3A_409 = vector.broadcast %squeeze3A : f32 to vector<16xf32>
            %mul3A_410 = arith.mulf %get3A_408, %mul3A_409 : vector<16xf32>
            %swap3A_411 = arith.index_cast %select_n3A_266 : i32 to index
            %swap3A_412 = arith.index_cast %add3A_356 : i32 to index
            %swap3A_413 = arith.constant 32 : index
            %swap3A_414 = tpu.vector_load %arg17[%swap3A_411, %swap3A_412, %swap3A_413] {strides = array<i32>} : memref<2x64x144xf32, #tpu.memory_space<vmem>>, vector<16xf32>,
            tpu.vector_store %arg17[%swap3A_411, %swap3A_412, %swap3A_413], %mul3A_410 {strides = array<i32>} : memref<2x64x144xf32, #tpu.memory_space<vmem>>, vector<16xf32>,
            %mul3A_415 = vector.broadcast %squeeze3A_373 : f32 to vector<16xf32>
            %mul3A_416 = arith.mulf %get3A_408, %mul3A_415 : vector<16xf32>
            %swap3A_417 = arith.index_cast %select_n3A_266 : i32 to index
            %swap3A_418 = arith.index_cast %add3A_356 : i32 to index
            %swap3A_419 = arith.constant 96 : index
            %swap3A_420 = tpu.vector_load %arg17[%swap3A_417, %swap3A_418, %swap3A_419] {strides = array<i32>} : memref<2x64x144xf32, #tpu.memory_space<vmem>>, vector<16xf32>,
            tpu.vector_store %arg17[%swap3A_417, %swap3A_418, %swap3A_419], %mul3A_416 {strides = array<i32>} : memref<2x64x144xf32, #tpu.memory_space<vmem>>, vector<16xf32>,
            %get3A_421 = arith.index_cast %select_n3A_266 : i32 to index
            %get3A_422 = arith.index_cast %add3A_356 : i32 to index
            %get3A_423 = arith.constant 48 : index
            %get3A_424 = tpu.vector_load %arg14[%get3A_421, %get3A_422, %get3A_423] {strides = array<i32>} : memref<2x64x64xf32, #tpu.memory_space<vmem>>, vector<16xf32>,
            %mul3A_425 = vector.broadcast %squeeze3A : f32 to vector<16xf32>
            %mul3A_426 = arith.mulf %get3A_424, %mul3A_425 : vector<16xf32>
            %swap3A_427 = arith.index_cast %select_n3A_266 : i32 to index
            %swap3A_428 = arith.index_cast %add3A_356 : i32 to index
            %swap3A_429 = arith.constant 48 : index
            %swap3A_430 = tpu.vector_load %arg17[%swap3A_427, %swap3A_428, %swap3A_429] {strides = array<i32>} : memref<2x64x144xf32, #tpu.memory_space<vmem>>, vector<16xf32>,
            tpu.vector_store %arg17[%swap3A_427, %swap3A_428, %swap3A_429], %mul3A_426 {strides = array<i32>} : memref<2x64x144xf32, #tpu.memory_space<vmem>>, vector<16xf32>,
            %mul3A_431 = vector.broadcast %squeeze3A_373 : f32 to vector<16xf32>
            %mul3A_432 = arith.mulf %get3A_424, %mul3A_431 : vector<16xf32>
            %swap3A_433 = arith.index_cast %select_n3A_266 : i32 to index
            %swap3A_434 = arith.index_cast %add3A_356 : i32 to index
            %swap3A_435 = arith.constant 112 : index
            %swap3A_436 = tpu.vector_load %arg17[%swap3A_433, %swap3A_434, %swap3A_435] {strides = array<i32>} : memref<2x64x144xf32, #tpu.memory_space<vmem>>, vector<16xf32>,
            tpu.vector_store %arg17[%swap3A_433, %swap3A_434, %swap3A_435], %mul3A_432 {strides = array<i32>} : memref<2x64x144xf32, #tpu.memory_space<vmem>>, vector<16xf32>,
            %lt3A_437 = arith.constant 2 : i32
            %lt3A_438 = vector.broadcast %lt3A_437 : i32 to vector<16xi32>
            %lt3A_439 = arith.cmpi slt, %iota3A, %lt3A_438 : vector<16xi32>
            %jit3A_440 = arith.constant 0.000000e+00 : f32
            %broadcast_in_dim3A_441 = vector.broadcast %jit3A_440 : f32 to vector<16xf32>
            %select_n3A_442 = arith.select %lt3A_439, %exp3A, %broadcast_in_dim3A_441 : vector<16xi1>, vector<16xf32>
            %swap3A_443 = arith.index_cast %select_n3A_266 : i32 to index
            %swap3A_444 = arith.index_cast %add3A_356 : i32 to index
            %swap3A_445 = arith.constant 128 : index
            %swap3A_446 = tpu.vector_load %arg17[%swap3A_443, %swap3A_444, %swap3A_445] {strides = array<i32>} : memref<2x64x144xf32, #tpu.memory_space<vmem>>, vector<16xf32>,
            tpu.vector_store %arg17[%swap3A_443, %swap3A_444, %swap3A_445], %select_n3A_442 {strides = array<i32>} : memref<2x64x144xf32, #tpu.memory_space<vmem>>, vector<16xf32>,
            %mul3A_447 = arith.constant 16 : i32
            %mul3A_448 = arith.muli %scan3A_351, %mul3A_447 : i32
            %add3A_449 = arith.constant 1 : i32
            %add3A_450 = arith.addi %mul3A_448, %add3A_449 : i32
            %get3A_451 = arith.index_cast %select_n3A_266 : i32 to index
            %get3A_452 = arith.index_cast %add3A_450 : i32 to index
            %get3A_453 = arith.constant 0 : index
            %get3A_454 = tpu.vector_load %arg15[%get3A_451, %get3A_452, %get3A_453] {strides = array<i32>} : memref<2x64x16xf32, #tpu.memory_space<vmem>>, vector<16xf32>,
            %get3A_455 = arith.index_cast %select_n3A_266 : i32 to index
            %get3A_456 = arith.index_cast %add3A_450 : i32 to index
            %get3A_457 = arith.constant 0 : index
            %get3A_458 = tpu.vector_load %arg16[%get3A_455, %get3A_456, %get3A_457] {strides = array<i32>} : memref<2x64x16xf32, #tpu.memory_space<vmem>>, vector<16xf32>,
            %add3A_459 = arith.addf %get3A_454, %get3A_458 : vector<16xf32>
            %ge3A_460 = arith.constant 0.000000e+00 : f32
            %ge3A_461 = vector.broadcast %ge3A_460 : f32 to vector<16xf32>
            %ge3A_462 = arith.cmpf oge, %add3A_459, %ge3A_461 : vector<16xf32>
            %mul3A_463 = arith.constant 2.000000e-01 : f32
            %mul3A_464 = vector.broadcast %mul3A_463 : f32 to vector<16xf32>
            %mul3A_465 = arith.mulf %mul3A_464, %add3A_459 : vector<16xf32>
            %select_n3A_466 = arith.select %ge3A_462, %add3A_459, %mul3A_465 : vector<16xi1>, vector<16xf32>
            %exp3A_467 = math.exp %select_n3A_466 : vector<16xf32>
            %slice3A_468 = vector.extract_strided_slice %exp3A_467 {offsets = [0], sizes = [1], strides = [1]} : vector<16xf32> to vector<1xf32>
            %squeeze3A_469 = vector.extract %slice3A_468[0] : f32 from vector<1xf32>
            %slice3A_470 = vector.extract_strided_slice %exp3A_467 {offsets = [1], sizes = [1], strides = [1]} : vector<16xf32> to vector<1xf32>
            %squeeze3A_471 = vector.extract %slice3A_470[0] : f32 from vector<1xf32>
            %get3A_472 = arith.index_cast %select_n3A_266 : i32 to index
            %get3A_473 = arith.index_cast %add3A_450 : i32 to index
            %get3A_474 = arith.constant 0 : index
            %get3A_475 = tpu.vector_load %arg14[%get3A_472, %get3A_473, %get3A_474] {strides = array<i32>} : memref<2x64x64xf32, #tpu.memory_space<vmem>>, vector<16xf32>,
            %mul3A_476 = vector.broadcast %squeeze3A_469 : f32 to vector<16xf32>
            %mul3A_477 = arith.mulf %get3A_475, %mul3A_476 : vector<16xf32>
            %swap3A_478 = arith.index_cast %select_n3A_266 : i32 to index
            %swap3A_479 = arith.index_cast %add3A_450 : i32 to index
            %swap3A_480 = arith.constant 0 : index
            %swap3A_481 = tpu.vector_load %arg17[%swap3A_478, %swap3A_479, %swap3A_480] {strides = array<i32>} : memref<2x64x144xf32, #tpu.memory_space<vmem>>, vector<16xf32>,
            tpu.vector_store %arg17[%swap3A_478, %swap3A_479, %swap3A_480], %mul3A_477 {strides = array<i32>} : memref<2x64x144xf32, #tpu.memory_space<vmem>>, vector<16xf32>,
            %mul3A_482 = vector.broadcast %squeeze3A_471 : f32 to vector<16xf32>
            %mul3A_483 = arith.mulf %get3A_475, %mul3A_482 : vector<16xf32>
            %swap3A_484 = arith.index_cast %select_n3A_266 : i32 to index
            %swap3A_485 = arith.index_cast %add3A_450 : i32 to index
            %swap3A_486 = arith.constant 64 : index
            %swap3A_487 = tpu.vector_load %arg17[%swap3A_484, %swap3A_485, %swap3A_486] {strides = array<i32>} : memref<2x64x144xf32, #tpu.memory_space<vmem>>, vector<16xf32>,
            tpu.vector_store %arg17[%swap3A_484, %swap3A_485, %swap3A_486], %mul3A_483 {strides = array<i32>} : memref<2x64x144xf32, #tpu.memory_space<vmem>>, vector<16xf32>,
            %get3A_488 = arith.index_cast %select_n3A_266 : i32 to index
            %get3A_489 = arith.index_cast %add3A_450 : i32 to index
            %get3A_490 = arith.constant 16 : index
            %get3A_491 = tpu.vector_load %arg14[%get3A_488, %get3A_489, %get3A_490] {strides = array<i32>} : memref<2x64x64xf32, #tpu.memory_space<vmem>>, vector<16xf32>,
            %mul3A_492 = vector.broadcast %squeeze3A_469 : f32 to vector<16xf32>
            %mul3A_493 = arith.mulf %get3A_491, %mul3A_492 : vector<16xf32>
            %swap3A_494 = arith.index_cast %select_n3A_266 : i32 to index
            %swap3A_495 = arith.index_cast %add3A_450 : i32 to index
            %swap3A_496 = arith.constant 16 : index
            %swap3A_497 = tpu.vector_load %arg17[%swap3A_494, %swap3A_495, %swap3A_496] {strides = array<i32>} : memref<2x64x144xf32, #tpu.memory_space<vmem>>, vector<16xf32>,
            tpu.vector_store %arg17[%swap3A_494, %swap3A_495, %swap3A_496], %mul3A_493 {strides = array<i32>} : memref<2x64x144xf32, #tpu.memory_space<vmem>>, vector<16xf32>,
            %mul3A_498 = vector.broadcast %squeeze3A_471 : f32 to vector<16xf32>
            %mul3A_499 = arith.mulf %get3A_491, %mul3A_498 : vector<16xf32>
            %swap3A_500 = arith.index_cast %select_n3A_266 : i32 to index
            %swap3A_501 = arith.index_cast %add3A_450 : i32 to index
            %swap3A_502 = arith.constant 80 : index
            %swap3A_503 = tpu.vector_load %arg17[%swap3A_500, %swap3A_501, %swap3A_502] {strides = array<i32>} : memref<2x64x144xf32, #tpu.memory_space<vmem>>, vector<16xf32>,
            tpu.vector_store %arg17[%swap3A_500, %swap3A_501, %swap3A_502], %mul3A_499 {strides = array<i32>} : memref<2x64x144xf32, #tpu.memory_space<vmem>>, vector<16xf32>,
            %get3A_504 = arith.index_cast %select_n3A_266 : i32 to index
            %get3A_505 = arith.index_cast %add3A_450 : i32 to index
            %get3A_506 = arith.constant 32 : index
            %get3A_507 = tpu.vector_load %arg14[%get3A_504, %get3A_505, %get3A_506] {strides = array<i32>} : memref<2x64x64xf32, #tpu.memory_space<vmem>>, vector<16xf32>,
            %mul3A_508 = vector.broadcast %squeeze3A_469 : f32 to vector<16xf32>
            %mul3A_509 = arith.mulf %get3A_507, %mul3A_508 : vector<16xf32>
            %swap3A_510 = arith.index_cast %select_n3A_266 : i32 to index
            %swap3A_511 = arith.index_cast %add3A_450 : i32 to index
            %swap3A_512 = arith.constant 32 : index
            %swap3A_513 = tpu.vector_load %arg17[%swap3A_510, %swap3A_511, %swap3A_512] {strides = array<i32>} : memref<2x64x144xf32, #tpu.memory_space<vmem>>, vector<16xf32>,
            tpu.vector_store %arg17[%swap3A_510, %swap3A_511, %swap3A_512], %mul3A_509 {strides = array<i32>} : memref<2x64x144xf32, #tpu.memory_space<vmem>>, vector<16xf32>,
            %mul3A_514 = vector.broadcast %squeeze3A_471 : f32 to vector<16xf32>
            %mul3A_515 = arith.mulf %get3A_507, %mul3A_514 : vector<16xf32>
            %swap3A_516 = arith.index_cast %select_n3A_266 : i32 to index
            %swap3A_517 = arith.index_cast %add3A_450 : i32 to index
            %swap3A_518 = arith.constant 96 : index
            %swap3A_519 = tpu.vector_load %arg17[%swap3A_516, %swap3A_517, %swap3A_518] {strides = array<i32>} : memref<2x64x144xf32, #tpu.memory_space<vmem>>, vector<16xf32>,
            tpu.vector_store %arg17[%swap3A_516, %swap3A_517, %swap3A_518], %mul3A_515 {strides = array<i32>} : memref<2x64x144xf32, #tpu.memory_space<vmem>>, vector<16xf32>,
            %get3A_520 = arith.index_cast %select_n3A_266 : i32 to index
            %get3A_521 = arith.index_cast %add3A_450 : i32 to index
            %get3A_522 = arith.constant 48 : index
            %get3A_523 = tpu.vector_load %arg14[%get3A_520, %get3A_521, %get3A_522] {strides = array<i32>} : memref<2x64x64xf32, #tpu.memory_space<vmem>>, vector<16xf32>,
            %mul3A_524 = vector.broadcast %squeeze3A_469 : f32 to vector<16xf32>
            %mul3A_525 = arith.mulf %get3A_523, %mul3A_524 : vector<16xf32>
            %swap3A_526 = arith.index_cast %select_n3A_266 : i32 to index
            %swap3A_527 = arith.index_cast %add3A_450 : i32 to index
            %swap3A_528 = arith.constant 48 : index
            %swap3A_529 = tpu.vector_load %arg17[%swap3A_526, %swap3A_527, %swap3A_528] {strides = array<i32>} : memref<2x64x144xf32, #tpu.memory_space<vmem>>, vector<16xf32>,
            tpu.vector_store %arg17[%swap3A_526, %swap3A_527, %swap3A_528], %mul3A_525 {strides = array<i32>} : memref<2x64x144xf32, #tpu.memory_space<vmem>>, vector<16xf32>,
            %mul3A_530 = vector.broadcast %squeeze3A_471 : f32 to vector<16xf32>
            %mul3A_531 = arith.mulf %get3A_523, %mul3A_530 : vector<16xf32>
            %swap3A_532 = arith.index_cast %select_n3A_266 : i32 to index
            %swap3A_533 = arith.index_cast %add3A_450 : i32 to index
            %swap3A_534 = arith.constant 112 : index
            %swap3A_535 = tpu.vector_load %arg17[%swap3A_532, %swap3A_533, %swap3A_534] {strides = array<i32>} : memref<2x64x144xf32, #tpu.memory_space<vmem>>, vector<16xf32>,
            tpu.vector_store %arg17[%swap3A_532, %swap3A_533, %swap3A_534], %mul3A_531 {strides = array<i32>} : memref<2x64x144xf32, #tpu.memory_space<vmem>>, vector<16xf32>,
            %lt3A_536 = arith.constant 2 : i32
            %lt3A_537 = vector.broadcast %lt3A_536 : i32 to vector<16xi32>
            %lt3A_538 = arith.cmpi slt, %iota3A, %lt3A_537 : vector<16xi32>
            %jit3A_539 = arith.constant 0.000000e+00 : f32
            %broadcast_in_dim3A_540 = vector.broadcast %jit3A_539 : f32 to vector<16xf32>
            %select_n3A_541 = arith.select %lt3A_538, %exp3A_467, %broadcast_in_dim3A_540 : vector<16xi1>, vector<16xf32>
            %swap3A_542 = arith.index_cast %select_n3A_266 : i32 to index
            %swap3A_543 = arith.index_cast %add3A_450 : i32 to index
            %swap3A_544 = arith.constant 128 : index
            %swap3A_545 = tpu.vector_load %arg17[%swap3A_542, %swap3A_543, %swap3A_544] {strides = array<i32>} : memref<2x64x144xf32, #tpu.memory_space<vmem>>, vector<16xf32>,
            tpu.vector_store %arg17[%swap3A_542, %swap3A_543, %swap3A_544], %select_n3A_541 {strides = array<i32>} : memref<2x64x144xf32, #tpu.memory_space<vmem>>, vector<16xf32>,
            %mul3A_546 = arith.constant 16 : i32
            %mul3A_547 = arith.muli %scan3A_351, %mul3A_546 : i32
            %add3A_548 = arith.constant 2 : i32
            %add3A_549 = arith.addi %mul3A_547, %add3A_548 : i32
            %get3A_550 = arith.index_cast %select_n3A_266 : i32 to index
            %get3A_551 = arith.index_cast %add3A_549 : i32 to index
            %get3A_552 = arith.constant 0 : index
            %get3A_553 = tpu.vector_load %arg15[%get3A_550, %get3A_551, %get3A_552] {strides = array<i32>} : memref<2x64x16xf32, #tpu.memory_space<vmem>>, vector<16xf32>,
            %get3A_554 = arith.index_cast %select_n3A_266 : i32 to index
            %get3A_555 = arith.index_cast %add3A_549 : i32 to index
            %get3A_556 = arith.constant 0 : index
            %get3A_557 = tpu.vector_load %arg16[%get3A_554, %get3A_555, %get3A_556] {strides = array<i32>} : memref<2x64x16xf32, #tpu.memory_space<vmem>>, vector<16xf32>,
            %add3A_558 = arith.addf %get3A_553, %get3A_557 : vector<16xf32>
            %ge3A_559 = arith.constant 0.000000e+00 : f32
            %ge3A_560 = vector.broadcast %ge3A_559 : f32 to vector<16xf32>
            %ge3A_561 = arith.cmpf oge, %add3A_558, %ge3A_560 : vector<16xf32>
            %mul3A_562 = arith.constant 2.000000e-01 : f32
            %mul3A_563 = vector.broadcast %mul3A_562 : f32 to vector<16xf32>
            %mul3A_564 = arith.mulf %mul3A_563, %add3A_558 : vector<16xf32>
            %select_n3A_565 = arith.select %ge3A_561, %add3A_558, %mul3A_564 : vector<16xi1>, vector<16xf32>
            %exp3A_566 = math.exp %select_n3A_565 : vector<16xf32>
            %slice3A_567 = vector.extract_strided_slice %exp3A_566 {offsets = [0], sizes = [1], strides = [1]} : vector<16xf32> to vector<1xf32>
            %squeeze3A_568 = vector.extract %slice3A_567[0] : f32 from vector<1xf32>
            %slice3A_569 = vector.extract_strided_slice %exp3A_566 {offsets = [1], sizes = [1], strides = [1]} : vector<16xf32> to vector<1xf32>
            %squeeze3A_570 = vector.extract %slice3A_569[0] : f32 from vector<1xf32>
            %get3A_571 = arith.index_cast %select_n3A_266 : i32 to index
            %get3A_572 = arith.index_cast %add3A_549 : i32 to index
            %get3A_573 = arith.constant 0 : index
            %get3A_574 = tpu.vector_load %arg14[%get3A_571, %get3A_572, %get3A_573] {strides = array<i32>} : memref<2x64x64xf32, #tpu.memory_space<vmem>>, vector<16xf32>,
            %mul3A_575 = vector.broadcast %squeeze3A_568 : f32 to vector<16xf32>
            %mul3A_576 = arith.mulf %get3A_574, %mul3A_575 : vector<16xf32>
            %swap3A_577 = arith.index_cast %select_n3A_266 : i32 to index
            %swap3A_578 = arith.index_cast %add3A_549 : i32 to index
            %swap3A_579 = arith.constant 0 : index
            %swap3A_580 = tpu.vector_load %arg17[%swap3A_577, %swap3A_578, %swap3A_579] {strides = array<i32>} : memref<2x64x144xf32, #tpu.memory_space<vmem>>, vector<16xf32>,
            tpu.vector_store %arg17[%swap3A_577, %swap3A_578, %swap3A_579], %mul3A_576 {strides = array<i32>} : memref<2x64x144xf32, #tpu.memory_space<vmem>>, vector<16xf32>,
            %mul3A_581 = vector.broadcast %squeeze3A_570 : f32 to vector<16xf32>
            %mul3A_582 = arith.mulf %get3A_574, %mul3A_581 : vector<16xf32>
            %swap3A_583 = arith.index_cast %select_n3A_266 : i32 to index
            %swap3A_584 = arith.index_cast %add3A_549 : i32 to index
            %swap3A_585 = arith.constant 64 : index
            %swap3A_586 = tpu.vector_load %arg17[%swap3A_583, %swap3A_584, %swap3A_585] {strides = array<i32>} : memref<2x64x144xf32, #tpu.memory_space<vmem>>, vector<16xf32>,
            tpu.vector_store %arg17[%swap3A_583, %swap3A_584, %swap3A_585], %mul3A_582 {strides = array<i32>} : memref<2x64x144xf32, #tpu.memory_space<vmem>>, vector<16xf32>,
            %get3A_587 = arith.index_cast %select_n3A_266 : i32 to index
            %get3A_588 = arith.index_cast %add3A_549 : i32 to index
            %get3A_589 = arith.constant 16 : index
            %get3A_590 = tpu.vector_load %arg14[%get3A_587, %get3A_588, %get3A_589] {strides = array<i32>} : memref<2x64x64xf32, #tpu.memory_space<vmem>>, vector<16xf32>,
            %mul3A_591 = vector.broadcast %squeeze3A_568 : f32 to vector<16xf32>
            %mul3A_592 = arith.mulf %get3A_590, %mul3A_591 : vector<16xf32>
            %swap3A_593 = arith.index_cast %select_n3A_266 : i32 to index
            %swap3A_594 = arith.index_cast %add3A_549 : i32 to index
            %swap3A_595 = arith.constant 16 : index
            %swap3A_596 = tpu.vector_load %arg17[%swap3A_593, %swap3A_594, %swap3A_595] {strides = array<i32>} : memref<2x64x144xf32, #tpu.memory_space<vmem>>, vector<16xf32>,
            tpu.vector_store %arg17[%swap3A_593, %swap3A_594, %swap3A_595], %mul3A_592 {strides = array<i32>} : memref<2x64x144xf32, #tpu.memory_space<vmem>>, vector<16xf32>,
            %mul3A_597 = vector.broadcast %squeeze3A_570 : f32 to vector<16xf32>
            %mul3A_598 = arith.mulf %get3A_590, %mul3A_597 : vector<16xf32>
            %swap3A_599 = arith.index_cast %select_n3A_266 : i32 to index
            %swap3A_600 = arith.index_cast %add3A_549 : i32 to index
            %swap3A_601 = arith.constant 80 : index
            %swap3A_602 = tpu.vector_load %arg17[%swap3A_599, %swap3A_600, %swap3A_601] {strides = array<i32>} : memref<2x64x144xf32, #tpu.memory_space<vmem>>, vector<16xf32>,
            tpu.vector_store %arg17[%swap3A_599, %swap3A_600, %swap3A_601], %mul3A_598 {strides = array<i32>} : memref<2x64x144xf32, #tpu.memory_space<vmem>>, vector<16xf32>,
            %get3A_603 = arith.index_cast %select_n3A_266 : i32 to index
            %get3A_604 = arith.index_cast %add3A_549 : i32 to index
            %get3A_605 = arith.constant 32 : index
            %get3A_606 = tpu.vector_load %arg14[%get3A_603, %get3A_604, %get3A_605] {strides = array<i32>} : memref<2x64x64xf32, #tpu.memory_space<vmem>>, vector<16xf32>,
            %mul3A_607 = vector.broadcast %squeeze3A_568 : f32 to vector<16xf32>
            %mul3A_608 = arith.mulf %get3A_606, %mul3A_607 : vector<16xf32>
            %swap3A_609 = arith.index_cast %select_n3A_266 : i32 to index
            %swap3A_610 = arith.index_cast %add3A_549 : i32 to index
            %swap3A_611 = arith.constant 32 : index
            %swap3A_612 = tpu.vector_load %arg17[%swap3A_609, %swap3A_610, %swap3A_611] {strides = array<i32>} : memref<2x64x144xf32, #tpu.memory_space<vmem>>, vector<16xf32>,
            tpu.vector_store %arg17[%swap3A_609, %swap3A_610, %swap3A_611], %mul3A_608 {strides = array<i32>} : memref<2x64x144xf32, #tpu.memory_space<vmem>>, vector<16xf32>,
            %mul3A_613 = vector.broadcast %squeeze3A_570 : f32 to vector<16xf32>
            %mul3A_614 = arith.mulf %get3A_606, %mul3A_613 : vector<16xf32>
            %swap3A_615 = arith.index_cast %select_n3A_266 : i32 to index
            %swap3A_616 = arith.index_cast %add3A_549 : i32 to index
            %swap3A_617 = arith.constant 96 : index
            %swap3A_618 = tpu.vector_load %arg17[%swap3A_615, %swap3A_616, %swap3A_617] {strides = array<i32>} : memref<2x64x144xf32, #tpu.memory_space<vmem>>, vector<16xf32>,
            tpu.vector_store %arg17[%swap3A_615, %swap3A_616, %swap3A_617], %mul3A_614 {strides = array<i32>} : memref<2x64x144xf32, #tpu.memory_space<vmem>>, vector<16xf32>,
            %get3A_619 = arith.index_cast %select_n3A_266 : i32 to index
            %get3A_620 = arith.index_cast %add3A_549 : i32 to index
            %get3A_621 = arith.constant 48 : index
            %get3A_622 = tpu.vector_load %arg14[%get3A_619, %get3A_620, %get3A_621] {strides = array<i32>} : memref<2x64x64xf32, #tpu.memory_space<vmem>>, vector<16xf32>,
            %mul3A_623 = vector.broadcast %squeeze3A_568 : f32 to vector<16xf32>
            %mul3A_624 = arith.mulf %get3A_622, %mul3A_623 : vector<16xf32>
            %swap3A_625 = arith.index_cast %select_n3A_266 : i32 to index
            %swap3A_626 = arith.index_cast %add3A_549 : i32 to index
            %swap3A_627 = arith.constant 48 : index
            %swap3A_628 = tpu.vector_load %arg17[%swap3A_625, %swap3A_626, %swap3A_627] {strides = array<i32>} : memref<2x64x144xf32, #tpu.memory_space<vmem>>, vector<16xf32>,
            tpu.vector_store %arg17[%swap3A_625, %swap3A_626, %swap3A_627], %mul3A_624 {strides = array<i32>} : memref<2x64x144xf32, #tpu.memory_space<vmem>>, vector<16xf32>,
            %mul3A_629 = vector.broadcast %squeeze3A_570 : f32 to vector<16xf32>
            %mul3A_630 = arith.mulf %get3A_622, %mul3A_629 : vector<16xf32>
            %swap3A_631 = arith.index_cast %select_n3A_266 : i32 to index
            %swap3A_632 = arith.index_cast %add3A_549 : i32 to index
            %swap3A_633 = arith.constant 112 : index
            %swap3A_634 = tpu.vector_load %arg17[%swap3A_631, %swap3A_632, %swap3A_633] {strides = array<i32>} : memref<2x64x144xf32, #tpu.memory_space<vmem>>, vector<16xf32>,
            tpu.vector_store %arg17[%swap3A_631, %swap3A_632, %swap3A_633], %mul3A_630 {strides = array<i32>} : memref<2x64x144xf32, #tpu.memory_space<vmem>>, vector<16xf32>,
            %lt3A_635 = arith.constant 2 : i32
            %lt3A_636 = vector.broadcast %lt3A_635 : i32 to vector<16xi32>
            %lt3A_637 = arith.cmpi slt, %iota3A, %lt3A_636 : vector<16xi32>
            %jit3A_638 = arith.constant 0.000000e+00 : f32
            %broadcast_in_dim3A_639 = vector.broadcast %jit3A_638 : f32 to vector<16xf32>
            %select_n3A_640 = arith.select %lt3A_637, %exp3A_566, %broadcast_in_dim3A_639 : vector<16xi1>, vector<16xf32>
            %swap3A_641 = arith.index_cast %select_n3A_266 : i32 to index
            %swap3A_642 = arith.index_cast %add3A_549 : i32 to index
            %swap3A_643 = arith.constant 128 : index
            %swap3A_644 = tpu.vector_load %arg17[%swap3A_641, %swap3A_642, %swap3A_643] {strides = array<i32>} : memref<2x64x144xf32, #tpu.memory_space<vmem>>, vector<16xf32>,
            tpu.vector_store %arg17[%swap3A_641, %swap3A_642, %swap3A_643], %select_n3A_640 {strides = array<i32>} : memref<2x64x144xf32, #tpu.memory_space<vmem>>, vector<16xf32>,
            %mul3A_645 = arith.constant 16 : i32
            %mul3A_646 = arith.muli %scan3A_351, %mul3A_645 : i32
            %add3A_647 = arith.constant 3 : i32
            %add3A_648 = arith.addi %mul3A_646, %add3A_647 : i32
            %get3A_649 = arith.index_cast %select_n3A_266 : i32 to index
            %get3A_650 = arith.index_cast %add3A_648 : i32 to index
            %get3A_651 = arith.constant 0 : index
            %get3A_652 = tpu.vector_load %arg15[%get3A_649, %get3A_650, %get3A_651] {strides = array<i32>} : memref<2x64x16xf32, #tpu.memory_space<vmem>>, vector<16xf32>,
            %get3A_653 = arith.index_cast %select_n3A_266 : i32 to index
            %get3A_654 = arith.index_cast %add3A_648 : i32 to index
            %get3A_655 = arith.constant 0 : index
            %get3A_656 = tpu.vector_load %arg16[%get3A_653, %get3A_654, %get3A_655] {strides = array<i32>} : memref<2x64x16xf32, #tpu.memory_space<vmem>>, vector<16xf32>,
            %add3A_657 = arith.addf %get3A_652, %get3A_656 : vector<16xf32>
            %ge3A_658 = arith.constant 0.000000e+00 : f32
            %ge3A_659 = vector.broadcast %ge3A_658 : f32 to vector<16xf32>
            %ge3A_660 = arith.cmpf oge, %add3A_657, %ge3A_659 : vector<16xf32>
            %mul3A_661 = arith.constant 2.000000e-01 : f32
            %mul3A_662 = vector.broadcast %mul3A_661 : f32 to vector<16xf32>
            %mul3A_663 = arith.mulf %mul3A_662, %add3A_657 : vector<16xf32>
            %select_n3A_664 = arith.select %ge3A_660, %add3A_657, %mul3A_663 : vector<16xi1>, vector<16xf32>
            %exp3A_665 = math.exp %select_n3A_664 : vector<16xf32>
            %slice3A_666 = vector.extract_strided_slice %exp3A_665 {offsets = [0], sizes = [1], strides = [1]} : vector<16xf32> to vector<1xf32>
            %squeeze3A_667 = vector.extract %slice3A_666[0] : f32 from vector<1xf32>
            %slice3A_668 = vector.extract_strided_slice %exp3A_665 {offsets = [1], sizes = [1], strides = [1]} : vector<16xf32> to vector<1xf32>
            %squeeze3A_669 = vector.extract %slice3A_668[0] : f32 from vector<1xf32>
            %get3A_670 = arith.index_cast %select_n3A_266 : i32 to index
            %get3A_671 = arith.index_cast %add3A_648 : i32 to index
            %get3A_672 = arith.constant 0 : index
            %get3A_673 = tpu.vector_load %arg14[%get3A_670, %get3A_671, %get3A_672] {strides = array<i32>} : memref<2x64x64xf32, #tpu.memory_space<vmem>>, vector<16xf32>,
            %mul3A_674 = vector.broadcast %squeeze3A_667 : f32 to vector<16xf32>
            %mul3A_675 = arith.mulf %get3A_673, %mul3A_674 : vector<16xf32>
            %swap3A_676 = arith.index_cast %select_n3A_266 : i32 to index
            %swap3A_677 = arith.index_cast %add3A_648 : i32 to index
            %swap3A_678 = arith.constant 0 : index
            %swap3A_679 = tpu.vector_load %arg17[%swap3A_676, %swap3A_677, %swap3A_678] {strides = array<i32>} : memref<2x64x144xf32, #tpu.memory_space<vmem>>, vector<16xf32>,
            tpu.vector_store %arg17[%swap3A_676, %swap3A_677, %swap3A_678], %mul3A_675 {strides = array<i32>} : memref<2x64x144xf32, #tpu.memory_space<vmem>>, vector<16xf32>,
            %mul3A_680 = vector.broadcast %squeeze3A_669 : f32 to vector<16xf32>
            %mul3A_681 = arith.mulf %get3A_673, %mul3A_680 : vector<16xf32>
            %swap3A_682 = arith.index_cast %select_n3A_266 : i32 to index
            %swap3A_683 = arith.index_cast %add3A_648 : i32 to index
            %swap3A_684 = arith.constant 64 : index
            %swap3A_685 = tpu.vector_load %arg17[%swap3A_682, %swap3A_683, %swap3A_684] {strides = array<i32>} : memref<2x64x144xf32, #tpu.memory_space<vmem>>, vector<16xf32>,
            tpu.vector_store %arg17[%swap3A_682, %swap3A_683, %swap3A_684], %mul3A_681 {strides = array<i32>} : memref<2x64x144xf32, #tpu.memory_space<vmem>>, vector<16xf32>,
            %get3A_686 = arith.index_cast %select_n3A_266 : i32 to index
            %get3A_687 = arith.index_cast %add3A_648 : i32 to index
            %get3A_688 = arith.constant 16 : index
            %get3A_689 = tpu.vector_load %arg14[%get3A_686, %get3A_687, %get3A_688] {strides = array<i32>} : memref<2x64x64xf32, #tpu.memory_space<vmem>>, vector<16xf32>,
            %mul3A_690 = vector.broadcast %squeeze3A_667 : f32 to vector<16xf32>
            %mul3A_691 = arith.mulf %get3A_689, %mul3A_690 : vector<16xf32>
            %swap3A_692 = arith.index_cast %select_n3A_266 : i32 to index
            %swap3A_693 = arith.index_cast %add3A_648 : i32 to index
            %swap3A_694 = arith.constant 16 : index
            %swap3A_695 = tpu.vector_load %arg17[%swap3A_692, %swap3A_693, %swap3A_694] {strides = array<i32>} : memref<2x64x144xf32, #tpu.memory_space<vmem>>, vector<16xf32>,
            tpu.vector_store %arg17[%swap3A_692, %swap3A_693, %swap3A_694], %mul3A_691 {strides = array<i32>} : memref<2x64x144xf32, #tpu.memory_space<vmem>>, vector<16xf32>,
            %mul3A_696 = vector.broadcast %squeeze3A_669 : f32 to vector<16xf32>
            %mul3A_697 = arith.mulf %get3A_689, %mul3A_696 : vector<16xf32>
            %swap3A_698 = arith.index_cast %select_n3A_266 : i32 to index
            %swap3A_699 = arith.index_cast %add3A_648 : i32 to index
            %swap3A_700 = arith.constant 80 : index
            %swap3A_701 = tpu.vector_load %arg17[%swap3A_698, %swap3A_699, %swap3A_700] {strides = array<i32>} : memref<2x64x144xf32, #tpu.memory_space<vmem>>, vector<16xf32>,
            tpu.vector_store %arg17[%swap3A_698, %swap3A_699, %swap3A_700], %mul3A_697 {strides = array<i32>} : memref<2x64x144xf32, #tpu.memory_space<vmem>>, vector<16xf32>,
            %get3A_702 = arith.index_cast %select_n3A_266 : i32 to index
            %get3A_703 = arith.index_cast %add3A_648 : i32 to index
            %get3A_704 = arith.constant 32 : index
            %get3A_705 = tpu.vector_load %arg14[%get3A_702, %get3A_703, %get3A_704] {strides = array<i32>} : memref<2x64x64xf32, #tpu.memory_space<vmem>>, vector<16xf32>,
            %mul3A_706 = vector.broadcast %squeeze3A_667 : f32 to vector<16xf32>
            %mul3A_707 = arith.mulf %get3A_705, %mul3A_706 : vector<16xf32>
            %swap3A_708 = arith.index_cast %select_n3A_266 : i32 to index
            %swap3A_709 = arith.index_cast %add3A_648 : i32 to index
            %swap3A_710 = arith.constant 32 : index
            %swap3A_711 = tpu.vector_load %arg17[%swap3A_708, %swap3A_709, %swap3A_710] {strides = array<i32>} : memref<2x64x144xf32, #tpu.memory_space<vmem>>, vector<16xf32>,
            tpu.vector_store %arg17[%swap3A_708, %swap3A_709, %swap3A_710], %mul3A_707 {strides = array<i32>} : memref<2x64x144xf32, #tpu.memory_space<vmem>>, vector<16xf32>,
            %mul3A_712 = vector.broadcast %squeeze3A_669 : f32 to vector<16xf32>
            %mul3A_713 = arith.mulf %get3A_705, %mul3A_712 : vector<16xf32>
            %swap3A_714 = arith.index_cast %select_n3A_266 : i32 to index
            %swap3A_715 = arith.index_cast %add3A_648 : i32 to index
            %swap3A_716 = arith.constant 96 : index
            %swap3A_717 = tpu.vector_load %arg17[%swap3A_714, %swap3A_715, %swap3A_716] {strides = array<i32>} : memref<2x64x144xf32, #tpu.memory_space<vmem>>, vector<16xf32>,
            tpu.vector_store %arg17[%swap3A_714, %swap3A_715, %swap3A_716], %mul3A_713 {strides = array<i32>} : memref<2x64x144xf32, #tpu.memory_space<vmem>>, vector<16xf32>,
            %get3A_718 = arith.index_cast %select_n3A_266 : i32 to index
            %get3A_719 = arith.index_cast %add3A_648 : i32 to index
            %get3A_720 = arith.constant 48 : index
            %get3A_721 = tpu.vector_load %arg14[%get3A_718, %get3A_719, %get3A_720] {strides = array<i32>} : memref<2x64x64xf32, #tpu.memory_space<vmem>>, vector<16xf32>,
            %mul3A_722 = vector.broadcast %squeeze3A_667 : f32 to vector<16xf32>
            %mul3A_723 = arith.mulf %get3A_721, %mul3A_722 : vector<16xf32>
            %swap3A_724 = arith.index_cast %select_n3A_266 : i32 to index
            %swap3A_725 = arith.index_cast %add3A_648 : i32 to index
            %swap3A_726 = arith.constant 48 : index
            %swap3A_727 = tpu.vector_load %arg17[%swap3A_724, %swap3A_725, %swap3A_726] {strides = array<i32>} : memref<2x64x144xf32, #tpu.memory_space<vmem>>, vector<16xf32>,
            tpu.vector_store %arg17[%swap3A_724, %swap3A_725, %swap3A_726], %mul3A_723 {strides = array<i32>} : memref<2x64x144xf32, #tpu.memory_space<vmem>>, vector<16xf32>,
            %mul3A_728 = vector.broadcast %squeeze3A_669 : f32 to vector<16xf32>
            %mul3A_729 = arith.mulf %get3A_721, %mul3A_728 : vector<16xf32>
            %swap3A_730 = arith.index_cast %select_n3A_266 : i32 to index
            %swap3A_731 = arith.index_cast %add3A_648 : i32 to index
            %swap3A_732 = arith.constant 112 : index
            %swap3A_733 = tpu.vector_load %arg17[%swap3A_730, %swap3A_731, %swap3A_732] {strides = array<i32>} : memref<2x64x144xf32, #tpu.memory_space<vmem>>, vector<16xf32>,
            tpu.vector_store %arg17[%swap3A_730, %swap3A_731, %swap3A_732], %mul3A_729 {strides = array<i32>} : memref<2x64x144xf32, #tpu.memory_space<vmem>>, vector<16xf32>,
            %lt3A_734 = arith.constant 2 : i32
            %lt3A_735 = vector.broadcast %lt3A_734 : i32 to vector<16xi32>
            %lt3A_736 = arith.cmpi slt, %iota3A, %lt3A_735 : vector<16xi32>
            %jit3A_737 = arith.constant 0.000000e+00 : f32
            %broadcast_in_dim3A_738 = vector.broadcast %jit3A_737 : f32 to vector<16xf32>
            %select_n3A_739 = arith.select %lt3A_736, %exp3A_665, %broadcast_in_dim3A_738 : vector<16xi1>, vector<16xf32>
            %swap3A_740 = arith.index_cast %select_n3A_266 : i32 to index
            %swap3A_741 = arith.index_cast %add3A_648 : i32 to index
            %swap3A_742 = arith.constant 128 : index
            %swap3A_743 = tpu.vector_load %arg17[%swap3A_740, %swap3A_741, %swap3A_742] {strides = array<i32>} : memref<2x64x144xf32, #tpu.memory_space<vmem>>, vector<16xf32>,
            tpu.vector_store %arg17[%swap3A_740, %swap3A_741, %swap3A_742], %select_n3A_739 {strides = array<i32>} : memref<2x64x144xf32, #tpu.memory_space<vmem>>, vector<16xf32>,
            %mul3A_744 = arith.constant 16 : i32
            %mul3A_745 = arith.muli %scan3A_351, %mul3A_744 : i32
            %add3A_746 = arith.constant 4 : i32
            %add3A_747 = arith.addi %mul3A_745, %add3A_746 : i32
            %get3A_748 = arith.index_cast %select_n3A_266 : i32 to index
            %get3A_749 = arith.index_cast %add3A_747 : i32 to index
            %get3A_750 = arith.constant 0 : index
            %get3A_751 = tpu.vector_load %arg15[%get3A_748, %get3A_749, %get3A_750] {strides = array<i32>} : memref<2x64x16xf32, #tpu.memory_space<vmem>>, vector<16xf32>,
            %get3A_752 = arith.index_cast %select_n3A_266 : i32 to index
            %get3A_753 = arith.index_cast %add3A_747 : i32 to index
            %get3A_754 = arith.constant 0 : index
            %get3A_755 = tpu.vector_load %arg16[%get3A_752, %get3A_753, %get3A_754] {strides = array<i32>} : memref<2x64x16xf32, #tpu.memory_space<vmem>>, vector<16xf32>,
            %add3A_756 = arith.addf %get3A_751, %get3A_755 : vector<16xf32>
            %ge3A_757 = arith.constant 0.000000e+00 : f32
            %ge3A_758 = vector.broadcast %ge3A_757 : f32 to vector<16xf32>
            %ge3A_759 = arith.cmpf oge, %add3A_756, %ge3A_758 : vector<16xf32>
            %mul3A_760 = arith.constant 2.000000e-01 : f32
            %mul3A_761 = vector.broadcast %mul3A_760 : f32 to vector<16xf32>
            %mul3A_762 = arith.mulf %mul3A_761, %add3A_756 : vector<16xf32>
            %select_n3A_763 = arith.select %ge3A_759, %add3A_756, %mul3A_762 : vector<16xi1>, vector<16xf32>
            %exp3A_764 = math.exp %select_n3A_763 : vector<16xf32>
            %slice3A_765 = vector.extract_strided_slice %exp3A_764 {offsets = [0], sizes = [1], strides = [1]} : vector<16xf32> to vector<1xf32>
            %squeeze3A_766 = vector.extract %slice3A_765[0] : f32 from vector<1xf32>
            %slice3A_767 = vector.extract_strided_slice %exp3A_764 {offsets = [1], sizes = [1], strides = [1]} : vector<16xf32> to vector<1xf32>
            %squeeze3A_768 = vector.extract %slice3A_767[0] : f32 from vector<1xf32>
            %get3A_769 = arith.index_cast %select_n3A_266 : i32 to index
            %get3A_770 = arith.index_cast %add3A_747 : i32 to index
            %get3A_771 = arith.constant 0 : index
            %get3A_772 = tpu.vector_load %arg14[%get3A_769, %get3A_770, %get3A_771] {strides = array<i32>} : memref<2x64x64xf32, #tpu.memory_space<vmem>>, vector<16xf32>,
            %mul3A_773 = vector.broadcast %squeeze3A_766 : f32 to vector<16xf32>
            %mul3A_774 = arith.mulf %get3A_772, %mul3A_773 : vector<16xf32>
            %swap3A_775 = arith.index_cast %select_n3A_266 : i32 to index
            %swap3A_776 = arith.index_cast %add3A_747 : i32 to index
            %swap3A_777 = arith.constant 0 : index
            %swap3A_778 = tpu.vector_load %arg17[%swap3A_775, %swap3A_776, %swap3A_777] {strides = array<i32>} : memref<2x64x144xf32, #tpu.memory_space<vmem>>, vector<16xf32>,
            tpu.vector_store %arg17[%swap3A_775, %swap3A_776, %swap3A_777], %mul3A_774 {strides = array<i32>} : memref<2x64x144xf32, #tpu.memory_space<vmem>>, vector<16xf32>,
            %mul3A_779 = vector.broadcast %squeeze3A_768 : f32 to vector<16xf32>
            %mul3A_780 = arith.mulf %get3A_772, %mul3A_779 : vector<16xf32>
            %swap3A_781 = arith.index_cast %select_n3A_266 : i32 to index
            %swap3A_782 = arith.index_cast %add3A_747 : i32 to index
            %swap3A_783 = arith.constant 64 : index
            %swap3A_784 = tpu.vector_load %arg17[%swap3A_781, %swap3A_782, %swap3A_783] {strides = array<i32>} : memref<2x64x144xf32, #tpu.memory_space<vmem>>, vector<16xf32>,
            tpu.vector_store %arg17[%swap3A_781, %swap3A_782, %swap3A_783], %mul3A_780 {strides = array<i32>} : memref<2x64x144xf32, #tpu.memory_space<vmem>>, vector<16xf32>,
            %get3A_785 = arith.index_cast %select_n3A_266 : i32 to index
            %get3A_786 = arith.index_cast %add3A_747 : i32 to index
            %get3A_787 = arith.constant 16 : index
            %get3A_788 = tpu.vector_load %arg14[%get3A_785, %get3A_786, %get3A_787] {strides = array<i32>} : memref<2x64x64xf32, #tpu.memory_space<vmem>>, vector<16xf32>,
            %mul3A_789 = vector.broadcast %squeeze3A_766 : f32 to vector<16xf32>
            %mul3A_790 = arith.mulf %get3A_788, %mul3A_789 : vector<16xf32>
            %swap3A_791 = arith.index_cast %select_n3A_266 : i32 to index
            %swap3A_792 = arith.index_cast %add3A_747 : i32 to index
            %swap3A_793 = arith.constant 16 : index
            %swap3A_794 = tpu.vector_load %arg17[%swap3A_791, %swap3A_792, %swap3A_793] {strides = array<i32>} : memref<2x64x144xf32, #tpu.memory_space<vmem>>, vector<16xf32>,
            tpu.vector_store %arg17[%swap3A_791, %swap3A_792, %swap3A_793], %mul3A_790 {strides = array<i32>} : memref<2x64x144xf32, #tpu.memory_space<vmem>>, vector<16xf32>,
            %mul3A_795 = vector.broadcast %squeeze3A_768 : f32 to vector<16xf32>
            %mul3A_796 = arith.mulf %get3A_788, %mul3A_795 : vector<16xf32>
            %swap3A_797 = arith.index_cast %select_n3A_266 : i32 to index
            %swap3A_798 = arith.index_cast %add3A_747 : i32 to index
            %swap3A_799 = arith.constant 80 : index
            %swap3A_800 = tpu.vector_load %arg17[%swap3A_797, %swap3A_798, %swap3A_799] {strides = array<i32>} : memref<2x64x144xf32, #tpu.memory_space<vmem>>, vector<16xf32>,
            tpu.vector_store %arg17[%swap3A_797, %swap3A_798, %swap3A_799], %mul3A_796 {strides = array<i32>} : memref<2x64x144xf32, #tpu.memory_space<vmem>>, vector<16xf32>,
            %get3A_801 = arith.index_cast %select_n3A_266 : i32 to index
            %get3A_802 = arith.index_cast %add3A_747 : i32 to index
            %get3A_803 = arith.constant 32 : index
            %get3A_804 = tpu.vector_load %arg14[%get3A_801, %get3A_802, %get3A_803] {strides = array<i32>} : memref<2x64x64xf32, #tpu.memory_space<vmem>>, vector<16xf32>,
            %mul3A_805 = vector.broadcast %squeeze3A_766 : f32 to vector<16xf32>
            %mul3A_806 = arith.mulf %get3A_804, %mul3A_805 : vector<16xf32>
            %swap3A_807 = arith.index_cast %select_n3A_266 : i32 to index
            %swap3A_808 = arith.index_cast %add3A_747 : i32 to index
            %swap3A_809 = arith.constant 32 : index
            %swap3A_810 = tpu.vector_load %arg17[%swap3A_807, %swap3A_808, %swap3A_809] {strides = array<i32>} : memref<2x64x144xf32, #tpu.memory_space<vmem>>, vector<16xf32>,
            tpu.vector_store %arg17[%swap3A_807, %swap3A_808, %swap3A_809], %mul3A_806 {strides = array<i32>} : memref<2x64x144xf32, #tpu.memory_space<vmem>>, vector<16xf32>,
            %mul3A_811 = vector.broadcast %squeeze3A_768 : f32 to vector<16xf32>
            %mul3A_812 = arith.mulf %get3A_804, %mul3A_811 : vector<16xf32>
            %swap3A_813 = arith.index_cast %select_n3A_266 : i32 to index
            %swap3A_814 = arith.index_cast %add3A_747 : i32 to index
            %swap3A_815 = arith.constant 96 : index
            %swap3A_816 = tpu.vector_load %arg17[%swap3A_813, %swap3A_814, %swap3A_815] {strides = array<i32>} : memref<2x64x144xf32, #tpu.memory_space<vmem>>, vector<16xf32>,
            tpu.vector_store %arg17[%swap3A_813, %swap3A_814, %swap3A_815], %mul3A_812 {strides = array<i32>} : memref<2x64x144xf32, #tpu.memory_space<vmem>>, vector<16xf32>,
            %get3A_817 = arith.index_cast %select_n3A_266 : i32 to index
            %get3A_818 = arith.index_cast %add3A_747 : i32 to index
            %get3A_819 = arith.constant 48 : index
            %get3A_820 = tpu.vector_load %arg14[%get3A_817, %get3A_818, %get3A_819] {strides = array<i32>} : memref<2x64x64xf32, #tpu.memory_space<vmem>>, vector<16xf32>,
            %mul3A_821 = vector.broadcast %squeeze3A_766 : f32 to vector<16xf32>
            %mul3A_822 = arith.mulf %get3A_820, %mul3A_821 : vector<16xf32>
            %swap3A_823 = arith.index_cast %select_n3A_266 : i32 to index
            %swap3A_824 = arith.index_cast %add3A_747 : i32 to index
            %swap3A_825 = arith.constant 48 : index
            %swap3A_826 = tpu.vector_load %arg17[%swap3A_823, %swap3A_824, %swap3A_825] {strides = array<i32>} : memref<2x64x144xf32, #tpu.memory_space<vmem>>, vector<16xf32>,
            tpu.vector_store %arg17[%swap3A_823, %swap3A_824, %swap3A_825], %mul3A_822 {strides = array<i32>} : memref<2x64x144xf32, #tpu.memory_space<vmem>>, vector<16xf32>,
            %mul3A_827 = vector.broadcast %squeeze3A_768 : f32 to vector<16xf32>
            %mul3A_828 = arith.mulf %get3A_820, %mul3A_827 : vector<16xf32>
            %swap3A_829 = arith.index_cast %select_n3A_266 : i32 to index
            %swap3A_830 = arith.index_cast %add3A_747 : i32 to index
            %swap3A_831 = arith.constant 112 : index
            %swap3A_832 = tpu.vector_load %arg17[%swap3A_829, %swap3A_830, %swap3A_831] {strides = array<i32>} : memref<2x64x144xf32, #tpu.memory_space<vmem>>, vector<16xf32>,
            tpu.vector_store %arg17[%swap3A_829, %swap3A_830, %swap3A_831], %mul3A_828 {strides = array<i32>} : memref<2x64x144xf32, #tpu.memory_space<vmem>>, vector<16xf32>,
            %lt3A_833 = arith.constant 2 : i32
            %lt3A_834 = vector.broadcast %lt3A_833 : i32 to vector<16xi32>
            %lt3A_835 = arith.cmpi slt, %iota3A, %lt3A_834 : vector<16xi32>
            %jit3A_836 = arith.constant 0.000000e+00 : f32
            %broadcast_in_dim3A_837 = vector.broadcast %jit3A_836 : f32 to vector<16xf32>
            %select_n3A_838 = arith.select %lt3A_835, %exp3A_764, %broadcast_in_dim3A_837 : vector<16xi1>, vector<16xf32>
            %swap3A_839 = arith.index_cast %select_n3A_266 : i32 to index
            %swap3A_840 = arith.index_cast %add3A_747 : i32 to index
            %swap3A_841 = arith.constant 128 : index
            %swap3A_842 = tpu.vector_load %arg17[%swap3A_839, %swap3A_840, %swap3A_841] {strides = array<i32>} : memref<2x64x144xf32, #tpu.memory_space<vmem>>, vector<16xf32>,
            tpu.vector_store %arg17[%swap3A_839, %swap3A_840, %swap3A_841], %select_n3A_838 {strides = array<i32>} : memref<2x64x144xf32, #tpu.memory_space<vmem>>, vector<16xf32>,
            %mul3A_843 = arith.constant 16 : i32
            %mul3A_844 = arith.muli %scan3A_351, %mul3A_843 : i32
            %add3A_845 = arith.constant 5 : i32
            %add3A_846 = arith.addi %mul3A_844, %add3A_845 : i32
            %get3A_847 = arith.index_cast %select_n3A_266 : i32 to index
            %get3A_848 = arith.index_cast %add3A_846 : i32 to index
            %get3A_849 = arith.constant 0 : index
            %get3A_850 = tpu.vector_load %arg15[%get3A_847, %get3A_848, %get3A_849] {strides = array<i32>} : memref<2x64x16xf32, #tpu.memory_space<vmem>>, vector<16xf32>,
            %get3A_851 = arith.index_cast %select_n3A_266 : i32 to index
            %get3A_852 = arith.index_cast %add3A_846 : i32 to index
            %get3A_853 = arith.constant 0 : index
            %get3A_854 = tpu.vector_load %arg16[%get3A_851, %get3A_852, %get3A_853] {strides = array<i32>} : memref<2x64x16xf32, #tpu.memory_space<vmem>>, vector<16xf32>,
            %add3A_855 = arith.addf %get3A_850, %get3A_854 : vector<16xf32>
            %ge3A_856 = arith.constant 0.000000e+00 : f32
            %ge3A_857 = vector.broadcast %ge3A_856 : f32 to vector<16xf32>
            %ge3A_858 = arith.cmpf oge, %add3A_855, %ge3A_857 : vector<16xf32>
            %mul3A_859 = arith.constant 2.000000e-01 : f32
            %mul3A_860 = vector.broadcast %mul3A_859 : f32 to vector<16xf32>
            %mul3A_861 = arith.mulf %mul3A_860, %add3A_855 : vector<16xf32>
            %select_n3A_862 = arith.select %ge3A_858, %add3A_855, %mul3A_861 : vector<16xi1>, vector<16xf32>
            %exp3A_863 = math.exp %select_n3A_862 : vector<16xf32>
            %slice3A_864 = vector.extract_strided_slice %exp3A_863 {offsets = [0], sizes = [1], strides = [1]} : vector<16xf32> to vector<1xf32>
            %squeeze3A_865 = vector.extract %slice3A_864[0] : f32 from vector<1xf32>
            %slice3A_866 = vector.extract_strided_slice %exp3A_863 {offsets = [1], sizes = [1], strides = [1]} : vector<16xf32> to vector<1xf32>
            %squeeze3A_867 = vector.extract %slice3A_866[0] : f32 from vector<1xf32>
            %get3A_868 = arith.index_cast %select_n3A_266 : i32 to index
            %get3A_869 = arith.index_cast %add3A_846 : i32 to index
            %get3A_870 = arith.constant 0 : index
            %get3A_871 = tpu.vector_load %arg14[%get3A_868, %get3A_869, %get3A_870] {strides = array<i32>} : memref<2x64x64xf32, #tpu.memory_space<vmem>>, vector<16xf32>,
            %mul3A_872 = vector.broadcast %squeeze3A_865 : f32 to vector<16xf32>
            %mul3A_873 = arith.mulf %get3A_871, %mul3A_872 : vector<16xf32>
            %swap3A_874 = arith.index_cast %select_n3A_266 : i32 to index
            %swap3A_875 = arith.index_cast %add3A_846 : i32 to index
            %swap3A_876 = arith.constant 0 : index
            %swap3A_877 = tpu.vector_load %arg17[%swap3A_874, %swap3A_875, %swap3A_876] {strides = array<i32>} : memref<2x64x144xf32, #tpu.memory_space<vmem>>, vector<16xf32>,
            tpu.vector_store %arg17[%swap3A_874, %swap3A_875, %swap3A_876], %mul3A_873 {strides = array<i32>} : memref<2x64x144xf32, #tpu.memory_space<vmem>>, vector<16xf32>,
            %mul3A_878 = vector.broadcast %squeeze3A_867 : f32 to vector<16xf32>
            %mul3A_879 = arith.mulf %get3A_871, %mul3A_878 : vector<16xf32>
            %swap3A_880 = arith.index_cast %select_n3A_266 : i32 to index
            %swap3A_881 = arith.index_cast %add3A_846 : i32 to index
            %swap3A_882 = arith.constant 64 : index
            %swap3A_883 = tpu.vector_load %arg17[%swap3A_880, %swap3A_881, %swap3A_882] {strides = array<i32>} : memref<2x64x144xf32, #tpu.memory_space<vmem>>, vector<16xf32>,
            tpu.vector_store %arg17[%swap3A_880, %swap3A_881, %swap3A_882], %mul3A_879 {strides = array<i32>} : memref<2x64x144xf32, #tpu.memory_space<vmem>>, vector<16xf32>,
            %get3A_884 = arith.index_cast %select_n3A_266 : i32 to index
            %get3A_885 = arith.index_cast %add3A_846 : i32 to index
            %get3A_886 = arith.constant 16 : index
            %get3A_887 = tpu.vector_load %arg14[%get3A_884, %get3A_885, %get3A_886] {strides = array<i32>} : memref<2x64x64xf32, #tpu.memory_space<vmem>>, vector<16xf32>,
            %mul3A_888 = vector.broadcast %squeeze3A_865 : f32 to vector<16xf32>
            %mul3A_889 = arith.mulf %get3A_887, %mul3A_888 : vector<16xf32>
            %swap3A_890 = arith.index_cast %select_n3A_266 : i32 to index
            %swap3A_891 = arith.index_cast %add3A_846 : i32 to index
            %swap3A_892 = arith.constant 16 : index
            %swap3A_893 = tpu.vector_load %arg17[%swap3A_890, %swap3A_891, %swap3A_892] {strides = array<i32>} : memref<2x64x144xf32, #tpu.memory_space<vmem>>, vector<16xf32>,
            tpu.vector_store %arg17[%swap3A_890, %swap3A_891, %swap3A_892], %mul3A_889 {strides = array<i32>} : memref<2x64x144xf32, #tpu.memory_space<vmem>>, vector<16xf32>,
            %mul3A_894 = vector.broadcast %squeeze3A_867 : f32 to vector<16xf32>
            %mul3A_895 = arith.mulf %get3A_887, %mul3A_894 : vector<16xf32>
            %swap3A_896 = arith.index_cast %select_n3A_266 : i32 to index
            %swap3A_897 = arith.index_cast %add3A_846 : i32 to index
            %swap3A_898 = arith.constant 80 : index
            %swap3A_899 = tpu.vector_load %arg17[%swap3A_896, %swap3A_897, %swap3A_898] {strides = array<i32>} : memref<2x64x144xf32, #tpu.memory_space<vmem>>, vector<16xf32>,
            tpu.vector_store %arg17[%swap3A_896, %swap3A_897, %swap3A_898], %mul3A_895 {strides = array<i32>} : memref<2x64x144xf32, #tpu.memory_space<vmem>>, vector<16xf32>,
            %get3A_900 = arith.index_cast %select_n3A_266 : i32 to index
            %get3A_901 = arith.index_cast %add3A_846 : i32 to index
            %get3A_902 = arith.constant 32 : index
            %get3A_903 = tpu.vector_load %arg14[%get3A_900, %get3A_901, %get3A_902] {strides = array<i32>} : memref<2x64x64xf32, #tpu.memory_space<vmem>>, vector<16xf32>,
            %mul3A_904 = vector.broadcast %squeeze3A_865 : f32 to vector<16xf32>
            %mul3A_905 = arith.mulf %get3A_903, %mul3A_904 : vector<16xf32>
            %swap3A_906 = arith.index_cast %select_n3A_266 : i32 to index
            %swap3A_907 = arith.index_cast %add3A_846 : i32 to index
            %swap3A_908 = arith.constant 32 : index
            %swap3A_909 = tpu.vector_load %arg17[%swap3A_906, %swap3A_907, %swap3A_908] {strides = array<i32>} : memref<2x64x144xf32, #tpu.memory_space<vmem>>, vector<16xf32>,
            tpu.vector_store %arg17[%swap3A_906, %swap3A_907, %swap3A_908], %mul3A_905 {strides = array<i32>} : memref<2x64x144xf32, #tpu.memory_space<vmem>>, vector<16xf32>,
            %mul3A_910 = vector.broadcast %squeeze3A_867 : f32 to vector<16xf32>
            %mul3A_911 = arith.mulf %get3A_903, %mul3A_910 : vector<16xf32>
            %swap3A_912 = arith.index_cast %select_n3A_266 : i32 to index
            %swap3A_913 = arith.index_cast %add3A_846 : i32 to index
            %swap3A_914 = arith.constant 96 : index
            %swap3A_915 = tpu.vector_load %arg17[%swap3A_912, %swap3A_913, %swap3A_914] {strides = array<i32>} : memref<2x64x144xf32, #tpu.memory_space<vmem>>, vector<16xf32>,
            tpu.vector_store %arg17[%swap3A_912, %swap3A_913, %swap3A_914], %mul3A_911 {strides = array<i32>} : memref<2x64x144xf32, #tpu.memory_space<vmem>>, vector<16xf32>,
            %get3A_916 = arith.index_cast %select_n3A_266 : i32 to index
            %get3A_917 = arith.index_cast %add3A_846 : i32 to index
            %get3A_918 = arith.constant 48 : index
            %get3A_919 = tpu.vector_load %arg14[%get3A_916, %get3A_917, %get3A_918] {strides = array<i32>} : memref<2x64x64xf32, #tpu.memory_space<vmem>>, vector<16xf32>,
            %mul3A_920 = vector.broadcast %squeeze3A_865 : f32 to vector<16xf32>
            %mul3A_921 = arith.mulf %get3A_919, %mul3A_920 : vector<16xf32>
            %swap3A_922 = arith.index_cast %select_n3A_266 : i32 to index
            %swap3A_923 = arith.index_cast %add3A_846 : i32 to index
            %swap3A_924 = arith.constant 48 : index
            %swap3A_925 = tpu.vector_load %arg17[%swap3A_922, %swap3A_923, %swap3A_924] {strides = array<i32>} : memref<2x64x144xf32, #tpu.memory_space<vmem>>, vector<16xf32>,
            tpu.vector_store %arg17[%swap3A_922, %swap3A_923, %swap3A_924], %mul3A_921 {strides = array<i32>} : memref<2x64x144xf32, #tpu.memory_space<vmem>>, vector<16xf32>,
            %mul3A_926 = vector.broadcast %squeeze3A_867 : f32 to vector<16xf32>
            %mul3A_927 = arith.mulf %get3A_919, %mul3A_926 : vector<16xf32>
            %swap3A_928 = arith.index_cast %select_n3A_266 : i32 to index
            %swap3A_929 = arith.index_cast %add3A_846 : i32 to index
            %swap3A_930 = arith.constant 112 : index
            %swap3A_931 = tpu.vector_load %arg17[%swap3A_928, %swap3A_929, %swap3A_930] {strides = array<i32>} : memref<2x64x144xf32, #tpu.memory_space<vmem>>, vector<16xf32>,
            tpu.vector_store %arg17[%swap3A_928, %swap3A_929, %swap3A_930], %mul3A_927 {strides = array<i32>} : memref<2x64x144xf32, #tpu.memory_space<vmem>>, vector<16xf32>,
            %lt3A_932 = arith.constant 2 : i32
            %lt3A_933 = vector.broadcast %lt3A_932 : i32 to vector<16xi32>
            %lt3A_934 = arith.cmpi slt, %iota3A, %lt3A_933 : vector<16xi32>
            %jit3A_935 = arith.constant 0.000000e+00 : f32
            %broadcast_in_dim3A_936 = vector.broadcast %jit3A_935 : f32 to vector<16xf32>
            %select_n3A_937 = arith.select %lt3A_934, %exp3A_863, %broadcast_in_dim3A_936 : vector<16xi1>, vector<16xf32>
            %swap3A_938 = arith.index_cast %select_n3A_266 : i32 to index
            %swap3A_939 = arith.index_cast %add3A_846 : i32 to index
            %swap3A_940 = arith.constant 128 : index
            %swap3A_941 = tpu.vector_load %arg17[%swap3A_938, %swap3A_939, %swap3A_940] {strides = array<i32>} : memref<2x64x144xf32, #tpu.memory_space<vmem>>, vector<16xf32>,
            tpu.vector_store %arg17[%swap3A_938, %swap3A_939, %swap3A_940], %select_n3A_937 {strides = array<i32>} : memref<2x64x144xf32, #tpu.memory_space<vmem>>, vector<16xf32>,
            %mul3A_942 = arith.constant 16 : i32
            %mul3A_943 = arith.muli %scan3A_351, %mul3A_942 : i32
            %add3A_944 = arith.constant 6 : i32
            %add3A_945 = arith.addi %mul3A_943, %add3A_944 : i32
            %get3A_946 = arith.index_cast %select_n3A_266 : i32 to index
            %get3A_947 = arith.index_cast %add3A_945 : i32 to index
            %get3A_948 = arith.constant 0 : index
            %get3A_949 = tpu.vector_load %arg15[%get3A_946, %get3A_947, %get3A_948] {strides = array<i32>} : memref<2x64x16xf32, #tpu.memory_space<vmem>>, vector<16xf32>,
            %get3A_950 = arith.index_cast %select_n3A_266 : i32 to index
            %get3A_951 = arith.index_cast %add3A_945 : i32 to index
            %get3A_952 = arith.constant 0 : index
            %get3A_953 = tpu.vector_load %arg16[%get3A_950, %get3A_951, %get3A_952] {strides = array<i32>} : memref<2x64x16xf32, #tpu.memory_space<vmem>>, vector<16xf32>,
            %add3A_954 = arith.addf %get3A_949, %get3A_953 : vector<16xf32>
            %ge3A_955 = arith.constant 0.000000e+00 : f32
            %ge3A_956 = vector.broadcast %ge3A_955 : f32 to vector<16xf32>
            %ge3A_957 = arith.cmpf oge, %add3A_954, %ge3A_956 : vector<16xf32>
            %mul3A_958 = arith.constant 2.000000e-01 : f32
            %mul3A_959 = vector.broadcast %mul3A_958 : f32 to vector<16xf32>
            %mul3A_960 = arith.mulf %mul3A_959, %add3A_954 : vector<16xf32>
            %select_n3A_961 = arith.select %ge3A_957, %add3A_954, %mul3A_960 : vector<16xi1>, vector<16xf32>
            %exp3A_962 = math.exp %select_n3A_961 : vector<16xf32>
            %slice3A_963 = vector.extract_strided_slice %exp3A_962 {offsets = [0], sizes = [1], strides = [1]} : vector<16xf32> to vector<1xf32>
            %squeeze3A_964 = vector.extract %slice3A_963[0] : f32 from vector<1xf32>
            %slice3A_965 = vector.extract_strided_slice %exp3A_962 {offsets = [1], sizes = [1], strides = [1]} : vector<16xf32> to vector<1xf32>
            %squeeze3A_966 = vector.extract %slice3A_965[0] : f32 from vector<1xf32>
            %get3A_967 = arith.index_cast %select_n3A_266 : i32 to index
            %get3A_968 = arith.index_cast %add3A_945 : i32 to index
            %get3A_969 = arith.constant 0 : index
            %get3A_970 = tpu.vector_load %arg14[%get3A_967, %get3A_968, %get3A_969] {strides = array<i32>} : memref<2x64x64xf32, #tpu.memory_space<vmem>>, vector<16xf32>,
            %mul3A_971 = vector.broadcast %squeeze3A_964 : f32 to vector<16xf32>
            %mul3A_972 = arith.mulf %get3A_970, %mul3A_971 : vector<16xf32>
            %swap3A_973 = arith.index_cast %select_n3A_266 : i32 to index
            %swap3A_974 = arith.index_cast %add3A_945 : i32 to index
            %swap3A_975 = arith.constant 0 : index
            %swap3A_976 = tpu.vector_load %arg17[%swap3A_973, %swap3A_974, %swap3A_975] {strides = array<i32>} : memref<2x64x144xf32, #tpu.memory_space<vmem>>, vector<16xf32>,
            tpu.vector_store %arg17[%swap3A_973, %swap3A_974, %swap3A_975], %mul3A_972 {strides = array<i32>} : memref<2x64x144xf32, #tpu.memory_space<vmem>>, vector<16xf32>,
            %mul3A_977 = vector.broadcast %squeeze3A_966 : f32 to vector<16xf32>
            %mul3A_978 = arith.mulf %get3A_970, %mul3A_977 : vector<16xf32>
            %swap3A_979 = arith.index_cast %select_n3A_266 : i32 to index
            %swap3A_980 = arith.index_cast %add3A_945 : i32 to index
            %swap3A_981 = arith.constant 64 : index
            %swap3A_982 = tpu.vector_load %arg17[%swap3A_979, %swap3A_980, %swap3A_981] {strides = array<i32>} : memref<2x64x144xf32, #tpu.memory_space<vmem>>, vector<16xf32>,
            tpu.vector_store %arg17[%swap3A_979, %swap3A_980, %swap3A_981], %mul3A_978 {strides = array<i32>} : memref<2x64x144xf32, #tpu.memory_space<vmem>>, vector<16xf32>,
            %get3A_983 = arith.index_cast %select_n3A_266 : i32 to index
            %get3A_984 = arith.index_cast %add3A_945 : i32 to index
            %get3A_985 = arith.constant 16 : index
            %get3A_986 = tpu.vector_load %arg14[%get3A_983, %get3A_984, %get3A_985] {strides = array<i32>} : memref<2x64x64xf32, #tpu.memory_space<vmem>>, vector<16xf32>,
            %mul3A_987 = vector.broadcast %squeeze3A_964 : f32 to vector<16xf32>
            %mul3A_988 = arith.mulf %get3A_986, %mul3A_987 : vector<16xf32>
            %swap3A_989 = arith.index_cast %select_n3A_266 : i32 to index
            %swap3A_990 = arith.index_cast %add3A_945 : i32 to index
            %swap3A_991 = arith.constant 16 : index
            %swap3A_992 = tpu.vector_load %arg17[%swap3A_989, %swap3A_990, %swap3A_991] {strides = array<i32>} : memref<2x64x144xf32, #tpu.memory_space<vmem>>, vector<16xf32>,
            tpu.vector_store %arg17[%swap3A_989, %swap3A_990, %swap3A_991], %mul3A_988 {strides = array<i32>} : memref<2x64x144xf32, #tpu.memory_space<vmem>>, vector<16xf32>,
            %mul3A_993 = vector.broadcast %squeeze3A_966 : f32 to vector<16xf32>
            %mul3A_994 = arith.mulf %get3A_986, %mul3A_993 : vector<16xf32>
            %swap3A_995 = arith.index_cast %select_n3A_266 : i32 to index
            %swap3A_996 = arith.index_cast %add3A_945 : i32 to index
            %swap3A_997 = arith.constant 80 : index
            %swap3A_998 = tpu.vector_load %arg17[%swap3A_995, %swap3A_996, %swap3A_997] {strides = array<i32>} : memref<2x64x144xf32, #tpu.memory_space<vmem>>, vector<16xf32>,
            tpu.vector_store %arg17[%swap3A_995, %swap3A_996, %swap3A_997], %mul3A_994 {strides = array<i32>} : memref<2x64x144xf32, #tpu.memory_space<vmem>>, vector<16xf32>,
            %get3A_999 = arith.index_cast %select_n3A_266 : i32 to index
            %get3A_1000 = arith.index_cast %add3A_945 : i32 to index
            %get3A_1001 = arith.constant 32 : index
            %get3A_1002 = tpu.vector_load %arg14[%get3A_999, %get3A_1000, %get3A_1001] {strides = array<i32>} : memref<2x64x64xf32, #tpu.memory_space<vmem>>, vector<16xf32>,
            %mul3A_1003 = vector.broadcast %squeeze3A_964 : f32 to vector<16xf32>
            %mul3A_1004 = arith.mulf %get3A_1002, %mul3A_1003 : vector<16xf32>
            %swap3A_1005 = arith.index_cast %select_n3A_266 : i32 to index
            %swap3A_1006 = arith.index_cast %add3A_945 : i32 to index
            %swap3A_1007 = arith.constant 32 : index
            %swap3A_1008 = tpu.vector_load %arg17[%swap3A_1005, %swap3A_1006, %swap3A_1007] {strides = array<i32>} : memref<2x64x144xf32, #tpu.memory_space<vmem>>, vector<16xf32>,
            tpu.vector_store %arg17[%swap3A_1005, %swap3A_1006, %swap3A_1007], %mul3A_1004 {strides = array<i32>} : memref<2x64x144xf32, #tpu.memory_space<vmem>>, vector<16xf32>,
            %mul3A_1009 = vector.broadcast %squeeze3A_966 : f32 to vector<16xf32>
            %mul3A_1010 = arith.mulf %get3A_1002, %mul3A_1009 : vector<16xf32>
            %swap3A_1011 = arith.index_cast %select_n3A_266 : i32 to index
            %swap3A_1012 = arith.index_cast %add3A_945 : i32 to index
            %swap3A_1013 = arith.constant 96 : index
            %swap3A_1014 = tpu.vector_load %arg17[%swap3A_1011, %swap3A_1012, %swap3A_1013] {strides = array<i32>} : memref<2x64x144xf32, #tpu.memory_space<vmem>>, vector<16xf32>,
            tpu.vector_store %arg17[%swap3A_1011, %swap3A_1012, %swap3A_1013], %mul3A_1010 {strides = array<i32>} : memref<2x64x144xf32, #tpu.memory_space<vmem>>, vector<16xf32>,
            %get3A_1015 = arith.index_cast %select_n3A_266 : i32 to index
            %get3A_1016 = arith.index_cast %add3A_945 : i32 to index
            %get3A_1017 = arith.constant 48 : index
            %get3A_1018 = tpu.vector_load %arg14[%get3A_1015, %get3A_1016, %get3A_1017] {strides = array<i32>} : memref<2x64x64xf32, #tpu.memory_space<vmem>>, vector<16xf32>,
            %mul3A_1019 = vector.broadcast %squeeze3A_964 : f32 to vector<16xf32>
            %mul3A_1020 = arith.mulf %get3A_1018, %mul3A_1019 : vector<16xf32>
            %swap3A_1021 = arith.index_cast %select_n3A_266 : i32 to index
            %swap3A_1022 = arith.index_cast %add3A_945 : i32 to index
            %swap3A_1023 = arith.constant 48 : index
            %swap3A_1024 = tpu.vector_load %arg17[%swap3A_1021, %swap3A_1022, %swap3A_1023] {strides = array<i32>} : memref<2x64x144xf32, #tpu.memory_space<vmem>>, vector<16xf32>,
            tpu.vector_store %arg17[%swap3A_1021, %swap3A_1022, %swap3A_1023], %mul3A_1020 {strides = array<i32>} : memref<2x64x144xf32, #tpu.memory_space<vmem>>, vector<16xf32>,
            %mul3A_1025 = vector.broadcast %squeeze3A_966 : f32 to vector<16xf32>
            %mul3A_1026 = arith.mulf %get3A_1018, %mul3A_1025 : vector<16xf32>
            %swap3A_1027 = arith.index_cast %select_n3A_266 : i32 to index
            %swap3A_1028 = arith.index_cast %add3A_945 : i32 to index
            %swap3A_1029 = arith.constant 112 : index
            %swap3A_1030 = tpu.vector_load %arg17[%swap3A_1027, %swap3A_1028, %swap3A_1029] {strides = array<i32>} : memref<2x64x144xf32, #tpu.memory_space<vmem>>, vector<16xf32>,
            tpu.vector_store %arg17[%swap3A_1027, %swap3A_1028, %swap3A_1029], %mul3A_1026 {strides = array<i32>} : memref<2x64x144xf32, #tpu.memory_space<vmem>>, vector<16xf32>,
            %lt3A_1031 = arith.constant 2 : i32
            %lt3A_1032 = vector.broadcast %lt3A_1031 : i32 to vector<16xi32>
            %lt3A_1033 = arith.cmpi slt, %iota3A, %lt3A_1032 : vector<16xi32>
            %jit3A_1034 = arith.constant 0.000000e+00 : f32
            %broadcast_in_dim3A_1035 = vector.broadcast %jit3A_1034 : f32 to vector<16xf32>
            %select_n3A_1036 = arith.select %lt3A_1033, %exp3A_962, %broadcast_in_dim3A_1035 : vector<16xi1>, vector<16xf32>
            %swap3A_1037 = arith.index_cast %select_n3A_266 : i32 to index
            %swap3A_1038 = arith.index_cast %add3A_945 : i32 to index
            %swap3A_1039 = arith.constant 128 : index
            %swap3A_1040 = tpu.vector_load %arg17[%swap3A_1037, %swap3A_1038, %swap3A_1039] {strides = array<i32>} : memref<2x64x144xf32, #tpu.memory_space<vmem>>, vector<16xf32>,
            tpu.vector_store %arg17[%swap3A_1037, %swap3A_1038, %swap3A_1039], %select_n3A_1036 {strides = array<i32>} : memref<2x64x144xf32, #tpu.memory_space<vmem>>, vector<16xf32>,
            %mul3A_1041 = arith.constant 16 : i32
            %mul3A_1042 = arith.muli %scan3A_351, %mul3A_1041 : i32
            %add3A_1043 = arith.constant 7 : i32
            %add3A_1044 = arith.addi %mul3A_1042, %add3A_1043 : i32
            %get3A_1045 = arith.index_cast %select_n3A_266 : i32 to index
            %get3A_1046 = arith.index_cast %add3A_1044 : i32 to index
            %get3A_1047 = arith.constant 0 : index
            %get3A_1048 = tpu.vector_load %arg15[%get3A_1045, %get3A_1046, %get3A_1047] {strides = array<i32>} : memref<2x64x16xf32, #tpu.memory_space<vmem>>, vector<16xf32>,
            %get3A_1049 = arith.index_cast %select_n3A_266 : i32 to index
            %get3A_1050 = arith.index_cast %add3A_1044 : i32 to index
            %get3A_1051 = arith.constant 0 : index
            %get3A_1052 = tpu.vector_load %arg16[%get3A_1049, %get3A_1050, %get3A_1051] {strides = array<i32>} : memref<2x64x16xf32, #tpu.memory_space<vmem>>, vector<16xf32>,
            %add3A_1053 = arith.addf %get3A_1048, %get3A_1052 : vector<16xf32>
            %ge3A_1054 = arith.constant 0.000000e+00 : f32
            %ge3A_1055 = vector.broadcast %ge3A_1054 : f32 to vector<16xf32>
            %ge3A_1056 = arith.cmpf oge, %add3A_1053, %ge3A_1055 : vector<16xf32>
            %mul3A_1057 = arith.constant 2.000000e-01 : f32
            %mul3A_1058 = vector.broadcast %mul3A_1057 : f32 to vector<16xf32>
            %mul3A_1059 = arith.mulf %mul3A_1058, %add3A_1053 : vector<16xf32>
            %select_n3A_1060 = arith.select %ge3A_1056, %add3A_1053, %mul3A_1059 : vector<16xi1>, vector<16xf32>
            %exp3A_1061 = math.exp %select_n3A_1060 : vector<16xf32>
            %slice3A_1062 = vector.extract_strided_slice %exp3A_1061 {offsets = [0], sizes = [1], strides = [1]} : vector<16xf32> to vector<1xf32>
            %squeeze3A_1063 = vector.extract %slice3A_1062[0] : f32 from vector<1xf32>
            %slice3A_1064 = vector.extract_strided_slice %exp3A_1061 {offsets = [1], sizes = [1], strides = [1]} : vector<16xf32> to vector<1xf32>
            %squeeze3A_1065 = vector.extract %slice3A_1064[0] : f32 from vector<1xf32>
            %get3A_1066 = arith.index_cast %select_n3A_266 : i32 to index
            %get3A_1067 = arith.index_cast %add3A_1044 : i32 to index
            %get3A_1068 = arith.constant 0 : index
            %get3A_1069 = tpu.vector_load %arg14[%get3A_1066, %get3A_1067, %get3A_1068] {strides = array<i32>} : memref<2x64x64xf32, #tpu.memory_space<vmem>>, vector<16xf32>,
            %mul3A_1070 = vector.broadcast %squeeze3A_1063 : f32 to vector<16xf32>
            %mul3A_1071 = arith.mulf %get3A_1069, %mul3A_1070 : vector<16xf32>
            %swap3A_1072 = arith.index_cast %select_n3A_266 : i32 to index
            %swap3A_1073 = arith.index_cast %add3A_1044 : i32 to index
            %swap3A_1074 = arith.constant 0 : index
            %swap3A_1075 = tpu.vector_load %arg17[%swap3A_1072, %swap3A_1073, %swap3A_1074] {strides = array<i32>} : memref<2x64x144xf32, #tpu.memory_space<vmem>>, vector<16xf32>,
            tpu.vector_store %arg17[%swap3A_1072, %swap3A_1073, %swap3A_1074], %mul3A_1071 {strides = array<i32>} : memref<2x64x144xf32, #tpu.memory_space<vmem>>, vector<16xf32>,
            %mul3A_1076 = vector.broadcast %squeeze3A_1065 : f32 to vector<16xf32>
            %mul3A_1077 = arith.mulf %get3A_1069, %mul3A_1076 : vector<16xf32>
            %swap3A_1078 = arith.index_cast %select_n3A_266 : i32 to index
            %swap3A_1079 = arith.index_cast %add3A_1044 : i32 to index
            %swap3A_1080 = arith.constant 64 : index
            %swap3A_1081 = tpu.vector_load %arg17[%swap3A_1078, %swap3A_1079, %swap3A_1080] {strides = array<i32>} : memref<2x64x144xf32, #tpu.memory_space<vmem>>, vector<16xf32>,
            tpu.vector_store %arg17[%swap3A_1078, %swap3A_1079, %swap3A_1080], %mul3A_1077 {strides = array<i32>} : memref<2x64x144xf32, #tpu.memory_space<vmem>>, vector<16xf32>,
            %get3A_1082 = arith.index_cast %select_n3A_266 : i32 to index
            %get3A_1083 = arith.index_cast %add3A_1044 : i32 to index
            %get3A_1084 = arith.constant 16 : index
            %get3A_1085 = tpu.vector_load %arg14[%get3A_1082, %get3A_1083, %get3A_1084] {strides = array<i32>} : memref<2x64x64xf32, #tpu.memory_space<vmem>>, vector<16xf32>,
            %mul3A_1086 = vector.broadcast %squeeze3A_1063 : f32 to vector<16xf32>
            %mul3A_1087 = arith.mulf %get3A_1085, %mul3A_1086 : vector<16xf32>
            %swap3A_1088 = arith.index_cast %select_n3A_266 : i32 to index
            %swap3A_1089 = arith.index_cast %add3A_1044 : i32 to index
            %swap3A_1090 = arith.constant 16 : index
            %swap3A_1091 = tpu.vector_load %arg17[%swap3A_1088, %swap3A_1089, %swap3A_1090] {strides = array<i32>} : memref<2x64x144xf32, #tpu.memory_space<vmem>>, vector<16xf32>,
            tpu.vector_store %arg17[%swap3A_1088, %swap3A_1089, %swap3A_1090], %mul3A_1087 {strides = array<i32>} : memref<2x64x144xf32, #tpu.memory_space<vmem>>, vector<16xf32>,
            %mul3A_1092 = vector.broadcast %squeeze3A_1065 : f32 to vector<16xf32>
            %mul3A_1093 = arith.mulf %get3A_1085, %mul3A_1092 : vector<16xf32>
            %swap3A_1094 = arith.index_cast %select_n3A_266 : i32 to index
            %swap3A_1095 = arith.index_cast %add3A_1044 : i32 to index
            %swap3A_1096 = arith.constant 80 : index
            %swap3A_1097 = tpu.vector_load %arg17[%swap3A_1094, %swap3A_1095, %swap3A_1096] {strides = array<i32>} : memref<2x64x144xf32, #tpu.memory_space<vmem>>, vector<16xf32>,
            tpu.vector_store %arg17[%swap3A_1094, %swap3A_1095, %swap3A_1096], %mul3A_1093 {strides = array<i32>} : memref<2x64x144xf32, #tpu.memory_space<vmem>>, vector<16xf32>,
            %get3A_1098 = arith.index_cast %select_n3A_266 : i32 to index
            %get3A_1099 = arith.index_cast %add3A_1044 : i32 to index
            %get3A_1100 = arith.constant 32 : index
            %get3A_1101 = tpu.vector_load %arg14[%get3A_1098, %get3A_1099, %get3A_1100] {strides = array<i32>} : memref<2x64x64xf32, #tpu.memory_space<vmem>>, vector<16xf32>,
            %mul3A_1102 = vector.broadcast %squeeze3A_1063 : f32 to vector<16xf32>
            %mul3A_1103 = arith.mulf %get3A_1101, %mul3A_1102 : vector<16xf32>
            %swap3A_1104 = arith.index_cast %select_n3A_266 : i32 to index
            %swap3A_1105 = arith.index_cast %add3A_1044 : i32 to index
            %swap3A_1106 = arith.constant 32 : index
            %swap3A_1107 = tpu.vector_load %arg17[%swap3A_1104, %swap3A_1105, %swap3A_1106] {strides = array<i32>} : memref<2x64x144xf32, #tpu.memory_space<vmem>>, vector<16xf32>,
            tpu.vector_store %arg17[%swap3A_1104, %swap3A_1105, %swap3A_1106], %mul3A_1103 {strides = array<i32>} : memref<2x64x144xf32, #tpu.memory_space<vmem>>, vector<16xf32>,
            %mul3A_1108 = vector.broadcast %squeeze3A_1065 : f32 to vector<16xf32>
            %mul3A_1109 = arith.mulf %get3A_1101, %mul3A_1108 : vector<16xf32>
            %swap3A_1110 = arith.index_cast %select_n3A_266 : i32 to index
            %swap3A_1111 = arith.index_cast %add3A_1044 : i32 to index
            %swap3A_1112 = arith.constant 96 : index
            %swap3A_1113 = tpu.vector_load %arg17[%swap3A_1110, %swap3A_1111, %swap3A_1112] {strides = array<i32>} : memref<2x64x144xf32, #tpu.memory_space<vmem>>, vector<16xf32>,
            tpu.vector_store %arg17[%swap3A_1110, %swap3A_1111, %swap3A_1112], %mul3A_1109 {strides = array<i32>} : memref<2x64x144xf32, #tpu.memory_space<vmem>>, vector<16xf32>,
            %get3A_1114 = arith.index_cast %select_n3A_266 : i32 to index
            %get3A_1115 = arith.index_cast %add3A_1044 : i32 to index
            %get3A_1116 = arith.constant 48 : index
            %get3A_1117 = tpu.vector_load %arg14[%get3A_1114, %get3A_1115, %get3A_1116] {strides = array<i32>} : memref<2x64x64xf32, #tpu.memory_space<vmem>>, vector<16xf32>,
            %mul3A_1118 = vector.broadcast %squeeze3A_1063 : f32 to vector<16xf32>
            %mul3A_1119 = arith.mulf %get3A_1117, %mul3A_1118 : vector<16xf32>
            %swap3A_1120 = arith.index_cast %select_n3A_266 : i32 to index
            %swap3A_1121 = arith.index_cast %add3A_1044 : i32 to index
            %swap3A_1122 = arith.constant 48 : index
            %swap3A_1123 = tpu.vector_load %arg17[%swap3A_1120, %swap3A_1121, %swap3A_1122] {strides = array<i32>} : memref<2x64x144xf32, #tpu.memory_space<vmem>>, vector<16xf32>,
            tpu.vector_store %arg17[%swap3A_1120, %swap3A_1121, %swap3A_1122], %mul3A_1119 {strides = array<i32>} : memref<2x64x144xf32, #tpu.memory_space<vmem>>, vector<16xf32>,
            %mul3A_1124 = vector.broadcast %squeeze3A_1065 : f32 to vector<16xf32>
            %mul3A_1125 = arith.mulf %get3A_1117, %mul3A_1124 : vector<16xf32>
            %swap3A_1126 = arith.index_cast %select_n3A_266 : i32 to index
            %swap3A_1127 = arith.index_cast %add3A_1044 : i32 to index
            %swap3A_1128 = arith.constant 112 : index
            %swap3A_1129 = tpu.vector_load %arg17[%swap3A_1126, %swap3A_1127, %swap3A_1128] {strides = array<i32>} : memref<2x64x144xf32, #tpu.memory_space<vmem>>, vector<16xf32>,
            tpu.vector_store %arg17[%swap3A_1126, %swap3A_1127, %swap3A_1128], %mul3A_1125 {strides = array<i32>} : memref<2x64x144xf32, #tpu.memory_space<vmem>>, vector<16xf32>,
            %lt3A_1130 = arith.constant 2 : i32
            %lt3A_1131 = vector.broadcast %lt3A_1130 : i32 to vector<16xi32>
            %lt3A_1132 = arith.cmpi slt, %iota3A, %lt3A_1131 : vector<16xi32>
            %jit3A_1133 = arith.constant 0.000000e+00 : f32
            %broadcast_in_dim3A_1134 = vector.broadcast %jit3A_1133 : f32 to vector<16xf32>
            %select_n3A_1135 = arith.select %lt3A_1132, %exp3A_1061, %broadcast_in_dim3A_1134 : vector<16xi1>, vector<16xf32>
            %swap3A_1136 = arith.index_cast %select_n3A_266 : i32 to index
            %swap3A_1137 = arith.index_cast %add3A_1044 : i32 to index
            %swap3A_1138 = arith.constant 128 : index
            %swap3A_1139 = tpu.vector_load %arg17[%swap3A_1136, %swap3A_1137, %swap3A_1138] {strides = array<i32>} : memref<2x64x144xf32, #tpu.memory_space<vmem>>, vector<16xf32>,
            tpu.vector_store %arg17[%swap3A_1136, %swap3A_1137, %swap3A_1138], %select_n3A_1135 {strides = array<i32>} : memref<2x64x144xf32, #tpu.memory_space<vmem>>, vector<16xf32>,
            %mul3A_1140 = arith.constant 16 : i32
            %mul3A_1141 = arith.muli %scan3A_351, %mul3A_1140 : i32
            %add3A_1142 = arith.constant 8 : i32
            %add3A_1143 = arith.addi %mul3A_1141, %add3A_1142 : i32
            %get3A_1144 = arith.index_cast %select_n3A_266 : i32 to index
            %get3A_1145 = arith.index_cast %add3A_1143 : i32 to index
            %get3A_1146 = arith.constant 0 : index
            %get3A_1147 = tpu.vector_load %arg15[%get3A_1144, %get3A_1145, %get3A_1146] {strides = array<i32>} : memref<2x64x16xf32, #tpu.memory_space<vmem>>, vector<16xf32>,
            %get3A_1148 = arith.index_cast %select_n3A_266 : i32 to index
            %get3A_1149 = arith.index_cast %add3A_1143 : i32 to index
            %get3A_1150 = arith.constant 0 : index
            %get3A_1151 = tpu.vector_load %arg16[%get3A_1148, %get3A_1149, %get3A_1150] {strides = array<i32>} : memref<2x64x16xf32, #tpu.memory_space<vmem>>, vector<16xf32>,
            %add3A_1152 = arith.addf %get3A_1147, %get3A_1151 : vector<16xf32>
            %ge3A_1153 = arith.constant 0.000000e+00 : f32
            %ge3A_1154 = vector.broadcast %ge3A_1153 : f32 to vector<16xf32>
            %ge3A_1155 = arith.cmpf oge, %add3A_1152, %ge3A_1154 : vector<16xf32>
            %mul3A_1156 = arith.constant 2.000000e-01 : f32
            %mul3A_1157 = vector.broadcast %mul3A_1156 : f32 to vector<16xf32>
            %mul3A_1158 = arith.mulf %mul3A_1157, %add3A_1152 : vector<16xf32>
            %select_n3A_1159 = arith.select %ge3A_1155, %add3A_1152, %mul3A_1158 : vector<16xi1>, vector<16xf32>
            %exp3A_1160 = math.exp %select_n3A_1159 : vector<16xf32>
            %slice3A_1161 = vector.extract_strided_slice %exp3A_1160 {offsets = [0], sizes = [1], strides = [1]} : vector<16xf32> to vector<1xf32>
            %squeeze3A_1162 = vector.extract %slice3A_1161[0] : f32 from vector<1xf32>
            %slice3A_1163 = vector.extract_strided_slice %exp3A_1160 {offsets = [1], sizes = [1], strides = [1]} : vector<16xf32> to vector<1xf32>
            %squeeze3A_1164 = vector.extract %slice3A_1163[0] : f32 from vector<1xf32>
            %get3A_1165 = arith.index_cast %select_n3A_266 : i32 to index
            %get3A_1166 = arith.index_cast %add3A_1143 : i32 to index
            %get3A_1167 = arith.constant 0 : index
            %get3A_1168 = tpu.vector_load %arg14[%get3A_1165, %get3A_1166, %get3A_1167] {strides = array<i32>} : memref<2x64x64xf32, #tpu.memory_space<vmem>>, vector<16xf32>,
            %mul3A_1169 = vector.broadcast %squeeze3A_1162 : f32 to vector<16xf32>
            %mul3A_1170 = arith.mulf %get3A_1168, %mul3A_1169 : vector<16xf32>
            %swap3A_1171 = arith.index_cast %select_n3A_266 : i32 to index
            %swap3A_1172 = arith.index_cast %add3A_1143 : i32 to index
            %swap3A_1173 = arith.constant 0 : index
            %swap3A_1174 = tpu.vector_load %arg17[%swap3A_1171, %swap3A_1172, %swap3A_1173] {strides = array<i32>} : memref<2x64x144xf32, #tpu.memory_space<vmem>>, vector<16xf32>,
            tpu.vector_store %arg17[%swap3A_1171, %swap3A_1172, %swap3A_1173], %mul3A_1170 {strides = array<i32>} : memref<2x64x144xf32, #tpu.memory_space<vmem>>, vector<16xf32>,
            %mul3A_1175 = vector.broadcast %squeeze3A_1164 : f32 to vector<16xf32>
            %mul3A_1176 = arith.mulf %get3A_1168, %mul3A_1175 : vector<16xf32>
            %swap3A_1177 = arith.index_cast %select_n3A_266 : i32 to index
            %swap3A_1178 = arith.index_cast %add3A_1143 : i32 to index
            %swap3A_1179 = arith.constant 64 : index
            %swap3A_1180 = tpu.vector_load %arg17[%swap3A_1177, %swap3A_1178, %swap3A_1179] {strides = array<i32>} : memref<2x64x144xf32, #tpu.memory_space<vmem>>, vector<16xf32>,
            tpu.vector_store %arg17[%swap3A_1177, %swap3A_1178, %swap3A_1179], %mul3A_1176 {strides = array<i32>} : memref<2x64x144xf32, #tpu.memory_space<vmem>>, vector<16xf32>,
            %get3A_1181 = arith.index_cast %select_n3A_266 : i32 to index
            %get3A_1182 = arith.index_cast %add3A_1143 : i32 to index
            %get3A_1183 = arith.constant 16 : index
            %get3A_1184 = tpu.vector_load %arg14[%get3A_1181, %get3A_1182, %get3A_1183] {strides = array<i32>} : memref<2x64x64xf32, #tpu.memory_space<vmem>>, vector<16xf32>,
            %mul3A_1185 = vector.broadcast %squeeze3A_1162 : f32 to vector<16xf32>
            %mul3A_1186 = arith.mulf %get3A_1184, %mul3A_1185 : vector<16xf32>
            %swap3A_1187 = arith.index_cast %select_n3A_266 : i32 to index
            %swap3A_1188 = arith.index_cast %add3A_1143 : i32 to index
            %swap3A_1189 = arith.constant 16 : index
            %swap3A_1190 = tpu.vector_load %arg17[%swap3A_1187, %swap3A_1188, %swap3A_1189] {strides = array<i32>} : memref<2x64x144xf32, #tpu.memory_space<vmem>>, vector<16xf32>,
            tpu.vector_store %arg17[%swap3A_1187, %swap3A_1188, %swap3A_1189], %mul3A_1186 {strides = array<i32>} : memref<2x64x144xf32, #tpu.memory_space<vmem>>, vector<16xf32>,
            %mul3A_1191 = vector.broadcast %squeeze3A_1164 : f32 to vector<16xf32>
            %mul3A_1192 = arith.mulf %get3A_1184, %mul3A_1191 : vector<16xf32>
            %swap3A_1193 = arith.index_cast %select_n3A_266 : i32 to index
            %swap3A_1194 = arith.index_cast %add3A_1143 : i32 to index
            %swap3A_1195 = arith.constant 80 : index
            %swap3A_1196 = tpu.vector_load %arg17[%swap3A_1193, %swap3A_1194, %swap3A_1195] {strides = array<i32>} : memref<2x64x144xf32, #tpu.memory_space<vmem>>, vector<16xf32>,
            tpu.vector_store %arg17[%swap3A_1193, %swap3A_1194, %swap3A_1195], %mul3A_1192 {strides = array<i32>} : memref<2x64x144xf32, #tpu.memory_space<vmem>>, vector<16xf32>,
            %get3A_1197 = arith.index_cast %select_n3A_266 : i32 to index
            %get3A_1198 = arith.index_cast %add3A_1143 : i32 to index
            %get3A_1199 = arith.constant 32 : index
            %get3A_1200 = tpu.vector_load %arg14[%get3A_1197, %get3A_1198, %get3A_1199] {strides = array<i32>} : memref<2x64x64xf32, #tpu.memory_space<vmem>>, vector<16xf32>,
            %mul3A_1201 = vector.broadcast %squeeze3A_1162 : f32 to vector<16xf32>
            %mul3A_1202 = arith.mulf %get3A_1200, %mul3A_1201 : vector<16xf32>
            %swap3A_1203 = arith.index_cast %select_n3A_266 : i32 to index
            %swap3A_1204 = arith.index_cast %add3A_1143 : i32 to index
            %swap3A_1205 = arith.constant 32 : index
            %swap3A_1206 = tpu.vector_load %arg17[%swap3A_1203, %swap3A_1204, %swap3A_1205] {strides = array<i32>} : memref<2x64x144xf32, #tpu.memory_space<vmem>>, vector<16xf32>,
            tpu.vector_store %arg17[%swap3A_1203, %swap3A_1204, %swap3A_1205], %mul3A_1202 {strides = array<i32>} : memref<2x64x144xf32, #tpu.memory_space<vmem>>, vector<16xf32>,
            %mul3A_1207 = vector.broadcast %squeeze3A_1164 : f32 to vector<16xf32>
            %mul3A_1208 = arith.mulf %get3A_1200, %mul3A_1207 : vector<16xf32>
            %swap3A_1209 = arith.index_cast %select_n3A_266 : i32 to index
            %swap3A_1210 = arith.index_cast %add3A_1143 : i32 to index
            %swap3A_1211 = arith.constant 96 : index
            %swap3A_1212 = tpu.vector_load %arg17[%swap3A_1209, %swap3A_1210, %swap3A_1211] {strides = array<i32>} : memref<2x64x144xf32, #tpu.memory_space<vmem>>, vector<16xf32>,
            tpu.vector_store %arg17[%swap3A_1209, %swap3A_1210, %swap3A_1211], %mul3A_1208 {strides = array<i32>} : memref<2x64x144xf32, #tpu.memory_space<vmem>>, vector<16xf32>,
            %get3A_1213 = arith.index_cast %select_n3A_266 : i32 to index
            %get3A_1214 = arith.index_cast %add3A_1143 : i32 to index
            %get3A_1215 = arith.constant 48 : index
            %get3A_1216 = tpu.vector_load %arg14[%get3A_1213, %get3A_1214, %get3A_1215] {strides = array<i32>} : memref<2x64x64xf32, #tpu.memory_space<vmem>>, vector<16xf32>,
            %mul3A_1217 = vector.broadcast %squeeze3A_1162 : f32 to vector<16xf32>
            %mul3A_1218 = arith.mulf %get3A_1216, %mul3A_1217 : vector<16xf32>
            %swap3A_1219 = arith.index_cast %select_n3A_266 : i32 to index
            %swap3A_1220 = arith.index_cast %add3A_1143 : i32 to index
            %swap3A_1221 = arith.constant 48 : index
            %swap3A_1222 = tpu.vector_load %arg17[%swap3A_1219, %swap3A_1220, %swap3A_1221] {strides = array<i32>} : memref<2x64x144xf32, #tpu.memory_space<vmem>>, vector<16xf32>,
            tpu.vector_store %arg17[%swap3A_1219, %swap3A_1220, %swap3A_1221], %mul3A_1218 {strides = array<i32>} : memref<2x64x144xf32, #tpu.memory_space<vmem>>, vector<16xf32>,
            %mul3A_1223 = vector.broadcast %squeeze3A_1164 : f32 to vector<16xf32>
            %mul3A_1224 = arith.mulf %get3A_1216, %mul3A_1223 : vector<16xf32>
            %swap3A_1225 = arith.index_cast %select_n3A_266 : i32 to index
            %swap3A_1226 = arith.index_cast %add3A_1143 : i32 to index
            %swap3A_1227 = arith.constant 112 : index
            %swap3A_1228 = tpu.vector_load %arg17[%swap3A_1225, %swap3A_1226, %swap3A_1227] {strides = array<i32>} : memref<2x64x144xf32, #tpu.memory_space<vmem>>, vector<16xf32>,
            tpu.vector_store %arg17[%swap3A_1225, %swap3A_1226, %swap3A_1227], %mul3A_1224 {strides = array<i32>} : memref<2x64x144xf32, #tpu.memory_space<vmem>>, vector<16xf32>,
            %lt3A_1229 = arith.constant 2 : i32
            %lt3A_1230 = vector.broadcast %lt3A_1229 : i32 to vector<16xi32>
            %lt3A_1231 = arith.cmpi slt, %iota3A, %lt3A_1230 : vector<16xi32>
            %jit3A_1232 = arith.constant 0.000000e+00 : f32
            %broadcast_in_dim3A_1233 = vector.broadcast %jit3A_1232 : f32 to vector<16xf32>
            %select_n3A_1234 = arith.select %lt3A_1231, %exp3A_1160, %broadcast_in_dim3A_1233 : vector<16xi1>, vector<16xf32>
            %swap3A_1235 = arith.index_cast %select_n3A_266 : i32 to index
            %swap3A_1236 = arith.index_cast %add3A_1143 : i32 to index
            %swap3A_1237 = arith.constant 128 : index
            %swap3A_1238 = tpu.vector_load %arg17[%swap3A_1235, %swap3A_1236, %swap3A_1237] {strides = array<i32>} : memref<2x64x144xf32, #tpu.memory_space<vmem>>, vector<16xf32>,
            tpu.vector_store %arg17[%swap3A_1235, %swap3A_1236, %swap3A_1237], %select_n3A_1234 {strides = array<i32>} : memref<2x64x144xf32, #tpu.memory_space<vmem>>, vector<16xf32>,
            %mul3A_1239 = arith.constant 16 : i32
            %mul3A_1240 = arith.muli %scan3A_351, %mul3A_1239 : i32
            %add3A_1241 = arith.constant 9 : i32
            %add3A_1242 = arith.addi %mul3A_1240, %add3A_1241 : i32
            %get3A_1243 = arith.index_cast %select_n3A_266 : i32 to index
            %get3A_1244 = arith.index_cast %add3A_1242 : i32 to index
            %get3A_1245 = arith.constant 0 : index
            %get3A_1246 = tpu.vector_load %arg15[%get3A_1243, %get3A_1244, %get3A_1245] {strides = array<i32>} : memref<2x64x16xf32, #tpu.memory_space<vmem>>, vector<16xf32>,
            %get3A_1247 = arith.index_cast %select_n3A_266 : i32 to index
            %get3A_1248 = arith.index_cast %add3A_1242 : i32 to index
            %get3A_1249 = arith.constant 0 : index
            %get3A_1250 = tpu.vector_load %arg16[%get3A_1247, %get3A_1248, %get3A_1249] {strides = array<i32>} : memref<2x64x16xf32, #tpu.memory_space<vmem>>, vector<16xf32>,
            %add3A_1251 = arith.addf %get3A_1246, %get3A_1250 : vector<16xf32>
            %ge3A_1252 = arith.constant 0.000000e+00 : f32
            %ge3A_1253 = vector.broadcast %ge3A_1252 : f32 to vector<16xf32>
            %ge3A_1254 = arith.cmpf oge, %add3A_1251, %ge3A_1253 : vector<16xf32>
            %mul3A_1255 = arith.constant 2.000000e-01 : f32
            %mul3A_1256 = vector.broadcast %mul3A_1255 : f32 to vector<16xf32>
            %mul3A_1257 = arith.mulf %mul3A_1256, %add3A_1251 : vector<16xf32>
            %select_n3A_1258 = arith.select %ge3A_1254, %add3A_1251, %mul3A_1257 : vector<16xi1>, vector<16xf32>
            %exp3A_1259 = math.exp %select_n3A_1258 : vector<16xf32>
            %slice3A_1260 = vector.extract_strided_slice %exp3A_1259 {offsets = [0], sizes = [1], strides = [1]} : vector<16xf32> to vector<1xf32>
            %squeeze3A_1261 = vector.extract %slice3A_1260[0] : f32 from vector<1xf32>
            %slice3A_1262 = vector.extract_strided_slice %exp3A_1259 {offsets = [1], sizes = [1], strides = [1]} : vector<16xf32> to vector<1xf32>
            %squeeze3A_1263 = vector.extract %slice3A_1262[0] : f32 from vector<1xf32>
            %get3A_1264 = arith.index_cast %select_n3A_266 : i32 to index
            %get3A_1265 = arith.index_cast %add3A_1242 : i32 to index
            %get3A_1266 = arith.constant 0 : index
            %get3A_1267 = tpu.vector_load %arg14[%get3A_1264, %get3A_1265, %get3A_1266] {strides = array<i32>} : memref<2x64x64xf32, #tpu.memory_space<vmem>>, vector<16xf32>,
            %mul3A_1268 = vector.broadcast %squeeze3A_1261 : f32 to vector<16xf32>
            %mul3A_1269 = arith.mulf %get3A_1267, %mul3A_1268 : vector<16xf32>
            %swap3A_1270 = arith.index_cast %select_n3A_266 : i32 to index
            %swap3A_1271 = arith.index_cast %add3A_1242 : i32 to index
            %swap3A_1272 = arith.constant 0 : index
            %swap3A_1273 = tpu.vector_load %arg17[%swap3A_1270, %swap3A_1271, %swap3A_1272] {strides = array<i32>} : memref<2x64x144xf32, #tpu.memory_space<vmem>>, vector<16xf32>,
            tpu.vector_store %arg17[%swap3A_1270, %swap3A_1271, %swap3A_1272], %mul3A_1269 {strides = array<i32>} : memref<2x64x144xf32, #tpu.memory_space<vmem>>, vector<16xf32>,
            %mul3A_1274 = vector.broadcast %squeeze3A_1263 : f32 to vector<16xf32>
            %mul3A_1275 = arith.mulf %get3A_1267, %mul3A_1274 : vector<16xf32>
            %swap3A_1276 = arith.index_cast %select_n3A_266 : i32 to index
            %swap3A_1277 = arith.index_cast %add3A_1242 : i32 to index
            %swap3A_1278 = arith.constant 64 : index
            %swap3A_1279 = tpu.vector_load %arg17[%swap3A_1276, %swap3A_1277, %swap3A_1278] {strides = array<i32>} : memref<2x64x144xf32, #tpu.memory_space<vmem>>, vector<16xf32>,
            tpu.vector_store %arg17[%swap3A_1276, %swap3A_1277, %swap3A_1278], %mul3A_1275 {strides = array<i32>} : memref<2x64x144xf32, #tpu.memory_space<vmem>>, vector<16xf32>,
            %get3A_1280 = arith.index_cast %select_n3A_266 : i32 to index
            %get3A_1281 = arith.index_cast %add3A_1242 : i32 to index
            %get3A_1282 = arith.constant 16 : index
            %get3A_1283 = tpu.vector_load %arg14[%get3A_1280, %get3A_1281, %get3A_1282] {strides = array<i32>} : memref<2x64x64xf32, #tpu.memory_space<vmem>>, vector<16xf32>,
            %mul3A_1284 = vector.broadcast %squeeze3A_1261 : f32 to vector<16xf32>
            %mul3A_1285 = arith.mulf %get3A_1283, %mul3A_1284 : vector<16xf32>
            %swap3A_1286 = arith.index_cast %select_n3A_266 : i32 to index
            %swap3A_1287 = arith.index_cast %add3A_1242 : i32 to index
            %swap3A_1288 = arith.constant 16 : index
            %swap3A_1289 = tpu.vector_load %arg17[%swap3A_1286, %swap3A_1287, %swap3A_1288] {strides = array<i32>} : memref<2x64x144xf32, #tpu.memory_space<vmem>>, vector<16xf32>,
            tpu.vector_store %arg17[%swap3A_1286, %swap3A_1287, %swap3A_1288], %mul3A_1285 {strides = array<i32>} : memref<2x64x144xf32, #tpu.memory_space<vmem>>, vector<16xf32>,
            %mul3A_1290 = vector.broadcast %squeeze3A_1263 : f32 to vector<16xf32>
            %mul3A_1291 = arith.mulf %get3A_1283, %mul3A_1290 : vector<16xf32>
            %swap3A_1292 = arith.index_cast %select_n3A_266 : i32 to index
            %swap3A_1293 = arith.index_cast %add3A_1242 : i32 to index
            %swap3A_1294 = arith.constant 80 : index
            %swap3A_1295 = tpu.vector_load %arg17[%swap3A_1292, %swap3A_1293, %swap3A_1294] {strides = array<i32>} : memref<2x64x144xf32, #tpu.memory_space<vmem>>, vector<16xf32>,
            tpu.vector_store %arg17[%swap3A_1292, %swap3A_1293, %swap3A_1294], %mul3A_1291 {strides = array<i32>} : memref<2x64x144xf32, #tpu.memory_space<vmem>>, vector<16xf32>,
            %get3A_1296 = arith.index_cast %select_n3A_266 : i32 to index
            %get3A_1297 = arith.index_cast %add3A_1242 : i32 to index
            %get3A_1298 = arith.constant 32 : index
            %get3A_1299 = tpu.vector_load %arg14[%get3A_1296, %get3A_1297, %get3A_1298] {strides = array<i32>} : memref<2x64x64xf32, #tpu.memory_space<vmem>>, vector<16xf32>,
            %mul3A_1300 = vector.broadcast %squeeze3A_1261 : f32 to vector<16xf32>
            %mul3A_1301 = arith.mulf %get3A_1299, %mul3A_1300 : vector<16xf32>
            %swap3A_1302 = arith.index_cast %select_n3A_266 : i32 to index
            %swap3A_1303 = arith.index_cast %add3A_1242 : i32 to index
            %swap3A_1304 = arith.constant 32 : index
            %swap3A_1305 = tpu.vector_load %arg17[%swap3A_1302, %swap3A_1303, %swap3A_1304] {strides = array<i32>} : memref<2x64x144xf32, #tpu.memory_space<vmem>>, vector<16xf32>,
            tpu.vector_store %arg17[%swap3A_1302, %swap3A_1303, %swap3A_1304], %mul3A_1301 {strides = array<i32>} : memref<2x64x144xf32, #tpu.memory_space<vmem>>, vector<16xf32>,
            %mul3A_1306 = vector.broadcast %squeeze3A_1263 : f32 to vector<16xf32>
            %mul3A_1307 = arith.mulf %get3A_1299, %mul3A_1306 : vector<16xf32>
            %swap3A_1308 = arith.index_cast %select_n3A_266 : i32 to index
            %swap3A_1309 = arith.index_cast %add3A_1242 : i32 to index
            %swap3A_1310 = arith.constant 96 : index
            %swap3A_1311 = tpu.vector_load %arg17[%swap3A_1308, %swap3A_1309, %swap3A_1310] {strides = array<i32>} : memref<2x64x144xf32, #tpu.memory_space<vmem>>, vector<16xf32>,
            tpu.vector_store %arg17[%swap3A_1308, %swap3A_1309, %swap3A_1310], %mul3A_1307 {strides = array<i32>} : memref<2x64x144xf32, #tpu.memory_space<vmem>>, vector<16xf32>,
            %get3A_1312 = arith.index_cast %select_n3A_266 : i32 to index
            %get3A_1313 = arith.index_cast %add3A_1242 : i32 to index
            %get3A_1314 = arith.constant 48 : index
            %get3A_1315 = tpu.vector_load %arg14[%get3A_1312, %get3A_1313, %get3A_1314] {strides = array<i32>} : memref<2x64x64xf32, #tpu.memory_space<vmem>>, vector<16xf32>,
            %mul3A_1316 = vector.broadcast %squeeze3A_1261 : f32 to vector<16xf32>
            %mul3A_1317 = arith.mulf %get3A_1315, %mul3A_1316 : vector<16xf32>
            %swap3A_1318 = arith.index_cast %select_n3A_266 : i32 to index
            %swap3A_1319 = arith.index_cast %add3A_1242 : i32 to index
            %swap3A_1320 = arith.constant 48 : index
            %swap3A_1321 = tpu.vector_load %arg17[%swap3A_1318, %swap3A_1319, %swap3A_1320] {strides = array<i32>} : memref<2x64x144xf32, #tpu.memory_space<vmem>>, vector<16xf32>,
            tpu.vector_store %arg17[%swap3A_1318, %swap3A_1319, %swap3A_1320], %mul3A_1317 {strides = array<i32>} : memref<2x64x144xf32, #tpu.memory_space<vmem>>, vector<16xf32>,
            %mul3A_1322 = vector.broadcast %squeeze3A_1263 : f32 to vector<16xf32>
            %mul3A_1323 = arith.mulf %get3A_1315, %mul3A_1322 : vector<16xf32>
            %swap3A_1324 = arith.index_cast %select_n3A_266 : i32 to index
            %swap3A_1325 = arith.index_cast %add3A_1242 : i32 to index
            %swap3A_1326 = arith.constant 112 : index
            %swap3A_1327 = tpu.vector_load %arg17[%swap3A_1324, %swap3A_1325, %swap3A_1326] {strides = array<i32>} : memref<2x64x144xf32, #tpu.memory_space<vmem>>, vector<16xf32>,
            tpu.vector_store %arg17[%swap3A_1324, %swap3A_1325, %swap3A_1326], %mul3A_1323 {strides = array<i32>} : memref<2x64x144xf32, #tpu.memory_space<vmem>>, vector<16xf32>,
            %lt3A_1328 = arith.constant 2 : i32
            %lt3A_1329 = vector.broadcast %lt3A_1328 : i32 to vector<16xi32>
            %lt3A_1330 = arith.cmpi slt, %iota3A, %lt3A_1329 : vector<16xi32>
            %jit3A_1331 = arith.constant 0.000000e+00 : f32
            %broadcast_in_dim3A_1332 = vector.broadcast %jit3A_1331 : f32 to vector<16xf32>
            %select_n3A_1333 = arith.select %lt3A_1330, %exp3A_1259, %broadcast_in_dim3A_1332 : vector<16xi1>, vector<16xf32>
            %swap3A_1334 = arith.index_cast %select_n3A_266 : i32 to index
            %swap3A_1335 = arith.index_cast %add3A_1242 : i32 to index
            %swap3A_1336 = arith.constant 128 : index
            %swap3A_1337 = tpu.vector_load %arg17[%swap3A_1334, %swap3A_1335, %swap3A_1336] {strides = array<i32>} : memref<2x64x144xf32, #tpu.memory_space<vmem>>, vector<16xf32>,
            tpu.vector_store %arg17[%swap3A_1334, %swap3A_1335, %swap3A_1336], %select_n3A_1333 {strides = array<i32>} : memref<2x64x144xf32, #tpu.memory_space<vmem>>, vector<16xf32>,
            %mul3A_1338 = arith.constant 16 : i32
            %mul3A_1339 = arith.muli %scan3A_351, %mul3A_1338 : i32
            %add3A_1340 = arith.constant 10 : i32
            %add3A_1341 = arith.addi %mul3A_1339, %add3A_1340 : i32
            %get3A_1342 = arith.index_cast %select_n3A_266 : i32 to index
            %get3A_1343 = arith.index_cast %add3A_1341 : i32 to index
            %get3A_1344 = arith.constant 0 : index
            %get3A_1345 = tpu.vector_load %arg15[%get3A_1342, %get3A_1343, %get3A_1344] {strides = array<i32>} : memref<2x64x16xf32, #tpu.memory_space<vmem>>, vector<16xf32>,
            %get3A_1346 = arith.index_cast %select_n3A_266 : i32 to index
            %get3A_1347 = arith.index_cast %add3A_1341 : i32 to index
            %get3A_1348 = arith.constant 0 : index
            %get3A_1349 = tpu.vector_load %arg16[%get3A_1346, %get3A_1347, %get3A_1348] {strides = array<i32>} : memref<2x64x16xf32, #tpu.memory_space<vmem>>, vector<16xf32>,
            %add3A_1350 = arith.addf %get3A_1345, %get3A_1349 : vector<16xf32>
            %ge3A_1351 = arith.constant 0.000000e+00 : f32
            %ge3A_1352 = vector.broadcast %ge3A_1351 : f32 to vector<16xf32>
            %ge3A_1353 = arith.cmpf oge, %add3A_1350, %ge3A_1352 : vector<16xf32>
            %mul3A_1354 = arith.constant 2.000000e-01 : f32
            %mul3A_1355 = vector.broadcast %mul3A_1354 : f32 to vector<16xf32>
            %mul3A_1356 = arith.mulf %mul3A_1355, %add3A_1350 : vector<16xf32>
            %select_n3A_1357 = arith.select %ge3A_1353, %add3A_1350, %mul3A_1356 : vector<16xi1>, vector<16xf32>
            %exp3A_1358 = math.exp %select_n3A_1357 : vector<16xf32>
            %slice3A_1359 = vector.extract_strided_slice %exp3A_1358 {offsets = [0], sizes = [1], strides = [1]} : vector<16xf32> to vector<1xf32>
            %squeeze3A_1360 = vector.extract %slice3A_1359[0] : f32 from vector<1xf32>
            %slice3A_1361 = vector.extract_strided_slice %exp3A_1358 {offsets = [1], sizes = [1], strides = [1]} : vector<16xf32> to vector<1xf32>
            %squeeze3A_1362 = vector.extract %slice3A_1361[0] : f32 from vector<1xf32>
            %get3A_1363 = arith.index_cast %select_n3A_266 : i32 to index
            %get3A_1364 = arith.index_cast %add3A_1341 : i32 to index
            %get3A_1365 = arith.constant 0 : index
            %get3A_1366 = tpu.vector_load %arg14[%get3A_1363, %get3A_1364, %get3A_1365] {strides = array<i32>} : memref<2x64x64xf32, #tpu.memory_space<vmem>>, vector<16xf32>,
            %mul3A_1367 = vector.broadcast %squeeze3A_1360 : f32 to vector<16xf32>
            %mul3A_1368 = arith.mulf %get3A_1366, %mul3A_1367 : vector<16xf32>
            %swap3A_1369 = arith.index_cast %select_n3A_266 : i32 to index
            %swap3A_1370 = arith.index_cast %add3A_1341 : i32 to index
            %swap3A_1371 = arith.constant 0 : index
            %swap3A_1372 = tpu.vector_load %arg17[%swap3A_1369, %swap3A_1370, %swap3A_1371] {strides = array<i32>} : memref<2x64x144xf32, #tpu.memory_space<vmem>>, vector<16xf32>,
            tpu.vector_store %arg17[%swap3A_1369, %swap3A_1370, %swap3A_1371], %mul3A_1368 {strides = array<i32>} : memref<2x64x144xf32, #tpu.memory_space<vmem>>, vector<16xf32>,
            %mul3A_1373 = vector.broadcast %squeeze3A_1362 : f32 to vector<16xf32>
            %mul3A_1374 = arith.mulf %get3A_1366, %mul3A_1373 : vector<16xf32>
            %swap3A_1375 = arith.index_cast %select_n3A_266 : i32 to index
            %swap3A_1376 = arith.index_cast %add3A_1341 : i32 to index
            %swap3A_1377 = arith.constant 64 : index
            %swap3A_1378 = tpu.vector_load %arg17[%swap3A_1375, %swap3A_1376, %swap3A_1377] {strides = array<i32>} : memref<2x64x144xf32, #tpu.memory_space<vmem>>, vector<16xf32>,
            tpu.vector_store %arg17[%swap3A_1375, %swap3A_1376, %swap3A_1377], %mul3A_1374 {strides = array<i32>} : memref<2x64x144xf32, #tpu.memory_space<vmem>>, vector<16xf32>,
            %get3A_1379 = arith.index_cast %select_n3A_266 : i32 to index
            %get3A_1380 = arith.index_cast %add3A_1341 : i32 to index
            %get3A_1381 = arith.constant 16 : index
            %get3A_1382 = tpu.vector_load %arg14[%get3A_1379, %get3A_1380, %get3A_1381] {strides = array<i32>} : memref<2x64x64xf32, #tpu.memory_space<vmem>>, vector<16xf32>,
            %mul3A_1383 = vector.broadcast %squeeze3A_1360 : f32 to vector<16xf32>
            %mul3A_1384 = arith.mulf %get3A_1382, %mul3A_1383 : vector<16xf32>
            %swap3A_1385 = arith.index_cast %select_n3A_266 : i32 to index
            %swap3A_1386 = arith.index_cast %add3A_1341 : i32 to index
            %swap3A_1387 = arith.constant 16 : index
            %swap3A_1388 = tpu.vector_load %arg17[%swap3A_1385, %swap3A_1386, %swap3A_1387] {strides = array<i32>} : memref<2x64x144xf32, #tpu.memory_space<vmem>>, vector<16xf32>,
            tpu.vector_store %arg17[%swap3A_1385, %swap3A_1386, %swap3A_1387], %mul3A_1384 {strides = array<i32>} : memref<2x64x144xf32, #tpu.memory_space<vmem>>, vector<16xf32>,
            %mul3A_1389 = vector.broadcast %squeeze3A_1362 : f32 to vector<16xf32>
            %mul3A_1390 = arith.mulf %get3A_1382, %mul3A_1389 : vector<16xf32>
            %swap3A_1391 = arith.index_cast %select_n3A_266 : i32 to index
            %swap3A_1392 = arith.index_cast %add3A_1341 : i32 to index
            %swap3A_1393 = arith.constant 80 : index
            %swap3A_1394 = tpu.vector_load %arg17[%swap3A_1391, %swap3A_1392, %swap3A_1393] {strides = array<i32>} : memref<2x64x144xf32, #tpu.memory_space<vmem>>, vector<16xf32>,
            tpu.vector_store %arg17[%swap3A_1391, %swap3A_1392, %swap3A_1393], %mul3A_1390 {strides = array<i32>} : memref<2x64x144xf32, #tpu.memory_space<vmem>>, vector<16xf32>,
            %get3A_1395 = arith.index_cast %select_n3A_266 : i32 to index
            %get3A_1396 = arith.index_cast %add3A_1341 : i32 to index
            %get3A_1397 = arith.constant 32 : index
            %get3A_1398 = tpu.vector_load %arg14[%get3A_1395, %get3A_1396, %get3A_1397] {strides = array<i32>} : memref<2x64x64xf32, #tpu.memory_space<vmem>>, vector<16xf32>,
            %mul3A_1399 = vector.broadcast %squeeze3A_1360 : f32 to vector<16xf32>
            %mul3A_1400 = arith.mulf %get3A_1398, %mul3A_1399 : vector<16xf32>
            %swap3A_1401 = arith.index_cast %select_n3A_266 : i32 to index
            %swap3A_1402 = arith.index_cast %add3A_1341 : i32 to index
            %swap3A_1403 = arith.constant 32 : index
            %swap3A_1404 = tpu.vector_load %arg17[%swap3A_1401, %swap3A_1402, %swap3A_1403] {strides = array<i32>} : memref<2x64x144xf32, #tpu.memory_space<vmem>>, vector<16xf32>,
            tpu.vector_store %arg17[%swap3A_1401, %swap3A_1402, %swap3A_1403], %mul3A_1400 {strides = array<i32>} : memref<2x64x144xf32, #tpu.memory_space<vmem>>, vector<16xf32>,
            %mul3A_1405 = vector.broadcast %squeeze3A_1362 : f32 to vector<16xf32>
            %mul3A_1406 = arith.mulf %get3A_1398, %mul3A_1405 : vector<16xf32>
            %swap3A_1407 = arith.index_cast %select_n3A_266 : i32 to index
            %swap3A_1408 = arith.index_cast %add3A_1341 : i32 to index
            %swap3A_1409 = arith.constant 96 : index
            %swap3A_1410 = tpu.vector_load %arg17[%swap3A_1407, %swap3A_1408, %swap3A_1409] {strides = array<i32>} : memref<2x64x144xf32, #tpu.memory_space<vmem>>, vector<16xf32>,
            tpu.vector_store %arg17[%swap3A_1407, %swap3A_1408, %swap3A_1409], %mul3A_1406 {strides = array<i32>} : memref<2x64x144xf32, #tpu.memory_space<vmem>>, vector<16xf32>,
            %get3A_1411 = arith.index_cast %select_n3A_266 : i32 to index
            %get3A_1412 = arith.index_cast %add3A_1341 : i32 to index
            %get3A_1413 = arith.constant 48 : index
            %get3A_1414 = tpu.vector_load %arg14[%get3A_1411, %get3A_1412, %get3A_1413] {strides = array<i32>} : memref<2x64x64xf32, #tpu.memory_space<vmem>>, vector<16xf32>,
            %mul3A_1415 = vector.broadcast %squeeze3A_1360 : f32 to vector<16xf32>
            %mul3A_1416 = arith.mulf %get3A_1414, %mul3A_1415 : vector<16xf32>
            %swap3A_1417 = arith.index_cast %select_n3A_266 : i32 to index
            %swap3A_1418 = arith.index_cast %add3A_1341 : i32 to index
            %swap3A_1419 = arith.constant 48 : index
            %swap3A_1420 = tpu.vector_load %arg17[%swap3A_1417, %swap3A_1418, %swap3A_1419] {strides = array<i32>} : memref<2x64x144xf32, #tpu.memory_space<vmem>>, vector<16xf32>,
            tpu.vector_store %arg17[%swap3A_1417, %swap3A_1418, %swap3A_1419], %mul3A_1416 {strides = array<i32>} : memref<2x64x144xf32, #tpu.memory_space<vmem>>, vector<16xf32>,
            %mul3A_1421 = vector.broadcast %squeeze3A_1362 : f32 to vector<16xf32>
            %mul3A_1422 = arith.mulf %get3A_1414, %mul3A_1421 : vector<16xf32>
            %swap3A_1423 = arith.index_cast %select_n3A_266 : i32 to index
            %swap3A_1424 = arith.index_cast %add3A_1341 : i32 to index
            %swap3A_1425 = arith.constant 112 : index
            %swap3A_1426 = tpu.vector_load %arg17[%swap3A_1423, %swap3A_1424, %swap3A_1425] {strides = array<i32>} : memref<2x64x144xf32, #tpu.memory_space<vmem>>, vector<16xf32>,
            tpu.vector_store %arg17[%swap3A_1423, %swap3A_1424, %swap3A_1425], %mul3A_1422 {strides = array<i32>} : memref<2x64x144xf32, #tpu.memory_space<vmem>>, vector<16xf32>,
            %lt3A_1427 = arith.constant 2 : i32
            %lt3A_1428 = vector.broadcast %lt3A_1427 : i32 to vector<16xi32>
            %lt3A_1429 = arith.cmpi slt, %iota3A, %lt3A_1428 : vector<16xi32>
            %jit3A_1430 = arith.constant 0.000000e+00 : f32
            %broadcast_in_dim3A_1431 = vector.broadcast %jit3A_1430 : f32 to vector<16xf32>
            %select_n3A_1432 = arith.select %lt3A_1429, %exp3A_1358, %broadcast_in_dim3A_1431 : vector<16xi1>, vector<16xf32>
            %swap3A_1433 = arith.index_cast %select_n3A_266 : i32 to index
            %swap3A_1434 = arith.index_cast %add3A_1341 : i32 to index
            %swap3A_1435 = arith.constant 128 : index
            %swap3A_1436 = tpu.vector_load %arg17[%swap3A_1433, %swap3A_1434, %swap3A_1435] {strides = array<i32>} : memref<2x64x144xf32, #tpu.memory_space<vmem>>, vector<16xf32>,
            tpu.vector_store %arg17[%swap3A_1433, %swap3A_1434, %swap3A_1435], %select_n3A_1432 {strides = array<i32>} : memref<2x64x144xf32, #tpu.memory_space<vmem>>, vector<16xf32>,
            %mul3A_1437 = arith.constant 16 : i32
            %mul3A_1438 = arith.muli %scan3A_351, %mul3A_1437 : i32
            %add3A_1439 = arith.constant 11 : i32
            %add3A_1440 = arith.addi %mul3A_1438, %add3A_1439 : i32
            %get3A_1441 = arith.index_cast %select_n3A_266 : i32 to index
            %get3A_1442 = arith.index_cast %add3A_1440 : i32 to index
            %get3A_1443 = arith.constant 0 : index
            %get3A_1444 = tpu.vector_load %arg15[%get3A_1441, %get3A_1442, %get3A_1443] {strides = array<i32>} : memref<2x64x16xf32, #tpu.memory_space<vmem>>, vector<16xf32>,
            %get3A_1445 = arith.index_cast %select_n3A_266 : i32 to index
            %get3A_1446 = arith.index_cast %add3A_1440 : i32 to index
            %get3A_1447 = arith.constant 0 : index
            %get3A_1448 = tpu.vector_load %arg16[%get3A_1445, %get3A_1446, %get3A_1447] {strides = array<i32>} : memref<2x64x16xf32, #tpu.memory_space<vmem>>, vector<16xf32>,
            %add3A_1449 = arith.addf %get3A_1444, %get3A_1448 : vector<16xf32>
            %ge3A_1450 = arith.constant 0.000000e+00 : f32
            %ge3A_1451 = vector.broadcast %ge3A_1450 : f32 to vector<16xf32>
            %ge3A_1452 = arith.cmpf oge, %add3A_1449, %ge3A_1451 : vector<16xf32>
            %mul3A_1453 = arith.constant 2.000000e-01 : f32
            %mul3A_1454 = vector.broadcast %mul3A_1453 : f32 to vector<16xf32>
            %mul3A_1455 = arith.mulf %mul3A_1454, %add3A_1449 : vector<16xf32>
            %select_n3A_1456 = arith.select %ge3A_1452, %add3A_1449, %mul3A_1455 : vector<16xi1>, vector<16xf32>
            %exp3A_1457 = math.exp %select_n3A_1456 : vector<16xf32>
            %slice3A_1458 = vector.extract_strided_slice %exp3A_1457 {offsets = [0], sizes = [1], strides = [1]} : vector<16xf32> to vector<1xf32>
            %squeeze3A_1459 = vector.extract %slice3A_1458[0] : f32 from vector<1xf32>
            %slice3A_1460 = vector.extract_strided_slice %exp3A_1457 {offsets = [1], sizes = [1], strides = [1]} : vector<16xf32> to vector<1xf32>
            %squeeze3A_1461 = vector.extract %slice3A_1460[0] : f32 from vector<1xf32>
            %get3A_1462 = arith.index_cast %select_n3A_266 : i32 to index
            %get3A_1463 = arith.index_cast %add3A_1440 : i32 to index
            %get3A_1464 = arith.constant 0 : index
            %get3A_1465 = tpu.vector_load %arg14[%get3A_1462, %get3A_1463, %get3A_1464] {strides = array<i32>} : memref<2x64x64xf32, #tpu.memory_space<vmem>>, vector<16xf32>,
            %mul3A_1466 = vector.broadcast %squeeze3A_1459 : f32 to vector<16xf32>
            %mul3A_1467 = arith.mulf %get3A_1465, %mul3A_1466 : vector<16xf32>
            %swap3A_1468 = arith.index_cast %select_n3A_266 : i32 to index
            %swap3A_1469 = arith.index_cast %add3A_1440 : i32 to index
            %swap3A_1470 = arith.constant 0 : index
            %swap3A_1471 = tpu.vector_load %arg17[%swap3A_1468, %swap3A_1469, %swap3A_1470] {strides = array<i32>} : memref<2x64x144xf32, #tpu.memory_space<vmem>>, vector<16xf32>,
            tpu.vector_store %arg17[%swap3A_1468, %swap3A_1469, %swap3A_1470], %mul3A_1467 {strides = array<i32>} : memref<2x64x144xf32, #tpu.memory_space<vmem>>, vector<16xf32>,
            %mul3A_1472 = vector.broadcast %squeeze3A_1461 : f32 to vector<16xf32>
            %mul3A_1473 = arith.mulf %get3A_1465, %mul3A_1472 : vector<16xf32>
            %swap3A_1474 = arith.index_cast %select_n3A_266 : i32 to index
            %swap3A_1475 = arith.index_cast %add3A_1440 : i32 to index
            %swap3A_1476 = arith.constant 64 : index
            %swap3A_1477 = tpu.vector_load %arg17[%swap3A_1474, %swap3A_1475, %swap3A_1476] {strides = array<i32>} : memref<2x64x144xf32, #tpu.memory_space<vmem>>, vector<16xf32>,
            tpu.vector_store %arg17[%swap3A_1474, %swap3A_1475, %swap3A_1476], %mul3A_1473 {strides = array<i32>} : memref<2x64x144xf32, #tpu.memory_space<vmem>>, vector<16xf32>,
            %get3A_1478 = arith.index_cast %select_n3A_266 : i32 to index
            %get3A_1479 = arith.index_cast %add3A_1440 : i32 to index
            %get3A_1480 = arith.constant 16 : index
            %get3A_1481 = tpu.vector_load %arg14[%get3A_1478, %get3A_1479, %get3A_1480] {strides = array<i32>} : memref<2x64x64xf32, #tpu.memory_space<vmem>>, vector<16xf32>,
            %mul3A_1482 = vector.broadcast %squeeze3A_1459 : f32 to vector<16xf32>
            %mul3A_1483 = arith.mulf %get3A_1481, %mul3A_1482 : vector<16xf32>
            %swap3A_1484 = arith.index_cast %select_n3A_266 : i32 to index
            %swap3A_1485 = arith.index_cast %add3A_1440 : i32 to index
            %swap3A_1486 = arith.constant 16 : index
            %swap3A_1487 = tpu.vector_load %arg17[%swap3A_1484, %swap3A_1485, %swap3A_1486] {strides = array<i32>} : memref<2x64x144xf32, #tpu.memory_space<vmem>>, vector<16xf32>,
            tpu.vector_store %arg17[%swap3A_1484, %swap3A_1485, %swap3A_1486], %mul3A_1483 {strides = array<i32>} : memref<2x64x144xf32, #tpu.memory_space<vmem>>, vector<16xf32>,
            %mul3A_1488 = vector.broadcast %squeeze3A_1461 : f32 to vector<16xf32>
            %mul3A_1489 = arith.mulf %get3A_1481, %mul3A_1488 : vector<16xf32>
            %swap3A_1490 = arith.index_cast %select_n3A_266 : i32 to index
            %swap3A_1491 = arith.index_cast %add3A_1440 : i32 to index
            %swap3A_1492 = arith.constant 80 : index
            %swap3A_1493 = tpu.vector_load %arg17[%swap3A_1490, %swap3A_1491, %swap3A_1492] {strides = array<i32>} : memref<2x64x144xf32, #tpu.memory_space<vmem>>, vector<16xf32>,
            tpu.vector_store %arg17[%swap3A_1490, %swap3A_1491, %swap3A_1492], %mul3A_1489 {strides = array<i32>} : memref<2x64x144xf32, #tpu.memory_space<vmem>>, vector<16xf32>,
            %get3A_1494 = arith.index_cast %select_n3A_266 : i32 to index
            %get3A_1495 = arith.index_cast %add3A_1440 : i32 to index
            %get3A_1496 = arith.constant 32 : index
            %get3A_1497 = tpu.vector_load %arg14[%get3A_1494, %get3A_1495, %get3A_1496] {strides = array<i32>} : memref<2x64x64xf32, #tpu.memory_space<vmem>>, vector<16xf32>,
            %mul3A_1498 = vector.broadcast %squeeze3A_1459 : f32 to vector<16xf32>
            %mul3A_1499 = arith.mulf %get3A_1497, %mul3A_1498 : vector<16xf32>
            %swap3A_1500 = arith.index_cast %select_n3A_266 : i32 to index
            %swap3A_1501 = arith.index_cast %add3A_1440 : i32 to index
            %swap3A_1502 = arith.constant 32 : index
            %swap3A_1503 = tpu.vector_load %arg17[%swap3A_1500, %swap3A_1501, %swap3A_1502] {strides = array<i32>} : memref<2x64x144xf32, #tpu.memory_space<vmem>>, vector<16xf32>,
            tpu.vector_store %arg17[%swap3A_1500, %swap3A_1501, %swap3A_1502], %mul3A_1499 {strides = array<i32>} : memref<2x64x144xf32, #tpu.memory_space<vmem>>, vector<16xf32>,
            %mul3A_1504 = vector.broadcast %squeeze3A_1461 : f32 to vector<16xf32>
            %mul3A_1505 = arith.mulf %get3A_1497, %mul3A_1504 : vector<16xf32>
            %swap3A_1506 = arith.index_cast %select_n3A_266 : i32 to index
            %swap3A_1507 = arith.index_cast %add3A_1440 : i32 to index
            %swap3A_1508 = arith.constant 96 : index
            %swap3A_1509 = tpu.vector_load %arg17[%swap3A_1506, %swap3A_1507, %swap3A_1508] {strides = array<i32>} : memref<2x64x144xf32, #tpu.memory_space<vmem>>, vector<16xf32>,
            tpu.vector_store %arg17[%swap3A_1506, %swap3A_1507, %swap3A_1508], %mul3A_1505 {strides = array<i32>} : memref<2x64x144xf32, #tpu.memory_space<vmem>>, vector<16xf32>,
            %get3A_1510 = arith.index_cast %select_n3A_266 : i32 to index
            %get3A_1511 = arith.index_cast %add3A_1440 : i32 to index
            %get3A_1512 = arith.constant 48 : index
            %get3A_1513 = tpu.vector_load %arg14[%get3A_1510, %get3A_1511, %get3A_1512] {strides = array<i32>} : memref<2x64x64xf32, #tpu.memory_space<vmem>>, vector<16xf32>,
            %mul3A_1514 = vector.broadcast %squeeze3A_1459 : f32 to vector<16xf32>
            %mul3A_1515 = arith.mulf %get3A_1513, %mul3A_1514 : vector<16xf32>
            %swap3A_1516 = arith.index_cast %select_n3A_266 : i32 to index
            %swap3A_1517 = arith.index_cast %add3A_1440 : i32 to index
            %swap3A_1518 = arith.constant 48 : index
            %swap3A_1519 = tpu.vector_load %arg17[%swap3A_1516, %swap3A_1517, %swap3A_1518] {strides = array<i32>} : memref<2x64x144xf32, #tpu.memory_space<vmem>>, vector<16xf32>,
            tpu.vector_store %arg17[%swap3A_1516, %swap3A_1517, %swap3A_1518], %mul3A_1515 {strides = array<i32>} : memref<2x64x144xf32, #tpu.memory_space<vmem>>, vector<16xf32>,
            %mul3A_1520 = vector.broadcast %squeeze3A_1461 : f32 to vector<16xf32>
            %mul3A_1521 = arith.mulf %get3A_1513, %mul3A_1520 : vector<16xf32>
            %swap3A_1522 = arith.index_cast %select_n3A_266 : i32 to index
            %swap3A_1523 = arith.index_cast %add3A_1440 : i32 to index
            %swap3A_1524 = arith.constant 112 : index
            %swap3A_1525 = tpu.vector_load %arg17[%swap3A_1522, %swap3A_1523, %swap3A_1524] {strides = array<i32>} : memref<2x64x144xf32, #tpu.memory_space<vmem>>, vector<16xf32>,
            tpu.vector_store %arg17[%swap3A_1522, %swap3A_1523, %swap3A_1524], %mul3A_1521 {strides = array<i32>} : memref<2x64x144xf32, #tpu.memory_space<vmem>>, vector<16xf32>,
            %lt3A_1526 = arith.constant 2 : i32
            %lt3A_1527 = vector.broadcast %lt3A_1526 : i32 to vector<16xi32>
            %lt3A_1528 = arith.cmpi slt, %iota3A, %lt3A_1527 : vector<16xi32>
            %jit3A_1529 = arith.constant 0.000000e+00 : f32
            %broadcast_in_dim3A_1530 = vector.broadcast %jit3A_1529 : f32 to vector<16xf32>
            %select_n3A_1531 = arith.select %lt3A_1528, %exp3A_1457, %broadcast_in_dim3A_1530 : vector<16xi1>, vector<16xf32>
            %swap3A_1532 = arith.index_cast %select_n3A_266 : i32 to index
            %swap3A_1533 = arith.index_cast %add3A_1440 : i32 to index
            %swap3A_1534 = arith.constant 128 : index
            %swap3A_1535 = tpu.vector_load %arg17[%swap3A_1532, %swap3A_1533, %swap3A_1534] {strides = array<i32>} : memref<2x64x144xf32, #tpu.memory_space<vmem>>, vector<16xf32>,
            tpu.vector_store %arg17[%swap3A_1532, %swap3A_1533, %swap3A_1534], %select_n3A_1531 {strides = array<i32>} : memref<2x64x144xf32, #tpu.memory_space<vmem>>, vector<16xf32>,
            %mul3A_1536 = arith.constant 16 : i32
            %mul3A_1537 = arith.muli %scan3A_351, %mul3A_1536 : i32
            %add3A_1538 = arith.constant 12 : i32
            %add3A_1539 = arith.addi %mul3A_1537, %add3A_1538 : i32
            %get3A_1540 = arith.index_cast %select_n3A_266 : i32 to index
            %get3A_1541 = arith.index_cast %add3A_1539 : i32 to index
            %get3A_1542 = arith.constant 0 : index
            %get3A_1543 = tpu.vector_load %arg15[%get3A_1540, %get3A_1541, %get3A_1542] {strides = array<i32>} : memref<2x64x16xf32, #tpu.memory_space<vmem>>, vector<16xf32>,
            %get3A_1544 = arith.index_cast %select_n3A_266 : i32 to index
            %get3A_1545 = arith.index_cast %add3A_1539 : i32 to index
            %get3A_1546 = arith.constant 0 : index
            %get3A_1547 = tpu.vector_load %arg16[%get3A_1544, %get3A_1545, %get3A_1546] {strides = array<i32>} : memref<2x64x16xf32, #tpu.memory_space<vmem>>, vector<16xf32>,
            %add3A_1548 = arith.addf %get3A_1543, %get3A_1547 : vector<16xf32>
            %ge3A_1549 = arith.constant 0.000000e+00 : f32
            %ge3A_1550 = vector.broadcast %ge3A_1549 : f32 to vector<16xf32>
            %ge3A_1551 = arith.cmpf oge, %add3A_1548, %ge3A_1550 : vector<16xf32>
            %mul3A_1552 = arith.constant 2.000000e-01 : f32
            %mul3A_1553 = vector.broadcast %mul3A_1552 : f32 to vector<16xf32>
            %mul3A_1554 = arith.mulf %mul3A_1553, %add3A_1548 : vector<16xf32>
            %select_n3A_1555 = arith.select %ge3A_1551, %add3A_1548, %mul3A_1554 : vector<16xi1>, vector<16xf32>
            %exp3A_1556 = math.exp %select_n3A_1555 : vector<16xf32>
            %slice3A_1557 = vector.extract_strided_slice %exp3A_1556 {offsets = [0], sizes = [1], strides = [1]} : vector<16xf32> to vector<1xf32>
            %squeeze3A_1558 = vector.extract %slice3A_1557[0] : f32 from vector<1xf32>
            %slice3A_1559 = vector.extract_strided_slice %exp3A_1556 {offsets = [1], sizes = [1], strides = [1]} : vector<16xf32> to vector<1xf32>
            %squeeze3A_1560 = vector.extract %slice3A_1559[0] : f32 from vector<1xf32>
            %get3A_1561 = arith.index_cast %select_n3A_266 : i32 to index
            %get3A_1562 = arith.index_cast %add3A_1539 : i32 to index
            %get3A_1563 = arith.constant 0 : index
            %get3A_1564 = tpu.vector_load %arg14[%get3A_1561, %get3A_1562, %get3A_1563] {strides = array<i32>} : memref<2x64x64xf32, #tpu.memory_space<vmem>>, vector<16xf32>,
            %mul3A_1565 = vector.broadcast %squeeze3A_1558 : f32 to vector<16xf32>
            %mul3A_1566 = arith.mulf %get3A_1564, %mul3A_1565 : vector<16xf32>
            %swap3A_1567 = arith.index_cast %select_n3A_266 : i32 to index
            %swap3A_1568 = arith.index_cast %add3A_1539 : i32 to index
            %swap3A_1569 = arith.constant 0 : index
            %swap3A_1570 = tpu.vector_load %arg17[%swap3A_1567, %swap3A_1568, %swap3A_1569] {strides = array<i32>} : memref<2x64x144xf32, #tpu.memory_space<vmem>>, vector<16xf32>,
            tpu.vector_store %arg17[%swap3A_1567, %swap3A_1568, %swap3A_1569], %mul3A_1566 {strides = array<i32>} : memref<2x64x144xf32, #tpu.memory_space<vmem>>, vector<16xf32>,
            %mul3A_1571 = vector.broadcast %squeeze3A_1560 : f32 to vector<16xf32>
            %mul3A_1572 = arith.mulf %get3A_1564, %mul3A_1571 : vector<16xf32>
            %swap3A_1573 = arith.index_cast %select_n3A_266 : i32 to index
            %swap3A_1574 = arith.index_cast %add3A_1539 : i32 to index
            %swap3A_1575 = arith.constant 64 : index
            %swap3A_1576 = tpu.vector_load %arg17[%swap3A_1573, %swap3A_1574, %swap3A_1575] {strides = array<i32>} : memref<2x64x144xf32, #tpu.memory_space<vmem>>, vector<16xf32>,
            tpu.vector_store %arg17[%swap3A_1573, %swap3A_1574, %swap3A_1575], %mul3A_1572 {strides = array<i32>} : memref<2x64x144xf32, #tpu.memory_space<vmem>>, vector<16xf32>,
            %get3A_1577 = arith.index_cast %select_n3A_266 : i32 to index
            %get3A_1578 = arith.index_cast %add3A_1539 : i32 to index
            %get3A_1579 = arith.constant 16 : index
            %get3A_1580 = tpu.vector_load %arg14[%get3A_1577, %get3A_1578, %get3A_1579] {strides = array<i32>} : memref<2x64x64xf32, #tpu.memory_space<vmem>>, vector<16xf32>,
            %mul3A_1581 = vector.broadcast %squeeze3A_1558 : f32 to vector<16xf32>
            %mul3A_1582 = arith.mulf %get3A_1580, %mul3A_1581 : vector<16xf32>
            %swap3A_1583 = arith.index_cast %select_n3A_266 : i32 to index
            %swap3A_1584 = arith.index_cast %add3A_1539 : i32 to index
            %swap3A_1585 = arith.constant 16 : index
            %swap3A_1586 = tpu.vector_load %arg17[%swap3A_1583, %swap3A_1584, %swap3A_1585] {strides = array<i32>} : memref<2x64x144xf32, #tpu.memory_space<vmem>>, vector<16xf32>,
            tpu.vector_store %arg17[%swap3A_1583, %swap3A_1584, %swap3A_1585], %mul3A_1582 {strides = array<i32>} : memref<2x64x144xf32, #tpu.memory_space<vmem>>, vector<16xf32>,
            %mul3A_1587 = vector.broadcast %squeeze3A_1560 : f32 to vector<16xf32>
            %mul3A_1588 = arith.mulf %get3A_1580, %mul3A_1587 : vector<16xf32>
            %swap3A_1589 = arith.index_cast %select_n3A_266 : i32 to index
            %swap3A_1590 = arith.index_cast %add3A_1539 : i32 to index
            %swap3A_1591 = arith.constant 80 : index
            %swap3A_1592 = tpu.vector_load %arg17[%swap3A_1589, %swap3A_1590, %swap3A_1591] {strides = array<i32>} : memref<2x64x144xf32, #tpu.memory_space<vmem>>, vector<16xf32>,
            tpu.vector_store %arg17[%swap3A_1589, %swap3A_1590, %swap3A_1591], %mul3A_1588 {strides = array<i32>} : memref<2x64x144xf32, #tpu.memory_space<vmem>>, vector<16xf32>,
            %get3A_1593 = arith.index_cast %select_n3A_266 : i32 to index
            %get3A_1594 = arith.index_cast %add3A_1539 : i32 to index
            %get3A_1595 = arith.constant 32 : index
            %get3A_1596 = tpu.vector_load %arg14[%get3A_1593, %get3A_1594, %get3A_1595] {strides = array<i32>} : memref<2x64x64xf32, #tpu.memory_space<vmem>>, vector<16xf32>,
            %mul3A_1597 = vector.broadcast %squeeze3A_1558 : f32 to vector<16xf32>
            %mul3A_1598 = arith.mulf %get3A_1596, %mul3A_1597 : vector<16xf32>
            %swap3A_1599 = arith.index_cast %select_n3A_266 : i32 to index
            %swap3A_1600 = arith.index_cast %add3A_1539 : i32 to index
            %swap3A_1601 = arith.constant 32 : index
            %swap3A_1602 = tpu.vector_load %arg17[%swap3A_1599, %swap3A_1600, %swap3A_1601] {strides = array<i32>} : memref<2x64x144xf32, #tpu.memory_space<vmem>>, vector<16xf32>,
            tpu.vector_store %arg17[%swap3A_1599, %swap3A_1600, %swap3A_1601], %mul3A_1598 {strides = array<i32>} : memref<2x64x144xf32, #tpu.memory_space<vmem>>, vector<16xf32>,
            %mul3A_1603 = vector.broadcast %squeeze3A_1560 : f32 to vector<16xf32>
            %mul3A_1604 = arith.mulf %get3A_1596, %mul3A_1603 : vector<16xf32>
            %swap3A_1605 = arith.index_cast %select_n3A_266 : i32 to index
            %swap3A_1606 = arith.index_cast %add3A_1539 : i32 to index
            %swap3A_1607 = arith.constant 96 : index
            %swap3A_1608 = tpu.vector_load %arg17[%swap3A_1605, %swap3A_1606, %swap3A_1607] {strides = array<i32>} : memref<2x64x144xf32, #tpu.memory_space<vmem>>, vector<16xf32>,
            tpu.vector_store %arg17[%swap3A_1605, %swap3A_1606, %swap3A_1607], %mul3A_1604 {strides = array<i32>} : memref<2x64x144xf32, #tpu.memory_space<vmem>>, vector<16xf32>,
            %get3A_1609 = arith.index_cast %select_n3A_266 : i32 to index
            %get3A_1610 = arith.index_cast %add3A_1539 : i32 to index
            %get3A_1611 = arith.constant 48 : index
            %get3A_1612 = tpu.vector_load %arg14[%get3A_1609, %get3A_1610, %get3A_1611] {strides = array<i32>} : memref<2x64x64xf32, #tpu.memory_space<vmem>>, vector<16xf32>,
            %mul3A_1613 = vector.broadcast %squeeze3A_1558 : f32 to vector<16xf32>
            %mul3A_1614 = arith.mulf %get3A_1612, %mul3A_1613 : vector<16xf32>
            %swap3A_1615 = arith.index_cast %select_n3A_266 : i32 to index
            %swap3A_1616 = arith.index_cast %add3A_1539 : i32 to index
            %swap3A_1617 = arith.constant 48 : index
            %swap3A_1618 = tpu.vector_load %arg17[%swap3A_1615, %swap3A_1616, %swap3A_1617] {strides = array<i32>} : memref<2x64x144xf32, #tpu.memory_space<vmem>>, vector<16xf32>,
            tpu.vector_store %arg17[%swap3A_1615, %swap3A_1616, %swap3A_1617], %mul3A_1614 {strides = array<i32>} : memref<2x64x144xf32, #tpu.memory_space<vmem>>, vector<16xf32>,
            %mul3A_1619 = vector.broadcast %squeeze3A_1560 : f32 to vector<16xf32>
            %mul3A_1620 = arith.mulf %get3A_1612, %mul3A_1619 : vector<16xf32>
            %swap3A_1621 = arith.index_cast %select_n3A_266 : i32 to index
            %swap3A_1622 = arith.index_cast %add3A_1539 : i32 to index
            %swap3A_1623 = arith.constant 112 : index
            %swap3A_1624 = tpu.vector_load %arg17[%swap3A_1621, %swap3A_1622, %swap3A_1623] {strides = array<i32>} : memref<2x64x144xf32, #tpu.memory_space<vmem>>, vector<16xf32>,
            tpu.vector_store %arg17[%swap3A_1621, %swap3A_1622, %swap3A_1623], %mul3A_1620 {strides = array<i32>} : memref<2x64x144xf32, #tpu.memory_space<vmem>>, vector<16xf32>,
            %lt3A_1625 = arith.constant 2 : i32
            %lt3A_1626 = vector.broadcast %lt3A_1625 : i32 to vector<16xi32>
            %lt3A_1627 = arith.cmpi slt, %iota3A, %lt3A_1626 : vector<16xi32>
            %jit3A_1628 = arith.constant 0.000000e+00 : f32
            %broadcast_in_dim3A_1629 = vector.broadcast %jit3A_1628 : f32 to vector<16xf32>
            %select_n3A_1630 = arith.select %lt3A_1627, %exp3A_1556, %broadcast_in_dim3A_1629 : vector<16xi1>, vector<16xf32>
            %swap3A_1631 = arith.index_cast %select_n3A_266 : i32 to index
            %swap3A_1632 = arith.index_cast %add3A_1539 : i32 to index
            %swap3A_1633 = arith.constant 128 : index
            %swap3A_1634 = tpu.vector_load %arg17[%swap3A_1631, %swap3A_1632, %swap3A_1633] {strides = array<i32>} : memref<2x64x144xf32, #tpu.memory_space<vmem>>, vector<16xf32>,
            tpu.vector_store %arg17[%swap3A_1631, %swap3A_1632, %swap3A_1633], %select_n3A_1630 {strides = array<i32>} : memref<2x64x144xf32, #tpu.memory_space<vmem>>, vector<16xf32>,
            %mul3A_1635 = arith.constant 16 : i32
            %mul3A_1636 = arith.muli %scan3A_351, %mul3A_1635 : i32
            %add3A_1637 = arith.constant 13 : i32
            %add3A_1638 = arith.addi %mul3A_1636, %add3A_1637 : i32
            %get3A_1639 = arith.index_cast %select_n3A_266 : i32 to index
            %get3A_1640 = arith.index_cast %add3A_1638 : i32 to index
            %get3A_1641 = arith.constant 0 : index
            %get3A_1642 = tpu.vector_load %arg15[%get3A_1639, %get3A_1640, %get3A_1641] {strides = array<i32>} : memref<2x64x16xf32, #tpu.memory_space<vmem>>, vector<16xf32>,
            %get3A_1643 = arith.index_cast %select_n3A_266 : i32 to index
            %get3A_1644 = arith.index_cast %add3A_1638 : i32 to index
            %get3A_1645 = arith.constant 0 : index
            %get3A_1646 = tpu.vector_load %arg16[%get3A_1643, %get3A_1644, %get3A_1645] {strides = array<i32>} : memref<2x64x16xf32, #tpu.memory_space<vmem>>, vector<16xf32>,
            %add3A_1647 = arith.addf %get3A_1642, %get3A_1646 : vector<16xf32>
            %ge3A_1648 = arith.constant 0.000000e+00 : f32
            %ge3A_1649 = vector.broadcast %ge3A_1648 : f32 to vector<16xf32>
            %ge3A_1650 = arith.cmpf oge, %add3A_1647, %ge3A_1649 : vector<16xf32>
            %mul3A_1651 = arith.constant 2.000000e-01 : f32
            %mul3A_1652 = vector.broadcast %mul3A_1651 : f32 to vector<16xf32>
            %mul3A_1653 = arith.mulf %mul3A_1652, %add3A_1647 : vector<16xf32>
            %select_n3A_1654 = arith.select %ge3A_1650, %add3A_1647, %mul3A_1653 : vector<16xi1>, vector<16xf32>
            %exp3A_1655 = math.exp %select_n3A_1654 : vector<16xf32>
            %slice3A_1656 = vector.extract_strided_slice %exp3A_1655 {offsets = [0], sizes = [1], strides = [1]} : vector<16xf32> to vector<1xf32>
            %squeeze3A_1657 = vector.extract %slice3A_1656[0] : f32 from vector<1xf32>
            %slice3A_1658 = vector.extract_strided_slice %exp3A_1655 {offsets = [1], sizes = [1], strides = [1]} : vector<16xf32> to vector<1xf32>
            %squeeze3A_1659 = vector.extract %slice3A_1658[0] : f32 from vector<1xf32>
            %get3A_1660 = arith.index_cast %select_n3A_266 : i32 to index
            %get3A_1661 = arith.index_cast %add3A_1638 : i32 to index
            %get3A_1662 = arith.constant 0 : index
            %get3A_1663 = tpu.vector_load %arg14[%get3A_1660, %get3A_1661, %get3A_1662] {strides = array<i32>} : memref<2x64x64xf32, #tpu.memory_space<vmem>>, vector<16xf32>,
            %mul3A_1664 = vector.broadcast %squeeze3A_1657 : f32 to vector<16xf32>
            %mul3A_1665 = arith.mulf %get3A_1663, %mul3A_1664 : vector<16xf32>
            %swap3A_1666 = arith.index_cast %select_n3A_266 : i32 to index
            %swap3A_1667 = arith.index_cast %add3A_1638 : i32 to index
            %swap3A_1668 = arith.constant 0 : index
            %swap3A_1669 = tpu.vector_load %arg17[%swap3A_1666, %swap3A_1667, %swap3A_1668] {strides = array<i32>} : memref<2x64x144xf32, #tpu.memory_space<vmem>>, vector<16xf32>,
            tpu.vector_store %arg17[%swap3A_1666, %swap3A_1667, %swap3A_1668], %mul3A_1665 {strides = array<i32>} : memref<2x64x144xf32, #tpu.memory_space<vmem>>, vector<16xf32>,
            %mul3A_1670 = vector.broadcast %squeeze3A_1659 : f32 to vector<16xf32>
            %mul3A_1671 = arith.mulf %get3A_1663, %mul3A_1670 : vector<16xf32>
            %swap3A_1672 = arith.index_cast %select_n3A_266 : i32 to index
            %swap3A_1673 = arith.index_cast %add3A_1638 : i32 to index
            %swap3A_1674 = arith.constant 64 : index
            %swap3A_1675 = tpu.vector_load %arg17[%swap3A_1672, %swap3A_1673, %swap3A_1674] {strides = array<i32>} : memref<2x64x144xf32, #tpu.memory_space<vmem>>, vector<16xf32>,
            tpu.vector_store %arg17[%swap3A_1672, %swap3A_1673, %swap3A_1674], %mul3A_1671 {strides = array<i32>} : memref<2x64x144xf32, #tpu.memory_space<vmem>>, vector<16xf32>,
            %get3A_1676 = arith.index_cast %select_n3A_266 : i32 to index
            %get3A_1677 = arith.index_cast %add3A_1638 : i32 to index
            %get3A_1678 = arith.constant 16 : index
            %get3A_1679 = tpu.vector_load %arg14[%get3A_1676, %get3A_1677, %get3A_1678] {strides = array<i32>} : memref<2x64x64xf32, #tpu.memory_space<vmem>>, vector<16xf32>,
            %mul3A_1680 = vector.broadcast %squeeze3A_1657 : f32 to vector<16xf32>
            %mul3A_1681 = arith.mulf %get3A_1679, %mul3A_1680 : vector<16xf32>
            %swap3A_1682 = arith.index_cast %select_n3A_266 : i32 to index
            %swap3A_1683 = arith.index_cast %add3A_1638 : i32 to index
            %swap3A_1684 = arith.constant 16 : index
            %swap3A_1685 = tpu.vector_load %arg17[%swap3A_1682, %swap3A_1683, %swap3A_1684] {strides = array<i32>} : memref<2x64x144xf32, #tpu.memory_space<vmem>>, vector<16xf32>,
            tpu.vector_store %arg17[%swap3A_1682, %swap3A_1683, %swap3A_1684], %mul3A_1681 {strides = array<i32>} : memref<2x64x144xf32, #tpu.memory_space<vmem>>, vector<16xf32>,
            %mul3A_1686 = vector.broadcast %squeeze3A_1659 : f32 to vector<16xf32>
            %mul3A_1687 = arith.mulf %get3A_1679, %mul3A_1686 : vector<16xf32>
            %swap3A_1688 = arith.index_cast %select_n3A_266 : i32 to index
            %swap3A_1689 = arith.index_cast %add3A_1638 : i32 to index
            %swap3A_1690 = arith.constant 80 : index
            %swap3A_1691 = tpu.vector_load %arg17[%swap3A_1688, %swap3A_1689, %swap3A_1690] {strides = array<i32>} : memref<2x64x144xf32, #tpu.memory_space<vmem>>, vector<16xf32>,
            tpu.vector_store %arg17[%swap3A_1688, %swap3A_1689, %swap3A_1690], %mul3A_1687 {strides = array<i32>} : memref<2x64x144xf32, #tpu.memory_space<vmem>>, vector<16xf32>,
            %get3A_1692 = arith.index_cast %select_n3A_266 : i32 to index
            %get3A_1693 = arith.index_cast %add3A_1638 : i32 to index
            %get3A_1694 = arith.constant 32 : index
            %get3A_1695 = tpu.vector_load %arg14[%get3A_1692, %get3A_1693, %get3A_1694] {strides = array<i32>} : memref<2x64x64xf32, #tpu.memory_space<vmem>>, vector<16xf32>,
            %mul3A_1696 = vector.broadcast %squeeze3A_1657 : f32 to vector<16xf32>
            %mul3A_1697 = arith.mulf %get3A_1695, %mul3A_1696 : vector<16xf32>
            %swap3A_1698 = arith.index_cast %select_n3A_266 : i32 to index
            %swap3A_1699 = arith.index_cast %add3A_1638 : i32 to index
            %swap3A_1700 = arith.constant 32 : index
            %swap3A_1701 = tpu.vector_load %arg17[%swap3A_1698, %swap3A_1699, %swap3A_1700] {strides = array<i32>} : memref<2x64x144xf32, #tpu.memory_space<vmem>>, vector<16xf32>,
            tpu.vector_store %arg17[%swap3A_1698, %swap3A_1699, %swap3A_1700], %mul3A_1697 {strides = array<i32>} : memref<2x64x144xf32, #tpu.memory_space<vmem>>, vector<16xf32>,
            %mul3A_1702 = vector.broadcast %squeeze3A_1659 : f32 to vector<16xf32>
            %mul3A_1703 = arith.mulf %get3A_1695, %mul3A_1702 : vector<16xf32>
            %swap3A_1704 = arith.index_cast %select_n3A_266 : i32 to index
            %swap3A_1705 = arith.index_cast %add3A_1638 : i32 to index
            %swap3A_1706 = arith.constant 96 : index
            %swap3A_1707 = tpu.vector_load %arg17[%swap3A_1704, %swap3A_1705, %swap3A_1706] {strides = array<i32>} : memref<2x64x144xf32, #tpu.memory_space<vmem>>, vector<16xf32>,
            tpu.vector_store %arg17[%swap3A_1704, %swap3A_1705, %swap3A_1706], %mul3A_1703 {strides = array<i32>} : memref<2x64x144xf32, #tpu.memory_space<vmem>>, vector<16xf32>,
            %get3A_1708 = arith.index_cast %select_n3A_266 : i32 to index
            %get3A_1709 = arith.index_cast %add3A_1638 : i32 to index
            %get3A_1710 = arith.constant 48 : index
            %get3A_1711 = tpu.vector_load %arg14[%get3A_1708, %get3A_1709, %get3A_1710] {strides = array<i32>} : memref<2x64x64xf32, #tpu.memory_space<vmem>>, vector<16xf32>,
            %mul3A_1712 = vector.broadcast %squeeze3A_1657 : f32 to vector<16xf32>
            %mul3A_1713 = arith.mulf %get3A_1711, %mul3A_1712 : vector<16xf32>
            %swap3A_1714 = arith.index_cast %select_n3A_266 : i32 to index
            %swap3A_1715 = arith.index_cast %add3A_1638 : i32 to index
            %swap3A_1716 = arith.constant 48 : index
            %swap3A_1717 = tpu.vector_load %arg17[%swap3A_1714, %swap3A_1715, %swap3A_1716] {strides = array<i32>} : memref<2x64x144xf32, #tpu.memory_space<vmem>>, vector<16xf32>,
            tpu.vector_store %arg17[%swap3A_1714, %swap3A_1715, %swap3A_1716], %mul3A_1713 {strides = array<i32>} : memref<2x64x144xf32, #tpu.memory_space<vmem>>, vector<16xf32>,
            %mul3A_1718 = vector.broadcast %squeeze3A_1659 : f32 to vector<16xf32>
            %mul3A_1719 = arith.mulf %get3A_1711, %mul3A_1718 : vector<16xf32>
            %swap3A_1720 = arith.index_cast %select_n3A_266 : i32 to index
            %swap3A_1721 = arith.index_cast %add3A_1638 : i32 to index
            %swap3A_1722 = arith.constant 112 : index
            %swap3A_1723 = tpu.vector_load %arg17[%swap3A_1720, %swap3A_1721, %swap3A_1722] {strides = array<i32>} : memref<2x64x144xf32, #tpu.memory_space<vmem>>, vector<16xf32>,
            tpu.vector_store %arg17[%swap3A_1720, %swap3A_1721, %swap3A_1722], %mul3A_1719 {strides = array<i32>} : memref<2x64x144xf32, #tpu.memory_space<vmem>>, vector<16xf32>,
            %lt3A_1724 = arith.constant 2 : i32
            %lt3A_1725 = vector.broadcast %lt3A_1724 : i32 to vector<16xi32>
            %lt3A_1726 = arith.cmpi slt, %iota3A, %lt3A_1725 : vector<16xi32>
            %jit3A_1727 = arith.constant 0.000000e+00 : f32
            %broadcast_in_dim3A_1728 = vector.broadcast %jit3A_1727 : f32 to vector<16xf32>
            %select_n3A_1729 = arith.select %lt3A_1726, %exp3A_1655, %broadcast_in_dim3A_1728 : vector<16xi1>, vector<16xf32>
            %swap3A_1730 = arith.index_cast %select_n3A_266 : i32 to index
            %swap3A_1731 = arith.index_cast %add3A_1638 : i32 to index
            %swap3A_1732 = arith.constant 128 : index
            %swap3A_1733 = tpu.vector_load %arg17[%swap3A_1730, %swap3A_1731, %swap3A_1732] {strides = array<i32>} : memref<2x64x144xf32, #tpu.memory_space<vmem>>, vector<16xf32>,
            tpu.vector_store %arg17[%swap3A_1730, %swap3A_1731, %swap3A_1732], %select_n3A_1729 {strides = array<i32>} : memref<2x64x144xf32, #tpu.memory_space<vmem>>, vector<16xf32>,
            %mul3A_1734 = arith.constant 16 : i32
            %mul3A_1735 = arith.muli %scan3A_351, %mul3A_1734 : i32
            %add3A_1736 = arith.constant 14 : i32
            %add3A_1737 = arith.addi %mul3A_1735, %add3A_1736 : i32
            %get3A_1738 = arith.index_cast %select_n3A_266 : i32 to index
            %get3A_1739 = arith.index_cast %add3A_1737 : i32 to index
            %get3A_1740 = arith.constant 0 : index
            %get3A_1741 = tpu.vector_load %arg15[%get3A_1738, %get3A_1739, %get3A_1740] {strides = array<i32>} : memref<2x64x16xf32, #tpu.memory_space<vmem>>, vector<16xf32>,
            %get3A_1742 = arith.index_cast %select_n3A_266 : i32 to index
            %get3A_1743 = arith.index_cast %add3A_1737 : i32 to index
            %get3A_1744 = arith.constant 0 : index
            %get3A_1745 = tpu.vector_load %arg16[%get3A_1742, %get3A_1743, %get3A_1744] {strides = array<i32>} : memref<2x64x16xf32, #tpu.memory_space<vmem>>, vector<16xf32>,
            %add3A_1746 = arith.addf %get3A_1741, %get3A_1745 : vector<16xf32>
            %ge3A_1747 = arith.constant 0.000000e+00 : f32
            %ge3A_1748 = vector.broadcast %ge3A_1747 : f32 to vector<16xf32>
            %ge3A_1749 = arith.cmpf oge, %add3A_1746, %ge3A_1748 : vector<16xf32>
            %mul3A_1750 = arith.constant 2.000000e-01 : f32
            %mul3A_1751 = vector.broadcast %mul3A_1750 : f32 to vector<16xf32>
            %mul3A_1752 = arith.mulf %mul3A_1751, %add3A_1746 : vector<16xf32>
            %select_n3A_1753 = arith.select %ge3A_1749, %add3A_1746, %mul3A_1752 : vector<16xi1>, vector<16xf32>
            %exp3A_1754 = math.exp %select_n3A_1753 : vector<16xf32>
            %slice3A_1755 = vector.extract_strided_slice %exp3A_1754 {offsets = [0], sizes = [1], strides = [1]} : vector<16xf32> to vector<1xf32>
            %squeeze3A_1756 = vector.extract %slice3A_1755[0] : f32 from vector<1xf32>
            %slice3A_1757 = vector.extract_strided_slice %exp3A_1754 {offsets = [1], sizes = [1], strides = [1]} : vector<16xf32> to vector<1xf32>
            %squeeze3A_1758 = vector.extract %slice3A_1757[0] : f32 from vector<1xf32>
            %get3A_1759 = arith.index_cast %select_n3A_266 : i32 to index
            %get3A_1760 = arith.index_cast %add3A_1737 : i32 to index
            %get3A_1761 = arith.constant 0 : index
            %get3A_1762 = tpu.vector_load %arg14[%get3A_1759, %get3A_1760, %get3A_1761] {strides = array<i32>} : memref<2x64x64xf32, #tpu.memory_space<vmem>>, vector<16xf32>,
            %mul3A_1763 = vector.broadcast %squeeze3A_1756 : f32 to vector<16xf32>
            %mul3A_1764 = arith.mulf %get3A_1762, %mul3A_1763 : vector<16xf32>
            %swap3A_1765 = arith.index_cast %select_n3A_266 : i32 to index
            %swap3A_1766 = arith.index_cast %add3A_1737 : i32 to index
            %swap3A_1767 = arith.constant 0 : index
            %swap3A_1768 = tpu.vector_load %arg17[%swap3A_1765, %swap3A_1766, %swap3A_1767] {strides = array<i32>} : memref<2x64x144xf32, #tpu.memory_space<vmem>>, vector<16xf32>,
            tpu.vector_store %arg17[%swap3A_1765, %swap3A_1766, %swap3A_1767], %mul3A_1764 {strides = array<i32>} : memref<2x64x144xf32, #tpu.memory_space<vmem>>, vector<16xf32>,
            %mul3A_1769 = vector.broadcast %squeeze3A_1758 : f32 to vector<16xf32>
            %mul3A_1770 = arith.mulf %get3A_1762, %mul3A_1769 : vector<16xf32>
            %swap3A_1771 = arith.index_cast %select_n3A_266 : i32 to index
            %swap3A_1772 = arith.index_cast %add3A_1737 : i32 to index
            %swap3A_1773 = arith.constant 64 : index
            %swap3A_1774 = tpu.vector_load %arg17[%swap3A_1771, %swap3A_1772, %swap3A_1773] {strides = array<i32>} : memref<2x64x144xf32, #tpu.memory_space<vmem>>, vector<16xf32>,
            tpu.vector_store %arg17[%swap3A_1771, %swap3A_1772, %swap3A_1773], %mul3A_1770 {strides = array<i32>} : memref<2x64x144xf32, #tpu.memory_space<vmem>>, vector<16xf32>,
            %get3A_1775 = arith.index_cast %select_n3A_266 : i32 to index
            %get3A_1776 = arith.index_cast %add3A_1737 : i32 to index
            %get3A_1777 = arith.constant 16 : index
            %get3A_1778 = tpu.vector_load %arg14[%get3A_1775, %get3A_1776, %get3A_1777] {strides = array<i32>} : memref<2x64x64xf32, #tpu.memory_space<vmem>>, vector<16xf32>,
            %mul3A_1779 = vector.broadcast %squeeze3A_1756 : f32 to vector<16xf32>
            %mul3A_1780 = arith.mulf %get3A_1778, %mul3A_1779 : vector<16xf32>
            %swap3A_1781 = arith.index_cast %select_n3A_266 : i32 to index
            %swap3A_1782 = arith.index_cast %add3A_1737 : i32 to index
            %swap3A_1783 = arith.constant 16 : index
            %swap3A_1784 = tpu.vector_load %arg17[%swap3A_1781, %swap3A_1782, %swap3A_1783] {strides = array<i32>} : memref<2x64x144xf32, #tpu.memory_space<vmem>>, vector<16xf32>,
            tpu.vector_store %arg17[%swap3A_1781, %swap3A_1782, %swap3A_1783], %mul3A_1780 {strides = array<i32>} : memref<2x64x144xf32, #tpu.memory_space<vmem>>, vector<16xf32>,
            %mul3A_1785 = vector.broadcast %squeeze3A_1758 : f32 to vector<16xf32>
            %mul3A_1786 = arith.mulf %get3A_1778, %mul3A_1785 : vector<16xf32>
            %swap3A_1787 = arith.index_cast %select_n3A_266 : i32 to index
            %swap3A_1788 = arith.index_cast %add3A_1737 : i32 to index
            %swap3A_1789 = arith.constant 80 : index
            %swap3A_1790 = tpu.vector_load %arg17[%swap3A_1787, %swap3A_1788, %swap3A_1789] {strides = array<i32>} : memref<2x64x144xf32, #tpu.memory_space<vmem>>, vector<16xf32>,
            tpu.vector_store %arg17[%swap3A_1787, %swap3A_1788, %swap3A_1789], %mul3A_1786 {strides = array<i32>} : memref<2x64x144xf32, #tpu.memory_space<vmem>>, vector<16xf32>,
            %get3A_1791 = arith.index_cast %select_n3A_266 : i32 to index
            %get3A_1792 = arith.index_cast %add3A_1737 : i32 to index
            %get3A_1793 = arith.constant 32 : index
            %get3A_1794 = tpu.vector_load %arg14[%get3A_1791, %get3A_1792, %get3A_1793] {strides = array<i32>} : memref<2x64x64xf32, #tpu.memory_space<vmem>>, vector<16xf32>,
            %mul3A_1795 = vector.broadcast %squeeze3A_1756 : f32 to vector<16xf32>
            %mul3A_1796 = arith.mulf %get3A_1794, %mul3A_1795 : vector<16xf32>
            %swap3A_1797 = arith.index_cast %select_n3A_266 : i32 to index
            %swap3A_1798 = arith.index_cast %add3A_1737 : i32 to index
            %swap3A_1799 = arith.constant 32 : index
            %swap3A_1800 = tpu.vector_load %arg17[%swap3A_1797, %swap3A_1798, %swap3A_1799] {strides = array<i32>} : memref<2x64x144xf32, #tpu.memory_space<vmem>>, vector<16xf32>,
            tpu.vector_store %arg17[%swap3A_1797, %swap3A_1798, %swap3A_1799], %mul3A_1796 {strides = array<i32>} : memref<2x64x144xf32, #tpu.memory_space<vmem>>, vector<16xf32>,
            %mul3A_1801 = vector.broadcast %squeeze3A_1758 : f32 to vector<16xf32>
            %mul3A_1802 = arith.mulf %get3A_1794, %mul3A_1801 : vector<16xf32>
            %swap3A_1803 = arith.index_cast %select_n3A_266 : i32 to index
            %swap3A_1804 = arith.index_cast %add3A_1737 : i32 to index
            %swap3A_1805 = arith.constant 96 : index
            %swap3A_1806 = tpu.vector_load %arg17[%swap3A_1803, %swap3A_1804, %swap3A_1805] {strides = array<i32>} : memref<2x64x144xf32, #tpu.memory_space<vmem>>, vector<16xf32>,
            tpu.vector_store %arg17[%swap3A_1803, %swap3A_1804, %swap3A_1805], %mul3A_1802 {strides = array<i32>} : memref<2x64x144xf32, #tpu.memory_space<vmem>>, vector<16xf32>,
            %get3A_1807 = arith.index_cast %select_n3A_266 : i32 to index
            %get3A_1808 = arith.index_cast %add3A_1737 : i32 to index
            %get3A_1809 = arith.constant 48 : index
            %get3A_1810 = tpu.vector_load %arg14[%get3A_1807, %get3A_1808, %get3A_1809] {strides = array<i32>} : memref<2x64x64xf32, #tpu.memory_space<vmem>>, vector<16xf32>,
            %mul3A_1811 = vector.broadcast %squeeze3A_1756 : f32 to vector<16xf32>
            %mul3A_1812 = arith.mulf %get3A_1810, %mul3A_1811 : vector<16xf32>
            %swap3A_1813 = arith.index_cast %select_n3A_266 : i32 to index
            %swap3A_1814 = arith.index_cast %add3A_1737 : i32 to index
            %swap3A_1815 = arith.constant 48 : index
            %swap3A_1816 = tpu.vector_load %arg17[%swap3A_1813, %swap3A_1814, %swap3A_1815] {strides = array<i32>} : memref<2x64x144xf32, #tpu.memory_space<vmem>>, vector<16xf32>,
            tpu.vector_store %arg17[%swap3A_1813, %swap3A_1814, %swap3A_1815], %mul3A_1812 {strides = array<i32>} : memref<2x64x144xf32, #tpu.memory_space<vmem>>, vector<16xf32>,
            %mul3A_1817 = vector.broadcast %squeeze3A_1758 : f32 to vector<16xf32>
            %mul3A_1818 = arith.mulf %get3A_1810, %mul3A_1817 : vector<16xf32>
            %swap3A_1819 = arith.index_cast %select_n3A_266 : i32 to index
            %swap3A_1820 = arith.index_cast %add3A_1737 : i32 to index
            %swap3A_1821 = arith.constant 112 : index
            %swap3A_1822 = tpu.vector_load %arg17[%swap3A_1819, %swap3A_1820, %swap3A_1821] {strides = array<i32>} : memref<2x64x144xf32, #tpu.memory_space<vmem>>, vector<16xf32>,
            tpu.vector_store %arg17[%swap3A_1819, %swap3A_1820, %swap3A_1821], %mul3A_1818 {strides = array<i32>} : memref<2x64x144xf32, #tpu.memory_space<vmem>>, vector<16xf32>,
            %lt3A_1823 = arith.constant 2 : i32
            %lt3A_1824 = vector.broadcast %lt3A_1823 : i32 to vector<16xi32>
            %lt3A_1825 = arith.cmpi slt, %iota3A, %lt3A_1824 : vector<16xi32>
            %jit3A_1826 = arith.constant 0.000000e+00 : f32
            %broadcast_in_dim3A_1827 = vector.broadcast %jit3A_1826 : f32 to vector<16xf32>
            %select_n3A_1828 = arith.select %lt3A_1825, %exp3A_1754, %broadcast_in_dim3A_1827 : vector<16xi1>, vector<16xf32>
            %swap3A_1829 = arith.index_cast %select_n3A_266 : i32 to index
            %swap3A_1830 = arith.index_cast %add3A_1737 : i32 to index
            %swap3A_1831 = arith.constant 128 : index
            %swap3A_1832 = tpu.vector_load %arg17[%swap3A_1829, %swap3A_1830, %swap3A_1831] {strides = array<i32>} : memref<2x64x144xf32, #tpu.memory_space<vmem>>, vector<16xf32>,
            tpu.vector_store %arg17[%swap3A_1829, %swap3A_1830, %swap3A_1831], %select_n3A_1828 {strides = array<i32>} : memref<2x64x144xf32, #tpu.memory_space<vmem>>, vector<16xf32>,
            %mul3A_1833 = arith.constant 16 : i32
            %mul3A_1834 = arith.muli %scan3A_351, %mul3A_1833 : i32
            %add3A_1835 = arith.constant 15 : i32
            %add3A_1836 = arith.addi %mul3A_1834, %add3A_1835 : i32
            %get3A_1837 = arith.index_cast %select_n3A_266 : i32 to index
            %get3A_1838 = arith.index_cast %add3A_1836 : i32 to index
            %get3A_1839 = arith.constant 0 : index
            %get3A_1840 = tpu.vector_load %arg15[%get3A_1837, %get3A_1838, %get3A_1839] {strides = array<i32>} : memref<2x64x16xf32, #tpu.memory_space<vmem>>, vector<16xf32>,
            %get3A_1841 = arith.index_cast %select_n3A_266 : i32 to index
            %get3A_1842 = arith.index_cast %add3A_1836 : i32 to index
            %get3A_1843 = arith.constant 0 : index
            %get3A_1844 = tpu.vector_load %arg16[%get3A_1841, %get3A_1842, %get3A_1843] {strides = array<i32>} : memref<2x64x16xf32, #tpu.memory_space<vmem>>, vector<16xf32>,
            %add3A_1845 = arith.addf %get3A_1840, %get3A_1844 : vector<16xf32>
            %ge3A_1846 = arith.constant 0.000000e+00 : f32
            %ge3A_1847 = vector.broadcast %ge3A_1846 : f32 to vector<16xf32>
            %ge3A_1848 = arith.cmpf oge, %add3A_1845, %ge3A_1847 : vector<16xf32>
            %mul3A_1849 = arith.constant 2.000000e-01 : f32
            %mul3A_1850 = vector.broadcast %mul3A_1849 : f32 to vector<16xf32>
            %mul3A_1851 = arith.mulf %mul3A_1850, %add3A_1845 : vector<16xf32>
            %select_n3A_1852 = arith.select %ge3A_1848, %add3A_1845, %mul3A_1851 : vector<16xi1>, vector<16xf32>
            %exp3A_1853 = math.exp %select_n3A_1852 : vector<16xf32>
            %slice3A_1854 = vector.extract_strided_slice %exp3A_1853 {offsets = [0], sizes = [1], strides = [1]} : vector<16xf32> to vector<1xf32>
            %squeeze3A_1855 = vector.extract %slice3A_1854[0] : f32 from vector<1xf32>
            %slice3A_1856 = vector.extract_strided_slice %exp3A_1853 {offsets = [1], sizes = [1], strides = [1]} : vector<16xf32> to vector<1xf32>
            %squeeze3A_1857 = vector.extract %slice3A_1856[0] : f32 from vector<1xf32>
            %get3A_1858 = arith.index_cast %select_n3A_266 : i32 to index
            %get3A_1859 = arith.index_cast %add3A_1836 : i32 to index
            %get3A_1860 = arith.constant 0 : index
            %get3A_1861 = tpu.vector_load %arg14[%get3A_1858, %get3A_1859, %get3A_1860] {strides = array<i32>} : memref<2x64x64xf32, #tpu.memory_space<vmem>>, vector<16xf32>,
            %mul3A_1862 = vector.broadcast %squeeze3A_1855 : f32 to vector<16xf32>
            %mul3A_1863 = arith.mulf %get3A_1861, %mul3A_1862 : vector<16xf32>
            %swap3A_1864 = arith.index_cast %select_n3A_266 : i32 to index
            %swap3A_1865 = arith.index_cast %add3A_1836 : i32 to index
            %swap3A_1866 = arith.constant 0 : index
            %swap3A_1867 = tpu.vector_load %arg17[%swap3A_1864, %swap3A_1865, %swap3A_1866] {strides = array<i32>} : memref<2x64x144xf32, #tpu.memory_space<vmem>>, vector<16xf32>,
            tpu.vector_store %arg17[%swap3A_1864, %swap3A_1865, %swap3A_1866], %mul3A_1863 {strides = array<i32>} : memref<2x64x144xf32, #tpu.memory_space<vmem>>, vector<16xf32>,
            %mul3A_1868 = vector.broadcast %squeeze3A_1857 : f32 to vector<16xf32>
            %mul3A_1869 = arith.mulf %get3A_1861, %mul3A_1868 : vector<16xf32>
            %swap3A_1870 = arith.index_cast %select_n3A_266 : i32 to index
            %swap3A_1871 = arith.index_cast %add3A_1836 : i32 to index
            %swap3A_1872 = arith.constant 64 : index
            %swap3A_1873 = tpu.vector_load %arg17[%swap3A_1870, %swap3A_1871, %swap3A_1872] {strides = array<i32>} : memref<2x64x144xf32, #tpu.memory_space<vmem>>, vector<16xf32>,
            tpu.vector_store %arg17[%swap3A_1870, %swap3A_1871, %swap3A_1872], %mul3A_1869 {strides = array<i32>} : memref<2x64x144xf32, #tpu.memory_space<vmem>>, vector<16xf32>,
            %get3A_1874 = arith.index_cast %select_n3A_266 : i32 to index
            %get3A_1875 = arith.index_cast %add3A_1836 : i32 to index
            %get3A_1876 = arith.constant 16 : index
            %get3A_1877 = tpu.vector_load %arg14[%get3A_1874, %get3A_1875, %get3A_1876] {strides = array<i32>} : memref<2x64x64xf32, #tpu.memory_space<vmem>>, vector<16xf32>,
            %mul3A_1878 = vector.broadcast %squeeze3A_1855 : f32 to vector<16xf32>
            %mul3A_1879 = arith.mulf %get3A_1877, %mul3A_1878 : vector<16xf32>
            %swap3A_1880 = arith.index_cast %select_n3A_266 : i32 to index
            %swap3A_1881 = arith.index_cast %add3A_1836 : i32 to index
            %swap3A_1882 = arith.constant 16 : index
            %swap3A_1883 = tpu.vector_load %arg17[%swap3A_1880, %swap3A_1881, %swap3A_1882] {strides = array<i32>} : memref<2x64x144xf32, #tpu.memory_space<vmem>>, vector<16xf32>,
            tpu.vector_store %arg17[%swap3A_1880, %swap3A_1881, %swap3A_1882], %mul3A_1879 {strides = array<i32>} : memref<2x64x144xf32, #tpu.memory_space<vmem>>, vector<16xf32>,
            %mul3A_1884 = vector.broadcast %squeeze3A_1857 : f32 to vector<16xf32>
            %mul3A_1885 = arith.mulf %get3A_1877, %mul3A_1884 : vector<16xf32>
            %swap3A_1886 = arith.index_cast %select_n3A_266 : i32 to index
            %swap3A_1887 = arith.index_cast %add3A_1836 : i32 to index
            %swap3A_1888 = arith.constant 80 : index
            %swap3A_1889 = tpu.vector_load %arg17[%swap3A_1886, %swap3A_1887, %swap3A_1888] {strides = array<i32>} : memref<2x64x144xf32, #tpu.memory_space<vmem>>, vector<16xf32>,
            tpu.vector_store %arg17[%swap3A_1886, %swap3A_1887, %swap3A_1888], %mul3A_1885 {strides = array<i32>} : memref<2x64x144xf32, #tpu.memory_space<vmem>>, vector<16xf32>,
            %get3A_1890 = arith.index_cast %select_n3A_266 : i32 to index
            %get3A_1891 = arith.index_cast %add3A_1836 : i32 to index
            %get3A_1892 = arith.constant 32 : index
            %get3A_1893 = tpu.vector_load %arg14[%get3A_1890, %get3A_1891, %get3A_1892] {strides = array<i32>} : memref<2x64x64xf32, #tpu.memory_space<vmem>>, vector<16xf32>,
            %mul3A_1894 = vector.broadcast %squeeze3A_1855 : f32 to vector<16xf32>
            %mul3A_1895 = arith.mulf %get3A_1893, %mul3A_1894 : vector<16xf32>
            %swap3A_1896 = arith.index_cast %select_n3A_266 : i32 to index
            %swap3A_1897 = arith.index_cast %add3A_1836 : i32 to index
            %swap3A_1898 = arith.constant 32 : index
            %swap3A_1899 = tpu.vector_load %arg17[%swap3A_1896, %swap3A_1897, %swap3A_1898] {strides = array<i32>} : memref<2x64x144xf32, #tpu.memory_space<vmem>>, vector<16xf32>,
            tpu.vector_store %arg17[%swap3A_1896, %swap3A_1897, %swap3A_1898], %mul3A_1895 {strides = array<i32>} : memref<2x64x144xf32, #tpu.memory_space<vmem>>, vector<16xf32>,
            %mul3A_1900 = vector.broadcast %squeeze3A_1857 : f32 to vector<16xf32>
            %mul3A_1901 = arith.mulf %get3A_1893, %mul3A_1900 : vector<16xf32>
            %swap3A_1902 = arith.index_cast %select_n3A_266 : i32 to index
            %swap3A_1903 = arith.index_cast %add3A_1836 : i32 to index
            %swap3A_1904 = arith.constant 96 : index
            %swap3A_1905 = tpu.vector_load %arg17[%swap3A_1902, %swap3A_1903, %swap3A_1904] {strides = array<i32>} : memref<2x64x144xf32, #tpu.memory_space<vmem>>, vector<16xf32>,
            tpu.vector_store %arg17[%swap3A_1902, %swap3A_1903, %swap3A_1904], %mul3A_1901 {strides = array<i32>} : memref<2x64x144xf32, #tpu.memory_space<vmem>>, vector<16xf32>,
            %get3A_1906 = arith.index_cast %select_n3A_266 : i32 to index
            %get3A_1907 = arith.index_cast %add3A_1836 : i32 to index
            %get3A_1908 = arith.constant 48 : index
            %get3A_1909 = tpu.vector_load %arg14[%get3A_1906, %get3A_1907, %get3A_1908] {strides = array<i32>} : memref<2x64x64xf32, #tpu.memory_space<vmem>>, vector<16xf32>,
            %mul3A_1910 = vector.broadcast %squeeze3A_1855 : f32 to vector<16xf32>
            %mul3A_1911 = arith.mulf %get3A_1909, %mul3A_1910 : vector<16xf32>
            %swap3A_1912 = arith.index_cast %select_n3A_266 : i32 to index
            %swap3A_1913 = arith.index_cast %add3A_1836 : i32 to index
            %swap3A_1914 = arith.constant 48 : index
            %swap3A_1915 = tpu.vector_load %arg17[%swap3A_1912, %swap3A_1913, %swap3A_1914] {strides = array<i32>} : memref<2x64x144xf32, #tpu.memory_space<vmem>>, vector<16xf32>,
            tpu.vector_store %arg17[%swap3A_1912, %swap3A_1913, %swap3A_1914], %mul3A_1911 {strides = array<i32>} : memref<2x64x144xf32, #tpu.memory_space<vmem>>, vector<16xf32>,
            %mul3A_1916 = vector.broadcast %squeeze3A_1857 : f32 to vector<16xf32>
            %mul3A_1917 = arith.mulf %get3A_1909, %mul3A_1916 : vector<16xf32>
            %swap3A_1918 = arith.index_cast %select_n3A_266 : i32 to index
            %swap3A_1919 = arith.index_cast %add3A_1836 : i32 to index
            %swap3A_1920 = arith.constant 112 : index
            %swap3A_1921 = tpu.vector_load %arg17[%swap3A_1918, %swap3A_1919, %swap3A_1920] {strides = array<i32>} : memref<2x64x144xf32, #tpu.memory_space<vmem>>, vector<16xf32>,
            tpu.vector_store %arg17[%swap3A_1918, %swap3A_1919, %swap3A_1920], %mul3A_1917 {strides = array<i32>} : memref<2x64x144xf32, #tpu.memory_space<vmem>>, vector<16xf32>,
            %lt3A_1922 = arith.constant 2 : i32
            %lt3A_1923 = vector.broadcast %lt3A_1922 : i32 to vector<16xi32>
            %lt3A_1924 = arith.cmpi slt, %iota3A, %lt3A_1923 : vector<16xi32>
            %jit3A_1925 = arith.constant 0.000000e+00 : f32
            %broadcast_in_dim3A_1926 = vector.broadcast %jit3A_1925 : f32 to vector<16xf32>
            %select_n3A_1927 = arith.select %lt3A_1924, %exp3A_1853, %broadcast_in_dim3A_1926 : vector<16xi1>, vector<16xf32>
            %swap3A_1928 = arith.index_cast %select_n3A_266 : i32 to index
            %swap3A_1929 = arith.index_cast %add3A_1836 : i32 to index
            %swap3A_1930 = arith.constant 128 : index
            %swap3A_1931 = tpu.vector_load %arg17[%swap3A_1928, %swap3A_1929, %swap3A_1930] {strides = array<i32>} : memref<2x64x144xf32, #tpu.memory_space<vmem>>, vector<16xf32>,
            tpu.vector_store %arg17[%swap3A_1928, %swap3A_1929, %swap3A_1930], %select_n3A_1927 {strides = array<i32>} : memref<2x64x144xf32, #tpu.memory_space<vmem>>, vector<16xf32>,
            %scan3A_1932 = arith.constant 0 : i32
            scf.yield %scan3A_1932 : i32
          }
          %scan3A_340 = arith.constant 4 : i32
          %dma_start3A = arith.constant 0 : i32
          %dma_start3A_341 = arith.constant 0 : i32
          %dma_start3A_342 = tpu.memref_slice %arg17[%select_n3A_266, %dma_start3A, %dma_start3A_341] : memref<2x64x144xf32, #tpu.memory_space<vmem>> -> memref<1x64x144xf32, #tpu.memory_space<vmem>>
          %dma_start3A_343 = tpu.memref_squeeze %dma_start3A_342 : memref<1x64x144xf32, #tpu.memory_space<vmem>> -> memref<64x144xf32, #tpu.memory_space<vmem>>
          %dma_start3A_344 = arith.constant 0 : i32
          %dma_start3A_345 = tpu.memref_slice %arg13[%select_n3A_282, %dma_start3A_344] : memref<3x64xi32, #tpu.memory_space<vmem>> -> memref<1x64xi32, #tpu.memory_space<vmem>>
          %dma_start3A_346 = tpu.memref_squeeze %dma_start3A_345 : memref<1x64xi32, #tpu.memory_space<vmem>> -> memref<64xi32, #tpu.memory_space<vmem>>
          %dma_start3A_347 = arith.constant 0 : i32
          %dma_start3A_348 = arith.constant 0 : i32
          %dma_start3A_349 = tpu.memref_slice %arg18[%dma_start3A_347, %dma_start3A_348] : memref<9280x144xf32, #tpu.memory_space<vmem_shared>> -> memref<9280x144xf32, #tpu.memory_space<vmem_shared>>
          tpu.enqueue_indirect_dma source(%dma_start3A_343 : memref<64x144xf32, #tpu.memory_space<vmem>>) target(%dma_start3A_349 : memref<9280x144xf32, #tpu.memory_space<vmem_shared>>) offsets(%dma_start3A_346 : memref<64xi32, #tpu.memory_space<vmem>>) semaphore(%arg20 : memref<!tpu.dma_semaphore, #tpu.memory_space<semaphore_mem>>) {add = true}
          %while3A_350 = arith.constant 0 : i32
          scf.yield %while3A_350 : i32
        }
        %while3A_234 = arith.constant 1 : i32
        %while3A_235 = scf.for %while3A_250 = %while3A_231 to %while3A_227 step %while3A_234 iter_args(%while3A_251 = %while3A_233) -> (i32)  : i32 {
          %jit3A_252 = arith.constant 2 : i32
          %eq3A_253 = arith.constant 0 : i32
          %eq3A_254 = arith.cmpi eq, %jit3A_252, %eq3A_253 : i32
          %jit3A_255 = arith.constant 1 : i32
          %select_n3A_256 = arith.select %eq3A_254, %jit3A_255, %jit3A_252 : i32
          %rem3A_257 = arith.remsi %while3A_250, %select_n3A_256 : i32
          %ne3A_258 = arith.constant 0 : i32
          %ne3A_259 = arith.cmpi ne, %rem3A_257, %ne3A_258 : i32
          %lt3A = arith.constant 0 : i32
          %lt3A_260 = arith.cmpi slt, %rem3A_257, %lt3A : i32
          %lt3A_261 = arith.constant 0 : i32
          %lt3A_262 = arith.cmpi slt, %select_n3A_256, %lt3A_261 : i32
          %ne3A_263 = arith.xori %lt3A_260, %lt3A_262 : i1
          %and3A_264 = arith.andi %ne3A_263, %ne3A_259 : i1
          %add3A_265 = arith.addi %rem3A_257, %select_n3A_256 : i32
          %select_n3A_266 = arith.select %and3A_264, %add3A_265, %rem3A_257 : i32
          %jit3A_267 = arith.constant 3 : i32
          %eq3A_268 = arith.constant 0 : i32
          %eq3A_269 = arith.cmpi eq, %jit3A_267, %eq3A_268 : i32
          %jit3A_270 = arith.constant 1 : i32
          %select_n3A_271 = arith.select %eq3A_269, %jit3A_270, %jit3A_267 : i32
          %rem3A_272 = arith.remsi %while3A_250, %select_n3A_271 : i32
          %ne3A_273 = arith.constant 0 : i32
          %ne3A_274 = arith.cmpi ne, %rem3A_272, %ne3A_273 : i32
          %lt3A_275 = arith.constant 0 : i32
          %lt3A_276 = arith.cmpi slt, %rem3A_272, %lt3A_275 : i32
          %lt3A_277 = arith.constant 0 : i32
          %lt3A_278 = arith.cmpi slt, %select_n3A_271, %lt3A_277 : i32
          %ne3A_279 = arith.xori %lt3A_276, %lt3A_278 : i1
          %and3A_280 = arith.andi %ne3A_279, %ne3A_274 : i1
          %add3A_281 = arith.addi %rem3A_272, %select_n3A_271 : i32
          %select_n3A_282 = arith.select %and3A_280, %add3A_281, %rem3A_272 : i32
          %ge3A = arith.constant 2 : i32
          %ge3A_283 = arith.cmpi sge, %while3A_250, %ge3A : i32
          %convert_element_type3A_284 = arith.extui %ge3A_283 : i1 to i32
          %cond3A_285 = arith.constant 0 : i32
          %cond3A_286 = arith.cmpi ne, %convert_element_type3A_284, %cond3A_285 : i32
          scf.if %cond3A_286 {
            %dma_wait3A_351 = arith.constant 0 : i32
            %dma_wait3A_352 = arith.constant 0 : i32
            %dma_wait3A_353 = arith.constant 0 : i32
            %dma_wait3A_354 = tpu.memref_slice %arg17[%dma_wait3A_351, %dma_wait3A_352, %dma_wait3A_353] : memref<2x64x144xf32, #tpu.memory_space<vmem>> -> memref<1x64x144xf32, #tpu.memory_space<vmem>>
            %dma_wait3A_355 = tpu.memref_squeeze %dma_wait3A_354 : memref<1x64x144xf32, #tpu.memory_space<vmem>> -> memref<64x144xf32, #tpu.memory_space<vmem>>
            %dma_wait3A_356 = arith.constant 0 : i32
            %dma_wait3A_357 = arith.constant 0 : i32
            %dma_wait3A_358 = tpu.memref_slice %arg18[%dma_wait3A_356, %dma_wait3A_357] : memref<9280x144xf32, #tpu.memory_space<vmem_shared>> -> memref<64x144xf32, #tpu.memory_space<vmem_shared>>
            %dma_wait3A_359 = arith.constant 0 : i32
            %dma_wait3A_360 = arith.constant 0 : i32
            %dma_wait3A_361 = tpu.memref_slice %arg18[%dma_wait3A_359, %dma_wait3A_360] : memref<9280x144xf32, #tpu.memory_space<vmem_shared>> -> memref<64x144xf32, #tpu.memory_space<vmem_shared>>
            %dma_wait3A_362 = arith.constant 0 : i32
            %dma_wait3A_363 = arith.constant 0 : i32
            %dma_wait3A_364 = tpu.memref_slice %arg17[%dma_wait3A_351, %dma_wait3A_362, %dma_wait3A_363] : memref<2x64x144xf32, #tpu.memory_space<vmem>> -> memref<1x64x144xf32, #tpu.memory_space<vmem>>
            %dma_wait3A_365 = tpu.memref_squeeze %dma_wait3A_364 : memref<1x64x144xf32, #tpu.memory_space<vmem>> -> memref<64x144xf32, #tpu.memory_space<vmem>>
            tpu.wait_dma2 semaphore(%arg20 : memref<!tpu.dma_semaphore, #tpu.memory_space<semaphore_mem>>) src(%dma_wait3A_365 : memref<64x144xf32, #tpu.memory_space<vmem>>) dst(%dma_wait3A_361 : memref<64x144xf32, #tpu.memory_space<vmem_shared>>)
          } else {
          }
          %add3A_287 = arith.constant 1 : i32
          %add3A_288 = arith.addi %while3A_250, %add3A_287 : i32
          %lt3A_289 = arith.cmpi slt, %add3A_288, %select_n3A_162 : i32
          %convert_element_type3A_290 = arith.extui %lt3A_289 : i1 to i32
          %cond3A_291 = arith.constant 0 : i32
          %cond3A_292 = arith.cmpi ne, %convert_element_type3A_290, %cond3A_291 : i32
          scf.if %cond3A_292 {
            %add3A_351 = arith.constant 1 : i32
            %add3A_352 = arith.addi %while3A_250, %add3A_351 : i32
            %jit3A_353 = arith.constant 2 : i32
            %eq3A_354 = arith.constant 0 : i32
            %eq3A_355 = arith.cmpi eq, %jit3A_353, %eq3A_354 : i32
            %jit3A_356 = arith.constant 1 : i32
            %select_n3A_357 = arith.select %eq3A_355, %jit3A_356, %jit3A_353 : i32
            %rem3A_358 = arith.remsi %add3A_352, %select_n3A_357 : i32
            %ne3A_359 = arith.constant 0 : i32
            %ne3A_360 = arith.cmpi ne, %rem3A_358, %ne3A_359 : i32
            %lt3A_361 = arith.constant 0 : i32
            %lt3A_362 = arith.cmpi slt, %rem3A_358, %lt3A_361 : i32
            %lt3A_363 = arith.constant 0 : i32
            %lt3A_364 = arith.cmpi slt, %select_n3A_357, %lt3A_363 : i32
            %ne3A_365 = arith.xori %lt3A_362, %lt3A_364 : i1
            %and3A_366 = arith.andi %ne3A_365, %ne3A_360 : i1
            %add3A_367 = arith.addi %rem3A_358, %select_n3A_357 : i32
            %select_n3A_368 = arith.select %and3A_366, %add3A_367, %rem3A_358 : i32
            %jit3A_369 = arith.constant 3 : i32
            %eq3A_370 = arith.constant 0 : i32
            %eq3A_371 = arith.cmpi eq, %jit3A_369, %eq3A_370 : i32
            %jit3A_372 = arith.constant 1 : i32
            %select_n3A_373 = arith.select %eq3A_371, %jit3A_372, %jit3A_369 : i32
            %rem3A_374 = arith.remsi %add3A_352, %select_n3A_373 : i32
            %ne3A_375 = arith.constant 0 : i32
            %ne3A_376 = arith.cmpi ne, %rem3A_374, %ne3A_375 : i32
            %lt3A_377 = arith.constant 0 : i32
            %lt3A_378 = arith.cmpi slt, %rem3A_374, %lt3A_377 : i32
            %lt3A_379 = arith.constant 0 : i32
            %lt3A_380 = arith.cmpi slt, %select_n3A_373, %lt3A_379 : i32
            %ne3A_381 = arith.xori %lt3A_378, %lt3A_380 : i1
            %and3A_382 = arith.andi %ne3A_381, %ne3A_376 : i1
            %add3A_383 = arith.addi %rem3A_374, %select_n3A_373 : i32
            %select_n3A_384 = arith.select %and3A_382, %add3A_383, %rem3A_374 : i32
            %scan3A_385 = arith.constant 0 : i32
            %scan3A_386 = arith.constant 0 : i32
            %scan3A_387 = arith.constant 4 : i32
            %scan3A_388 = arith.addi %scan3A_386, %scan3A_387 : i32
            %scan3A_389 = arith.constant 1 : i32
            %scan3A_390 = scf.for %scan3A_440 = %scan3A_386 to %scan3A_388 step %scan3A_389 iter_args(%scan3A_441 = %scan3A_385) -> (i32)  : i32 {
              %mul3A_442 = arith.constant 64 : i32
              %mul3A_443 = arith.muli %add3A_352, %mul3A_442 : i32
              %mul3A_444 = arith.constant 16 : i32
              %mul3A_445 = arith.muli %scan3A_440, %mul3A_444 : i32
              %add3A_446 = arith.addi %mul3A_443, %mul3A_445 : i32
              %get3A = arith.index_cast %add3A_446 : i32 to index
              %get3A_447 = tpu.vector_load %arg10[%get3A] {strides = array<i32>} : memref<4480xi32, #tpu.memory_space<vmem>>, vector<16xi32>,
              %shift_right_logical3A = arith.constant 14 : i32
              %shift_right_logical3A_448 = vector.broadcast %shift_right_logical3A : i32 to vector<16xi32>
              %shift_right_logical3A_449 = arith.shrui %get3A_447, %shift_right_logical3A_448 : vector<16xi32>
              %and3A_450 = arith.constant 16383 : i32
              %and3A_451 = vector.broadcast %and3A_450 : i32 to vector<16xi32>
              %and3A_452 = arith.andi %get3A_447, %and3A_451 : vector<16xi32>
              %mul3A_453 = arith.constant 64 : i32
              %mul3A_454 = arith.muli %add3A_352, %mul3A_453 : i32
              %mul3A_455 = arith.constant 16 : i32
              %mul3A_456 = arith.muli %scan3A_440, %mul3A_455 : i32
              %add3A_457 = arith.addi %mul3A_454, %mul3A_456 : i32
              %add3A_458 = vector.broadcast %add3A_457 : i32 to vector<16xi32>
              %add3A_459 = arith.addi %add3A_458, %iota3A : vector<16xi32>
              %mul3A_460 = arith.constant 16 : i32
              %mul3A_461 = arith.muli %scan3A_440, %mul3A_460 : i32
              %swap3A = arith.index_cast %select_n3A_368 : i32 to index
              %swap3A_462 = arith.index_cast %mul3A_461 : i32 to index
              %swap3A_463 = tpu.vector_load %arg11[%swap3A, %swap3A_462] {strides = array<i32>} : memref<2x64xi32, #tpu.memory_space<vmem>>, vector<16xi32>,
              tpu.vector_store %arg11[%swap3A, %swap3A_462], %shift_right_logical3A_449 {strides = array<i32>} : memref<2x64xi32, #tpu.memory_space<vmem>>, vector<16xi32>,
              %add3A_464 = vector.broadcast %add3A : i32 to vector<16xi32>
              %add3A_465 = arith.addi %and3A_452, %add3A_464 : vector<16xi32>
              %mul3A_466 = arith.constant 16 : i32
              %mul3A_467 = arith.muli %scan3A_440, %mul3A_466 : i32
              %swap3A_468 = arith.index_cast %select_n3A_368 : i32 to index
              %swap3A_469 = arith.index_cast %mul3A_467 : i32 to index
              %swap3A_470 = tpu.vector_load %arg12[%swap3A_468, %swap3A_469] {strides = array<i32>} : memref<2x64xi32, #tpu.memory_space<vmem>>, vector<16xi32>,
              tpu.vector_store %arg12[%swap3A_468, %swap3A_469], %add3A_465 {strides = array<i32>} : memref<2x64xi32, #tpu.memory_space<vmem>>, vector<16xi32>,
              %lt3A_471 = vector.broadcast %scan3A_109 : i32 to vector<16xi32>
              %lt3A_472 = arith.cmpi slt, %add3A_459, %lt3A_471 : vector<16xi32>
              %jit3A_473 = arith.constant 9216 : i32
              %broadcast_in_dim3A_474 = vector.broadcast %jit3A_473 : i32 to vector<16xi32>
              %select_n3A_475 = arith.select %lt3A_472, %and3A_452, %broadcast_in_dim3A_474 : vector<16xi1>, vector<16xi32>
              %mul3A_476 = arith.constant 16 : i32
              %mul3A_477 = arith.muli %scan3A_440, %mul3A_476 : i32
              %swap3A_478 = arith.index_cast %select_n3A_384 : i32 to index
              %swap3A_479 = arith.index_cast %mul3A_477 : i32 to index
              %swap3A_480 = tpu.vector_load %arg13[%swap3A_478, %swap3A_479] {strides = array<i32>} : memref<3x64xi32, #tpu.memory_space<vmem>>, vector<16xi32>,
              tpu.vector_store %arg13[%swap3A_478, %swap3A_479], %select_n3A_475 {strides = array<i32>} : memref<3x64xi32, #tpu.memory_space<vmem>>, vector<16xi32>,
              %scan3A_481 = arith.constant 0 : i32
              scf.yield %scan3A_481 : i32
            }
            %scan3A_391 = arith.constant 4 : i32
            %add3A_392 = arith.constant 1 : i32
            %add3A_393 = arith.addi %while3A_250, %add3A_392 : i32
            %jit3A_394 = arith.constant 2 : i32
            %eq3A_395 = arith.constant 0 : i32
            %eq3A_396 = arith.cmpi eq, %jit3A_394, %eq3A_395 : i32
            %jit3A_397 = arith.constant 1 : i32
            %select_n3A_398 = arith.select %eq3A_396, %jit3A_397, %jit3A_394 : i32
            %rem3A_399 = arith.remsi %add3A_393, %select_n3A_398 : i32
            %ne3A_400 = arith.constant 0 : i32
            %ne3A_401 = arith.cmpi ne, %rem3A_399, %ne3A_400 : i32
            %lt3A_402 = arith.constant 0 : i32
            %lt3A_403 = arith.cmpi slt, %rem3A_399, %lt3A_402 : i32
            %lt3A_404 = arith.constant 0 : i32
            %lt3A_405 = arith.cmpi slt, %select_n3A_398, %lt3A_404 : i32
            %ne3A_406 = arith.xori %lt3A_403, %lt3A_405 : i1
            %and3A_407 = arith.andi %ne3A_406, %ne3A_401 : i1
            %add3A_408 = arith.addi %rem3A_399, %select_n3A_398 : i32
            %select_n3A_409 = arith.select %and3A_407, %add3A_408, %rem3A_399 : i32
            %dma_start3A_410 = arith.constant 0 : i32
            %dma_start3A_411 = arith.constant 0 : i32
            %dma_start3A_412 = tpu.memref_slice %arg14[%select_n3A_409, %dma_start3A_410, %dma_start3A_411] : memref<2x64x64xf32, #tpu.memory_space<vmem>> -> memref<1x64x64xf32, #tpu.memory_space<vmem>>
            %dma_start3A_413 = tpu.memref_squeeze %dma_start3A_412 : memref<1x64x64xf32, #tpu.memory_space<vmem>> -> memref<64x64xf32, #tpu.memory_space<vmem>>
            %dma_start3A_414 = arith.constant 0 : i32
            %dma_start3A_415 = tpu.memref_slice %arg11[%select_n3A_409, %dma_start3A_414] : memref<2x64xi32, #tpu.memory_space<vmem>> -> memref<1x64xi32, #tpu.memory_space<vmem>>
            %dma_start3A_416 = tpu.memref_squeeze %dma_start3A_415 : memref<1x64xi32, #tpu.memory_space<vmem>> -> memref<64xi32, #tpu.memory_space<vmem>>
            %dma_start3A_417 = arith.constant 0 : i32
            %dma_start3A_418 = arith.constant 0 : i32
            %dma_start3A_419 = tpu.memref_slice %arg2[%dma_start3A_417, %dma_start3A_418] : memref<66125x64xf32, #tpu.memory_space<hbm>> -> memref<66125x64xf32, #tpu.memory_space<hbm>>
            tpu.enqueue_indirect_dma source(%dma_start3A_419 : memref<66125x64xf32, #tpu.memory_space<hbm>>) target(%dma_start3A_413 : memref<64x64xf32, #tpu.memory_space<vmem>>) offsets(%dma_start3A_416 : memref<64xi32, #tpu.memory_space<vmem>>) semaphore(%arg19 : memref<!tpu.dma_semaphore, #tpu.memory_space<semaphore_mem>>)
            %dma_start3A_420 = arith.constant 0 : i32
            %dma_start3A_421 = arith.constant 0 : i32
            %dma_start3A_422 = tpu.memref_slice %arg15[%select_n3A_409, %dma_start3A_420, %dma_start3A_421] : memref<2x64x16xf32, #tpu.memory_space<vmem>> -> memref<1x64x16xf32, #tpu.memory_space<vmem>>
            %dma_start3A_423 = tpu.memref_squeeze %dma_start3A_422 : memref<1x64x16xf32, #tpu.memory_space<vmem>> -> memref<64x16xf32, #tpu.memory_space<vmem>>
            %dma_start3A_424 = arith.constant 0 : i32
            %dma_start3A_425 = tpu.memref_slice %arg11[%select_n3A_409, %dma_start3A_424] : memref<2x64xi32, #tpu.memory_space<vmem>> -> memref<1x64xi32, #tpu.memory_space<vmem>>
            %dma_start3A_426 = tpu.memref_squeeze %dma_start3A_425 : memref<1x64xi32, #tpu.memory_space<vmem>> -> memref<64xi32, #tpu.memory_space<vmem>>
            %dma_start3A_427 = arith.constant 0 : i32
            %dma_start3A_428 = arith.constant 0 : i32
            %dma_start3A_429 = tpu.memref_slice %arg3[%dma_start3A_427, %dma_start3A_428] : memref<67584x16xf32, #tpu.memory_space<hbm>> -> memref<67584x16xf32, #tpu.memory_space<hbm>>
            tpu.enqueue_indirect_dma source(%dma_start3A_429 : memref<67584x16xf32, #tpu.memory_space<hbm>>) target(%dma_start3A_423 : memref<64x16xf32, #tpu.memory_space<vmem>>) offsets(%dma_start3A_426 : memref<64xi32, #tpu.memory_space<vmem>>) semaphore(%arg19 : memref<!tpu.dma_semaphore, #tpu.memory_space<semaphore_mem>>)
            %dma_start3A_430 = arith.constant 0 : i32
            %dma_start3A_431 = arith.constant 0 : i32
            %dma_start3A_432 = tpu.memref_slice %arg16[%select_n3A_409, %dma_start3A_430, %dma_start3A_431] : memref<2x64x16xf32, #tpu.memory_space<vmem>> -> memref<1x64x16xf32, #tpu.memory_space<vmem>>
            %dma_start3A_433 = tpu.memref_squeeze %dma_start3A_432 : memref<1x64x16xf32, #tpu.memory_space<vmem>> -> memref<64x16xf32, #tpu.memory_space<vmem>>
            %dma_start3A_434 = arith.constant 0 : i32
            %dma_start3A_435 = tpu.memref_slice %arg12[%select_n3A_409, %dma_start3A_434] : memref<2x64xi32, #tpu.memory_space<vmem>> -> memref<1x64xi32, #tpu.memory_space<vmem>>
            %dma_start3A_436 = tpu.memref_squeeze %dma_start3A_435 : memref<1x64xi32, #tpu.memory_space<vmem>> -> memref<64xi32, #tpu.memory_space<vmem>>
            %dma_start3A_437 = arith.constant 0 : i32
            %dma_start3A_438 = arith.constant 0 : i32
            %dma_start3A_439 = tpu.memref_slice %arg4[%dma_start3A_437, %dma_start3A_438] : memref<67584x16xf32, #tpu.memory_space<hbm>> -> memref<67584x16xf32, #tpu.memory_space<hbm>>
            tpu.enqueue_indirect_dma source(%dma_start3A_439 : memref<67584x16xf32, #tpu.memory_space<hbm>>) target(%dma_start3A_433 : memref<64x16xf32, #tpu.memory_space<vmem>>) offsets(%dma_start3A_436 : memref<64xi32, #tpu.memory_space<vmem>>) semaphore(%arg19 : memref<!tpu.dma_semaphore, #tpu.memory_space<semaphore_mem>>)
          } else {
          }
          %dma_wait3A = arith.constant 0 : i32
          %dma_wait3A_293 = arith.constant 0 : i32
          %dma_wait3A_294 = tpu.memref_slice %arg14[%select_n3A_266, %dma_wait3A, %dma_wait3A_293] : memref<2x64x64xf32, #tpu.memory_space<vmem>> -> memref<1x64x64xf32, #tpu.memory_space<vmem>>
          %dma_wait3A_295 = tpu.memref_squeeze %dma_wait3A_294 : memref<1x64x64xf32, #tpu.memory_space<vmem>> -> memref<64x64xf32, #tpu.memory_space<vmem>>
          %dma_wait3A_296 = arith.constant 0 : i32
          %dma_wait3A_297 = arith.constant 0 : i32
          %dma_wait3A_298 = tpu.memref_slice %arg2[%dma_wait3A_296, %dma_wait3A_297] : memref<66125x64xf32, #tpu.memory_space<hbm>> -> memref<64x64xf32, #tpu.memory_space<hbm>>
          %dma_wait3A_299 = arith.constant 0 : i32
          %dma_wait3A_300 = arith.constant 0 : i32
          %dma_wait3A_301 = tpu.memref_slice %arg14[%select_n3A_266, %dma_wait3A_299, %dma_wait3A_300] : memref<2x64x64xf32, #tpu.memory_space<vmem>> -> memref<1x64x64xf32, #tpu.memory_space<vmem>>
          %dma_wait3A_302 = tpu.memref_squeeze %dma_wait3A_301 : memref<1x64x64xf32, #tpu.memory_space<vmem>> -> memref<64x64xf32, #tpu.memory_space<vmem>>
          %dma_wait3A_303 = arith.constant 0 : i32
          %dma_wait3A_304 = arith.constant 0 : i32
          %dma_wait3A_305 = tpu.memref_slice %arg2[%dma_wait3A_303, %dma_wait3A_304] : memref<66125x64xf32, #tpu.memory_space<hbm>> -> memref<64x64xf32, #tpu.memory_space<hbm>>
          tpu.wait_dma2 semaphore(%arg19 : memref<!tpu.dma_semaphore, #tpu.memory_space<semaphore_mem>>) src(%dma_wait3A_305 : memref<64x64xf32, #tpu.memory_space<hbm>>) dst(%dma_wait3A_302 : memref<64x64xf32, #tpu.memory_space<vmem>>)
          %dma_wait3A_306 = arith.constant 0 : i32
          %dma_wait3A_307 = arith.constant 0 : i32
          %dma_wait3A_308 = tpu.memref_slice %arg15[%select_n3A_266, %dma_wait3A_306, %dma_wait3A_307] : memref<2x64x16xf32, #tpu.memory_space<vmem>> -> memref<1x64x16xf32, #tpu.memory_space<vmem>>
          %dma_wait3A_309 = tpu.memref_squeeze %dma_wait3A_308 : memref<1x64x16xf32, #tpu.memory_space<vmem>> -> memref<64x16xf32, #tpu.memory_space<vmem>>
          %dma_wait3A_310 = arith.constant 0 : i32
          %dma_wait3A_311 = arith.constant 0 : i32
          %dma_wait3A_312 = tpu.memref_slice %arg3[%dma_wait3A_310, %dma_wait3A_311] : memref<67584x16xf32, #tpu.memory_space<hbm>> -> memref<64x16xf32, #tpu.memory_space<hbm>>
          %dma_wait3A_313 = arith.constant 0 : i32
          %dma_wait3A_314 = arith.constant 0 : i32
          %dma_wait3A_315 = tpu.memref_slice %arg15[%select_n3A_266, %dma_wait3A_313, %dma_wait3A_314] : memref<2x64x16xf32, #tpu.memory_space<vmem>> -> memref<1x64x16xf32, #tpu.memory_space<vmem>>
          %dma_wait3A_316 = tpu.memref_squeeze %dma_wait3A_315 : memref<1x64x16xf32, #tpu.memory_space<vmem>> -> memref<64x16xf32, #tpu.memory_space<vmem>>
          %dma_wait3A_317 = arith.constant 0 : i32
          %dma_wait3A_318 = arith.constant 0 : i32
          %dma_wait3A_319 = tpu.memref_slice %arg3[%dma_wait3A_317, %dma_wait3A_318] : memref<67584x16xf32, #tpu.memory_space<hbm>> -> memref<64x16xf32, #tpu.memory_space<hbm>>
          tpu.wait_dma2 semaphore(%arg19 : memref<!tpu.dma_semaphore, #tpu.memory_space<semaphore_mem>>) src(%dma_wait3A_319 : memref<64x16xf32, #tpu.memory_space<hbm>>) dst(%dma_wait3A_316 : memref<64x16xf32, #tpu.memory_space<vmem>>)
          %dma_wait3A_320 = arith.constant 0 : i32
          %dma_wait3A_321 = arith.constant 0 : i32
          %dma_wait3A_322 = tpu.memref_slice %arg16[%select_n3A_266, %dma_wait3A_320, %dma_wait3A_321] : memref<2x64x16xf32, #tpu.memory_space<vmem>> -> memref<1x64x16xf32, #tpu.memory_space<vmem>>
          %dma_wait3A_323 = tpu.memref_squeeze %dma_wait3A_322 : memref<1x64x16xf32, #tpu.memory_space<vmem>> -> memref<64x16xf32, #tpu.memory_space<vmem>>
          %dma_wait3A_324 = arith.constant 0 : i32
          %dma_wait3A_325 = arith.constant 0 : i32
          %dma_wait3A_326 = tpu.memref_slice %arg4[%dma_wait3A_324, %dma_wait3A_325] : memref<67584x16xf32, #tpu.memory_space<hbm>> -> memref<64x16xf32, #tpu.memory_space<hbm>>
          %dma_wait3A_327 = arith.constant 0 : i32
          %dma_wait3A_328 = arith.constant 0 : i32
          %dma_wait3A_329 = tpu.memref_slice %arg16[%select_n3A_266, %dma_wait3A_327, %dma_wait3A_328] : memref<2x64x16xf32, #tpu.memory_space<vmem>> -> memref<1x64x16xf32, #tpu.memory_space<vmem>>
          %dma_wait3A_330 = tpu.memref_squeeze %dma_wait3A_329 : memref<1x64x16xf32, #tpu.memory_space<vmem>> -> memref<64x16xf32, #tpu.memory_space<vmem>>
          %dma_wait3A_331 = arith.constant 0 : i32
          %dma_wait3A_332 = arith.constant 0 : i32
          %dma_wait3A_333 = tpu.memref_slice %arg4[%dma_wait3A_331, %dma_wait3A_332] : memref<67584x16xf32, #tpu.memory_space<hbm>> -> memref<64x16xf32, #tpu.memory_space<hbm>>
          tpu.wait_dma2 semaphore(%arg19 : memref<!tpu.dma_semaphore, #tpu.memory_space<semaphore_mem>>) src(%dma_wait3A_333 : memref<64x16xf32, #tpu.memory_space<hbm>>) dst(%dma_wait3A_330 : memref<64x16xf32, #tpu.memory_space<vmem>>)
          %scan3A_334 = arith.constant 0 : i32
          %scan3A_335 = arith.constant 0 : i32
          %scan3A_336 = arith.constant 4 : i32
          %scan3A_337 = arith.addi %scan3A_335, %scan3A_336 : i32
          %scan3A_338 = arith.constant 1 : i32
          %scan3A_339 = scf.for %scan3A_351 = %scan3A_335 to %scan3A_337 step %scan3A_338 iter_args(%scan3A_352 = %scan3A_334) -> (i32)  : i32 {
            %mul3A_353 = arith.constant 16 : i32
            %mul3A_354 = arith.muli %scan3A_351, %mul3A_353 : i32
            %add3A_355 = arith.constant 0 : i32
            %add3A_356 = arith.addi %mul3A_354, %add3A_355 : i32
            %get3A = arith.index_cast %select_n3A_266 : i32 to index
            %get3A_357 = arith.index_cast %add3A_356 : i32 to index
            %get3A_358 = arith.constant 0 : index
            %get3A_359 = tpu.vector_load %arg15[%get3A, %get3A_357, %get3A_358] {strides = array<i32>} : memref<2x64x16xf32, #tpu.memory_space<vmem>>, vector<16xf32>,
            %get3A_360 = arith.index_cast %select_n3A_266 : i32 to index
            %get3A_361 = arith.index_cast %add3A_356 : i32 to index
            %get3A_362 = arith.constant 0 : index
            %get3A_363 = tpu.vector_load %arg16[%get3A_360, %get3A_361, %get3A_362] {strides = array<i32>} : memref<2x64x16xf32, #tpu.memory_space<vmem>>, vector<16xf32>,
            %add3A_364 = arith.addf %get3A_359, %get3A_363 : vector<16xf32>
            %ge3A_365 = arith.constant 0.000000e+00 : f32
            %ge3A_366 = vector.broadcast %ge3A_365 : f32 to vector<16xf32>
            %ge3A_367 = arith.cmpf oge, %add3A_364, %ge3A_366 : vector<16xf32>
            %mul3A_368 = arith.constant 2.000000e-01 : f32
            %mul3A_369 = vector.broadcast %mul3A_368 : f32 to vector<16xf32>
            %mul3A_370 = arith.mulf %mul3A_369, %add3A_364 : vector<16xf32>
            %select_n3A_371 = arith.select %ge3A_367, %add3A_364, %mul3A_370 : vector<16xi1>, vector<16xf32>
            %exp3A = math.exp %select_n3A_371 : vector<16xf32>
            %slice3A = vector.extract_strided_slice %exp3A {offsets = [0], sizes = [1], strides = [1]} : vector<16xf32> to vector<1xf32>
            %squeeze3A = vector.extract %slice3A[0] : f32 from vector<1xf32>
            %slice3A_372 = vector.extract_strided_slice %exp3A {offsets = [1], sizes = [1], strides = [1]} : vector<16xf32> to vector<1xf32>
            %squeeze3A_373 = vector.extract %slice3A_372[0] : f32 from vector<1xf32>
            %get3A_374 = arith.index_cast %select_n3A_266 : i32 to index
            %get3A_375 = arith.index_cast %add3A_356 : i32 to index
            %get3A_376 = arith.constant 0 : index
            %get3A_377 = tpu.vector_load %arg14[%get3A_374, %get3A_375, %get3A_376] {strides = array<i32>} : memref<2x64x64xf32, #tpu.memory_space<vmem>>, vector<16xf32>,
            %mul3A_378 = vector.broadcast %squeeze3A : f32 to vector<16xf32>
            %mul3A_379 = arith.mulf %get3A_377, %mul3A_378 : vector<16xf32>
            %swap3A = arith.index_cast %select_n3A_266 : i32 to index
            %swap3A_380 = arith.index_cast %add3A_356 : i32 to index
            %swap3A_381 = arith.constant 0 : index
            %swap3A_382 = tpu.vector_load %arg17[%swap3A, %swap3A_380, %swap3A_381] {strides = array<i32>} : memref<2x64x144xf32, #tpu.memory_space<vmem>>, vector<16xf32>,
            tpu.vector_store %arg17[%swap3A, %swap3A_380, %swap3A_381], %mul3A_379 {strides = array<i32>} : memref<2x64x144xf32, #tpu.memory_space<vmem>>, vector<16xf32>,
            %mul3A_383 = vector.broadcast %squeeze3A_373 : f32 to vector<16xf32>
            %mul3A_384 = arith.mulf %get3A_377, %mul3A_383 : vector<16xf32>
            %swap3A_385 = arith.index_cast %select_n3A_266 : i32 to index
            %swap3A_386 = arith.index_cast %add3A_356 : i32 to index
            %swap3A_387 = arith.constant 64 : index
            %swap3A_388 = tpu.vector_load %arg17[%swap3A_385, %swap3A_386, %swap3A_387] {strides = array<i32>} : memref<2x64x144xf32, #tpu.memory_space<vmem>>, vector<16xf32>,
            tpu.vector_store %arg17[%swap3A_385, %swap3A_386, %swap3A_387], %mul3A_384 {strides = array<i32>} : memref<2x64x144xf32, #tpu.memory_space<vmem>>, vector<16xf32>,
            %get3A_389 = arith.index_cast %select_n3A_266 : i32 to index
            %get3A_390 = arith.index_cast %add3A_356 : i32 to index
            %get3A_391 = arith.constant 16 : index
            %get3A_392 = tpu.vector_load %arg14[%get3A_389, %get3A_390, %get3A_391] {strides = array<i32>} : memref<2x64x64xf32, #tpu.memory_space<vmem>>, vector<16xf32>,
            %mul3A_393 = vector.broadcast %squeeze3A : f32 to vector<16xf32>
            %mul3A_394 = arith.mulf %get3A_392, %mul3A_393 : vector<16xf32>
            %swap3A_395 = arith.index_cast %select_n3A_266 : i32 to index
            %swap3A_396 = arith.index_cast %add3A_356 : i32 to index
            %swap3A_397 = arith.constant 16 : index
            %swap3A_398 = tpu.vector_load %arg17[%swap3A_395, %swap3A_396, %swap3A_397] {strides = array<i32>} : memref<2x64x144xf32, #tpu.memory_space<vmem>>, vector<16xf32>,
            tpu.vector_store %arg17[%swap3A_395, %swap3A_396, %swap3A_397], %mul3A_394 {strides = array<i32>} : memref<2x64x144xf32, #tpu.memory_space<vmem>>, vector<16xf32>,
            %mul3A_399 = vector.broadcast %squeeze3A_373 : f32 to vector<16xf32>
            %mul3A_400 = arith.mulf %get3A_392, %mul3A_399 : vector<16xf32>
            %swap3A_401 = arith.index_cast %select_n3A_266 : i32 to index
            %swap3A_402 = arith.index_cast %add3A_356 : i32 to index
            %swap3A_403 = arith.constant 80 : index
            %swap3A_404 = tpu.vector_load %arg17[%swap3A_401, %swap3A_402, %swap3A_403] {strides = array<i32>} : memref<2x64x144xf32, #tpu.memory_space<vmem>>, vector<16xf32>,
            tpu.vector_store %arg17[%swap3A_401, %swap3A_402, %swap3A_403], %mul3A_400 {strides = array<i32>} : memref<2x64x144xf32, #tpu.memory_space<vmem>>, vector<16xf32>,
            %get3A_405 = arith.index_cast %select_n3A_266 : i32 to index
            %get3A_406 = arith.index_cast %add3A_356 : i32 to index
            %get3A_407 = arith.constant 32 : index
            %get3A_408 = tpu.vector_load %arg14[%get3A_405, %get3A_406, %get3A_407] {strides = array<i32>} : memref<2x64x64xf32, #tpu.memory_space<vmem>>, vector<16xf32>,
            %mul3A_409 = vector.broadcast %squeeze3A : f32 to vector<16xf32>
            %mul3A_410 = arith.mulf %get3A_408, %mul3A_409 : vector<16xf32>
            %swap3A_411 = arith.index_cast %select_n3A_266 : i32 to index
            %swap3A_412 = arith.index_cast %add3A_356 : i32 to index
            %swap3A_413 = arith.constant 32 : index
            %swap3A_414 = tpu.vector_load %arg17[%swap3A_411, %swap3A_412, %swap3A_413] {strides = array<i32>} : memref<2x64x144xf32, #tpu.memory_space<vmem>>, vector<16xf32>,
            tpu.vector_store %arg17[%swap3A_411, %swap3A_412, %swap3A_413], %mul3A_410 {strides = array<i32>} : memref<2x64x144xf32, #tpu.memory_space<vmem>>, vector<16xf32>,
            %mul3A_415 = vector.broadcast %squeeze3A_373 : f32 to vector<16xf32>
            %mul3A_416 = arith.mulf %get3A_408, %mul3A_415 : vector<16xf32>
            %swap3A_417 = arith.index_cast %select_n3A_266 : i32 to index
            %swap3A_418 = arith.index_cast %add3A_356 : i32 to index
            %swap3A_419 = arith.constant 96 : index
            %swap3A_420 = tpu.vector_load %arg17[%swap3A_417, %swap3A_418, %swap3A_419] {strides = array<i32>} : memref<2x64x144xf32, #tpu.memory_space<vmem>>, vector<16xf32>,
            tpu.vector_store %arg17[%swap3A_417, %swap3A_418, %swap3A_419], %mul3A_416 {strides = array<i32>} : memref<2x64x144xf32, #tpu.memory_space<vmem>>, vector<16xf32>,
            %get3A_421 = arith.index_cast %select_n3A_266 : i32 to index
            %get3A_422 = arith.index_cast %add3A_356 : i32 to index
            %get3A_423 = arith.constant 48 : index
            %get3A_424 = tpu.vector_load %arg14[%get3A_421, %get3A_422, %get3A_423] {strides = array<i32>} : memref<2x64x64xf32, #tpu.memory_space<vmem>>, vector<16xf32>,
            %mul3A_425 = vector.broadcast %squeeze3A : f32 to vector<16xf32>
            %mul3A_426 = arith.mulf %get3A_424, %mul3A_425 : vector<16xf32>
            %swap3A_427 = arith.index_cast %select_n3A_266 : i32 to index
            %swap3A_428 = arith.index_cast %add3A_356 : i32 to index
            %swap3A_429 = arith.constant 48 : index
            %swap3A_430 = tpu.vector_load %arg17[%swap3A_427, %swap3A_428, %swap3A_429] {strides = array<i32>} : memref<2x64x144xf32, #tpu.memory_space<vmem>>, vector<16xf32>,
            tpu.vector_store %arg17[%swap3A_427, %swap3A_428, %swap3A_429], %mul3A_426 {strides = array<i32>} : memref<2x64x144xf32, #tpu.memory_space<vmem>>, vector<16xf32>,
            %mul3A_431 = vector.broadcast %squeeze3A_373 : f32 to vector<16xf32>
            %mul3A_432 = arith.mulf %get3A_424, %mul3A_431 : vector<16xf32>
            %swap3A_433 = arith.index_cast %select_n3A_266 : i32 to index
            %swap3A_434 = arith.index_cast %add3A_356 : i32 to index
            %swap3A_435 = arith.constant 112 : index
            %swap3A_436 = tpu.vector_load %arg17[%swap3A_433, %swap3A_434, %swap3A_435] {strides = array<i32>} : memref<2x64x144xf32, #tpu.memory_space<vmem>>, vector<16xf32>,
            tpu.vector_store %arg17[%swap3A_433, %swap3A_434, %swap3A_435], %mul3A_432 {strides = array<i32>} : memref<2x64x144xf32, #tpu.memory_space<vmem>>, vector<16xf32>,
            %lt3A_437 = arith.constant 2 : i32
            %lt3A_438 = vector.broadcast %lt3A_437 : i32 to vector<16xi32>
            %lt3A_439 = arith.cmpi slt, %iota3A, %lt3A_438 : vector<16xi32>
            %jit3A_440 = arith.constant 0.000000e+00 : f32
            %broadcast_in_dim3A_441 = vector.broadcast %jit3A_440 : f32 to vector<16xf32>
            %select_n3A_442 = arith.select %lt3A_439, %exp3A, %broadcast_in_dim3A_441 : vector<16xi1>, vector<16xf32>
            %swap3A_443 = arith.index_cast %select_n3A_266 : i32 to index
            %swap3A_444 = arith.index_cast %add3A_356 : i32 to index
            %swap3A_445 = arith.constant 128 : index
            %swap3A_446 = tpu.vector_load %arg17[%swap3A_443, %swap3A_444, %swap3A_445] {strides = array<i32>} : memref<2x64x144xf32, #tpu.memory_space<vmem>>, vector<16xf32>,
            tpu.vector_store %arg17[%swap3A_443, %swap3A_444, %swap3A_445], %select_n3A_442 {strides = array<i32>} : memref<2x64x144xf32, #tpu.memory_space<vmem>>, vector<16xf32>,
            %mul3A_447 = arith.constant 16 : i32
            %mul3A_448 = arith.muli %scan3A_351, %mul3A_447 : i32
            %add3A_449 = arith.constant 1 : i32
            %add3A_450 = arith.addi %mul3A_448, %add3A_449 : i32
            %get3A_451 = arith.index_cast %select_n3A_266 : i32 to index
            %get3A_452 = arith.index_cast %add3A_450 : i32 to index
            %get3A_453 = arith.constant 0 : index
            %get3A_454 = tpu.vector_load %arg15[%get3A_451, %get3A_452, %get3A_453] {strides = array<i32>} : memref<2x64x16xf32, #tpu.memory_space<vmem>>, vector<16xf32>,
            %get3A_455 = arith.index_cast %select_n3A_266 : i32 to index
            %get3A_456 = arith.index_cast %add3A_450 : i32 to index
            %get3A_457 = arith.constant 0 : index
            %get3A_458 = tpu.vector_load %arg16[%get3A_455, %get3A_456, %get3A_457] {strides = array<i32>} : memref<2x64x16xf32, #tpu.memory_space<vmem>>, vector<16xf32>,
            %add3A_459 = arith.addf %get3A_454, %get3A_458 : vector<16xf32>
            %ge3A_460 = arith.constant 0.000000e+00 : f32
            %ge3A_461 = vector.broadcast %ge3A_460 : f32 to vector<16xf32>
            %ge3A_462 = arith.cmpf oge, %add3A_459, %ge3A_461 : vector<16xf32>
            %mul3A_463 = arith.constant 2.000000e-01 : f32
            %mul3A_464 = vector.broadcast %mul3A_463 : f32 to vector<16xf32>
            %mul3A_465 = arith.mulf %mul3A_464, %add3A_459 : vector<16xf32>
            %select_n3A_466 = arith.select %ge3A_462, %add3A_459, %mul3A_465 : vector<16xi1>, vector<16xf32>
            %exp3A_467 = math.exp %select_n3A_466 : vector<16xf32>
            %slice3A_468 = vector.extract_strided_slice %exp3A_467 {offsets = [0], sizes = [1], strides = [1]} : vector<16xf32> to vector<1xf32>
            %squeeze3A_469 = vector.extract %slice3A_468[0] : f32 from vector<1xf32>
            %slice3A_470 = vector.extract_strided_slice %exp3A_467 {offsets = [1], sizes = [1], strides = [1]} : vector<16xf32> to vector<1xf32>
            %squeeze3A_471 = vector.extract %slice3A_470[0] : f32 from vector<1xf32>
            %get3A_472 = arith.index_cast %select_n3A_266 : i32 to index
            %get3A_473 = arith.index_cast %add3A_450 : i32 to index
            %get3A_474 = arith.constant 0 : index
            %get3A_475 = tpu.vector_load %arg14[%get3A_472, %get3A_473, %get3A_474] {strides = array<i32>} : memref<2x64x64xf32, #tpu.memory_space<vmem>>, vector<16xf32>,
            %mul3A_476 = vector.broadcast %squeeze3A_469 : f32 to vector<16xf32>
            %mul3A_477 = arith.mulf %get3A_475, %mul3A_476 : vector<16xf32>
            %swap3A_478 = arith.index_cast %select_n3A_266 : i32 to index
            %swap3A_479 = arith.index_cast %add3A_450 : i32 to index
            %swap3A_480 = arith.constant 0 : index
            %swap3A_481 = tpu.vector_load %arg17[%swap3A_478, %swap3A_479, %swap3A_480] {strides = array<i32>} : memref<2x64x144xf32, #tpu.memory_space<vmem>>, vector<16xf32>,
            tpu.vector_store %arg17[%swap3A_478, %swap3A_479, %swap3A_480], %mul3A_477 {strides = array<i32>} : memref<2x64x144xf32, #tpu.memory_space<vmem>>, vector<16xf32>,
            %mul3A_482 = vector.broadcast %squeeze3A_471 : f32 to vector<16xf32>
            %mul3A_483 = arith.mulf %get3A_475, %mul3A_482 : vector<16xf32>
            %swap3A_484 = arith.index_cast %select_n3A_266 : i32 to index
            %swap3A_485 = arith.index_cast %add3A_450 : i32 to index
            %swap3A_486 = arith.constant 64 : index
            %swap3A_487 = tpu.vector_load %arg17[%swap3A_484, %swap3A_485, %swap3A_486] {strides = array<i32>} : memref<2x64x144xf32, #tpu.memory_space<vmem>>, vector<16xf32>,
            tpu.vector_store %arg17[%swap3A_484, %swap3A_485, %swap3A_486], %mul3A_483 {strides = array<i32>} : memref<2x64x144xf32, #tpu.memory_space<vmem>>, vector<16xf32>,
            %get3A_488 = arith.index_cast %select_n3A_266 : i32 to index
            %get3A_489 = arith.index_cast %add3A_450 : i32 to index
            %get3A_490 = arith.constant 16 : index
            %get3A_491 = tpu.vector_load %arg14[%get3A_488, %get3A_489, %get3A_490] {strides = array<i32>} : memref<2x64x64xf32, #tpu.memory_space<vmem>>, vector<16xf32>,
            %mul3A_492 = vector.broadcast %squeeze3A_469 : f32 to vector<16xf32>
            %mul3A_493 = arith.mulf %get3A_491, %mul3A_492 : vector<16xf32>
            %swap3A_494 = arith.index_cast %select_n3A_266 : i32 to index
            %swap3A_495 = arith.index_cast %add3A_450 : i32 to index
            %swap3A_496 = arith.constant 16 : index
            %swap3A_497 = tpu.vector_load %arg17[%swap3A_494, %swap3A_495, %swap3A_496] {strides = array<i32>} : memref<2x64x144xf32, #tpu.memory_space<vmem>>, vector<16xf32>,
            tpu.vector_store %arg17[%swap3A_494, %swap3A_495, %swap3A_496], %mul3A_493 {strides = array<i32>} : memref<2x64x144xf32, #tpu.memory_space<vmem>>, vector<16xf32>,
            %mul3A_498 = vector.broadcast %squeeze3A_471 : f32 to vector<16xf32>
            %mul3A_499 = arith.mulf %get3A_491, %mul3A_498 : vector<16xf32>
            %swap3A_500 = arith.index_cast %select_n3A_266 : i32 to index
            %swap3A_501 = arith.index_cast %add3A_450 : i32 to index
            %swap3A_502 = arith.constant 80 : index
            %swap3A_503 = tpu.vector_load %arg17[%swap3A_500, %swap3A_501, %swap3A_502] {strides = array<i32>} : memref<2x64x144xf32, #tpu.memory_space<vmem>>, vector<16xf32>,
            tpu.vector_store %arg17[%swap3A_500, %swap3A_501, %swap3A_502], %mul3A_499 {strides = array<i32>} : memref<2x64x144xf32, #tpu.memory_space<vmem>>, vector<16xf32>,
            %get3A_504 = arith.index_cast %select_n3A_266 : i32 to index
            %get3A_505 = arith.index_cast %add3A_450 : i32 to index
            %get3A_506 = arith.constant 32 : index
            %get3A_507 = tpu.vector_load %arg14[%get3A_504, %get3A_505, %get3A_506] {strides = array<i32>} : memref<2x64x64xf32, #tpu.memory_space<vmem>>, vector<16xf32>,
            %mul3A_508 = vector.broadcast %squeeze3A_469 : f32 to vector<16xf32>
            %mul3A_509 = arith.mulf %get3A_507, %mul3A_508 : vector<16xf32>
            %swap3A_510 = arith.index_cast %select_n3A_266 : i32 to index
            %swap3A_511 = arith.index_cast %add3A_450 : i32 to index
            %swap3A_512 = arith.constant 32 : index
            %swap3A_513 = tpu.vector_load %arg17[%swap3A_510, %swap3A_511, %swap3A_512] {strides = array<i32>} : memref<2x64x144xf32, #tpu.memory_space<vmem>>, vector<16xf32>,
            tpu.vector_store %arg17[%swap3A_510, %swap3A_511, %swap3A_512], %mul3A_509 {strides = array<i32>} : memref<2x64x144xf32, #tpu.memory_space<vmem>>, vector<16xf32>,
            %mul3A_514 = vector.broadcast %squeeze3A_471 : f32 to vector<16xf32>
            %mul3A_515 = arith.mulf %get3A_507, %mul3A_514 : vector<16xf32>
            %swap3A_516 = arith.index_cast %select_n3A_266 : i32 to index
            %swap3A_517 = arith.index_cast %add3A_450 : i32 to index
            %swap3A_518 = arith.constant 96 : index
            %swap3A_519 = tpu.vector_load %arg17[%swap3A_516, %swap3A_517, %swap3A_518] {strides = array<i32>} : memref<2x64x144xf32, #tpu.memory_space<vmem>>, vector<16xf32>,
            tpu.vector_store %arg17[%swap3A_516, %swap3A_517, %swap3A_518], %mul3A_515 {strides = array<i32>} : memref<2x64x144xf32, #tpu.memory_space<vmem>>, vector<16xf32>,
            %get3A_520 = arith.index_cast %select_n3A_266 : i32 to index
            %get3A_521 = arith.index_cast %add3A_450 : i32 to index
            %get3A_522 = arith.constant 48 : index
            %get3A_523 = tpu.vector_load %arg14[%get3A_520, %get3A_521, %get3A_522] {strides = array<i32>} : memref<2x64x64xf32, #tpu.memory_space<vmem>>, vector<16xf32>,
            %mul3A_524 = vector.broadcast %squeeze3A_469 : f32 to vector<16xf32>
            %mul3A_525 = arith.mulf %get3A_523, %mul3A_524 : vector<16xf32>
            %swap3A_526 = arith.index_cast %select_n3A_266 : i32 to index
            %swap3A_527 = arith.index_cast %add3A_450 : i32 to index
            %swap3A_528 = arith.constant 48 : index
            %swap3A_529 = tpu.vector_load %arg17[%swap3A_526, %swap3A_527, %swap3A_528] {strides = array<i32>} : memref<2x64x144xf32, #tpu.memory_space<vmem>>, vector<16xf32>,
            tpu.vector_store %arg17[%swap3A_526, %swap3A_527, %swap3A_528], %mul3A_525 {strides = array<i32>} : memref<2x64x144xf32, #tpu.memory_space<vmem>>, vector<16xf32>,
            %mul3A_530 = vector.broadcast %squeeze3A_471 : f32 to vector<16xf32>
            %mul3A_531 = arith.mulf %get3A_523, %mul3A_530 : vector<16xf32>
            %swap3A_532 = arith.index_cast %select_n3A_266 : i32 to index
            %swap3A_533 = arith.index_cast %add3A_450 : i32 to index
            %swap3A_534 = arith.constant 112 : index
            %swap3A_535 = tpu.vector_load %arg17[%swap3A_532, %swap3A_533, %swap3A_534] {strides = array<i32>} : memref<2x64x144xf32, #tpu.memory_space<vmem>>, vector<16xf32>,
            tpu.vector_store %arg17[%swap3A_532, %swap3A_533, %swap3A_534], %mul3A_531 {strides = array<i32>} : memref<2x64x144xf32, #tpu.memory_space<vmem>>, vector<16xf32>,
            %lt3A_536 = arith.constant 2 : i32
            %lt3A_537 = vector.broadcast %lt3A_536 : i32 to vector<16xi32>
            %lt3A_538 = arith.cmpi slt, %iota3A, %lt3A_537 : vector<16xi32>
            %jit3A_539 = arith.constant 0.000000e+00 : f32
            %broadcast_in_dim3A_540 = vector.broadcast %jit3A_539 : f32 to vector<16xf32>
            %select_n3A_541 = arith.select %lt3A_538, %exp3A_467, %broadcast_in_dim3A_540 : vector<16xi1>, vector<16xf32>
            %swap3A_542 = arith.index_cast %select_n3A_266 : i32 to index
            %swap3A_543 = arith.index_cast %add3A_450 : i32 to index
            %swap3A_544 = arith.constant 128 : index
            %swap3A_545 = tpu.vector_load %arg17[%swap3A_542, %swap3A_543, %swap3A_544] {strides = array<i32>} : memref<2x64x144xf32, #tpu.memory_space<vmem>>, vector<16xf32>,
            tpu.vector_store %arg17[%swap3A_542, %swap3A_543, %swap3A_544], %select_n3A_541 {strides = array<i32>} : memref<2x64x144xf32, #tpu.memory_space<vmem>>, vector<16xf32>,
            %mul3A_546 = arith.constant 16 : i32
            %mul3A_547 = arith.muli %scan3A_351, %mul3A_546 : i32
            %add3A_548 = arith.constant 2 : i32
            %add3A_549 = arith.addi %mul3A_547, %add3A_548 : i32
            %get3A_550 = arith.index_cast %select_n3A_266 : i32 to index
            %get3A_551 = arith.index_cast %add3A_549 : i32 to index
            %get3A_552 = arith.constant 0 : index
            %get3A_553 = tpu.vector_load %arg15[%get3A_550, %get3A_551, %get3A_552] {strides = array<i32>} : memref<2x64x16xf32, #tpu.memory_space<vmem>>, vector<16xf32>,
            %get3A_554 = arith.index_cast %select_n3A_266 : i32 to index
            %get3A_555 = arith.index_cast %add3A_549 : i32 to index
            %get3A_556 = arith.constant 0 : index
            %get3A_557 = tpu.vector_load %arg16[%get3A_554, %get3A_555, %get3A_556] {strides = array<i32>} : memref<2x64x16xf32, #tpu.memory_space<vmem>>, vector<16xf32>,
            %add3A_558 = arith.addf %get3A_553, %get3A_557 : vector<16xf32>
            %ge3A_559 = arith.constant 0.000000e+00 : f32
            %ge3A_560 = vector.broadcast %ge3A_559 : f32 to vector<16xf32>
            %ge3A_561 = arith.cmpf oge, %add3A_558, %ge3A_560 : vector<16xf32>
            %mul3A_562 = arith.constant 2.000000e-01 : f32
            %mul3A_563 = vector.broadcast %mul3A_562 : f32 to vector<16xf32>
            %mul3A_564 = arith.mulf %mul3A_563, %add3A_558 : vector<16xf32>
            %select_n3A_565 = arith.select %ge3A_561, %add3A_558, %mul3A_564 : vector<16xi1>, vector<16xf32>
            %exp3A_566 = math.exp %select_n3A_565 : vector<16xf32>
            %slice3A_567 = vector.extract_strided_slice %exp3A_566 {offsets = [0], sizes = [1], strides = [1]} : vector<16xf32> to vector<1xf32>
            %squeeze3A_568 = vector.extract %slice3A_567[0] : f32 from vector<1xf32>
            %slice3A_569 = vector.extract_strided_slice %exp3A_566 {offsets = [1], sizes = [1], strides = [1]} : vector<16xf32> to vector<1xf32>
            %squeeze3A_570 = vector.extract %slice3A_569[0] : f32 from vector<1xf32>
            %get3A_571 = arith.index_cast %select_n3A_266 : i32 to index
            %get3A_572 = arith.index_cast %add3A_549 : i32 to index
            %get3A_573 = arith.constant 0 : index
            %get3A_574 = tpu.vector_load %arg14[%get3A_571, %get3A_572, %get3A_573] {strides = array<i32>} : memref<2x64x64xf32, #tpu.memory_space<vmem>>, vector<16xf32>,
            %mul3A_575 = vector.broadcast %squeeze3A_568 : f32 to vector<16xf32>
            %mul3A_576 = arith.mulf %get3A_574, %mul3A_575 : vector<16xf32>
            %swap3A_577 = arith.index_cast %select_n3A_266 : i32 to index
            %swap3A_578 = arith.index_cast %add3A_549 : i32 to index
            %swap3A_579 = arith.constant 0 : index
            %swap3A_580 = tpu.vector_load %arg17[%swap3A_577, %swap3A_578, %swap3A_579] {strides = array<i32>} : memref<2x64x144xf32, #tpu.memory_space<vmem>>, vector<16xf32>,
            tpu.vector_store %arg17[%swap3A_577, %swap3A_578, %swap3A_579], %mul3A_576 {strides = array<i32>} : memref<2x64x144xf32, #tpu.memory_space<vmem>>, vector<16xf32>,
            %mul3A_581 = vector.broadcast %squeeze3A_570 : f32 to vector<16xf32>
            %mul3A_582 = arith.mulf %get3A_574, %mul3A_581 : vector<16xf32>
            %swap3A_583 = arith.index_cast %select_n3A_266 : i32 to index
            %swap3A_584 = arith.index_cast %add3A_549 : i32 to index
            %swap3A_585 = arith.constant 64 : index
            %swap3A_586 = tpu.vector_load %arg17[%swap3A_583, %swap3A_584, %swap3A_585] {strides = array<i32>} : memref<2x64x144xf32, #tpu.memory_space<vmem>>, vector<16xf32>,
            tpu.vector_store %arg17[%swap3A_583, %swap3A_584, %swap3A_585], %mul3A_582 {strides = array<i32>} : memref<2x64x144xf32, #tpu.memory_space<vmem>>, vector<16xf32>,
            %get3A_587 = arith.index_cast %select_n3A_266 : i32 to index
            %get3A_588 = arith.index_cast %add3A_549 : i32 to index
            %get3A_589 = arith.constant 16 : index
            %get3A_590 = tpu.vector_load %arg14[%get3A_587, %get3A_588, %get3A_589] {strides = array<i32>} : memref<2x64x64xf32, #tpu.memory_space<vmem>>, vector<16xf32>,
            %mul3A_591 = vector.broadcast %squeeze3A_568 : f32 to vector<16xf32>
            %mul3A_592 = arith.mulf %get3A_590, %mul3A_591 : vector<16xf32>
            %swap3A_593 = arith.index_cast %select_n3A_266 : i32 to index
            %swap3A_594 = arith.index_cast %add3A_549 : i32 to index
            %swap3A_595 = arith.constant 16 : index
            %swap3A_596 = tpu.vector_load %arg17[%swap3A_593, %swap3A_594, %swap3A_595] {strides = array<i32>} : memref<2x64x144xf32, #tpu.memory_space<vmem>>, vector<16xf32>,
            tpu.vector_store %arg17[%swap3A_593, %swap3A_594, %swap3A_595], %mul3A_592 {strides = array<i32>} : memref<2x64x144xf32, #tpu.memory_space<vmem>>, vector<16xf32>,
            %mul3A_597 = vector.broadcast %squeeze3A_570 : f32 to vector<16xf32>
            %mul3A_598 = arith.mulf %get3A_590, %mul3A_597 : vector<16xf32>
            %swap3A_599 = arith.index_cast %select_n3A_266 : i32 to index
            %swap3A_600 = arith.index_cast %add3A_549 : i32 to index
            %swap3A_601 = arith.constant 80 : index
            %swap3A_602 = tpu.vector_load %arg17[%swap3A_599, %swap3A_600, %swap3A_601] {strides = array<i32>} : memref<2x64x144xf32, #tpu.memory_space<vmem>>, vector<16xf32>,
            tpu.vector_store %arg17[%swap3A_599, %swap3A_600, %swap3A_601], %mul3A_598 {strides = array<i32>} : memref<2x64x144xf32, #tpu.memory_space<vmem>>, vector<16xf32>,
            %get3A_603 = arith.index_cast %select_n3A_266 : i32 to index
            %get3A_604 = arith.index_cast %add3A_549 : i32 to index
            %get3A_605 = arith.constant 32 : index
            %get3A_606 = tpu.vector_load %arg14[%get3A_603, %get3A_604, %get3A_605] {strides = array<i32>} : memref<2x64x64xf32, #tpu.memory_space<vmem>>, vector<16xf32>,
            %mul3A_607 = vector.broadcast %squeeze3A_568 : f32 to vector<16xf32>
            %mul3A_608 = arith.mulf %get3A_606, %mul3A_607 : vector<16xf32>
            %swap3A_609 = arith.index_cast %select_n3A_266 : i32 to index
            %swap3A_610 = arith.index_cast %add3A_549 : i32 to index
            %swap3A_611 = arith.constant 32 : index
            %swap3A_612 = tpu.vector_load %arg17[%swap3A_609, %swap3A_610, %swap3A_611] {strides = array<i32>} : memref<2x64x144xf32, #tpu.memory_space<vmem>>, vector<16xf32>,
            tpu.vector_store %arg17[%swap3A_609, %swap3A_610, %swap3A_611], %mul3A_608 {strides = array<i32>} : memref<2x64x144xf32, #tpu.memory_space<vmem>>, vector<16xf32>,
            %mul3A_613 = vector.broadcast %squeeze3A_570 : f32 to vector<16xf32>
            %mul3A_614 = arith.mulf %get3A_606, %mul3A_613 : vector<16xf32>
            %swap3A_615 = arith.index_cast %select_n3A_266 : i32 to index
            %swap3A_616 = arith.index_cast %add3A_549 : i32 to index
            %swap3A_617 = arith.constant 96 : index
            %swap3A_618 = tpu.vector_load %arg17[%swap3A_615, %swap3A_616, %swap3A_617] {strides = array<i32>} : memref<2x64x144xf32, #tpu.memory_space<vmem>>, vector<16xf32>,
            tpu.vector_store %arg17[%swap3A_615, %swap3A_616, %swap3A_617], %mul3A_614 {strides = array<i32>} : memref<2x64x144xf32, #tpu.memory_space<vmem>>, vector<16xf32>,
            %get3A_619 = arith.index_cast %select_n3A_266 : i32 to index
            %get3A_620 = arith.index_cast %add3A_549 : i32 to index
            %get3A_621 = arith.constant 48 : index
            %get3A_622 = tpu.vector_load %arg14[%get3A_619, %get3A_620, %get3A_621] {strides = array<i32>} : memref<2x64x64xf32, #tpu.memory_space<vmem>>, vector<16xf32>,
            %mul3A_623 = vector.broadcast %squeeze3A_568 : f32 to vector<16xf32>
            %mul3A_624 = arith.mulf %get3A_622, %mul3A_623 : vector<16xf32>
            %swap3A_625 = arith.index_cast %select_n3A_266 : i32 to index
            %swap3A_626 = arith.index_cast %add3A_549 : i32 to index
            %swap3A_627 = arith.constant 48 : index
            %swap3A_628 = tpu.vector_load %arg17[%swap3A_625, %swap3A_626, %swap3A_627] {strides = array<i32>} : memref<2x64x144xf32, #tpu.memory_space<vmem>>, vector<16xf32>,
            tpu.vector_store %arg17[%swap3A_625, %swap3A_626, %swap3A_627], %mul3A_624 {strides = array<i32>} : memref<2x64x144xf32, #tpu.memory_space<vmem>>, vector<16xf32>,
            %mul3A_629 = vector.broadcast %squeeze3A_570 : f32 to vector<16xf32>
            %mul3A_630 = arith.mulf %get3A_622, %mul3A_629 : vector<16xf32>
            %swap3A_631 = arith.index_cast %select_n3A_266 : i32 to index
            %swap3A_632 = arith.index_cast %add3A_549 : i32 to index
            %swap3A_633 = arith.constant 112 : index
            %swap3A_634 = tpu.vector_load %arg17[%swap3A_631, %swap3A_632, %swap3A_633] {strides = array<i32>} : memref<2x64x144xf32, #tpu.memory_space<vmem>>, vector<16xf32>,
            tpu.vector_store %arg17[%swap3A_631, %swap3A_632, %swap3A_633], %mul3A_630 {strides = array<i32>} : memref<2x64x144xf32, #tpu.memory_space<vmem>>, vector<16xf32>,
            %lt3A_635 = arith.constant 2 : i32
            %lt3A_636 = vector.broadcast %lt3A_635 : i32 to vector<16xi32>
            %lt3A_637 = arith.cmpi slt, %iota3A, %lt3A_636 : vector<16xi32>
            %jit3A_638 = arith.constant 0.000000e+00 : f32
            %broadcast_in_dim3A_639 = vector.broadcast %jit3A_638 : f32 to vector<16xf32>
            %select_n3A_640 = arith.select %lt3A_637, %exp3A_566, %broadcast_in_dim3A_639 : vector<16xi1>, vector<16xf32>
            %swap3A_641 = arith.index_cast %select_n3A_266 : i32 to index
            %swap3A_642 = arith.index_cast %add3A_549 : i32 to index
            %swap3A_643 = arith.constant 128 : index
            %swap3A_644 = tpu.vector_load %arg17[%swap3A_641, %swap3A_642, %swap3A_643] {strides = array<i32>} : memref<2x64x144xf32, #tpu.memory_space<vmem>>, vector<16xf32>,
            tpu.vector_store %arg17[%swap3A_641, %swap3A_642, %swap3A_643], %select_n3A_640 {strides = array<i32>} : memref<2x64x144xf32, #tpu.memory_space<vmem>>, vector<16xf32>,
            %mul3A_645 = arith.constant 16 : i32
            %mul3A_646 = arith.muli %scan3A_351, %mul3A_645 : i32
            %add3A_647 = arith.constant 3 : i32
            %add3A_648 = arith.addi %mul3A_646, %add3A_647 : i32
            %get3A_649 = arith.index_cast %select_n3A_266 : i32 to index
            %get3A_650 = arith.index_cast %add3A_648 : i32 to index
            %get3A_651 = arith.constant 0 : index
            %get3A_652 = tpu.vector_load %arg15[%get3A_649, %get3A_650, %get3A_651] {strides = array<i32>} : memref<2x64x16xf32, #tpu.memory_space<vmem>>, vector<16xf32>,
            %get3A_653 = arith.index_cast %select_n3A_266 : i32 to index
            %get3A_654 = arith.index_cast %add3A_648 : i32 to index
            %get3A_655 = arith.constant 0 : index
            %get3A_656 = tpu.vector_load %arg16[%get3A_653, %get3A_654, %get3A_655] {strides = array<i32>} : memref<2x64x16xf32, #tpu.memory_space<vmem>>, vector<16xf32>,
            %add3A_657 = arith.addf %get3A_652, %get3A_656 : vector<16xf32>
            %ge3A_658 = arith.constant 0.000000e+00 : f32
            %ge3A_659 = vector.broadcast %ge3A_658 : f32 to vector<16xf32>
            %ge3A_660 = arith.cmpf oge, %add3A_657, %ge3A_659 : vector<16xf32>
            %mul3A_661 = arith.constant 2.000000e-01 : f32
            %mul3A_662 = vector.broadcast %mul3A_661 : f32 to vector<16xf32>
            %mul3A_663 = arith.mulf %mul3A_662, %add3A_657 : vector<16xf32>
            %select_n3A_664 = arith.select %ge3A_660, %add3A_657, %mul3A_663 : vector<16xi1>, vector<16xf32>
            %exp3A_665 = math.exp %select_n3A_664 : vector<16xf32>
            %slice3A_666 = vector.extract_strided_slice %exp3A_665 {offsets = [0], sizes = [1], strides = [1]} : vector<16xf32> to vector<1xf32>
            %squeeze3A_667 = vector.extract %slice3A_666[0] : f32 from vector<1xf32>
            %slice3A_668 = vector.extract_strided_slice %exp3A_665 {offsets = [1], sizes = [1], strides = [1]} : vector<16xf32> to vector<1xf32>
            %squeeze3A_669 = vector.extract %slice3A_668[0] : f32 from vector<1xf32>
            %get3A_670 = arith.index_cast %select_n3A_266 : i32 to index
            %get3A_671 = arith.index_cast %add3A_648 : i32 to index
            %get3A_672 = arith.constant 0 : index
            %get3A_673 = tpu.vector_load %arg14[%get3A_670, %get3A_671, %get3A_672] {strides = array<i32>} : memref<2x64x64xf32, #tpu.memory_space<vmem>>, vector<16xf32>,
            %mul3A_674 = vector.broadcast %squeeze3A_667 : f32 to vector<16xf32>
            %mul3A_675 = arith.mulf %get3A_673, %mul3A_674 : vector<16xf32>
            %swap3A_676 = arith.index_cast %select_n3A_266 : i32 to index
            %swap3A_677 = arith.index_cast %add3A_648 : i32 to index
            %swap3A_678 = arith.constant 0 : index
            %swap3A_679 = tpu.vector_load %arg17[%swap3A_676, %swap3A_677, %swap3A_678] {strides = array<i32>} : memref<2x64x144xf32, #tpu.memory_space<vmem>>, vector<16xf32>,
            tpu.vector_store %arg17[%swap3A_676, %swap3A_677, %swap3A_678], %mul3A_675 {strides = array<i32>} : memref<2x64x144xf32, #tpu.memory_space<vmem>>, vector<16xf32>,
            %mul3A_680 = vector.broadcast %squeeze3A_669 : f32 to vector<16xf32>
            %mul3A_681 = arith.mulf %get3A_673, %mul3A_680 : vector<16xf32>
            %swap3A_682 = arith.index_cast %select_n3A_266 : i32 to index
            %swap3A_683 = arith.index_cast %add3A_648 : i32 to index
            %swap3A_684 = arith.constant 64 : index
            %swap3A_685 = tpu.vector_load %arg17[%swap3A_682, %swap3A_683, %swap3A_684] {strides = array<i32>} : memref<2x64x144xf32, #tpu.memory_space<vmem>>, vector<16xf32>,
            tpu.vector_store %arg17[%swap3A_682, %swap3A_683, %swap3A_684], %mul3A_681 {strides = array<i32>} : memref<2x64x144xf32, #tpu.memory_space<vmem>>, vector<16xf32>,
            %get3A_686 = arith.index_cast %select_n3A_266 : i32 to index
            %get3A_687 = arith.index_cast %add3A_648 : i32 to index
            %get3A_688 = arith.constant 16 : index
            %get3A_689 = tpu.vector_load %arg14[%get3A_686, %get3A_687, %get3A_688] {strides = array<i32>} : memref<2x64x64xf32, #tpu.memory_space<vmem>>, vector<16xf32>,
            %mul3A_690 = vector.broadcast %squeeze3A_667 : f32 to vector<16xf32>
            %mul3A_691 = arith.mulf %get3A_689, %mul3A_690 : vector<16xf32>
            %swap3A_692 = arith.index_cast %select_n3A_266 : i32 to index
            %swap3A_693 = arith.index_cast %add3A_648 : i32 to index
            %swap3A_694 = arith.constant 16 : index
            %swap3A_695 = tpu.vector_load %arg17[%swap3A_692, %swap3A_693, %swap3A_694] {strides = array<i32>} : memref<2x64x144xf32, #tpu.memory_space<vmem>>, vector<16xf32>,
            tpu.vector_store %arg17[%swap3A_692, %swap3A_693, %swap3A_694], %mul3A_691 {strides = array<i32>} : memref<2x64x144xf32, #tpu.memory_space<vmem>>, vector<16xf32>,
            %mul3A_696 = vector.broadcast %squeeze3A_669 : f32 to vector<16xf32>
            %mul3A_697 = arith.mulf %get3A_689, %mul3A_696 : vector<16xf32>
            %swap3A_698 = arith.index_cast %select_n3A_266 : i32 to index
            %swap3A_699 = arith.index_cast %add3A_648 : i32 to index
            %swap3A_700 = arith.constant 80 : index
            %swap3A_701 = tpu.vector_load %arg17[%swap3A_698, %swap3A_699, %swap3A_700] {strides = array<i32>} : memref<2x64x144xf32, #tpu.memory_space<vmem>>, vector<16xf32>,
            tpu.vector_store %arg17[%swap3A_698, %swap3A_699, %swap3A_700], %mul3A_697 {strides = array<i32>} : memref<2x64x144xf32, #tpu.memory_space<vmem>>, vector<16xf32>,
            %get3A_702 = arith.index_cast %select_n3A_266 : i32 to index
            %get3A_703 = arith.index_cast %add3A_648 : i32 to index
            %get3A_704 = arith.constant 32 : index
            %get3A_705 = tpu.vector_load %arg14[%get3A_702, %get3A_703, %get3A_704] {strides = array<i32>} : memref<2x64x64xf32, #tpu.memory_space<vmem>>, vector<16xf32>,
            %mul3A_706 = vector.broadcast %squeeze3A_667 : f32 to vector<16xf32>
            %mul3A_707 = arith.mulf %get3A_705, %mul3A_706 : vector<16xf32>
            %swap3A_708 = arith.index_cast %select_n3A_266 : i32 to index
            %swap3A_709 = arith.index_cast %add3A_648 : i32 to index
            %swap3A_710 = arith.constant 32 : index
            %swap3A_711 = tpu.vector_load %arg17[%swap3A_708, %swap3A_709, %swap3A_710] {strides = array<i32>} : memref<2x64x144xf32, #tpu.memory_space<vmem>>, vector<16xf32>,
            tpu.vector_store %arg17[%swap3A_708, %swap3A_709, %swap3A_710], %mul3A_707 {strides = array<i32>} : memref<2x64x144xf32, #tpu.memory_space<vmem>>, vector<16xf32>,
            %mul3A_712 = vector.broadcast %squeeze3A_669 : f32 to vector<16xf32>
            %mul3A_713 = arith.mulf %get3A_705, %mul3A_712 : vector<16xf32>
            %swap3A_714 = arith.index_cast %select_n3A_266 : i32 to index
            %swap3A_715 = arith.index_cast %add3A_648 : i32 to index
            %swap3A_716 = arith.constant 96 : index
            %swap3A_717 = tpu.vector_load %arg17[%swap3A_714, %swap3A_715, %swap3A_716] {strides = array<i32>} : memref<2x64x144xf32, #tpu.memory_space<vmem>>, vector<16xf32>,
            tpu.vector_store %arg17[%swap3A_714, %swap3A_715, %swap3A_716], %mul3A_713 {strides = array<i32>} : memref<2x64x144xf32, #tpu.memory_space<vmem>>, vector<16xf32>,
            %get3A_718 = arith.index_cast %select_n3A_266 : i32 to index
            %get3A_719 = arith.index_cast %add3A_648 : i32 to index
            %get3A_720 = arith.constant 48 : index
            %get3A_721 = tpu.vector_load %arg14[%get3A_718, %get3A_719, %get3A_720] {strides = array<i32>} : memref<2x64x64xf32, #tpu.memory_space<vmem>>, vector<16xf32>,
            %mul3A_722 = vector.broadcast %squeeze3A_667 : f32 to vector<16xf32>
            %mul3A_723 = arith.mulf %get3A_721, %mul3A_722 : vector<16xf32>
            %swap3A_724 = arith.index_cast %select_n3A_266 : i32 to index
            %swap3A_725 = arith.index_cast %add3A_648 : i32 to index
            %swap3A_726 = arith.constant 48 : index
            %swap3A_727 = tpu.vector_load %arg17[%swap3A_724, %swap3A_725, %swap3A_726] {strides = array<i32>} : memref<2x64x144xf32, #tpu.memory_space<vmem>>, vector<16xf32>,
            tpu.vector_store %arg17[%swap3A_724, %swap3A_725, %swap3A_726], %mul3A_723 {strides = array<i32>} : memref<2x64x144xf32, #tpu.memory_space<vmem>>, vector<16xf32>,
            %mul3A_728 = vector.broadcast %squeeze3A_669 : f32 to vector<16xf32>
            %mul3A_729 = arith.mulf %get3A_721, %mul3A_728 : vector<16xf32>
            %swap3A_730 = arith.index_cast %select_n3A_266 : i32 to index
            %swap3A_731 = arith.index_cast %add3A_648 : i32 to index
            %swap3A_732 = arith.constant 112 : index
            %swap3A_733 = tpu.vector_load %arg17[%swap3A_730, %swap3A_731, %swap3A_732] {strides = array<i32>} : memref<2x64x144xf32, #tpu.memory_space<vmem>>, vector<16xf32>,
            tpu.vector_store %arg17[%swap3A_730, %swap3A_731, %swap3A_732], %mul3A_729 {strides = array<i32>} : memref<2x64x144xf32, #tpu.memory_space<vmem>>, vector<16xf32>,
            %lt3A_734 = arith.constant 2 : i32
            %lt3A_735 = vector.broadcast %lt3A_734 : i32 to vector<16xi32>
            %lt3A_736 = arith.cmpi slt, %iota3A, %lt3A_735 : vector<16xi32>
            %jit3A_737 = arith.constant 0.000000e+00 : f32
            %broadcast_in_dim3A_738 = vector.broadcast %jit3A_737 : f32 to vector<16xf32>
            %select_n3A_739 = arith.select %lt3A_736, %exp3A_665, %broadcast_in_dim3A_738 : vector<16xi1>, vector<16xf32>
            %swap3A_740 = arith.index_cast %select_n3A_266 : i32 to index
            %swap3A_741 = arith.index_cast %add3A_648 : i32 to index
            %swap3A_742 = arith.constant 128 : index
            %swap3A_743 = tpu.vector_load %arg17[%swap3A_740, %swap3A_741, %swap3A_742] {strides = array<i32>} : memref<2x64x144xf32, #tpu.memory_space<vmem>>, vector<16xf32>,
            tpu.vector_store %arg17[%swap3A_740, %swap3A_741, %swap3A_742], %select_n3A_739 {strides = array<i32>} : memref<2x64x144xf32, #tpu.memory_space<vmem>>, vector<16xf32>,
            %mul3A_744 = arith.constant 16 : i32
            %mul3A_745 = arith.muli %scan3A_351, %mul3A_744 : i32
            %add3A_746 = arith.constant 4 : i32
            %add3A_747 = arith.addi %mul3A_745, %add3A_746 : i32
            %get3A_748 = arith.index_cast %select_n3A_266 : i32 to index
            %get3A_749 = arith.index_cast %add3A_747 : i32 to index
            %get3A_750 = arith.constant 0 : index
            %get3A_751 = tpu.vector_load %arg15[%get3A_748, %get3A_749, %get3A_750] {strides = array<i32>} : memref<2x64x16xf32, #tpu.memory_space<vmem>>, vector<16xf32>,
            %get3A_752 = arith.index_cast %select_n3A_266 : i32 to index
            %get3A_753 = arith.index_cast %add3A_747 : i32 to index
            %get3A_754 = arith.constant 0 : index
            %get3A_755 = tpu.vector_load %arg16[%get3A_752, %get3A_753, %get3A_754] {strides = array<i32>} : memref<2x64x16xf32, #tpu.memory_space<vmem>>, vector<16xf32>,
            %add3A_756 = arith.addf %get3A_751, %get3A_755 : vector<16xf32>
            %ge3A_757 = arith.constant 0.000000e+00 : f32
            %ge3A_758 = vector.broadcast %ge3A_757 : f32 to vector<16xf32>
            %ge3A_759 = arith.cmpf oge, %add3A_756, %ge3A_758 : vector<16xf32>
            %mul3A_760 = arith.constant 2.000000e-01 : f32
            %mul3A_761 = vector.broadcast %mul3A_760 : f32 to vector<16xf32>
            %mul3A_762 = arith.mulf %mul3A_761, %add3A_756 : vector<16xf32>
            %select_n3A_763 = arith.select %ge3A_759, %add3A_756, %mul3A_762 : vector<16xi1>, vector<16xf32>
            %exp3A_764 = math.exp %select_n3A_763 : vector<16xf32>
            %slice3A_765 = vector.extract_strided_slice %exp3A_764 {offsets = [0], sizes = [1], strides = [1]} : vector<16xf32> to vector<1xf32>
            %squeeze3A_766 = vector.extract %slice3A_765[0] : f32 from vector<1xf32>
            %slice3A_767 = vector.extract_strided_slice %exp3A_764 {offsets = [1], sizes = [1], strides = [1]} : vector<16xf32> to vector<1xf32>
            %squeeze3A_768 = vector.extract %slice3A_767[0] : f32 from vector<1xf32>
            %get3A_769 = arith.index_cast %select_n3A_266 : i32 to index
            %get3A_770 = arith.index_cast %add3A_747 : i32 to index
            %get3A_771 = arith.constant 0 : index
            %get3A_772 = tpu.vector_load %arg14[%get3A_769, %get3A_770, %get3A_771] {strides = array<i32>} : memref<2x64x64xf32, #tpu.memory_space<vmem>>, vector<16xf32>,
            %mul3A_773 = vector.broadcast %squeeze3A_766 : f32 to vector<16xf32>
            %mul3A_774 = arith.mulf %get3A_772, %mul3A_773 : vector<16xf32>
            %swap3A_775 = arith.index_cast %select_n3A_266 : i32 to index
            %swap3A_776 = arith.index_cast %add3A_747 : i32 to index
            %swap3A_777 = arith.constant 0 : index
            %swap3A_778 = tpu.vector_load %arg17[%swap3A_775, %swap3A_776, %swap3A_777] {strides = array<i32>} : memref<2x64x144xf32, #tpu.memory_space<vmem>>, vector<16xf32>,
            tpu.vector_store %arg17[%swap3A_775, %swap3A_776, %swap3A_777], %mul3A_774 {strides = array<i32>} : memref<2x64x144xf32, #tpu.memory_space<vmem>>, vector<16xf32>,
            %mul3A_779 = vector.broadcast %squeeze3A_768 : f32 to vector<16xf32>
            %mul3A_780 = arith.mulf %get3A_772, %mul3A_779 : vector<16xf32>
            %swap3A_781 = arith.index_cast %select_n3A_266 : i32 to index
            %swap3A_782 = arith.index_cast %add3A_747 : i32 to index
            %swap3A_783 = arith.constant 64 : index
            %swap3A_784 = tpu.vector_load %arg17[%swap3A_781, %swap3A_782, %swap3A_783] {strides = array<i32>} : memref<2x64x144xf32, #tpu.memory_space<vmem>>, vector<16xf32>,
            tpu.vector_store %arg17[%swap3A_781, %swap3A_782, %swap3A_783], %mul3A_780 {strides = array<i32>} : memref<2x64x144xf32, #tpu.memory_space<vmem>>, vector<16xf32>,
            %get3A_785 = arith.index_cast %select_n3A_266 : i32 to index
            %get3A_786 = arith.index_cast %add3A_747 : i32 to index
            %get3A_787 = arith.constant 16 : index
            %get3A_788 = tpu.vector_load %arg14[%get3A_785, %get3A_786, %get3A_787] {strides = array<i32>} : memref<2x64x64xf32, #tpu.memory_space<vmem>>, vector<16xf32>,
            %mul3A_789 = vector.broadcast %squeeze3A_766 : f32 to vector<16xf32>
            %mul3A_790 = arith.mulf %get3A_788, %mul3A_789 : vector<16xf32>
            %swap3A_791 = arith.index_cast %select_n3A_266 : i32 to index
            %swap3A_792 = arith.index_cast %add3A_747 : i32 to index
            %swap3A_793 = arith.constant 16 : index
            %swap3A_794 = tpu.vector_load %arg17[%swap3A_791, %swap3A_792, %swap3A_793] {strides = array<i32>} : memref<2x64x144xf32, #tpu.memory_space<vmem>>, vector<16xf32>,
            tpu.vector_store %arg17[%swap3A_791, %swap3A_792, %swap3A_793], %mul3A_790 {strides = array<i32>} : memref<2x64x144xf32, #tpu.memory_space<vmem>>, vector<16xf32>,
            %mul3A_795 = vector.broadcast %squeeze3A_768 : f32 to vector<16xf32>
            %mul3A_796 = arith.mulf %get3A_788, %mul3A_795 : vector<16xf32>
            %swap3A_797 = arith.index_cast %select_n3A_266 : i32 to index
            %swap3A_798 = arith.index_cast %add3A_747 : i32 to index
            %swap3A_799 = arith.constant 80 : index
            %swap3A_800 = tpu.vector_load %arg17[%swap3A_797, %swap3A_798, %swap3A_799] {strides = array<i32>} : memref<2x64x144xf32, #tpu.memory_space<vmem>>, vector<16xf32>,
            tpu.vector_store %arg17[%swap3A_797, %swap3A_798, %swap3A_799], %mul3A_796 {strides = array<i32>} : memref<2x64x144xf32, #tpu.memory_space<vmem>>, vector<16xf32>,
            %get3A_801 = arith.index_cast %select_n3A_266 : i32 to index
            %get3A_802 = arith.index_cast %add3A_747 : i32 to index
            %get3A_803 = arith.constant 32 : index
            %get3A_804 = tpu.vector_load %arg14[%get3A_801, %get3A_802, %get3A_803] {strides = array<i32>} : memref<2x64x64xf32, #tpu.memory_space<vmem>>, vector<16xf32>,
            %mul3A_805 = vector.broadcast %squeeze3A_766 : f32 to vector<16xf32>
            %mul3A_806 = arith.mulf %get3A_804, %mul3A_805 : vector<16xf32>
            %swap3A_807 = arith.index_cast %select_n3A_266 : i32 to index
            %swap3A_808 = arith.index_cast %add3A_747 : i32 to index
            %swap3A_809 = arith.constant 32 : index
            %swap3A_810 = tpu.vector_load %arg17[%swap3A_807, %swap3A_808, %swap3A_809] {strides = array<i32>} : memref<2x64x144xf32, #tpu.memory_space<vmem>>, vector<16xf32>,
            tpu.vector_store %arg17[%swap3A_807, %swap3A_808, %swap3A_809], %mul3A_806 {strides = array<i32>} : memref<2x64x144xf32, #tpu.memory_space<vmem>>, vector<16xf32>,
            %mul3A_811 = vector.broadcast %squeeze3A_768 : f32 to vector<16xf32>
            %mul3A_812 = arith.mulf %get3A_804, %mul3A_811 : vector<16xf32>
            %swap3A_813 = arith.index_cast %select_n3A_266 : i32 to index
            %swap3A_814 = arith.index_cast %add3A_747 : i32 to index
            %swap3A_815 = arith.constant 96 : index
            %swap3A_816 = tpu.vector_load %arg17[%swap3A_813, %swap3A_814, %swap3A_815] {strides = array<i32>} : memref<2x64x144xf32, #tpu.memory_space<vmem>>, vector<16xf32>,
            tpu.vector_store %arg17[%swap3A_813, %swap3A_814, %swap3A_815], %mul3A_812 {strides = array<i32>} : memref<2x64x144xf32, #tpu.memory_space<vmem>>, vector<16xf32>,
            %get3A_817 = arith.index_cast %select_n3A_266 : i32 to index
            %get3A_818 = arith.index_cast %add3A_747 : i32 to index
            %get3A_819 = arith.constant 48 : index
            %get3A_820 = tpu.vector_load %arg14[%get3A_817, %get3A_818, %get3A_819] {strides = array<i32>} : memref<2x64x64xf32, #tpu.memory_space<vmem>>, vector<16xf32>,
            %mul3A_821 = vector.broadcast %squeeze3A_766 : f32 to vector<16xf32>
            %mul3A_822 = arith.mulf %get3A_820, %mul3A_821 : vector<16xf32>
            %swap3A_823 = arith.index_cast %select_n3A_266 : i32 to index
            %swap3A_824 = arith.index_cast %add3A_747 : i32 to index
            %swap3A_825 = arith.constant 48 : index
            %swap3A_826 = tpu.vector_load %arg17[%swap3A_823, %swap3A_824, %swap3A_825] {strides = array<i32>} : memref<2x64x144xf32, #tpu.memory_space<vmem>>, vector<16xf32>,
            tpu.vector_store %arg17[%swap3A_823, %swap3A_824, %swap3A_825], %mul3A_822 {strides = array<i32>} : memref<2x64x144xf32, #tpu.memory_space<vmem>>, vector<16xf32>,
            %mul3A_827 = vector.broadcast %squeeze3A_768 : f32 to vector<16xf32>
            %mul3A_828 = arith.mulf %get3A_820, %mul3A_827 : vector<16xf32>
            %swap3A_829 = arith.index_cast %select_n3A_266 : i32 to index
            %swap3A_830 = arith.index_cast %add3A_747 : i32 to index
            %swap3A_831 = arith.constant 112 : index
            %swap3A_832 = tpu.vector_load %arg17[%swap3A_829, %swap3A_830, %swap3A_831] {strides = array<i32>} : memref<2x64x144xf32, #tpu.memory_space<vmem>>, vector<16xf32>,
            tpu.vector_store %arg17[%swap3A_829, %swap3A_830, %swap3A_831], %mul3A_828 {strides = array<i32>} : memref<2x64x144xf32, #tpu.memory_space<vmem>>, vector<16xf32>,
            %lt3A_833 = arith.constant 2 : i32
            %lt3A_834 = vector.broadcast %lt3A_833 : i32 to vector<16xi32>
            %lt3A_835 = arith.cmpi slt, %iota3A, %lt3A_834 : vector<16xi32>
            %jit3A_836 = arith.constant 0.000000e+00 : f32
            %broadcast_in_dim3A_837 = vector.broadcast %jit3A_836 : f32 to vector<16xf32>
            %select_n3A_838 = arith.select %lt3A_835, %exp3A_764, %broadcast_in_dim3A_837 : vector<16xi1>, vector<16xf32>
            %swap3A_839 = arith.index_cast %select_n3A_266 : i32 to index
            %swap3A_840 = arith.index_cast %add3A_747 : i32 to index
            %swap3A_841 = arith.constant 128 : index
            %swap3A_842 = tpu.vector_load %arg17[%swap3A_839, %swap3A_840, %swap3A_841] {strides = array<i32>} : memref<2x64x144xf32, #tpu.memory_space<vmem>>, vector<16xf32>,
            tpu.vector_store %arg17[%swap3A_839, %swap3A_840, %swap3A_841], %select_n3A_838 {strides = array<i32>} : memref<2x64x144xf32, #tpu.memory_space<vmem>>, vector<16xf32>,
            %mul3A_843 = arith.constant 16 : i32
            %mul3A_844 = arith.muli %scan3A_351, %mul3A_843 : i32
            %add3A_845 = arith.constant 5 : i32
            %add3A_846 = arith.addi %mul3A_844, %add3A_845 : i32
            %get3A_847 = arith.index_cast %select_n3A_266 : i32 to index
            %get3A_848 = arith.index_cast %add3A_846 : i32 to index
            %get3A_849 = arith.constant 0 : index
            %get3A_850 = tpu.vector_load %arg15[%get3A_847, %get3A_848, %get3A_849] {strides = array<i32>} : memref<2x64x16xf32, #tpu.memory_space<vmem>>, vector<16xf32>,
            %get3A_851 = arith.index_cast %select_n3A_266 : i32 to index
            %get3A_852 = arith.index_cast %add3A_846 : i32 to index
            %get3A_853 = arith.constant 0 : index
            %get3A_854 = tpu.vector_load %arg16[%get3A_851, %get3A_852, %get3A_853] {strides = array<i32>} : memref<2x64x16xf32, #tpu.memory_space<vmem>>, vector<16xf32>,
            %add3A_855 = arith.addf %get3A_850, %get3A_854 : vector<16xf32>
            %ge3A_856 = arith.constant 0.000000e+00 : f32
            %ge3A_857 = vector.broadcast %ge3A_856 : f32 to vector<16xf32>
            %ge3A_858 = arith.cmpf oge, %add3A_855, %ge3A_857 : vector<16xf32>
            %mul3A_859 = arith.constant 2.000000e-01 : f32
            %mul3A_860 = vector.broadcast %mul3A_859 : f32 to vector<16xf32>
            %mul3A_861 = arith.mulf %mul3A_860, %add3A_855 : vector<16xf32>
            %select_n3A_862 = arith.select %ge3A_858, %add3A_855, %mul3A_861 : vector<16xi1>, vector<16xf32>
            %exp3A_863 = math.exp %select_n3A_862 : vector<16xf32>
            %slice3A_864 = vector.extract_strided_slice %exp3A_863 {offsets = [0], sizes = [1], strides = [1]} : vector<16xf32> to vector<1xf32>
            %squeeze3A_865 = vector.extract %slice3A_864[0] : f32 from vector<1xf32>
            %slice3A_866 = vector.extract_strided_slice %exp3A_863 {offsets = [1], sizes = [1], strides = [1]} : vector<16xf32> to vector<1xf32>
            %squeeze3A_867 = vector.extract %slice3A_866[0] : f32 from vector<1xf32>
            %get3A_868 = arith.index_cast %select_n3A_266 : i32 to index
            %get3A_869 = arith.index_cast %add3A_846 : i32 to index
            %get3A_870 = arith.constant 0 : index
            %get3A_871 = tpu.vector_load %arg14[%get3A_868, %get3A_869, %get3A_870] {strides = array<i32>} : memref<2x64x64xf32, #tpu.memory_space<vmem>>, vector<16xf32>,
            %mul3A_872 = vector.broadcast %squeeze3A_865 : f32 to vector<16xf32>
            %mul3A_873 = arith.mulf %get3A_871, %mul3A_872 : vector<16xf32>
            %swap3A_874 = arith.index_cast %select_n3A_266 : i32 to index
            %swap3A_875 = arith.index_cast %add3A_846 : i32 to index
            %swap3A_876 = arith.constant 0 : index
            %swap3A_877 = tpu.vector_load %arg17[%swap3A_874, %swap3A_875, %swap3A_876] {strides = array<i32>} : memref<2x64x144xf32, #tpu.memory_space<vmem>>, vector<16xf32>,
            tpu.vector_store %arg17[%swap3A_874, %swap3A_875, %swap3A_876], %mul3A_873 {strides = array<i32>} : memref<2x64x144xf32, #tpu.memory_space<vmem>>, vector<16xf32>,
            %mul3A_878 = vector.broadcast %squeeze3A_867 : f32 to vector<16xf32>
            %mul3A_879 = arith.mulf %get3A_871, %mul3A_878 : vector<16xf32>
            %swap3A_880 = arith.index_cast %select_n3A_266 : i32 to index
            %swap3A_881 = arith.index_cast %add3A_846 : i32 to index
            %swap3A_882 = arith.constant 64 : index
            %swap3A_883 = tpu.vector_load %arg17[%swap3A_880, %swap3A_881, %swap3A_882] {strides = array<i32>} : memref<2x64x144xf32, #tpu.memory_space<vmem>>, vector<16xf32>,
            tpu.vector_store %arg17[%swap3A_880, %swap3A_881, %swap3A_882], %mul3A_879 {strides = array<i32>} : memref<2x64x144xf32, #tpu.memory_space<vmem>>, vector<16xf32>,
            %get3A_884 = arith.index_cast %select_n3A_266 : i32 to index
            %get3A_885 = arith.index_cast %add3A_846 : i32 to index
            %get3A_886 = arith.constant 16 : index
            %get3A_887 = tpu.vector_load %arg14[%get3A_884, %get3A_885, %get3A_886] {strides = array<i32>} : memref<2x64x64xf32, #tpu.memory_space<vmem>>, vector<16xf32>,
            %mul3A_888 = vector.broadcast %squeeze3A_865 : f32 to vector<16xf32>
            %mul3A_889 = arith.mulf %get3A_887, %mul3A_888 : vector<16xf32>
            %swap3A_890 = arith.index_cast %select_n3A_266 : i32 to index
            %swap3A_891 = arith.index_cast %add3A_846 : i32 to index
            %swap3A_892 = arith.constant 16 : index
            %swap3A_893 = tpu.vector_load %arg17[%swap3A_890, %swap3A_891, %swap3A_892] {strides = array<i32>} : memref<2x64x144xf32, #tpu.memory_space<vmem>>, vector<16xf32>,
            tpu.vector_store %arg17[%swap3A_890, %swap3A_891, %swap3A_892], %mul3A_889 {strides = array<i32>} : memref<2x64x144xf32, #tpu.memory_space<vmem>>, vector<16xf32>,
            %mul3A_894 = vector.broadcast %squeeze3A_867 : f32 to vector<16xf32>
            %mul3A_895 = arith.mulf %get3A_887, %mul3A_894 : vector<16xf32>
            %swap3A_896 = arith.index_cast %select_n3A_266 : i32 to index
            %swap3A_897 = arith.index_cast %add3A_846 : i32 to index
            %swap3A_898 = arith.constant 80 : index
            %swap3A_899 = tpu.vector_load %arg17[%swap3A_896, %swap3A_897, %swap3A_898] {strides = array<i32>} : memref<2x64x144xf32, #tpu.memory_space<vmem>>, vector<16xf32>,
            tpu.vector_store %arg17[%swap3A_896, %swap3A_897, %swap3A_898], %mul3A_895 {strides = array<i32>} : memref<2x64x144xf32, #tpu.memory_space<vmem>>, vector<16xf32>,
            %get3A_900 = arith.index_cast %select_n3A_266 : i32 to index
            %get3A_901 = arith.index_cast %add3A_846 : i32 to index
            %get3A_902 = arith.constant 32 : index
            %get3A_903 = tpu.vector_load %arg14[%get3A_900, %get3A_901, %get3A_902] {strides = array<i32>} : memref<2x64x64xf32, #tpu.memory_space<vmem>>, vector<16xf32>,
            %mul3A_904 = vector.broadcast %squeeze3A_865 : f32 to vector<16xf32>
            %mul3A_905 = arith.mulf %get3A_903, %mul3A_904 : vector<16xf32>
            %swap3A_906 = arith.index_cast %select_n3A_266 : i32 to index
            %swap3A_907 = arith.index_cast %add3A_846 : i32 to index
            %swap3A_908 = arith.constant 32 : index
            %swap3A_909 = tpu.vector_load %arg17[%swap3A_906, %swap3A_907, %swap3A_908] {strides = array<i32>} : memref<2x64x144xf32, #tpu.memory_space<vmem>>, vector<16xf32>,
            tpu.vector_store %arg17[%swap3A_906, %swap3A_907, %swap3A_908], %mul3A_905 {strides = array<i32>} : memref<2x64x144xf32, #tpu.memory_space<vmem>>, vector<16xf32>,
            %mul3A_910 = vector.broadcast %squeeze3A_867 : f32 to vector<16xf32>
            %mul3A_911 = arith.mulf %get3A_903, %mul3A_910 : vector<16xf32>
            %swap3A_912 = arith.index_cast %select_n3A_266 : i32 to index
            %swap3A_913 = arith.index_cast %add3A_846 : i32 to index
            %swap3A_914 = arith.constant 96 : index
            %swap3A_915 = tpu.vector_load %arg17[%swap3A_912, %swap3A_913, %swap3A_914] {strides = array<i32>} : memref<2x64x144xf32, #tpu.memory_space<vmem>>, vector<16xf32>,
            tpu.vector_store %arg17[%swap3A_912, %swap3A_913, %swap3A_914], %mul3A_911 {strides = array<i32>} : memref<2x64x144xf32, #tpu.memory_space<vmem>>, vector<16xf32>,
            %get3A_916 = arith.index_cast %select_n3A_266 : i32 to index
            %get3A_917 = arith.index_cast %add3A_846 : i32 to index
            %get3A_918 = arith.constant 48 : index
            %get3A_919 = tpu.vector_load %arg14[%get3A_916, %get3A_917, %get3A_918] {strides = array<i32>} : memref<2x64x64xf32, #tpu.memory_space<vmem>>, vector<16xf32>,
            %mul3A_920 = vector.broadcast %squeeze3A_865 : f32 to vector<16xf32>
            %mul3A_921 = arith.mulf %get3A_919, %mul3A_920 : vector<16xf32>
            %swap3A_922 = arith.index_cast %select_n3A_266 : i32 to index
            %swap3A_923 = arith.index_cast %add3A_846 : i32 to index
            %swap3A_924 = arith.constant 48 : index
            %swap3A_925 = tpu.vector_load %arg17[%swap3A_922, %swap3A_923, %swap3A_924] {strides = array<i32>} : memref<2x64x144xf32, #tpu.memory_space<vmem>>, vector<16xf32>,
            tpu.vector_store %arg17[%swap3A_922, %swap3A_923, %swap3A_924], %mul3A_921 {strides = array<i32>} : memref<2x64x144xf32, #tpu.memory_space<vmem>>, vector<16xf32>,
            %mul3A_926 = vector.broadcast %squeeze3A_867 : f32 to vector<16xf32>
            %mul3A_927 = arith.mulf %get3A_919, %mul3A_926 : vector<16xf32>
            %swap3A_928 = arith.index_cast %select_n3A_266 : i32 to index
            %swap3A_929 = arith.index_cast %add3A_846 : i32 to index
            %swap3A_930 = arith.constant 112 : index
            %swap3A_931 = tpu.vector_load %arg17[%swap3A_928, %swap3A_929, %swap3A_930] {strides = array<i32>} : memref<2x64x144xf32, #tpu.memory_space<vmem>>, vector<16xf32>,
            tpu.vector_store %arg17[%swap3A_928, %swap3A_929, %swap3A_930], %mul3A_927 {strides = array<i32>} : memref<2x64x144xf32, #tpu.memory_space<vmem>>, vector<16xf32>,
            %lt3A_932 = arith.constant 2 : i32
            %lt3A_933 = vector.broadcast %lt3A_932 : i32 to vector<16xi32>
            %lt3A_934 = arith.cmpi slt, %iota3A, %lt3A_933 : vector<16xi32>
            %jit3A_935 = arith.constant 0.000000e+00 : f32
            %broadcast_in_dim3A_936 = vector.broadcast %jit3A_935 : f32 to vector<16xf32>
            %select_n3A_937 = arith.select %lt3A_934, %exp3A_863, %broadcast_in_dim3A_936 : vector<16xi1>, vector<16xf32>
            %swap3A_938 = arith.index_cast %select_n3A_266 : i32 to index
            %swap3A_939 = arith.index_cast %add3A_846 : i32 to index
            %swap3A_940 = arith.constant 128 : index
            %swap3A_941 = tpu.vector_load %arg17[%swap3A_938, %swap3A_939, %swap3A_940] {strides = array<i32>} : memref<2x64x144xf32, #tpu.memory_space<vmem>>, vector<16xf32>,
            tpu.vector_store %arg17[%swap3A_938, %swap3A_939, %swap3A_940], %select_n3A_937 {strides = array<i32>} : memref<2x64x144xf32, #tpu.memory_space<vmem>>, vector<16xf32>,
            %mul3A_942 = arith.constant 16 : i32
            %mul3A_943 = arith.muli %scan3A_351, %mul3A_942 : i32
            %add3A_944 = arith.constant 6 : i32
            %add3A_945 = arith.addi %mul3A_943, %add3A_944 : i32
            %get3A_946 = arith.index_cast %select_n3A_266 : i32 to index
            %get3A_947 = arith.index_cast %add3A_945 : i32 to index
            %get3A_948 = arith.constant 0 : index
            %get3A_949 = tpu.vector_load %arg15[%get3A_946, %get3A_947, %get3A_948] {strides = array<i32>} : memref<2x64x16xf32, #tpu.memory_space<vmem>>, vector<16xf32>,
            %get3A_950 = arith.index_cast %select_n3A_266 : i32 to index
            %get3A_951 = arith.index_cast %add3A_945 : i32 to index
            %get3A_952 = arith.constant 0 : index
            %get3A_953 = tpu.vector_load %arg16[%get3A_950, %get3A_951, %get3A_952] {strides = array<i32>} : memref<2x64x16xf32, #tpu.memory_space<vmem>>, vector<16xf32>,
            %add3A_954 = arith.addf %get3A_949, %get3A_953 : vector<16xf32>
            %ge3A_955 = arith.constant 0.000000e+00 : f32
            %ge3A_956 = vector.broadcast %ge3A_955 : f32 to vector<16xf32>
            %ge3A_957 = arith.cmpf oge, %add3A_954, %ge3A_956 : vector<16xf32>
            %mul3A_958 = arith.constant 2.000000e-01 : f32
            %mul3A_959 = vector.broadcast %mul3A_958 : f32 to vector<16xf32>
            %mul3A_960 = arith.mulf %mul3A_959, %add3A_954 : vector<16xf32>
            %select_n3A_961 = arith.select %ge3A_957, %add3A_954, %mul3A_960 : vector<16xi1>, vector<16xf32>
            %exp3A_962 = math.exp %select_n3A_961 : vector<16xf32>
            %slice3A_963 = vector.extract_strided_slice %exp3A_962 {offsets = [0], sizes = [1], strides = [1]} : vector<16xf32> to vector<1xf32>
            %squeeze3A_964 = vector.extract %slice3A_963[0] : f32 from vector<1xf32>
            %slice3A_965 = vector.extract_strided_slice %exp3A_962 {offsets = [1], sizes = [1], strides = [1]} : vector<16xf32> to vector<1xf32>
            %squeeze3A_966 = vector.extract %slice3A_965[0] : f32 from vector<1xf32>
            %get3A_967 = arith.index_cast %select_n3A_266 : i32 to index
            %get3A_968 = arith.index_cast %add3A_945 : i32 to index
            %get3A_969 = arith.constant 0 : index
            %get3A_970 = tpu.vector_load %arg14[%get3A_967, %get3A_968, %get3A_969] {strides = array<i32>} : memref<2x64x64xf32, #tpu.memory_space<vmem>>, vector<16xf32>,
            %mul3A_971 = vector.broadcast %squeeze3A_964 : f32 to vector<16xf32>
            %mul3A_972 = arith.mulf %get3A_970, %mul3A_971 : vector<16xf32>
            %swap3A_973 = arith.index_cast %select_n3A_266 : i32 to index
            %swap3A_974 = arith.index_cast %add3A_945 : i32 to index
            %swap3A_975 = arith.constant 0 : index
            %swap3A_976 = tpu.vector_load %arg17[%swap3A_973, %swap3A_974, %swap3A_975] {strides = array<i32>} : memref<2x64x144xf32, #tpu.memory_space<vmem>>, vector<16xf32>,
            tpu.vector_store %arg17[%swap3A_973, %swap3A_974, %swap3A_975], %mul3A_972 {strides = array<i32>} : memref<2x64x144xf32, #tpu.memory_space<vmem>>, vector<16xf32>,
            %mul3A_977 = vector.broadcast %squeeze3A_966 : f32 to vector<16xf32>
            %mul3A_978 = arith.mulf %get3A_970, %mul3A_977 : vector<16xf32>
            %swap3A_979 = arith.index_cast %select_n3A_266 : i32 to index
            %swap3A_980 = arith.index_cast %add3A_945 : i32 to index
            %swap3A_981 = arith.constant 64 : index
            %swap3A_982 = tpu.vector_load %arg17[%swap3A_979, %swap3A_980, %swap3A_981] {strides = array<i32>} : memref<2x64x144xf32, #tpu.memory_space<vmem>>, vector<16xf32>,
            tpu.vector_store %arg17[%swap3A_979, %swap3A_980, %swap3A_981], %mul3A_978 {strides = array<i32>} : memref<2x64x144xf32, #tpu.memory_space<vmem>>, vector<16xf32>,
            %get3A_983 = arith.index_cast %select_n3A_266 : i32 to index
            %get3A_984 = arith.index_cast %add3A_945 : i32 to index
            %get3A_985 = arith.constant 16 : index
            %get3A_986 = tpu.vector_load %arg14[%get3A_983, %get3A_984, %get3A_985] {strides = array<i32>} : memref<2x64x64xf32, #tpu.memory_space<vmem>>, vector<16xf32>,
            %mul3A_987 = vector.broadcast %squeeze3A_964 : f32 to vector<16xf32>
            %mul3A_988 = arith.mulf %get3A_986, %mul3A_987 : vector<16xf32>
            %swap3A_989 = arith.index_cast %select_n3A_266 : i32 to index
            %swap3A_990 = arith.index_cast %add3A_945 : i32 to index
            %swap3A_991 = arith.constant 16 : index
            %swap3A_992 = tpu.vector_load %arg17[%swap3A_989, %swap3A_990, %swap3A_991] {strides = array<i32>} : memref<2x64x144xf32, #tpu.memory_space<vmem>>, vector<16xf32>,
            tpu.vector_store %arg17[%swap3A_989, %swap3A_990, %swap3A_991], %mul3A_988 {strides = array<i32>} : memref<2x64x144xf32, #tpu.memory_space<vmem>>, vector<16xf32>,
            %mul3A_993 = vector.broadcast %squeeze3A_966 : f32 to vector<16xf32>
            %mul3A_994 = arith.mulf %get3A_986, %mul3A_993 : vector<16xf32>
            %swap3A_995 = arith.index_cast %select_n3A_266 : i32 to index
            %swap3A_996 = arith.index_cast %add3A_945 : i32 to index
            %swap3A_997 = arith.constant 80 : index
            %swap3A_998 = tpu.vector_load %arg17[%swap3A_995, %swap3A_996, %swap3A_997] {strides = array<i32>} : memref<2x64x144xf32, #tpu.memory_space<vmem>>, vector<16xf32>,
            tpu.vector_store %arg17[%swap3A_995, %swap3A_996, %swap3A_997], %mul3A_994 {strides = array<i32>} : memref<2x64x144xf32, #tpu.memory_space<vmem>>, vector<16xf32>,
            %get3A_999 = arith.index_cast %select_n3A_266 : i32 to index
            %get3A_1000 = arith.index_cast %add3A_945 : i32 to index
            %get3A_1001 = arith.constant 32 : index
            %get3A_1002 = tpu.vector_load %arg14[%get3A_999, %get3A_1000, %get3A_1001] {strides = array<i32>} : memref<2x64x64xf32, #tpu.memory_space<vmem>>, vector<16xf32>,
            %mul3A_1003 = vector.broadcast %squeeze3A_964 : f32 to vector<16xf32>
            %mul3A_1004 = arith.mulf %get3A_1002, %mul3A_1003 : vector<16xf32>
            %swap3A_1005 = arith.index_cast %select_n3A_266 : i32 to index
            %swap3A_1006 = arith.index_cast %add3A_945 : i32 to index
            %swap3A_1007 = arith.constant 32 : index
            %swap3A_1008 = tpu.vector_load %arg17[%swap3A_1005, %swap3A_1006, %swap3A_1007] {strides = array<i32>} : memref<2x64x144xf32, #tpu.memory_space<vmem>>, vector<16xf32>,
            tpu.vector_store %arg17[%swap3A_1005, %swap3A_1006, %swap3A_1007], %mul3A_1004 {strides = array<i32>} : memref<2x64x144xf32, #tpu.memory_space<vmem>>, vector<16xf32>,
            %mul3A_1009 = vector.broadcast %squeeze3A_966 : f32 to vector<16xf32>
            %mul3A_1010 = arith.mulf %get3A_1002, %mul3A_1009 : vector<16xf32>
            %swap3A_1011 = arith.index_cast %select_n3A_266 : i32 to index
            %swap3A_1012 = arith.index_cast %add3A_945 : i32 to index
            %swap3A_1013 = arith.constant 96 : index
            %swap3A_1014 = tpu.vector_load %arg17[%swap3A_1011, %swap3A_1012, %swap3A_1013] {strides = array<i32>} : memref<2x64x144xf32, #tpu.memory_space<vmem>>, vector<16xf32>,
            tpu.vector_store %arg17[%swap3A_1011, %swap3A_1012, %swap3A_1013], %mul3A_1010 {strides = array<i32>} : memref<2x64x144xf32, #tpu.memory_space<vmem>>, vector<16xf32>,
            %get3A_1015 = arith.index_cast %select_n3A_266 : i32 to index
            %get3A_1016 = arith.index_cast %add3A_945 : i32 to index
            %get3A_1017 = arith.constant 48 : index
            %get3A_1018 = tpu.vector_load %arg14[%get3A_1015, %get3A_1016, %get3A_1017] {strides = array<i32>} : memref<2x64x64xf32, #tpu.memory_space<vmem>>, vector<16xf32>,
            %mul3A_1019 = vector.broadcast %squeeze3A_964 : f32 to vector<16xf32>
            %mul3A_1020 = arith.mulf %get3A_1018, %mul3A_1019 : vector<16xf32>
            %swap3A_1021 = arith.index_cast %select_n3A_266 : i32 to index
            %swap3A_1022 = arith.index_cast %add3A_945 : i32 to index
            %swap3A_1023 = arith.constant 48 : index
            %swap3A_1024 = tpu.vector_load %arg17[%swap3A_1021, %swap3A_1022, %swap3A_1023] {strides = array<i32>} : memref<2x64x144xf32, #tpu.memory_space<vmem>>, vector<16xf32>,
            tpu.vector_store %arg17[%swap3A_1021, %swap3A_1022, %swap3A_1023], %mul3A_1020 {strides = array<i32>} : memref<2x64x144xf32, #tpu.memory_space<vmem>>, vector<16xf32>,
            %mul3A_1025 = vector.broadcast %squeeze3A_966 : f32 to vector<16xf32>
            %mul3A_1026 = arith.mulf %get3A_1018, %mul3A_1025 : vector<16xf32>
            %swap3A_1027 = arith.index_cast %select_n3A_266 : i32 to index
            %swap3A_1028 = arith.index_cast %add3A_945 : i32 to index
            %swap3A_1029 = arith.constant 112 : index
            %swap3A_1030 = tpu.vector_load %arg17[%swap3A_1027, %swap3A_1028, %swap3A_1029] {strides = array<i32>} : memref<2x64x144xf32, #tpu.memory_space<vmem>>, vector<16xf32>,
            tpu.vector_store %arg17[%swap3A_1027, %swap3A_1028, %swap3A_1029], %mul3A_1026 {strides = array<i32>} : memref<2x64x144xf32, #tpu.memory_space<vmem>>, vector<16xf32>,
            %lt3A_1031 = arith.constant 2 : i32
            %lt3A_1032 = vector.broadcast %lt3A_1031 : i32 to vector<16xi32>
            %lt3A_1033 = arith.cmpi slt, %iota3A, %lt3A_1032 : vector<16xi32>
            %jit3A_1034 = arith.constant 0.000000e+00 : f32
            %broadcast_in_dim3A_1035 = vector.broadcast %jit3A_1034 : f32 to vector<16xf32>
            %select_n3A_1036 = arith.select %lt3A_1033, %exp3A_962, %broadcast_in_dim3A_1035 : vector<16xi1>, vector<16xf32>
            %swap3A_1037 = arith.index_cast %select_n3A_266 : i32 to index
            %swap3A_1038 = arith.index_cast %add3A_945 : i32 to index
            %swap3A_1039 = arith.constant 128 : index
            %swap3A_1040 = tpu.vector_load %arg17[%swap3A_1037, %swap3A_1038, %swap3A_1039] {strides = array<i32>} : memref<2x64x144xf32, #tpu.memory_space<vmem>>, vector<16xf32>,
            tpu.vector_store %arg17[%swap3A_1037, %swap3A_1038, %swap3A_1039], %select_n3A_1036 {strides = array<i32>} : memref<2x64x144xf32, #tpu.memory_space<vmem>>, vector<16xf32>,
            %mul3A_1041 = arith.constant 16 : i32
            %mul3A_1042 = arith.muli %scan3A_351, %mul3A_1041 : i32
            %add3A_1043 = arith.constant 7 : i32
            %add3A_1044 = arith.addi %mul3A_1042, %add3A_1043 : i32
            %get3A_1045 = arith.index_cast %select_n3A_266 : i32 to index
            %get3A_1046 = arith.index_cast %add3A_1044 : i32 to index
            %get3A_1047 = arith.constant 0 : index
            %get3A_1048 = tpu.vector_load %arg15[%get3A_1045, %get3A_1046, %get3A_1047] {strides = array<i32>} : memref<2x64x16xf32, #tpu.memory_space<vmem>>, vector<16xf32>,
            %get3A_1049 = arith.index_cast %select_n3A_266 : i32 to index
            %get3A_1050 = arith.index_cast %add3A_1044 : i32 to index
            %get3A_1051 = arith.constant 0 : index
            %get3A_1052 = tpu.vector_load %arg16[%get3A_1049, %get3A_1050, %get3A_1051] {strides = array<i32>} : memref<2x64x16xf32, #tpu.memory_space<vmem>>, vector<16xf32>,
            %add3A_1053 = arith.addf %get3A_1048, %get3A_1052 : vector<16xf32>
            %ge3A_1054 = arith.constant 0.000000e+00 : f32
            %ge3A_1055 = vector.broadcast %ge3A_1054 : f32 to vector<16xf32>
            %ge3A_1056 = arith.cmpf oge, %add3A_1053, %ge3A_1055 : vector<16xf32>
            %mul3A_1057 = arith.constant 2.000000e-01 : f32
            %mul3A_1058 = vector.broadcast %mul3A_1057 : f32 to vector<16xf32>
            %mul3A_1059 = arith.mulf %mul3A_1058, %add3A_1053 : vector<16xf32>
            %select_n3A_1060 = arith.select %ge3A_1056, %add3A_1053, %mul3A_1059 : vector<16xi1>, vector<16xf32>
            %exp3A_1061 = math.exp %select_n3A_1060 : vector<16xf32>
            %slice3A_1062 = vector.extract_strided_slice %exp3A_1061 {offsets = [0], sizes = [1], strides = [1]} : vector<16xf32> to vector<1xf32>
            %squeeze3A_1063 = vector.extract %slice3A_1062[0] : f32 from vector<1xf32>
            %slice3A_1064 = vector.extract_strided_slice %exp3A_1061 {offsets = [1], sizes = [1], strides = [1]} : vector<16xf32> to vector<1xf32>
            %squeeze3A_1065 = vector.extract %slice3A_1064[0] : f32 from vector<1xf32>
            %get3A_1066 = arith.index_cast %select_n3A_266 : i32 to index
            %get3A_1067 = arith.index_cast %add3A_1044 : i32 to index
            %get3A_1068 = arith.constant 0 : index
            %get3A_1069 = tpu.vector_load %arg14[%get3A_1066, %get3A_1067, %get3A_1068] {strides = array<i32>} : memref<2x64x64xf32, #tpu.memory_space<vmem>>, vector<16xf32>,
            %mul3A_1070 = vector.broadcast %squeeze3A_1063 : f32 to vector<16xf32>
            %mul3A_1071 = arith.mulf %get3A_1069, %mul3A_1070 : vector<16xf32>
            %swap3A_1072 = arith.index_cast %select_n3A_266 : i32 to index
            %swap3A_1073 = arith.index_cast %add3A_1044 : i32 to index
            %swap3A_1074 = arith.constant 0 : index
            %swap3A_1075 = tpu.vector_load %arg17[%swap3A_1072, %swap3A_1073, %swap3A_1074] {strides = array<i32>} : memref<2x64x144xf32, #tpu.memory_space<vmem>>, vector<16xf32>,
            tpu.vector_store %arg17[%swap3A_1072, %swap3A_1073, %swap3A_1074], %mul3A_1071 {strides = array<i32>} : memref<2x64x144xf32, #tpu.memory_space<vmem>>, vector<16xf32>,
            %mul3A_1076 = vector.broadcast %squeeze3A_1065 : f32 to vector<16xf32>
            %mul3A_1077 = arith.mulf %get3A_1069, %mul3A_1076 : vector<16xf32>
            %swap3A_1078 = arith.index_cast %select_n3A_266 : i32 to index
            %swap3A_1079 = arith.index_cast %add3A_1044 : i32 to index
            %swap3A_1080 = arith.constant 64 : index
            %swap3A_1081 = tpu.vector_load %arg17[%swap3A_1078, %swap3A_1079, %swap3A_1080] {strides = array<i32>} : memref<2x64x144xf32, #tpu.memory_space<vmem>>, vector<16xf32>,
            tpu.vector_store %arg17[%swap3A_1078, %swap3A_1079, %swap3A_1080], %mul3A_1077 {strides = array<i32>} : memref<2x64x144xf32, #tpu.memory_space<vmem>>, vector<16xf32>,
            %get3A_1082 = arith.index_cast %select_n3A_266 : i32 to index
            %get3A_1083 = arith.index_cast %add3A_1044 : i32 to index
            %get3A_1084 = arith.constant 16 : index
            %get3A_1085 = tpu.vector_load %arg14[%get3A_1082, %get3A_1083, %get3A_1084] {strides = array<i32>} : memref<2x64x64xf32, #tpu.memory_space<vmem>>, vector<16xf32>,
            %mul3A_1086 = vector.broadcast %squeeze3A_1063 : f32 to vector<16xf32>
            %mul3A_1087 = arith.mulf %get3A_1085, %mul3A_1086 : vector<16xf32>
            %swap3A_1088 = arith.index_cast %select_n3A_266 : i32 to index
            %swap3A_1089 = arith.index_cast %add3A_1044 : i32 to index
            %swap3A_1090 = arith.constant 16 : index
            %swap3A_1091 = tpu.vector_load %arg17[%swap3A_1088, %swap3A_1089, %swap3A_1090] {strides = array<i32>} : memref<2x64x144xf32, #tpu.memory_space<vmem>>, vector<16xf32>,
            tpu.vector_store %arg17[%swap3A_1088, %swap3A_1089, %swap3A_1090], %mul3A_1087 {strides = array<i32>} : memref<2x64x144xf32, #tpu.memory_space<vmem>>, vector<16xf32>,
            %mul3A_1092 = vector.broadcast %squeeze3A_1065 : f32 to vector<16xf32>
            %mul3A_1093 = arith.mulf %get3A_1085, %mul3A_1092 : vector<16xf32>
            %swap3A_1094 = arith.index_cast %select_n3A_266 : i32 to index
            %swap3A_1095 = arith.index_cast %add3A_1044 : i32 to index
            %swap3A_1096 = arith.constant 80 : index
            %swap3A_1097 = tpu.vector_load %arg17[%swap3A_1094, %swap3A_1095, %swap3A_1096] {strides = array<i32>} : memref<2x64x144xf32, #tpu.memory_space<vmem>>, vector<16xf32>,
            tpu.vector_store %arg17[%swap3A_1094, %swap3A_1095, %swap3A_1096], %mul3A_1093 {strides = array<i32>} : memref<2x64x144xf32, #tpu.memory_space<vmem>>, vector<16xf32>,
            %get3A_1098 = arith.index_cast %select_n3A_266 : i32 to index
            %get3A_1099 = arith.index_cast %add3A_1044 : i32 to index
            %get3A_1100 = arith.constant 32 : index
            %get3A_1101 = tpu.vector_load %arg14[%get3A_1098, %get3A_1099, %get3A_1100] {strides = array<i32>} : memref<2x64x64xf32, #tpu.memory_space<vmem>>, vector<16xf32>,
            %mul3A_1102 = vector.broadcast %squeeze3A_1063 : f32 to vector<16xf32>
            %mul3A_1103 = arith.mulf %get3A_1101, %mul3A_1102 : vector<16xf32>
            %swap3A_1104 = arith.index_cast %select_n3A_266 : i32 to index
            %swap3A_1105 = arith.index_cast %add3A_1044 : i32 to index
            %swap3A_1106 = arith.constant 32 : index
            %swap3A_1107 = tpu.vector_load %arg17[%swap3A_1104, %swap3A_1105, %swap3A_1106] {strides = array<i32>} : memref<2x64x144xf32, #tpu.memory_space<vmem>>, vector<16xf32>,
            tpu.vector_store %arg17[%swap3A_1104, %swap3A_1105, %swap3A_1106], %mul3A_1103 {strides = array<i32>} : memref<2x64x144xf32, #tpu.memory_space<vmem>>, vector<16xf32>,
            %mul3A_1108 = vector.broadcast %squeeze3A_1065 : f32 to vector<16xf32>
            %mul3A_1109 = arith.mulf %get3A_1101, %mul3A_1108 : vector<16xf32>
            %swap3A_1110 = arith.index_cast %select_n3A_266 : i32 to index
            %swap3A_1111 = arith.index_cast %add3A_1044 : i32 to index
            %swap3A_1112 = arith.constant 96 : index
            %swap3A_1113 = tpu.vector_load %arg17[%swap3A_1110, %swap3A_1111, %swap3A_1112] {strides = array<i32>} : memref<2x64x144xf32, #tpu.memory_space<vmem>>, vector<16xf32>,
            tpu.vector_store %arg17[%swap3A_1110, %swap3A_1111, %swap3A_1112], %mul3A_1109 {strides = array<i32>} : memref<2x64x144xf32, #tpu.memory_space<vmem>>, vector<16xf32>,
            %get3A_1114 = arith.index_cast %select_n3A_266 : i32 to index
            %get3A_1115 = arith.index_cast %add3A_1044 : i32 to index
            %get3A_1116 = arith.constant 48 : index
            %get3A_1117 = tpu.vector_load %arg14[%get3A_1114, %get3A_1115, %get3A_1116] {strides = array<i32>} : memref<2x64x64xf32, #tpu.memory_space<vmem>>, vector<16xf32>,
            %mul3A_1118 = vector.broadcast %squeeze3A_1063 : f32 to vector<16xf32>
            %mul3A_1119 = arith.mulf %get3A_1117, %mul3A_1118 : vector<16xf32>
            %swap3A_1120 = arith.index_cast %select_n3A_266 : i32 to index
            %swap3A_1121 = arith.index_cast %add3A_1044 : i32 to index
            %swap3A_1122 = arith.constant 48 : index
            %swap3A_1123 = tpu.vector_load %arg17[%swap3A_1120, %swap3A_1121, %swap3A_1122] {strides = array<i32>} : memref<2x64x144xf32, #tpu.memory_space<vmem>>, vector<16xf32>,
            tpu.vector_store %arg17[%swap3A_1120, %swap3A_1121, %swap3A_1122], %mul3A_1119 {strides = array<i32>} : memref<2x64x144xf32, #tpu.memory_space<vmem>>, vector<16xf32>,
            %mul3A_1124 = vector.broadcast %squeeze3A_1065 : f32 to vector<16xf32>
            %mul3A_1125 = arith.mulf %get3A_1117, %mul3A_1124 : vector<16xf32>
            %swap3A_1126 = arith.index_cast %select_n3A_266 : i32 to index
            %swap3A_1127 = arith.index_cast %add3A_1044 : i32 to index
            %swap3A_1128 = arith.constant 112 : index
            %swap3A_1129 = tpu.vector_load %arg17[%swap3A_1126, %swap3A_1127, %swap3A_1128] {strides = array<i32>} : memref<2x64x144xf32, #tpu.memory_space<vmem>>, vector<16xf32>,
            tpu.vector_store %arg17[%swap3A_1126, %swap3A_1127, %swap3A_1128], %mul3A_1125 {strides = array<i32>} : memref<2x64x144xf32, #tpu.memory_space<vmem>>, vector<16xf32>,
            %lt3A_1130 = arith.constant 2 : i32
            %lt3A_1131 = vector.broadcast %lt3A_1130 : i32 to vector<16xi32>
            %lt3A_1132 = arith.cmpi slt, %iota3A, %lt3A_1131 : vector<16xi32>
            %jit3A_1133 = arith.constant 0.000000e+00 : f32
            %broadcast_in_dim3A_1134 = vector.broadcast %jit3A_1133 : f32 to vector<16xf32>
            %select_n3A_1135 = arith.select %lt3A_1132, %exp3A_1061, %broadcast_in_dim3A_1134 : vector<16xi1>, vector<16xf32>
            %swap3A_1136 = arith.index_cast %select_n3A_266 : i32 to index
            %swap3A_1137 = arith.index_cast %add3A_1044 : i32 to index
            %swap3A_1138 = arith.constant 128 : index
            %swap3A_1139 = tpu.vector_load %arg17[%swap3A_1136, %swap3A_1137, %swap3A_1138] {strides = array<i32>} : memref<2x64x144xf32, #tpu.memory_space<vmem>>, vector<16xf32>,
            tpu.vector_store %arg17[%swap3A_1136, %swap3A_1137, %swap3A_1138], %select_n3A_1135 {strides = array<i32>} : memref<2x64x144xf32, #tpu.memory_space<vmem>>, vector<16xf32>,
            %mul3A_1140 = arith.constant 16 : i32
            %mul3A_1141 = arith.muli %scan3A_351, %mul3A_1140 : i32
            %add3A_1142 = arith.constant 8 : i32
            %add3A_1143 = arith.addi %mul3A_1141, %add3A_1142 : i32
            %get3A_1144 = arith.index_cast %select_n3A_266 : i32 to index
            %get3A_1145 = arith.index_cast %add3A_1143 : i32 to index
            %get3A_1146 = arith.constant 0 : index
            %get3A_1147 = tpu.vector_load %arg15[%get3A_1144, %get3A_1145, %get3A_1146] {strides = array<i32>} : memref<2x64x16xf32, #tpu.memory_space<vmem>>, vector<16xf32>,
            %get3A_1148 = arith.index_cast %select_n3A_266 : i32 to index
            %get3A_1149 = arith.index_cast %add3A_1143 : i32 to index
            %get3A_1150 = arith.constant 0 : index
            %get3A_1151 = tpu.vector_load %arg16[%get3A_1148, %get3A_1149, %get3A_1150] {strides = array<i32>} : memref<2x64x16xf32, #tpu.memory_space<vmem>>, vector<16xf32>,
            %add3A_1152 = arith.addf %get3A_1147, %get3A_1151 : vector<16xf32>
            %ge3A_1153 = arith.constant 0.000000e+00 : f32
            %ge3A_1154 = vector.broadcast %ge3A_1153 : f32 to vector<16xf32>
            %ge3A_1155 = arith.cmpf oge, %add3A_1152, %ge3A_1154 : vector<16xf32>
            %mul3A_1156 = arith.constant 2.000000e-01 : f32
            %mul3A_1157 = vector.broadcast %mul3A_1156 : f32 to vector<16xf32>
            %mul3A_1158 = arith.mulf %mul3A_1157, %add3A_1152 : vector<16xf32>
            %select_n3A_1159 = arith.select %ge3A_1155, %add3A_1152, %mul3A_1158 : vector<16xi1>, vector<16xf32>
            %exp3A_1160 = math.exp %select_n3A_1159 : vector<16xf32>
            %slice3A_1161 = vector.extract_strided_slice %exp3A_1160 {offsets = [0], sizes = [1], strides = [1]} : vector<16xf32> to vector<1xf32>
            %squeeze3A_1162 = vector.extract %slice3A_1161[0] : f32 from vector<1xf32>
            %slice3A_1163 = vector.extract_strided_slice %exp3A_1160 {offsets = [1], sizes = [1], strides = [1]} : vector<16xf32> to vector<1xf32>
            %squeeze3A_1164 = vector.extract %slice3A_1163[0] : f32 from vector<1xf32>
            %get3A_1165 = arith.index_cast %select_n3A_266 : i32 to index
            %get3A_1166 = arith.index_cast %add3A_1143 : i32 to index
            %get3A_1167 = arith.constant 0 : index
            %get3A_1168 = tpu.vector_load %arg14[%get3A_1165, %get3A_1166, %get3A_1167] {strides = array<i32>} : memref<2x64x64xf32, #tpu.memory_space<vmem>>, vector<16xf32>,
            %mul3A_1169 = vector.broadcast %squeeze3A_1162 : f32 to vector<16xf32>
            %mul3A_1170 = arith.mulf %get3A_1168, %mul3A_1169 : vector<16xf32>
            %swap3A_1171 = arith.index_cast %select_n3A_266 : i32 to index
            %swap3A_1172 = arith.index_cast %add3A_1143 : i32 to index
            %swap3A_1173 = arith.constant 0 : index
            %swap3A_1174 = tpu.vector_load %arg17[%swap3A_1171, %swap3A_1172, %swap3A_1173] {strides = array<i32>} : memref<2x64x144xf32, #tpu.memory_space<vmem>>, vector<16xf32>,
            tpu.vector_store %arg17[%swap3A_1171, %swap3A_1172, %swap3A_1173], %mul3A_1170 {strides = array<i32>} : memref<2x64x144xf32, #tpu.memory_space<vmem>>, vector<16xf32>,
            %mul3A_1175 = vector.broadcast %squeeze3A_1164 : f32 to vector<16xf32>
            %mul3A_1176 = arith.mulf %get3A_1168, %mul3A_1175 : vector<16xf32>
            %swap3A_1177 = arith.index_cast %select_n3A_266 : i32 to index
            %swap3A_1178 = arith.index_cast %add3A_1143 : i32 to index
            %swap3A_1179 = arith.constant 64 : index
            %swap3A_1180 = tpu.vector_load %arg17[%swap3A_1177, %swap3A_1178, %swap3A_1179] {strides = array<i32>} : memref<2x64x144xf32, #tpu.memory_space<vmem>>, vector<16xf32>,
            tpu.vector_store %arg17[%swap3A_1177, %swap3A_1178, %swap3A_1179], %mul3A_1176 {strides = array<i32>} : memref<2x64x144xf32, #tpu.memory_space<vmem>>, vector<16xf32>,
            %get3A_1181 = arith.index_cast %select_n3A_266 : i32 to index
            %get3A_1182 = arith.index_cast %add3A_1143 : i32 to index
            %get3A_1183 = arith.constant 16 : index
            %get3A_1184 = tpu.vector_load %arg14[%get3A_1181, %get3A_1182, %get3A_1183] {strides = array<i32>} : memref<2x64x64xf32, #tpu.memory_space<vmem>>, vector<16xf32>,
            %mul3A_1185 = vector.broadcast %squeeze3A_1162 : f32 to vector<16xf32>
            %mul3A_1186 = arith.mulf %get3A_1184, %mul3A_1185 : vector<16xf32>
            %swap3A_1187 = arith.index_cast %select_n3A_266 : i32 to index
            %swap3A_1188 = arith.index_cast %add3A_1143 : i32 to index
            %swap3A_1189 = arith.constant 16 : index
            %swap3A_1190 = tpu.vector_load %arg17[%swap3A_1187, %swap3A_1188, %swap3A_1189] {strides = array<i32>} : memref<2x64x144xf32, #tpu.memory_space<vmem>>, vector<16xf32>,
            tpu.vector_store %arg17[%swap3A_1187, %swap3A_1188, %swap3A_1189], %mul3A_1186 {strides = array<i32>} : memref<2x64x144xf32, #tpu.memory_space<vmem>>, vector<16xf32>,
            %mul3A_1191 = vector.broadcast %squeeze3A_1164 : f32 to vector<16xf32>
            %mul3A_1192 = arith.mulf %get3A_1184, %mul3A_1191 : vector<16xf32>
            %swap3A_1193 = arith.index_cast %select_n3A_266 : i32 to index
            %swap3A_1194 = arith.index_cast %add3A_1143 : i32 to index
            %swap3A_1195 = arith.constant 80 : index
            %swap3A_1196 = tpu.vector_load %arg17[%swap3A_1193, %swap3A_1194, %swap3A_1195] {strides = array<i32>} : memref<2x64x144xf32, #tpu.memory_space<vmem>>, vector<16xf32>,
            tpu.vector_store %arg17[%swap3A_1193, %swap3A_1194, %swap3A_1195], %mul3A_1192 {strides = array<i32>} : memref<2x64x144xf32, #tpu.memory_space<vmem>>, vector<16xf32>,
            %get3A_1197 = arith.index_cast %select_n3A_266 : i32 to index
            %get3A_1198 = arith.index_cast %add3A_1143 : i32 to index
            %get3A_1199 = arith.constant 32 : index
            %get3A_1200 = tpu.vector_load %arg14[%get3A_1197, %get3A_1198, %get3A_1199] {strides = array<i32>} : memref<2x64x64xf32, #tpu.memory_space<vmem>>, vector<16xf32>,
            %mul3A_1201 = vector.broadcast %squeeze3A_1162 : f32 to vector<16xf32>
            %mul3A_1202 = arith.mulf %get3A_1200, %mul3A_1201 : vector<16xf32>
            %swap3A_1203 = arith.index_cast %select_n3A_266 : i32 to index
            %swap3A_1204 = arith.index_cast %add3A_1143 : i32 to index
            %swap3A_1205 = arith.constant 32 : index
            %swap3A_1206 = tpu.vector_load %arg17[%swap3A_1203, %swap3A_1204, %swap3A_1205] {strides = array<i32>} : memref<2x64x144xf32, #tpu.memory_space<vmem>>, vector<16xf32>,
            tpu.vector_store %arg17[%swap3A_1203, %swap3A_1204, %swap3A_1205], %mul3A_1202 {strides = array<i32>} : memref<2x64x144xf32, #tpu.memory_space<vmem>>, vector<16xf32>,
            %mul3A_1207 = vector.broadcast %squeeze3A_1164 : f32 to vector<16xf32>
            %mul3A_1208 = arith.mulf %get3A_1200, %mul3A_1207 : vector<16xf32>
            %swap3A_1209 = arith.index_cast %select_n3A_266 : i32 to index
            %swap3A_1210 = arith.index_cast %add3A_1143 : i32 to index
            %swap3A_1211 = arith.constant 96 : index
            %swap3A_1212 = tpu.vector_load %arg17[%swap3A_1209, %swap3A_1210, %swap3A_1211] {strides = array<i32>} : memref<2x64x144xf32, #tpu.memory_space<vmem>>, vector<16xf32>,
            tpu.vector_store %arg17[%swap3A_1209, %swap3A_1210, %swap3A_1211], %mul3A_1208 {strides = array<i32>} : memref<2x64x144xf32, #tpu.memory_space<vmem>>, vector<16xf32>,
            %get3A_1213 = arith.index_cast %select_n3A_266 : i32 to index
            %get3A_1214 = arith.index_cast %add3A_1143 : i32 to index
            %get3A_1215 = arith.constant 48 : index
            %get3A_1216 = tpu.vector_load %arg14[%get3A_1213, %get3A_1214, %get3A_1215] {strides = array<i32>} : memref<2x64x64xf32, #tpu.memory_space<vmem>>, vector<16xf32>,
            %mul3A_1217 = vector.broadcast %squeeze3A_1162 : f32 to vector<16xf32>
            %mul3A_1218 = arith.mulf %get3A_1216, %mul3A_1217 : vector<16xf32>
            %swap3A_1219 = arith.index_cast %select_n3A_266 : i32 to index
            %swap3A_1220 = arith.index_cast %add3A_1143 : i32 to index
            %swap3A_1221 = arith.constant 48 : index
            %swap3A_1222 = tpu.vector_load %arg17[%swap3A_1219, %swap3A_1220, %swap3A_1221] {strides = array<i32>} : memref<2x64x144xf32, #tpu.memory_space<vmem>>, vector<16xf32>,
            tpu.vector_store %arg17[%swap3A_1219, %swap3A_1220, %swap3A_1221], %mul3A_1218 {strides = array<i32>} : memref<2x64x144xf32, #tpu.memory_space<vmem>>, vector<16xf32>,
            %mul3A_1223 = vector.broadcast %squeeze3A_1164 : f32 to vector<16xf32>
            %mul3A_1224 = arith.mulf %get3A_1216, %mul3A_1223 : vector<16xf32>
            %swap3A_1225 = arith.index_cast %select_n3A_266 : i32 to index
            %swap3A_1226 = arith.index_cast %add3A_1143 : i32 to index
            %swap3A_1227 = arith.constant 112 : index
            %swap3A_1228 = tpu.vector_load %arg17[%swap3A_1225, %swap3A_1226, %swap3A_1227] {strides = array<i32>} : memref<2x64x144xf32, #tpu.memory_space<vmem>>, vector<16xf32>,
            tpu.vector_store %arg17[%swap3A_1225, %swap3A_1226, %swap3A_1227], %mul3A_1224 {strides = array<i32>} : memref<2x64x144xf32, #tpu.memory_space<vmem>>, vector<16xf32>,
            %lt3A_1229 = arith.constant 2 : i32
            %lt3A_1230 = vector.broadcast %lt3A_1229 : i32 to vector<16xi32>
            %lt3A_1231 = arith.cmpi slt, %iota3A, %lt3A_1230 : vector<16xi32>
            %jit3A_1232 = arith.constant 0.000000e+00 : f32
            %broadcast_in_dim3A_1233 = vector.broadcast %jit3A_1232 : f32 to vector<16xf32>
            %select_n3A_1234 = arith.select %lt3A_1231, %exp3A_1160, %broadcast_in_dim3A_1233 : vector<16xi1>, vector<16xf32>
            %swap3A_1235 = arith.index_cast %select_n3A_266 : i32 to index
            %swap3A_1236 = arith.index_cast %add3A_1143 : i32 to index
            %swap3A_1237 = arith.constant 128 : index
            %swap3A_1238 = tpu.vector_load %arg17[%swap3A_1235, %swap3A_1236, %swap3A_1237] {strides = array<i32>} : memref<2x64x144xf32, #tpu.memory_space<vmem>>, vector<16xf32>,
            tpu.vector_store %arg17[%swap3A_1235, %swap3A_1236, %swap3A_1237], %select_n3A_1234 {strides = array<i32>} : memref<2x64x144xf32, #tpu.memory_space<vmem>>, vector<16xf32>,
            %mul3A_1239 = arith.constant 16 : i32
            %mul3A_1240 = arith.muli %scan3A_351, %mul3A_1239 : i32
            %add3A_1241 = arith.constant 9 : i32
            %add3A_1242 = arith.addi %mul3A_1240, %add3A_1241 : i32
            %get3A_1243 = arith.index_cast %select_n3A_266 : i32 to index
            %get3A_1244 = arith.index_cast %add3A_1242 : i32 to index
            %get3A_1245 = arith.constant 0 : index
            %get3A_1246 = tpu.vector_load %arg15[%get3A_1243, %get3A_1244, %get3A_1245] {strides = array<i32>} : memref<2x64x16xf32, #tpu.memory_space<vmem>>, vector<16xf32>,
            %get3A_1247 = arith.index_cast %select_n3A_266 : i32 to index
            %get3A_1248 = arith.index_cast %add3A_1242 : i32 to index
            %get3A_1249 = arith.constant 0 : index
            %get3A_1250 = tpu.vector_load %arg16[%get3A_1247, %get3A_1248, %get3A_1249] {strides = array<i32>} : memref<2x64x16xf32, #tpu.memory_space<vmem>>, vector<16xf32>,
            %add3A_1251 = arith.addf %get3A_1246, %get3A_1250 : vector<16xf32>
            %ge3A_1252 = arith.constant 0.000000e+00 : f32
            %ge3A_1253 = vector.broadcast %ge3A_1252 : f32 to vector<16xf32>
            %ge3A_1254 = arith.cmpf oge, %add3A_1251, %ge3A_1253 : vector<16xf32>
            %mul3A_1255 = arith.constant 2.000000e-01 : f32
            %mul3A_1256 = vector.broadcast %mul3A_1255 : f32 to vector<16xf32>
            %mul3A_1257 = arith.mulf %mul3A_1256, %add3A_1251 : vector<16xf32>
            %select_n3A_1258 = arith.select %ge3A_1254, %add3A_1251, %mul3A_1257 : vector<16xi1>, vector<16xf32>
            %exp3A_1259 = math.exp %select_n3A_1258 : vector<16xf32>
            %slice3A_1260 = vector.extract_strided_slice %exp3A_1259 {offsets = [0], sizes = [1], strides = [1]} : vector<16xf32> to vector<1xf32>
            %squeeze3A_1261 = vector.extract %slice3A_1260[0] : f32 from vector<1xf32>
            %slice3A_1262 = vector.extract_strided_slice %exp3A_1259 {offsets = [1], sizes = [1], strides = [1]} : vector<16xf32> to vector<1xf32>
            %squeeze3A_1263 = vector.extract %slice3A_1262[0] : f32 from vector<1xf32>
            %get3A_1264 = arith.index_cast %select_n3A_266 : i32 to index
            %get3A_1265 = arith.index_cast %add3A_1242 : i32 to index
            %get3A_1266 = arith.constant 0 : index
            %get3A_1267 = tpu.vector_load %arg14[%get3A_1264, %get3A_1265, %get3A_1266] {strides = array<i32>} : memref<2x64x64xf32, #tpu.memory_space<vmem>>, vector<16xf32>,
            %mul3A_1268 = vector.broadcast %squeeze3A_1261 : f32 to vector<16xf32>
            %mul3A_1269 = arith.mulf %get3A_1267, %mul3A_1268 : vector<16xf32>
            %swap3A_1270 = arith.index_cast %select_n3A_266 : i32 to index
            %swap3A_1271 = arith.index_cast %add3A_1242 : i32 to index
            %swap3A_1272 = arith.constant 0 : index
            %swap3A_1273 = tpu.vector_load %arg17[%swap3A_1270, %swap3A_1271, %swap3A_1272] {strides = array<i32>} : memref<2x64x144xf32, #tpu.memory_space<vmem>>, vector<16xf32>,
            tpu.vector_store %arg17[%swap3A_1270, %swap3A_1271, %swap3A_1272], %mul3A_1269 {strides = array<i32>} : memref<2x64x144xf32, #tpu.memory_space<vmem>>, vector<16xf32>,
            %mul3A_1274 = vector.broadcast %squeeze3A_1263 : f32 to vector<16xf32>
            %mul3A_1275 = arith.mulf %get3A_1267, %mul3A_1274 : vector<16xf32>
            %swap3A_1276 = arith.index_cast %select_n3A_266 : i32 to index
            %swap3A_1277 = arith.index_cast %add3A_1242 : i32 to index
            %swap3A_1278 = arith.constant 64 : index
            %swap3A_1279 = tpu.vector_load %arg17[%swap3A_1276, %swap3A_1277, %swap3A_1278] {strides = array<i32>} : memref<2x64x144xf32, #tpu.memory_space<vmem>>, vector<16xf32>,
            tpu.vector_store %arg17[%swap3A_1276, %swap3A_1277, %swap3A_1278], %mul3A_1275 {strides = array<i32>} : memref<2x64x144xf32, #tpu.memory_space<vmem>>, vector<16xf32>,
            %get3A_1280 = arith.index_cast %select_n3A_266 : i32 to index
            %get3A_1281 = arith.index_cast %add3A_1242 : i32 to index
            %get3A_1282 = arith.constant 16 : index
            %get3A_1283 = tpu.vector_load %arg14[%get3A_1280, %get3A_1281, %get3A_1282] {strides = array<i32>} : memref<2x64x64xf32, #tpu.memory_space<vmem>>, vector<16xf32>,
            %mul3A_1284 = vector.broadcast %squeeze3A_1261 : f32 to vector<16xf32>
            %mul3A_1285 = arith.mulf %get3A_1283, %mul3A_1284 : vector<16xf32>
            %swap3A_1286 = arith.index_cast %select_n3A_266 : i32 to index
            %swap3A_1287 = arith.index_cast %add3A_1242 : i32 to index
            %swap3A_1288 = arith.constant 16 : index
            %swap3A_1289 = tpu.vector_load %arg17[%swap3A_1286, %swap3A_1287, %swap3A_1288] {strides = array<i32>} : memref<2x64x144xf32, #tpu.memory_space<vmem>>, vector<16xf32>,
            tpu.vector_store %arg17[%swap3A_1286, %swap3A_1287, %swap3A_1288], %mul3A_1285 {strides = array<i32>} : memref<2x64x144xf32, #tpu.memory_space<vmem>>, vector<16xf32>,
            %mul3A_1290 = vector.broadcast %squeeze3A_1263 : f32 to vector<16xf32>
            %mul3A_1291 = arith.mulf %get3A_1283, %mul3A_1290 : vector<16xf32>
            %swap3A_1292 = arith.index_cast %select_n3A_266 : i32 to index
            %swap3A_1293 = arith.index_cast %add3A_1242 : i32 to index
            %swap3A_1294 = arith.constant 80 : index
            %swap3A_1295 = tpu.vector_load %arg17[%swap3A_1292, %swap3A_1293, %swap3A_1294] {strides = array<i32>} : memref<2x64x144xf32, #tpu.memory_space<vmem>>, vector<16xf32>,
            tpu.vector_store %arg17[%swap3A_1292, %swap3A_1293, %swap3A_1294], %mul3A_1291 {strides = array<i32>} : memref<2x64x144xf32, #tpu.memory_space<vmem>>, vector<16xf32>,
            %get3A_1296 = arith.index_cast %select_n3A_266 : i32 to index
            %get3A_1297 = arith.index_cast %add3A_1242 : i32 to index
            %get3A_1298 = arith.constant 32 : index
            %get3A_1299 = tpu.vector_load %arg14[%get3A_1296, %get3A_1297, %get3A_1298] {strides = array<i32>} : memref<2x64x64xf32, #tpu.memory_space<vmem>>, vector<16xf32>,
            %mul3A_1300 = vector.broadcast %squeeze3A_1261 : f32 to vector<16xf32>
            %mul3A_1301 = arith.mulf %get3A_1299, %mul3A_1300 : vector<16xf32>
            %swap3A_1302 = arith.index_cast %select_n3A_266 : i32 to index
            %swap3A_1303 = arith.index_cast %add3A_1242 : i32 to index
            %swap3A_1304 = arith.constant 32 : index
            %swap3A_1305 = tpu.vector_load %arg17[%swap3A_1302, %swap3A_1303, %swap3A_1304] {strides = array<i32>} : memref<2x64x144xf32, #tpu.memory_space<vmem>>, vector<16xf32>,
            tpu.vector_store %arg17[%swap3A_1302, %swap3A_1303, %swap3A_1304], %mul3A_1301 {strides = array<i32>} : memref<2x64x144xf32, #tpu.memory_space<vmem>>, vector<16xf32>,
            %mul3A_1306 = vector.broadcast %squeeze3A_1263 : f32 to vector<16xf32>
            %mul3A_1307 = arith.mulf %get3A_1299, %mul3A_1306 : vector<16xf32>
            %swap3A_1308 = arith.index_cast %select_n3A_266 : i32 to index
            %swap3A_1309 = arith.index_cast %add3A_1242 : i32 to index
            %swap3A_1310 = arith.constant 96 : index
            %swap3A_1311 = tpu.vector_load %arg17[%swap3A_1308, %swap3A_1309, %swap3A_1310] {strides = array<i32>} : memref<2x64x144xf32, #tpu.memory_space<vmem>>, vector<16xf32>,
            tpu.vector_store %arg17[%swap3A_1308, %swap3A_1309, %swap3A_1310], %mul3A_1307 {strides = array<i32>} : memref<2x64x144xf32, #tpu.memory_space<vmem>>, vector<16xf32>,
            %get3A_1312 = arith.index_cast %select_n3A_266 : i32 to index
            %get3A_1313 = arith.index_cast %add3A_1242 : i32 to index
            %get3A_1314 = arith.constant 48 : index
            %get3A_1315 = tpu.vector_load %arg14[%get3A_1312, %get3A_1313, %get3A_1314] {strides = array<i32>} : memref<2x64x64xf32, #tpu.memory_space<vmem>>, vector<16xf32>,
            %mul3A_1316 = vector.broadcast %squeeze3A_1261 : f32 to vector<16xf32>
            %mul3A_1317 = arith.mulf %get3A_1315, %mul3A_1316 : vector<16xf32>
            %swap3A_1318 = arith.index_cast %select_n3A_266 : i32 to index
            %swap3A_1319 = arith.index_cast %add3A_1242 : i32 to index
            %swap3A_1320 = arith.constant 48 : index
            %swap3A_1321 = tpu.vector_load %arg17[%swap3A_1318, %swap3A_1319, %swap3A_1320] {strides = array<i32>} : memref<2x64x144xf32, #tpu.memory_space<vmem>>, vector<16xf32>,
            tpu.vector_store %arg17[%swap3A_1318, %swap3A_1319, %swap3A_1320], %mul3A_1317 {strides = array<i32>} : memref<2x64x144xf32, #tpu.memory_space<vmem>>, vector<16xf32>,
            %mul3A_1322 = vector.broadcast %squeeze3A_1263 : f32 to vector<16xf32>
            %mul3A_1323 = arith.mulf %get3A_1315, %mul3A_1322 : vector<16xf32>
            %swap3A_1324 = arith.index_cast %select_n3A_266 : i32 to index
            %swap3A_1325 = arith.index_cast %add3A_1242 : i32 to index
            %swap3A_1326 = arith.constant 112 : index
            %swap3A_1327 = tpu.vector_load %arg17[%swap3A_1324, %swap3A_1325, %swap3A_1326] {strides = array<i32>} : memref<2x64x144xf32, #tpu.memory_space<vmem>>, vector<16xf32>,
            tpu.vector_store %arg17[%swap3A_1324, %swap3A_1325, %swap3A_1326], %mul3A_1323 {strides = array<i32>} : memref<2x64x144xf32, #tpu.memory_space<vmem>>, vector<16xf32>,
            %lt3A_1328 = arith.constant 2 : i32
            %lt3A_1329 = vector.broadcast %lt3A_1328 : i32 to vector<16xi32>
            %lt3A_1330 = arith.cmpi slt, %iota3A, %lt3A_1329 : vector<16xi32>
            %jit3A_1331 = arith.constant 0.000000e+00 : f32
            %broadcast_in_dim3A_1332 = vector.broadcast %jit3A_1331 : f32 to vector<16xf32>
            %select_n3A_1333 = arith.select %lt3A_1330, %exp3A_1259, %broadcast_in_dim3A_1332 : vector<16xi1>, vector<16xf32>
            %swap3A_1334 = arith.index_cast %select_n3A_266 : i32 to index
            %swap3A_1335 = arith.index_cast %add3A_1242 : i32 to index
            %swap3A_1336 = arith.constant 128 : index
            %swap3A_1337 = tpu.vector_load %arg17[%swap3A_1334, %swap3A_1335, %swap3A_1336] {strides = array<i32>} : memref<2x64x144xf32, #tpu.memory_space<vmem>>, vector<16xf32>,
            tpu.vector_store %arg17[%swap3A_1334, %swap3A_1335, %swap3A_1336], %select_n3A_1333 {strides = array<i32>} : memref<2x64x144xf32, #tpu.memory_space<vmem>>, vector<16xf32>,
            %mul3A_1338 = arith.constant 16 : i32
            %mul3A_1339 = arith.muli %scan3A_351, %mul3A_1338 : i32
            %add3A_1340 = arith.constant 10 : i32
            %add3A_1341 = arith.addi %mul3A_1339, %add3A_1340 : i32
            %get3A_1342 = arith.index_cast %select_n3A_266 : i32 to index
            %get3A_1343 = arith.index_cast %add3A_1341 : i32 to index
            %get3A_1344 = arith.constant 0 : index
            %get3A_1345 = tpu.vector_load %arg15[%get3A_1342, %get3A_1343, %get3A_1344] {strides = array<i32>} : memref<2x64x16xf32, #tpu.memory_space<vmem>>, vector<16xf32>,
            %get3A_1346 = arith.index_cast %select_n3A_266 : i32 to index
            %get3A_1347 = arith.index_cast %add3A_1341 : i32 to index
            %get3A_1348 = arith.constant 0 : index
            %get3A_1349 = tpu.vector_load %arg16[%get3A_1346, %get3A_1347, %get3A_1348] {strides = array<i32>} : memref<2x64x16xf32, #tpu.memory_space<vmem>>, vector<16xf32>,
            %add3A_1350 = arith.addf %get3A_1345, %get3A_1349 : vector<16xf32>
            %ge3A_1351 = arith.constant 0.000000e+00 : f32
            %ge3A_1352 = vector.broadcast %ge3A_1351 : f32 to vector<16xf32>
            %ge3A_1353 = arith.cmpf oge, %add3A_1350, %ge3A_1352 : vector<16xf32>
            %mul3A_1354 = arith.constant 2.000000e-01 : f32
            %mul3A_1355 = vector.broadcast %mul3A_1354 : f32 to vector<16xf32>
            %mul3A_1356 = arith.mulf %mul3A_1355, %add3A_1350 : vector<16xf32>
            %select_n3A_1357 = arith.select %ge3A_1353, %add3A_1350, %mul3A_1356 : vector<16xi1>, vector<16xf32>
            %exp3A_1358 = math.exp %select_n3A_1357 : vector<16xf32>
            %slice3A_1359 = vector.extract_strided_slice %exp3A_1358 {offsets = [0], sizes = [1], strides = [1]} : vector<16xf32> to vector<1xf32>
            %squeeze3A_1360 = vector.extract %slice3A_1359[0] : f32 from vector<1xf32>
            %slice3A_1361 = vector.extract_strided_slice %exp3A_1358 {offsets = [1], sizes = [1], strides = [1]} : vector<16xf32> to vector<1xf32>
            %squeeze3A_1362 = vector.extract %slice3A_1361[0] : f32 from vector<1xf32>
            %get3A_1363 = arith.index_cast %select_n3A_266 : i32 to index
            %get3A_1364 = arith.index_cast %add3A_1341 : i32 to index
            %get3A_1365 = arith.constant 0 : index
            %get3A_1366 = tpu.vector_load %arg14[%get3A_1363, %get3A_1364, %get3A_1365] {strides = array<i32>} : memref<2x64x64xf32, #tpu.memory_space<vmem>>, vector<16xf32>,
            %mul3A_1367 = vector.broadcast %squeeze3A_1360 : f32 to vector<16xf32>
            %mul3A_1368 = arith.mulf %get3A_1366, %mul3A_1367 : vector<16xf32>
            %swap3A_1369 = arith.index_cast %select_n3A_266 : i32 to index
            %swap3A_1370 = arith.index_cast %add3A_1341 : i32 to index
            %swap3A_1371 = arith.constant 0 : index
            %swap3A_1372 = tpu.vector_load %arg17[%swap3A_1369, %swap3A_1370, %swap3A_1371] {strides = array<i32>} : memref<2x64x144xf32, #tpu.memory_space<vmem>>, vector<16xf32>,
            tpu.vector_store %arg17[%swap3A_1369, %swap3A_1370, %swap3A_1371], %mul3A_1368 {strides = array<i32>} : memref<2x64x144xf32, #tpu.memory_space<vmem>>, vector<16xf32>,
            %mul3A_1373 = vector.broadcast %squeeze3A_1362 : f32 to vector<16xf32>
            %mul3A_1374 = arith.mulf %get3A_1366, %mul3A_1373 : vector<16xf32>
            %swap3A_1375 = arith.index_cast %select_n3A_266 : i32 to index
            %swap3A_1376 = arith.index_cast %add3A_1341 : i32 to index
            %swap3A_1377 = arith.constant 64 : index
            %swap3A_1378 = tpu.vector_load %arg17[%swap3A_1375, %swap3A_1376, %swap3A_1377] {strides = array<i32>} : memref<2x64x144xf32, #tpu.memory_space<vmem>>, vector<16xf32>,
            tpu.vector_store %arg17[%swap3A_1375, %swap3A_1376, %swap3A_1377], %mul3A_1374 {strides = array<i32>} : memref<2x64x144xf32, #tpu.memory_space<vmem>>, vector<16xf32>,
            %get3A_1379 = arith.index_cast %select_n3A_266 : i32 to index
            %get3A_1380 = arith.index_cast %add3A_1341 : i32 to index
            %get3A_1381 = arith.constant 16 : index
            %get3A_1382 = tpu.vector_load %arg14[%get3A_1379, %get3A_1380, %get3A_1381] {strides = array<i32>} : memref<2x64x64xf32, #tpu.memory_space<vmem>>, vector<16xf32>,
            %mul3A_1383 = vector.broadcast %squeeze3A_1360 : f32 to vector<16xf32>
            %mul3A_1384 = arith.mulf %get3A_1382, %mul3A_1383 : vector<16xf32>
            %swap3A_1385 = arith.index_cast %select_n3A_266 : i32 to index
            %swap3A_1386 = arith.index_cast %add3A_1341 : i32 to index
            %swap3A_1387 = arith.constant 16 : index
            %swap3A_1388 = tpu.vector_load %arg17[%swap3A_1385, %swap3A_1386, %swap3A_1387] {strides = array<i32>} : memref<2x64x144xf32, #tpu.memory_space<vmem>>, vector<16xf32>,
            tpu.vector_store %arg17[%swap3A_1385, %swap3A_1386, %swap3A_1387], %mul3A_1384 {strides = array<i32>} : memref<2x64x144xf32, #tpu.memory_space<vmem>>, vector<16xf32>,
            %mul3A_1389 = vector.broadcast %squeeze3A_1362 : f32 to vector<16xf32>
            %mul3A_1390 = arith.mulf %get3A_1382, %mul3A_1389 : vector<16xf32>
            %swap3A_1391 = arith.index_cast %select_n3A_266 : i32 to index
            %swap3A_1392 = arith.index_cast %add3A_1341 : i32 to index
            %swap3A_1393 = arith.constant 80 : index
            %swap3A_1394 = tpu.vector_load %arg17[%swap3A_1391, %swap3A_1392, %swap3A_1393] {strides = array<i32>} : memref<2x64x144xf32, #tpu.memory_space<vmem>>, vector<16xf32>,
            tpu.vector_store %arg17[%swap3A_1391, %swap3A_1392, %swap3A_1393], %mul3A_1390 {strides = array<i32>} : memref<2x64x144xf32, #tpu.memory_space<vmem>>, vector<16xf32>,
            %get3A_1395 = arith.index_cast %select_n3A_266 : i32 to index
            %get3A_1396 = arith.index_cast %add3A_1341 : i32 to index
            %get3A_1397 = arith.constant 32 : index
            %get3A_1398 = tpu.vector_load %arg14[%get3A_1395, %get3A_1396, %get3A_1397] {strides = array<i32>} : memref<2x64x64xf32, #tpu.memory_space<vmem>>, vector<16xf32>,
            %mul3A_1399 = vector.broadcast %squeeze3A_1360 : f32 to vector<16xf32>
            %mul3A_1400 = arith.mulf %get3A_1398, %mul3A_1399 : vector<16xf32>
            %swap3A_1401 = arith.index_cast %select_n3A_266 : i32 to index
            %swap3A_1402 = arith.index_cast %add3A_1341 : i32 to index
            %swap3A_1403 = arith.constant 32 : index
            %swap3A_1404 = tpu.vector_load %arg17[%swap3A_1401, %swap3A_1402, %swap3A_1403] {strides = array<i32>} : memref<2x64x144xf32, #tpu.memory_space<vmem>>, vector<16xf32>,
            tpu.vector_store %arg17[%swap3A_1401, %swap3A_1402, %swap3A_1403], %mul3A_1400 {strides = array<i32>} : memref<2x64x144xf32, #tpu.memory_space<vmem>>, vector<16xf32>,
            %mul3A_1405 = vector.broadcast %squeeze3A_1362 : f32 to vector<16xf32>
            %mul3A_1406 = arith.mulf %get3A_1398, %mul3A_1405 : vector<16xf32>
            %swap3A_1407 = arith.index_cast %select_n3A_266 : i32 to index
            %swap3A_1408 = arith.index_cast %add3A_1341 : i32 to index
            %swap3A_1409 = arith.constant 96 : index
            %swap3A_1410 = tpu.vector_load %arg17[%swap3A_1407, %swap3A_1408, %swap3A_1409] {strides = array<i32>} : memref<2x64x144xf32, #tpu.memory_space<vmem>>, vector<16xf32>,
            tpu.vector_store %arg17[%swap3A_1407, %swap3A_1408, %swap3A_1409], %mul3A_1406 {strides = array<i32>} : memref<2x64x144xf32, #tpu.memory_space<vmem>>, vector<16xf32>,
            %get3A_1411 = arith.index_cast %select_n3A_266 : i32 to index
            %get3A_1412 = arith.index_cast %add3A_1341 : i32 to index
            %get3A_1413 = arith.constant 48 : index
            %get3A_1414 = tpu.vector_load %arg14[%get3A_1411, %get3A_1412, %get3A_1413] {strides = array<i32>} : memref<2x64x64xf32, #tpu.memory_space<vmem>>, vector<16xf32>,
            %mul3A_1415 = vector.broadcast %squeeze3A_1360 : f32 to vector<16xf32>
            %mul3A_1416 = arith.mulf %get3A_1414, %mul3A_1415 : vector<16xf32>
            %swap3A_1417 = arith.index_cast %select_n3A_266 : i32 to index
            %swap3A_1418 = arith.index_cast %add3A_1341 : i32 to index
            %swap3A_1419 = arith.constant 48 : index
            %swap3A_1420 = tpu.vector_load %arg17[%swap3A_1417, %swap3A_1418, %swap3A_1419] {strides = array<i32>} : memref<2x64x144xf32, #tpu.memory_space<vmem>>, vector<16xf32>,
            tpu.vector_store %arg17[%swap3A_1417, %swap3A_1418, %swap3A_1419], %mul3A_1416 {strides = array<i32>} : memref<2x64x144xf32, #tpu.memory_space<vmem>>, vector<16xf32>,
            %mul3A_1421 = vector.broadcast %squeeze3A_1362 : f32 to vector<16xf32>
            %mul3A_1422 = arith.mulf %get3A_1414, %mul3A_1421 : vector<16xf32>
            %swap3A_1423 = arith.index_cast %select_n3A_266 : i32 to index
            %swap3A_1424 = arith.index_cast %add3A_1341 : i32 to index
            %swap3A_1425 = arith.constant 112 : index
            %swap3A_1426 = tpu.vector_load %arg17[%swap3A_1423, %swap3A_1424, %swap3A_1425] {strides = array<i32>} : memref<2x64x144xf32, #tpu.memory_space<vmem>>, vector<16xf32>,
            tpu.vector_store %arg17[%swap3A_1423, %swap3A_1424, %swap3A_1425], %mul3A_1422 {strides = array<i32>} : memref<2x64x144xf32, #tpu.memory_space<vmem>>, vector<16xf32>,
            %lt3A_1427 = arith.constant 2 : i32
            %lt3A_1428 = vector.broadcast %lt3A_1427 : i32 to vector<16xi32>
            %lt3A_1429 = arith.cmpi slt, %iota3A, %lt3A_1428 : vector<16xi32>
            %jit3A_1430 = arith.constant 0.000000e+00 : f32
            %broadcast_in_dim3A_1431 = vector.broadcast %jit3A_1430 : f32 to vector<16xf32>
            %select_n3A_1432 = arith.select %lt3A_1429, %exp3A_1358, %broadcast_in_dim3A_1431 : vector<16xi1>, vector<16xf32>
            %swap3A_1433 = arith.index_cast %select_n3A_266 : i32 to index
            %swap3A_1434 = arith.index_cast %add3A_1341 : i32 to index
            %swap3A_1435 = arith.constant 128 : index
            %swap3A_1436 = tpu.vector_load %arg17[%swap3A_1433, %swap3A_1434, %swap3A_1435] {strides = array<i32>} : memref<2x64x144xf32, #tpu.memory_space<vmem>>, vector<16xf32>,
            tpu.vector_store %arg17[%swap3A_1433, %swap3A_1434, %swap3A_1435], %select_n3A_1432 {strides = array<i32>} : memref<2x64x144xf32, #tpu.memory_space<vmem>>, vector<16xf32>,
            %mul3A_1437 = arith.constant 16 : i32
            %mul3A_1438 = arith.muli %scan3A_351, %mul3A_1437 : i32
            %add3A_1439 = arith.constant 11 : i32
            %add3A_1440 = arith.addi %mul3A_1438, %add3A_1439 : i32
            %get3A_1441 = arith.index_cast %select_n3A_266 : i32 to index
            %get3A_1442 = arith.index_cast %add3A_1440 : i32 to index
            %get3A_1443 = arith.constant 0 : index
            %get3A_1444 = tpu.vector_load %arg15[%get3A_1441, %get3A_1442, %get3A_1443] {strides = array<i32>} : memref<2x64x16xf32, #tpu.memory_space<vmem>>, vector<16xf32>,
            %get3A_1445 = arith.index_cast %select_n3A_266 : i32 to index
            %get3A_1446 = arith.index_cast %add3A_1440 : i32 to index
            %get3A_1447 = arith.constant 0 : index
            %get3A_1448 = tpu.vector_load %arg16[%get3A_1445, %get3A_1446, %get3A_1447] {strides = array<i32>} : memref<2x64x16xf32, #tpu.memory_space<vmem>>, vector<16xf32>,
            %add3A_1449 = arith.addf %get3A_1444, %get3A_1448 : vector<16xf32>
            %ge3A_1450 = arith.constant 0.000000e+00 : f32
            %ge3A_1451 = vector.broadcast %ge3A_1450 : f32 to vector<16xf32>
            %ge3A_1452 = arith.cmpf oge, %add3A_1449, %ge3A_1451 : vector<16xf32>
            %mul3A_1453 = arith.constant 2.000000e-01 : f32
            %mul3A_1454 = vector.broadcast %mul3A_1453 : f32 to vector<16xf32>
            %mul3A_1455 = arith.mulf %mul3A_1454, %add3A_1449 : vector<16xf32>
            %select_n3A_1456 = arith.select %ge3A_1452, %add3A_1449, %mul3A_1455 : vector<16xi1>, vector<16xf32>
            %exp3A_1457 = math.exp %select_n3A_1456 : vector<16xf32>
            %slice3A_1458 = vector.extract_strided_slice %exp3A_1457 {offsets = [0], sizes = [1], strides = [1]} : vector<16xf32> to vector<1xf32>
            %squeeze3A_1459 = vector.extract %slice3A_1458[0] : f32 from vector<1xf32>
            %slice3A_1460 = vector.extract_strided_slice %exp3A_1457 {offsets = [1], sizes = [1], strides = [1]} : vector<16xf32> to vector<1xf32>
            %squeeze3A_1461 = vector.extract %slice3A_1460[0] : f32 from vector<1xf32>
            %get3A_1462 = arith.index_cast %select_n3A_266 : i32 to index
            %get3A_1463 = arith.index_cast %add3A_1440 : i32 to index
            %get3A_1464 = arith.constant 0 : index
            %get3A_1465 = tpu.vector_load %arg14[%get3A_1462, %get3A_1463, %get3A_1464] {strides = array<i32>} : memref<2x64x64xf32, #tpu.memory_space<vmem>>, vector<16xf32>,
            %mul3A_1466 = vector.broadcast %squeeze3A_1459 : f32 to vector<16xf32>
            %mul3A_1467 = arith.mulf %get3A_1465, %mul3A_1466 : vector<16xf32>
            %swap3A_1468 = arith.index_cast %select_n3A_266 : i32 to index
            %swap3A_1469 = arith.index_cast %add3A_1440 : i32 to index
            %swap3A_1470 = arith.constant 0 : index
            %swap3A_1471 = tpu.vector_load %arg17[%swap3A_1468, %swap3A_1469, %swap3A_1470] {strides = array<i32>} : memref<2x64x144xf32, #tpu.memory_space<vmem>>, vector<16xf32>,
            tpu.vector_store %arg17[%swap3A_1468, %swap3A_1469, %swap3A_1470], %mul3A_1467 {strides = array<i32>} : memref<2x64x144xf32, #tpu.memory_space<vmem>>, vector<16xf32>,
            %mul3A_1472 = vector.broadcast %squeeze3A_1461 : f32 to vector<16xf32>
            %mul3A_1473 = arith.mulf %get3A_1465, %mul3A_1472 : vector<16xf32>
            %swap3A_1474 = arith.index_cast %select_n3A_266 : i32 to index
            %swap3A_1475 = arith.index_cast %add3A_1440 : i32 to index
            %swap3A_1476 = arith.constant 64 : index
            %swap3A_1477 = tpu.vector_load %arg17[%swap3A_1474, %swap3A_1475, %swap3A_1476] {strides = array<i32>} : memref<2x64x144xf32, #tpu.memory_space<vmem>>, vector<16xf32>,
            tpu.vector_store %arg17[%swap3A_1474, %swap3A_1475, %swap3A_1476], %mul3A_1473 {strides = array<i32>} : memref<2x64x144xf32, #tpu.memory_space<vmem>>, vector<16xf32>,
            %get3A_1478 = arith.index_cast %select_n3A_266 : i32 to index
            %get3A_1479 = arith.index_cast %add3A_1440 : i32 to index
            %get3A_1480 = arith.constant 16 : index
            %get3A_1481 = tpu.vector_load %arg14[%get3A_1478, %get3A_1479, %get3A_1480] {strides = array<i32>} : memref<2x64x64xf32, #tpu.memory_space<vmem>>, vector<16xf32>,
            %mul3A_1482 = vector.broadcast %squeeze3A_1459 : f32 to vector<16xf32>
            %mul3A_1483 = arith.mulf %get3A_1481, %mul3A_1482 : vector<16xf32>
            %swap3A_1484 = arith.index_cast %select_n3A_266 : i32 to index
            %swap3A_1485 = arith.index_cast %add3A_1440 : i32 to index
            %swap3A_1486 = arith.constant 16 : index
            %swap3A_1487 = tpu.vector_load %arg17[%swap3A_1484, %swap3A_1485, %swap3A_1486] {strides = array<i32>} : memref<2x64x144xf32, #tpu.memory_space<vmem>>, vector<16xf32>,
            tpu.vector_store %arg17[%swap3A_1484, %swap3A_1485, %swap3A_1486], %mul3A_1483 {strides = array<i32>} : memref<2x64x144xf32, #tpu.memory_space<vmem>>, vector<16xf32>,
            %mul3A_1488 = vector.broadcast %squeeze3A_1461 : f32 to vector<16xf32>
            %mul3A_1489 = arith.mulf %get3A_1481, %mul3A_1488 : vector<16xf32>
            %swap3A_1490 = arith.index_cast %select_n3A_266 : i32 to index
            %swap3A_1491 = arith.index_cast %add3A_1440 : i32 to index
            %swap3A_1492 = arith.constant 80 : index
            %swap3A_1493 = tpu.vector_load %arg17[%swap3A_1490, %swap3A_1491, %swap3A_1492] {strides = array<i32>} : memref<2x64x144xf32, #tpu.memory_space<vmem>>, vector<16xf32>,
            tpu.vector_store %arg17[%swap3A_1490, %swap3A_1491, %swap3A_1492], %mul3A_1489 {strides = array<i32>} : memref<2x64x144xf32, #tpu.memory_space<vmem>>, vector<16xf32>,
            %get3A_1494 = arith.index_cast %select_n3A_266 : i32 to index
            %get3A_1495 = arith.index_cast %add3A_1440 : i32 to index
            %get3A_1496 = arith.constant 32 : index
            %get3A_1497 = tpu.vector_load %arg14[%get3A_1494, %get3A_1495, %get3A_1496] {strides = array<i32>} : memref<2x64x64xf32, #tpu.memory_space<vmem>>, vector<16xf32>,
            %mul3A_1498 = vector.broadcast %squeeze3A_1459 : f32 to vector<16xf32>
            %mul3A_1499 = arith.mulf %get3A_1497, %mul3A_1498 : vector<16xf32>
            %swap3A_1500 = arith.index_cast %select_n3A_266 : i32 to index
            %swap3A_1501 = arith.index_cast %add3A_1440 : i32 to index
            %swap3A_1502 = arith.constant 32 : index
            %swap3A_1503 = tpu.vector_load %arg17[%swap3A_1500, %swap3A_1501, %swap3A_1502] {strides = array<i32>} : memref<2x64x144xf32, #tpu.memory_space<vmem>>, vector<16xf32>,
            tpu.vector_store %arg17[%swap3A_1500, %swap3A_1501, %swap3A_1502], %mul3A_1499 {strides = array<i32>} : memref<2x64x144xf32, #tpu.memory_space<vmem>>, vector<16xf32>,
            %mul3A_1504 = vector.broadcast %squeeze3A_1461 : f32 to vector<16xf32>
            %mul3A_1505 = arith.mulf %get3A_1497, %mul3A_1504 : vector<16xf32>
            %swap3A_1506 = arith.index_cast %select_n3A_266 : i32 to index
            %swap3A_1507 = arith.index_cast %add3A_1440 : i32 to index
            %swap3A_1508 = arith.constant 96 : index
            %swap3A_1509 = tpu.vector_load %arg17[%swap3A_1506, %swap3A_1507, %swap3A_1508] {strides = array<i32>} : memref<2x64x144xf32, #tpu.memory_space<vmem>>, vector<16xf32>,
            tpu.vector_store %arg17[%swap3A_1506, %swap3A_1507, %swap3A_1508], %mul3A_1505 {strides = array<i32>} : memref<2x64x144xf32, #tpu.memory_space<vmem>>, vector<16xf32>,
            %get3A_1510 = arith.index_cast %select_n3A_266 : i32 to index
            %get3A_1511 = arith.index_cast %add3A_1440 : i32 to index
            %get3A_1512 = arith.constant 48 : index
            %get3A_1513 = tpu.vector_load %arg14[%get3A_1510, %get3A_1511, %get3A_1512] {strides = array<i32>} : memref<2x64x64xf32, #tpu.memory_space<vmem>>, vector<16xf32>,
            %mul3A_1514 = vector.broadcast %squeeze3A_1459 : f32 to vector<16xf32>
            %mul3A_1515 = arith.mulf %get3A_1513, %mul3A_1514 : vector<16xf32>
            %swap3A_1516 = arith.index_cast %select_n3A_266 : i32 to index
            %swap3A_1517 = arith.index_cast %add3A_1440 : i32 to index
            %swap3A_1518 = arith.constant 48 : index
            %swap3A_1519 = tpu.vector_load %arg17[%swap3A_1516, %swap3A_1517, %swap3A_1518] {strides = array<i32>} : memref<2x64x144xf32, #tpu.memory_space<vmem>>, vector<16xf32>,
            tpu.vector_store %arg17[%swap3A_1516, %swap3A_1517, %swap3A_1518], %mul3A_1515 {strides = array<i32>} : memref<2x64x144xf32, #tpu.memory_space<vmem>>, vector<16xf32>,
            %mul3A_1520 = vector.broadcast %squeeze3A_1461 : f32 to vector<16xf32>
            %mul3A_1521 = arith.mulf %get3A_1513, %mul3A_1520 : vector<16xf32>
            %swap3A_1522 = arith.index_cast %select_n3A_266 : i32 to index
            %swap3A_1523 = arith.index_cast %add3A_1440 : i32 to index
            %swap3A_1524 = arith.constant 112 : index
            %swap3A_1525 = tpu.vector_load %arg17[%swap3A_1522, %swap3A_1523, %swap3A_1524] {strides = array<i32>} : memref<2x64x144xf32, #tpu.memory_space<vmem>>, vector<16xf32>,
            tpu.vector_store %arg17[%swap3A_1522, %swap3A_1523, %swap3A_1524], %mul3A_1521 {strides = array<i32>} : memref<2x64x144xf32, #tpu.memory_space<vmem>>, vector<16xf32>,
            %lt3A_1526 = arith.constant 2 : i32
            %lt3A_1527 = vector.broadcast %lt3A_1526 : i32 to vector<16xi32>
            %lt3A_1528 = arith.cmpi slt, %iota3A, %lt3A_1527 : vector<16xi32>
            %jit3A_1529 = arith.constant 0.000000e+00 : f32
            %broadcast_in_dim3A_1530 = vector.broadcast %jit3A_1529 : f32 to vector<16xf32>
            %select_n3A_1531 = arith.select %lt3A_1528, %exp3A_1457, %broadcast_in_dim3A_1530 : vector<16xi1>, vector<16xf32>
            %swap3A_1532 = arith.index_cast %select_n3A_266 : i32 to index
            %swap3A_1533 = arith.index_cast %add3A_1440 : i32 to index
            %swap3A_1534 = arith.constant 128 : index
            %swap3A_1535 = tpu.vector_load %arg17[%swap3A_1532, %swap3A_1533, %swap3A_1534] {strides = array<i32>} : memref<2x64x144xf32, #tpu.memory_space<vmem>>, vector<16xf32>,
            tpu.vector_store %arg17[%swap3A_1532, %swap3A_1533, %swap3A_1534], %select_n3A_1531 {strides = array<i32>} : memref<2x64x144xf32, #tpu.memory_space<vmem>>, vector<16xf32>,
            %mul3A_1536 = arith.constant 16 : i32
            %mul3A_1537 = arith.muli %scan3A_351, %mul3A_1536 : i32
            %add3A_1538 = arith.constant 12 : i32
            %add3A_1539 = arith.addi %mul3A_1537, %add3A_1538 : i32
            %get3A_1540 = arith.index_cast %select_n3A_266 : i32 to index
            %get3A_1541 = arith.index_cast %add3A_1539 : i32 to index
            %get3A_1542 = arith.constant 0 : index
            %get3A_1543 = tpu.vector_load %arg15[%get3A_1540, %get3A_1541, %get3A_1542] {strides = array<i32>} : memref<2x64x16xf32, #tpu.memory_space<vmem>>, vector<16xf32>,
            %get3A_1544 = arith.index_cast %select_n3A_266 : i32 to index
            %get3A_1545 = arith.index_cast %add3A_1539 : i32 to index
            %get3A_1546 = arith.constant 0 : index
            %get3A_1547 = tpu.vector_load %arg16[%get3A_1544, %get3A_1545, %get3A_1546] {strides = array<i32>} : memref<2x64x16xf32, #tpu.memory_space<vmem>>, vector<16xf32>,
            %add3A_1548 = arith.addf %get3A_1543, %get3A_1547 : vector<16xf32>
            %ge3A_1549 = arith.constant 0.000000e+00 : f32
            %ge3A_1550 = vector.broadcast %ge3A_1549 : f32 to vector<16xf32>
            %ge3A_1551 = arith.cmpf oge, %add3A_1548, %ge3A_1550 : vector<16xf32>
            %mul3A_1552 = arith.constant 2.000000e-01 : f32
            %mul3A_1553 = vector.broadcast %mul3A_1552 : f32 to vector<16xf32>
            %mul3A_1554 = arith.mulf %mul3A_1553, %add3A_1548 : vector<16xf32>
            %select_n3A_1555 = arith.select %ge3A_1551, %add3A_1548, %mul3A_1554 : vector<16xi1>, vector<16xf32>
            %exp3A_1556 = math.exp %select_n3A_1555 : vector<16xf32>
            %slice3A_1557 = vector.extract_strided_slice %exp3A_1556 {offsets = [0], sizes = [1], strides = [1]} : vector<16xf32> to vector<1xf32>
            %squeeze3A_1558 = vector.extract %slice3A_1557[0] : f32 from vector<1xf32>
            %slice3A_1559 = vector.extract_strided_slice %exp3A_1556 {offsets = [1], sizes = [1], strides = [1]} : vector<16xf32> to vector<1xf32>
            %squeeze3A_1560 = vector.extract %slice3A_1559[0] : f32 from vector<1xf32>
            %get3A_1561 = arith.index_cast %select_n3A_266 : i32 to index
            %get3A_1562 = arith.index_cast %add3A_1539 : i32 to index
            %get3A_1563 = arith.constant 0 : index
            %get3A_1564 = tpu.vector_load %arg14[%get3A_1561, %get3A_1562, %get3A_1563] {strides = array<i32>} : memref<2x64x64xf32, #tpu.memory_space<vmem>>, vector<16xf32>,
            %mul3A_1565 = vector.broadcast %squeeze3A_1558 : f32 to vector<16xf32>
            %mul3A_1566 = arith.mulf %get3A_1564, %mul3A_1565 : vector<16xf32>
            %swap3A_1567 = arith.index_cast %select_n3A_266 : i32 to index
            %swap3A_1568 = arith.index_cast %add3A_1539 : i32 to index
            %swap3A_1569 = arith.constant 0 : index
            %swap3A_1570 = tpu.vector_load %arg17[%swap3A_1567, %swap3A_1568, %swap3A_1569] {strides = array<i32>} : memref<2x64x144xf32, #tpu.memory_space<vmem>>, vector<16xf32>,
            tpu.vector_store %arg17[%swap3A_1567, %swap3A_1568, %swap3A_1569], %mul3A_1566 {strides = array<i32>} : memref<2x64x144xf32, #tpu.memory_space<vmem>>, vector<16xf32>,
            %mul3A_1571 = vector.broadcast %squeeze3A_1560 : f32 to vector<16xf32>
            %mul3A_1572 = arith.mulf %get3A_1564, %mul3A_1571 : vector<16xf32>
            %swap3A_1573 = arith.index_cast %select_n3A_266 : i32 to index
            %swap3A_1574 = arith.index_cast %add3A_1539 : i32 to index
            %swap3A_1575 = arith.constant 64 : index
            %swap3A_1576 = tpu.vector_load %arg17[%swap3A_1573, %swap3A_1574, %swap3A_1575] {strides = array<i32>} : memref<2x64x144xf32, #tpu.memory_space<vmem>>, vector<16xf32>,
            tpu.vector_store %arg17[%swap3A_1573, %swap3A_1574, %swap3A_1575], %mul3A_1572 {strides = array<i32>} : memref<2x64x144xf32, #tpu.memory_space<vmem>>, vector<16xf32>,
            %get3A_1577 = arith.index_cast %select_n3A_266 : i32 to index
            %get3A_1578 = arith.index_cast %add3A_1539 : i32 to index
            %get3A_1579 = arith.constant 16 : index
            %get3A_1580 = tpu.vector_load %arg14[%get3A_1577, %get3A_1578, %get3A_1579] {strides = array<i32>} : memref<2x64x64xf32, #tpu.memory_space<vmem>>, vector<16xf32>,
            %mul3A_1581 = vector.broadcast %squeeze3A_1558 : f32 to vector<16xf32>
            %mul3A_1582 = arith.mulf %get3A_1580, %mul3A_1581 : vector<16xf32>
            %swap3A_1583 = arith.index_cast %select_n3A_266 : i32 to index
            %swap3A_1584 = arith.index_cast %add3A_1539 : i32 to index
            %swap3A_1585 = arith.constant 16 : index
            %swap3A_1586 = tpu.vector_load %arg17[%swap3A_1583, %swap3A_1584, %swap3A_1585] {strides = array<i32>} : memref<2x64x144xf32, #tpu.memory_space<vmem>>, vector<16xf32>,
            tpu.vector_store %arg17[%swap3A_1583, %swap3A_1584, %swap3A_1585], %mul3A_1582 {strides = array<i32>} : memref<2x64x144xf32, #tpu.memory_space<vmem>>, vector<16xf32>,
            %mul3A_1587 = vector.broadcast %squeeze3A_1560 : f32 to vector<16xf32>
            %mul3A_1588 = arith.mulf %get3A_1580, %mul3A_1587 : vector<16xf32>
            %swap3A_1589 = arith.index_cast %select_n3A_266 : i32 to index
            %swap3A_1590 = arith.index_cast %add3A_1539 : i32 to index
            %swap3A_1591 = arith.constant 80 : index
            %swap3A_1592 = tpu.vector_load %arg17[%swap3A_1589, %swap3A_1590, %swap3A_1591] {strides = array<i32>} : memref<2x64x144xf32, #tpu.memory_space<vmem>>, vector<16xf32>,
            tpu.vector_store %arg17[%swap3A_1589, %swap3A_1590, %swap3A_1591], %mul3A_1588 {strides = array<i32>} : memref<2x64x144xf32, #tpu.memory_space<vmem>>, vector<16xf32>,
            %get3A_1593 = arith.index_cast %select_n3A_266 : i32 to index
            %get3A_1594 = arith.index_cast %add3A_1539 : i32 to index
            %get3A_1595 = arith.constant 32 : index
            %get3A_1596 = tpu.vector_load %arg14[%get3A_1593, %get3A_1594, %get3A_1595] {strides = array<i32>} : memref<2x64x64xf32, #tpu.memory_space<vmem>>, vector<16xf32>,
            %mul3A_1597 = vector.broadcast %squeeze3A_1558 : f32 to vector<16xf32>
            %mul3A_1598 = arith.mulf %get3A_1596, %mul3A_1597 : vector<16xf32>
            %swap3A_1599 = arith.index_cast %select_n3A_266 : i32 to index
            %swap3A_1600 = arith.index_cast %add3A_1539 : i32 to index
            %swap3A_1601 = arith.constant 32 : index
            %swap3A_1602 = tpu.vector_load %arg17[%swap3A_1599, %swap3A_1600, %swap3A_1601] {strides = array<i32>} : memref<2x64x144xf32, #tpu.memory_space<vmem>>, vector<16xf32>,
            tpu.vector_store %arg17[%swap3A_1599, %swap3A_1600, %swap3A_1601], %mul3A_1598 {strides = array<i32>} : memref<2x64x144xf32, #tpu.memory_space<vmem>>, vector<16xf32>,
            %mul3A_1603 = vector.broadcast %squeeze3A_1560 : f32 to vector<16xf32>
            %mul3A_1604 = arith.mulf %get3A_1596, %mul3A_1603 : vector<16xf32>
            %swap3A_1605 = arith.index_cast %select_n3A_266 : i32 to index
            %swap3A_1606 = arith.index_cast %add3A_1539 : i32 to index
            %swap3A_1607 = arith.constant 96 : index
            %swap3A_1608 = tpu.vector_load %arg17[%swap3A_1605, %swap3A_1606, %swap3A_1607] {strides = array<i32>} : memref<2x64x144xf32, #tpu.memory_space<vmem>>, vector<16xf32>,
            tpu.vector_store %arg17[%swap3A_1605, %swap3A_1606, %swap3A_1607], %mul3A_1604 {strides = array<i32>} : memref<2x64x144xf32, #tpu.memory_space<vmem>>, vector<16xf32>,
            %get3A_1609 = arith.index_cast %select_n3A_266 : i32 to index
            %get3A_1610 = arith.index_cast %add3A_1539 : i32 to index
            %get3A_1611 = arith.constant 48 : index
            %get3A_1612 = tpu.vector_load %arg14[%get3A_1609, %get3A_1610, %get3A_1611] {strides = array<i32>} : memref<2x64x64xf32, #tpu.memory_space<vmem>>, vector<16xf32>,
            %mul3A_1613 = vector.broadcast %squeeze3A_1558 : f32 to vector<16xf32>
            %mul3A_1614 = arith.mulf %get3A_1612, %mul3A_1613 : vector<16xf32>
            %swap3A_1615 = arith.index_cast %select_n3A_266 : i32 to index
            %swap3A_1616 = arith.index_cast %add3A_1539 : i32 to index
            %swap3A_1617 = arith.constant 48 : index
            %swap3A_1618 = tpu.vector_load %arg17[%swap3A_1615, %swap3A_1616, %swap3A_1617] {strides = array<i32>} : memref<2x64x144xf32, #tpu.memory_space<vmem>>, vector<16xf32>,
            tpu.vector_store %arg17[%swap3A_1615, %swap3A_1616, %swap3A_1617], %mul3A_1614 {strides = array<i32>} : memref<2x64x144xf32, #tpu.memory_space<vmem>>, vector<16xf32>,
            %mul3A_1619 = vector.broadcast %squeeze3A_1560 : f32 to vector<16xf32>
            %mul3A_1620 = arith.mulf %get3A_1612, %mul3A_1619 : vector<16xf32>
            %swap3A_1621 = arith.index_cast %select_n3A_266 : i32 to index
            %swap3A_1622 = arith.index_cast %add3A_1539 : i32 to index
            %swap3A_1623 = arith.constant 112 : index
            %swap3A_1624 = tpu.vector_load %arg17[%swap3A_1621, %swap3A_1622, %swap3A_1623] {strides = array<i32>} : memref<2x64x144xf32, #tpu.memory_space<vmem>>, vector<16xf32>,
            tpu.vector_store %arg17[%swap3A_1621, %swap3A_1622, %swap3A_1623], %mul3A_1620 {strides = array<i32>} : memref<2x64x144xf32, #tpu.memory_space<vmem>>, vector<16xf32>,
            %lt3A_1625 = arith.constant 2 : i32
            %lt3A_1626 = vector.broadcast %lt3A_1625 : i32 to vector<16xi32>
            %lt3A_1627 = arith.cmpi slt, %iota3A, %lt3A_1626 : vector<16xi32>
            %jit3A_1628 = arith.constant 0.000000e+00 : f32
            %broadcast_in_dim3A_1629 = vector.broadcast %jit3A_1628 : f32 to vector<16xf32>
            %select_n3A_1630 = arith.select %lt3A_1627, %exp3A_1556, %broadcast_in_dim3A_1629 : vector<16xi1>, vector<16xf32>
            %swap3A_1631 = arith.index_cast %select_n3A_266 : i32 to index
            %swap3A_1632 = arith.index_cast %add3A_1539 : i32 to index
            %swap3A_1633 = arith.constant 128 : index
            %swap3A_1634 = tpu.vector_load %arg17[%swap3A_1631, %swap3A_1632, %swap3A_1633] {strides = array<i32>} : memref<2x64x144xf32, #tpu.memory_space<vmem>>, vector<16xf32>,
            tpu.vector_store %arg17[%swap3A_1631, %swap3A_1632, %swap3A_1633], %select_n3A_1630 {strides = array<i32>} : memref<2x64x144xf32, #tpu.memory_space<vmem>>, vector<16xf32>,
            %mul3A_1635 = arith.constant 16 : i32
            %mul3A_1636 = arith.muli %scan3A_351, %mul3A_1635 : i32
            %add3A_1637 = arith.constant 13 : i32
            %add3A_1638 = arith.addi %mul3A_1636, %add3A_1637 : i32
            %get3A_1639 = arith.index_cast %select_n3A_266 : i32 to index
            %get3A_1640 = arith.index_cast %add3A_1638 : i32 to index
            %get3A_1641 = arith.constant 0 : index
            %get3A_1642 = tpu.vector_load %arg15[%get3A_1639, %get3A_1640, %get3A_1641] {strides = array<i32>} : memref<2x64x16xf32, #tpu.memory_space<vmem>>, vector<16xf32>,
            %get3A_1643 = arith.index_cast %select_n3A_266 : i32 to index
            %get3A_1644 = arith.index_cast %add3A_1638 : i32 to index
            %get3A_1645 = arith.constant 0 : index
            %get3A_1646 = tpu.vector_load %arg16[%get3A_1643, %get3A_1644, %get3A_1645] {strides = array<i32>} : memref<2x64x16xf32, #tpu.memory_space<vmem>>, vector<16xf32>,
            %add3A_1647 = arith.addf %get3A_1642, %get3A_1646 : vector<16xf32>
            %ge3A_1648 = arith.constant 0.000000e+00 : f32
            %ge3A_1649 = vector.broadcast %ge3A_1648 : f32 to vector<16xf32>
            %ge3A_1650 = arith.cmpf oge, %add3A_1647, %ge3A_1649 : vector<16xf32>
            %mul3A_1651 = arith.constant 2.000000e-01 : f32
            %mul3A_1652 = vector.broadcast %mul3A_1651 : f32 to vector<16xf32>
            %mul3A_1653 = arith.mulf %mul3A_1652, %add3A_1647 : vector<16xf32>
            %select_n3A_1654 = arith.select %ge3A_1650, %add3A_1647, %mul3A_1653 : vector<16xi1>, vector<16xf32>
            %exp3A_1655 = math.exp %select_n3A_1654 : vector<16xf32>
            %slice3A_1656 = vector.extract_strided_slice %exp3A_1655 {offsets = [0], sizes = [1], strides = [1]} : vector<16xf32> to vector<1xf32>
            %squeeze3A_1657 = vector.extract %slice3A_1656[0] : f32 from vector<1xf32>
            %slice3A_1658 = vector.extract_strided_slice %exp3A_1655 {offsets = [1], sizes = [1], strides = [1]} : vector<16xf32> to vector<1xf32>
            %squeeze3A_1659 = vector.extract %slice3A_1658[0] : f32 from vector<1xf32>
            %get3A_1660 = arith.index_cast %select_n3A_266 : i32 to index
            %get3A_1661 = arith.index_cast %add3A_1638 : i32 to index
            %get3A_1662 = arith.constant 0 : index
            %get3A_1663 = tpu.vector_load %arg14[%get3A_1660, %get3A_1661, %get3A_1662] {strides = array<i32>} : memref<2x64x64xf32, #tpu.memory_space<vmem>>, vector<16xf32>,
            %mul3A_1664 = vector.broadcast %squeeze3A_1657 : f32 to vector<16xf32>
            %mul3A_1665 = arith.mulf %get3A_1663, %mul3A_1664 : vector<16xf32>
            %swap3A_1666 = arith.index_cast %select_n3A_266 : i32 to index
            %swap3A_1667 = arith.index_cast %add3A_1638 : i32 to index
            %swap3A_1668 = arith.constant 0 : index
            %swap3A_1669 = tpu.vector_load %arg17[%swap3A_1666, %swap3A_1667, %swap3A_1668] {strides = array<i32>} : memref<2x64x144xf32, #tpu.memory_space<vmem>>, vector<16xf32>,
            tpu.vector_store %arg17[%swap3A_1666, %swap3A_1667, %swap3A_1668], %mul3A_1665 {strides = array<i32>} : memref<2x64x144xf32, #tpu.memory_space<vmem>>, vector<16xf32>,
            %mul3A_1670 = vector.broadcast %squeeze3A_1659 : f32 to vector<16xf32>
            %mul3A_1671 = arith.mulf %get3A_1663, %mul3A_1670 : vector<16xf32>
            %swap3A_1672 = arith.index_cast %select_n3A_266 : i32 to index
            %swap3A_1673 = arith.index_cast %add3A_1638 : i32 to index
            %swap3A_1674 = arith.constant 64 : index
            %swap3A_1675 = tpu.vector_load %arg17[%swap3A_1672, %swap3A_1673, %swap3A_1674] {strides = array<i32>} : memref<2x64x144xf32, #tpu.memory_space<vmem>>, vector<16xf32>,
            tpu.vector_store %arg17[%swap3A_1672, %swap3A_1673, %swap3A_1674], %mul3A_1671 {strides = array<i32>} : memref<2x64x144xf32, #tpu.memory_space<vmem>>, vector<16xf32>,
            %get3A_1676 = arith.index_cast %select_n3A_266 : i32 to index
            %get3A_1677 = arith.index_cast %add3A_1638 : i32 to index
            %get3A_1678 = arith.constant 16 : index
            %get3A_1679 = tpu.vector_load %arg14[%get3A_1676, %get3A_1677, %get3A_1678] {strides = array<i32>} : memref<2x64x64xf32, #tpu.memory_space<vmem>>, vector<16xf32>,
            %mul3A_1680 = vector.broadcast %squeeze3A_1657 : f32 to vector<16xf32>
            %mul3A_1681 = arith.mulf %get3A_1679, %mul3A_1680 : vector<16xf32>
            %swap3A_1682 = arith.index_cast %select_n3A_266 : i32 to index
            %swap3A_1683 = arith.index_cast %add3A_1638 : i32 to index
            %swap3A_1684 = arith.constant 16 : index
            %swap3A_1685 = tpu.vector_load %arg17[%swap3A_1682, %swap3A_1683, %swap3A_1684] {strides = array<i32>} : memref<2x64x144xf32, #tpu.memory_space<vmem>>, vector<16xf32>,
            tpu.vector_store %arg17[%swap3A_1682, %swap3A_1683, %swap3A_1684], %mul3A_1681 {strides = array<i32>} : memref<2x64x144xf32, #tpu.memory_space<vmem>>, vector<16xf32>,
            %mul3A_1686 = vector.broadcast %squeeze3A_1659 : f32 to vector<16xf32>
            %mul3A_1687 = arith.mulf %get3A_1679, %mul3A_1686 : vector<16xf32>
            %swap3A_1688 = arith.index_cast %select_n3A_266 : i32 to index
            %swap3A_1689 = arith.index_cast %add3A_1638 : i32 to index
            %swap3A_1690 = arith.constant 80 : index
            %swap3A_1691 = tpu.vector_load %arg17[%swap3A_1688, %swap3A_1689, %swap3A_1690] {strides = array<i32>} : memref<2x64x144xf32, #tpu.memory_space<vmem>>, vector<16xf32>,
            tpu.vector_store %arg17[%swap3A_1688, %swap3A_1689, %swap3A_1690], %mul3A_1687 {strides = array<i32>} : memref<2x64x144xf32, #tpu.memory_space<vmem>>, vector<16xf32>,
            %get3A_1692 = arith.index_cast %select_n3A_266 : i32 to index
            %get3A_1693 = arith.index_cast %add3A_1638 : i32 to index
            %get3A_1694 = arith.constant 32 : index
            %get3A_1695 = tpu.vector_load %arg14[%get3A_1692, %get3A_1693, %get3A_1694] {strides = array<i32>} : memref<2x64x64xf32, #tpu.memory_space<vmem>>, vector<16xf32>,
            %mul3A_1696 = vector.broadcast %squeeze3A_1657 : f32 to vector<16xf32>
            %mul3A_1697 = arith.mulf %get3A_1695, %mul3A_1696 : vector<16xf32>
            %swap3A_1698 = arith.index_cast %select_n3A_266 : i32 to index
            %swap3A_1699 = arith.index_cast %add3A_1638 : i32 to index
            %swap3A_1700 = arith.constant 32 : index
            %swap3A_1701 = tpu.vector_load %arg17[%swap3A_1698, %swap3A_1699, %swap3A_1700] {strides = array<i32>} : memref<2x64x144xf32, #tpu.memory_space<vmem>>, vector<16xf32>,
            tpu.vector_store %arg17[%swap3A_1698, %swap3A_1699, %swap3A_1700], %mul3A_1697 {strides = array<i32>} : memref<2x64x144xf32, #tpu.memory_space<vmem>>, vector<16xf32>,
            %mul3A_1702 = vector.broadcast %squeeze3A_1659 : f32 to vector<16xf32>
            %mul3A_1703 = arith.mulf %get3A_1695, %mul3A_1702 : vector<16xf32>
            %swap3A_1704 = arith.index_cast %select_n3A_266 : i32 to index
            %swap3A_1705 = arith.index_cast %add3A_1638 : i32 to index
            %swap3A_1706 = arith.constant 96 : index
            %swap3A_1707 = tpu.vector_load %arg17[%swap3A_1704, %swap3A_1705, %swap3A_1706] {strides = array<i32>} : memref<2x64x144xf32, #tpu.memory_space<vmem>>, vector<16xf32>,
            tpu.vector_store %arg17[%swap3A_1704, %swap3A_1705, %swap3A_1706], %mul3A_1703 {strides = array<i32>} : memref<2x64x144xf32, #tpu.memory_space<vmem>>, vector<16xf32>,
            %get3A_1708 = arith.index_cast %select_n3A_266 : i32 to index
            %get3A_1709 = arith.index_cast %add3A_1638 : i32 to index
            %get3A_1710 = arith.constant 48 : index
            %get3A_1711 = tpu.vector_load %arg14[%get3A_1708, %get3A_1709, %get3A_1710] {strides = array<i32>} : memref<2x64x64xf32, #tpu.memory_space<vmem>>, vector<16xf32>,
            %mul3A_1712 = vector.broadcast %squeeze3A_1657 : f32 to vector<16xf32>
            %mul3A_1713 = arith.mulf %get3A_1711, %mul3A_1712 : vector<16xf32>
            %swap3A_1714 = arith.index_cast %select_n3A_266 : i32 to index
            %swap3A_1715 = arith.index_cast %add3A_1638 : i32 to index
            %swap3A_1716 = arith.constant 48 : index
            %swap3A_1717 = tpu.vector_load %arg17[%swap3A_1714, %swap3A_1715, %swap3A_1716] {strides = array<i32>} : memref<2x64x144xf32, #tpu.memory_space<vmem>>, vector<16xf32>,
            tpu.vector_store %arg17[%swap3A_1714, %swap3A_1715, %swap3A_1716], %mul3A_1713 {strides = array<i32>} : memref<2x64x144xf32, #tpu.memory_space<vmem>>, vector<16xf32>,
            %mul3A_1718 = vector.broadcast %squeeze3A_1659 : f32 to vector<16xf32>
            %mul3A_1719 = arith.mulf %get3A_1711, %mul3A_1718 : vector<16xf32>
            %swap3A_1720 = arith.index_cast %select_n3A_266 : i32 to index
            %swap3A_1721 = arith.index_cast %add3A_1638 : i32 to index
            %swap3A_1722 = arith.constant 112 : index
            %swap3A_1723 = tpu.vector_load %arg17[%swap3A_1720, %swap3A_1721, %swap3A_1722] {strides = array<i32>} : memref<2x64x144xf32, #tpu.memory_space<vmem>>, vector<16xf32>,
            tpu.vector_store %arg17[%swap3A_1720, %swap3A_1721, %swap3A_1722], %mul3A_1719 {strides = array<i32>} : memref<2x64x144xf32, #tpu.memory_space<vmem>>, vector<16xf32>,
            %lt3A_1724 = arith.constant 2 : i32
            %lt3A_1725 = vector.broadcast %lt3A_1724 : i32 to vector<16xi32>
            %lt3A_1726 = arith.cmpi slt, %iota3A, %lt3A_1725 : vector<16xi32>
            %jit3A_1727 = arith.constant 0.000000e+00 : f32
            %broadcast_in_dim3A_1728 = vector.broadcast %jit3A_1727 : f32 to vector<16xf32>
            %select_n3A_1729 = arith.select %lt3A_1726, %exp3A_1655, %broadcast_in_dim3A_1728 : vector<16xi1>, vector<16xf32>
            %swap3A_1730 = arith.index_cast %select_n3A_266 : i32 to index
            %swap3A_1731 = arith.index_cast %add3A_1638 : i32 to index
            %swap3A_1732 = arith.constant 128 : index
            %swap3A_1733 = tpu.vector_load %arg17[%swap3A_1730, %swap3A_1731, %swap3A_1732] {strides = array<i32>} : memref<2x64x144xf32, #tpu.memory_space<vmem>>, vector<16xf32>,
            tpu.vector_store %arg17[%swap3A_1730, %swap3A_1731, %swap3A_1732], %select_n3A_1729 {strides = array<i32>} : memref<2x64x144xf32, #tpu.memory_space<vmem>>, vector<16xf32>,
            %mul3A_1734 = arith.constant 16 : i32
            %mul3A_1735 = arith.muli %scan3A_351, %mul3A_1734 : i32
            %add3A_1736 = arith.constant 14 : i32
            %add3A_1737 = arith.addi %mul3A_1735, %add3A_1736 : i32
            %get3A_1738 = arith.index_cast %select_n3A_266 : i32 to index
            %get3A_1739 = arith.index_cast %add3A_1737 : i32 to index
            %get3A_1740 = arith.constant 0 : index
            %get3A_1741 = tpu.vector_load %arg15[%get3A_1738, %get3A_1739, %get3A_1740] {strides = array<i32>} : memref<2x64x16xf32, #tpu.memory_space<vmem>>, vector<16xf32>,
            %get3A_1742 = arith.index_cast %select_n3A_266 : i32 to index
            %get3A_1743 = arith.index_cast %add3A_1737 : i32 to index
            %get3A_1744 = arith.constant 0 : index
            %get3A_1745 = tpu.vector_load %arg16[%get3A_1742, %get3A_1743, %get3A_1744] {strides = array<i32>} : memref<2x64x16xf32, #tpu.memory_space<vmem>>, vector<16xf32>,
            %add3A_1746 = arith.addf %get3A_1741, %get3A_1745 : vector<16xf32>
            %ge3A_1747 = arith.constant 0.000000e+00 : f32
            %ge3A_1748 = vector.broadcast %ge3A_1747 : f32 to vector<16xf32>
            %ge3A_1749 = arith.cmpf oge, %add3A_1746, %ge3A_1748 : vector<16xf32>
            %mul3A_1750 = arith.constant 2.000000e-01 : f32
            %mul3A_1751 = vector.broadcast %mul3A_1750 : f32 to vector<16xf32>
            %mul3A_1752 = arith.mulf %mul3A_1751, %add3A_1746 : vector<16xf32>
            %select_n3A_1753 = arith.select %ge3A_1749, %add3A_1746, %mul3A_1752 : vector<16xi1>, vector<16xf32>
            %exp3A_1754 = math.exp %select_n3A_1753 : vector<16xf32>
            %slice3A_1755 = vector.extract_strided_slice %exp3A_1754 {offsets = [0], sizes = [1], strides = [1]} : vector<16xf32> to vector<1xf32>
            %squeeze3A_1756 = vector.extract %slice3A_1755[0] : f32 from vector<1xf32>
            %slice3A_1757 = vector.extract_strided_slice %exp3A_1754 {offsets = [1], sizes = [1], strides = [1]} : vector<16xf32> to vector<1xf32>
            %squeeze3A_1758 = vector.extract %slice3A_1757[0] : f32 from vector<1xf32>
            %get3A_1759 = arith.index_cast %select_n3A_266 : i32 to index
            %get3A_1760 = arith.index_cast %add3A_1737 : i32 to index
            %get3A_1761 = arith.constant 0 : index
            %get3A_1762 = tpu.vector_load %arg14[%get3A_1759, %get3A_1760, %get3A_1761] {strides = array<i32>} : memref<2x64x64xf32, #tpu.memory_space<vmem>>, vector<16xf32>,
            %mul3A_1763 = vector.broadcast %squeeze3A_1756 : f32 to vector<16xf32>
            %mul3A_1764 = arith.mulf %get3A_1762, %mul3A_1763 : vector<16xf32>
            %swap3A_1765 = arith.index_cast %select_n3A_266 : i32 to index
            %swap3A_1766 = arith.index_cast %add3A_1737 : i32 to index
            %swap3A_1767 = arith.constant 0 : index
            %swap3A_1768 = tpu.vector_load %arg17[%swap3A_1765, %swap3A_1766, %swap3A_1767] {strides = array<i32>} : memref<2x64x144xf32, #tpu.memory_space<vmem>>, vector<16xf32>,
            tpu.vector_store %arg17[%swap3A_1765, %swap3A_1766, %swap3A_1767], %mul3A_1764 {strides = array<i32>} : memref<2x64x144xf32, #tpu.memory_space<vmem>>, vector<16xf32>,
            %mul3A_1769 = vector.broadcast %squeeze3A_1758 : f32 to vector<16xf32>
            %mul3A_1770 = arith.mulf %get3A_1762, %mul3A_1769 : vector<16xf32>
            %swap3A_1771 = arith.index_cast %select_n3A_266 : i32 to index
            %swap3A_1772 = arith.index_cast %add3A_1737 : i32 to index
            %swap3A_1773 = arith.constant 64 : index
            %swap3A_1774 = tpu.vector_load %arg17[%swap3A_1771, %swap3A_1772, %swap3A_1773] {strides = array<i32>} : memref<2x64x144xf32, #tpu.memory_space<vmem>>, vector<16xf32>,
            tpu.vector_store %arg17[%swap3A_1771, %swap3A_1772, %swap3A_1773], %mul3A_1770 {strides = array<i32>} : memref<2x64x144xf32, #tpu.memory_space<vmem>>, vector<16xf32>,
            %get3A_1775 = arith.index_cast %select_n3A_266 : i32 to index
            %get3A_1776 = arith.index_cast %add3A_1737 : i32 to index
            %get3A_1777 = arith.constant 16 : index
            %get3A_1778 = tpu.vector_load %arg14[%get3A_1775, %get3A_1776, %get3A_1777] {strides = array<i32>} : memref<2x64x64xf32, #tpu.memory_space<vmem>>, vector<16xf32>,
            %mul3A_1779 = vector.broadcast %squeeze3A_1756 : f32 to vector<16xf32>
            %mul3A_1780 = arith.mulf %get3A_1778, %mul3A_1779 : vector<16xf32>
            %swap3A_1781 = arith.index_cast %select_n3A_266 : i32 to index
            %swap3A_1782 = arith.index_cast %add3A_1737 : i32 to index
            %swap3A_1783 = arith.constant 16 : index
            %swap3A_1784 = tpu.vector_load %arg17[%swap3A_1781, %swap3A_1782, %swap3A_1783] {strides = array<i32>} : memref<2x64x144xf32, #tpu.memory_space<vmem>>, vector<16xf32>,
            tpu.vector_store %arg17[%swap3A_1781, %swap3A_1782, %swap3A_1783], %mul3A_1780 {strides = array<i32>} : memref<2x64x144xf32, #tpu.memory_space<vmem>>, vector<16xf32>,
            %mul3A_1785 = vector.broadcast %squeeze3A_1758 : f32 to vector<16xf32>
            %mul3A_1786 = arith.mulf %get3A_1778, %mul3A_1785 : vector<16xf32>
            %swap3A_1787 = arith.index_cast %select_n3A_266 : i32 to index
            %swap3A_1788 = arith.index_cast %add3A_1737 : i32 to index
            %swap3A_1789 = arith.constant 80 : index
            %swap3A_1790 = tpu.vector_load %arg17[%swap3A_1787, %swap3A_1788, %swap3A_1789] {strides = array<i32>} : memref<2x64x144xf32, #tpu.memory_space<vmem>>, vector<16xf32>,
            tpu.vector_store %arg17[%swap3A_1787, %swap3A_1788, %swap3A_1789], %mul3A_1786 {strides = array<i32>} : memref<2x64x144xf32, #tpu.memory_space<vmem>>, vector<16xf32>,
            %get3A_1791 = arith.index_cast %select_n3A_266 : i32 to index
            %get3A_1792 = arith.index_cast %add3A_1737 : i32 to index
            %get3A_1793 = arith.constant 32 : index
            %get3A_1794 = tpu.vector_load %arg14[%get3A_1791, %get3A_1792, %get3A_1793] {strides = array<i32>} : memref<2x64x64xf32, #tpu.memory_space<vmem>>, vector<16xf32>,
            %mul3A_1795 = vector.broadcast %squeeze3A_1756 : f32 to vector<16xf32>
            %mul3A_1796 = arith.mulf %get3A_1794, %mul3A_1795 : vector<16xf32>
            %swap3A_1797 = arith.index_cast %select_n3A_266 : i32 to index
            %swap3A_1798 = arith.index_cast %add3A_1737 : i32 to index
            %swap3A_1799 = arith.constant 32 : index
            %swap3A_1800 = tpu.vector_load %arg17[%swap3A_1797, %swap3A_1798, %swap3A_1799] {strides = array<i32>} : memref<2x64x144xf32, #tpu.memory_space<vmem>>, vector<16xf32>,
            tpu.vector_store %arg17[%swap3A_1797, %swap3A_1798, %swap3A_1799], %mul3A_1796 {strides = array<i32>} : memref<2x64x144xf32, #tpu.memory_space<vmem>>, vector<16xf32>,
            %mul3A_1801 = vector.broadcast %squeeze3A_1758 : f32 to vector<16xf32>
            %mul3A_1802 = arith.mulf %get3A_1794, %mul3A_1801 : vector<16xf32>
            %swap3A_1803 = arith.index_cast %select_n3A_266 : i32 to index
            %swap3A_1804 = arith.index_cast %add3A_1737 : i32 to index
            %swap3A_1805 = arith.constant 96 : index
            %swap3A_1806 = tpu.vector_load %arg17[%swap3A_1803, %swap3A_1804, %swap3A_1805] {strides = array<i32>} : memref<2x64x144xf32, #tpu.memory_space<vmem>>, vector<16xf32>,
            tpu.vector_store %arg17[%swap3A_1803, %swap3A_1804, %swap3A_1805], %mul3A_1802 {strides = array<i32>} : memref<2x64x144xf32, #tpu.memory_space<vmem>>, vector<16xf32>,
            %get3A_1807 = arith.index_cast %select_n3A_266 : i32 to index
            %get3A_1808 = arith.index_cast %add3A_1737 : i32 to index
            %get3A_1809 = arith.constant 48 : index
            %get3A_1810 = tpu.vector_load %arg14[%get3A_1807, %get3A_1808, %get3A_1809] {strides = array<i32>} : memref<2x64x64xf32, #tpu.memory_space<vmem>>, vector<16xf32>,
            %mul3A_1811 = vector.broadcast %squeeze3A_1756 : f32 to vector<16xf32>
            %mul3A_1812 = arith.mulf %get3A_1810, %mul3A_1811 : vector<16xf32>
            %swap3A_1813 = arith.index_cast %select_n3A_266 : i32 to index
            %swap3A_1814 = arith.index_cast %add3A_1737 : i32 to index
            %swap3A_1815 = arith.constant 48 : index
            %swap3A_1816 = tpu.vector_load %arg17[%swap3A_1813, %swap3A_1814, %swap3A_1815] {strides = array<i32>} : memref<2x64x144xf32, #tpu.memory_space<vmem>>, vector<16xf32>,
            tpu.vector_store %arg17[%swap3A_1813, %swap3A_1814, %swap3A_1815], %mul3A_1812 {strides = array<i32>} : memref<2x64x144xf32, #tpu.memory_space<vmem>>, vector<16xf32>,
            %mul3A_1817 = vector.broadcast %squeeze3A_1758 : f32 to vector<16xf32>
            %mul3A_1818 = arith.mulf %get3A_1810, %mul3A_1817 : vector<16xf32>
            %swap3A_1819 = arith.index_cast %select_n3A_266 : i32 to index
            %swap3A_1820 = arith.index_cast %add3A_1737 : i32 to index
            %swap3A_1821 = arith.constant 112 : index
            %swap3A_1822 = tpu.vector_load %arg17[%swap3A_1819, %swap3A_1820, %swap3A_1821] {strides = array<i32>} : memref<2x64x144xf32, #tpu.memory_space<vmem>>, vector<16xf32>,
            tpu.vector_store %arg17[%swap3A_1819, %swap3A_1820, %swap3A_1821], %mul3A_1818 {strides = array<i32>} : memref<2x64x144xf32, #tpu.memory_space<vmem>>, vector<16xf32>,
            %lt3A_1823 = arith.constant 2 : i32
            %lt3A_1824 = vector.broadcast %lt3A_1823 : i32 to vector<16xi32>
            %lt3A_1825 = arith.cmpi slt, %iota3A, %lt3A_1824 : vector<16xi32>
            %jit3A_1826 = arith.constant 0.000000e+00 : f32
            %broadcast_in_dim3A_1827 = vector.broadcast %jit3A_1826 : f32 to vector<16xf32>
            %select_n3A_1828 = arith.select %lt3A_1825, %exp3A_1754, %broadcast_in_dim3A_1827 : vector<16xi1>, vector<16xf32>
            %swap3A_1829 = arith.index_cast %select_n3A_266 : i32 to index
            %swap3A_1830 = arith.index_cast %add3A_1737 : i32 to index
            %swap3A_1831 = arith.constant 128 : index
            %swap3A_1832 = tpu.vector_load %arg17[%swap3A_1829, %swap3A_1830, %swap3A_1831] {strides = array<i32>} : memref<2x64x144xf32, #tpu.memory_space<vmem>>, vector<16xf32>,
            tpu.vector_store %arg17[%swap3A_1829, %swap3A_1830, %swap3A_1831], %select_n3A_1828 {strides = array<i32>} : memref<2x64x144xf32, #tpu.memory_space<vmem>>, vector<16xf32>,
            %mul3A_1833 = arith.constant 16 : i32
            %mul3A_1834 = arith.muli %scan3A_351, %mul3A_1833 : i32
            %add3A_1835 = arith.constant 15 : i32
            %add3A_1836 = arith.addi %mul3A_1834, %add3A_1835 : i32
            %get3A_1837 = arith.index_cast %select_n3A_266 : i32 to index
            %get3A_1838 = arith.index_cast %add3A_1836 : i32 to index
            %get3A_1839 = arith.constant 0 : index
            %get3A_1840 = tpu.vector_load %arg15[%get3A_1837, %get3A_1838, %get3A_1839] {strides = array<i32>} : memref<2x64x16xf32, #tpu.memory_space<vmem>>, vector<16xf32>,
            %get3A_1841 = arith.index_cast %select_n3A_266 : i32 to index
            %get3A_1842 = arith.index_cast %add3A_1836 : i32 to index
            %get3A_1843 = arith.constant 0 : index
            %get3A_1844 = tpu.vector_load %arg16[%get3A_1841, %get3A_1842, %get3A_1843] {strides = array<i32>} : memref<2x64x16xf32, #tpu.memory_space<vmem>>, vector<16xf32>,
            %add3A_1845 = arith.addf %get3A_1840, %get3A_1844 : vector<16xf32>
            %ge3A_1846 = arith.constant 0.000000e+00 : f32
            %ge3A_1847 = vector.broadcast %ge3A_1846 : f32 to vector<16xf32>
            %ge3A_1848 = arith.cmpf oge, %add3A_1845, %ge3A_1847 : vector<16xf32>
            %mul3A_1849 = arith.constant 2.000000e-01 : f32
            %mul3A_1850 = vector.broadcast %mul3A_1849 : f32 to vector<16xf32>
            %mul3A_1851 = arith.mulf %mul3A_1850, %add3A_1845 : vector<16xf32>
            %select_n3A_1852 = arith.select %ge3A_1848, %add3A_1845, %mul3A_1851 : vector<16xi1>, vector<16xf32>
            %exp3A_1853 = math.exp %select_n3A_1852 : vector<16xf32>
            %slice3A_1854 = vector.extract_strided_slice %exp3A_1853 {offsets = [0], sizes = [1], strides = [1]} : vector<16xf32> to vector<1xf32>
            %squeeze3A_1855 = vector.extract %slice3A_1854[0] : f32 from vector<1xf32>
            %slice3A_1856 = vector.extract_strided_slice %exp3A_1853 {offsets = [1], sizes = [1], strides = [1]} : vector<16xf32> to vector<1xf32>
            %squeeze3A_1857 = vector.extract %slice3A_1856[0] : f32 from vector<1xf32>
            %get3A_1858 = arith.index_cast %select_n3A_266 : i32 to index
            %get3A_1859 = arith.index_cast %add3A_1836 : i32 to index
            %get3A_1860 = arith.constant 0 : index
            %get3A_1861 = tpu.vector_load %arg14[%get3A_1858, %get3A_1859, %get3A_1860] {strides = array<i32>} : memref<2x64x64xf32, #tpu.memory_space<vmem>>, vector<16xf32>,
            %mul3A_1862 = vector.broadcast %squeeze3A_1855 : f32 to vector<16xf32>
            %mul3A_1863 = arith.mulf %get3A_1861, %mul3A_1862 : vector<16xf32>
            %swap3A_1864 = arith.index_cast %select_n3A_266 : i32 to index
            %swap3A_1865 = arith.index_cast %add3A_1836 : i32 to index
            %swap3A_1866 = arith.constant 0 : index
            %swap3A_1867 = tpu.vector_load %arg17[%swap3A_1864, %swap3A_1865, %swap3A_1866] {strides = array<i32>} : memref<2x64x144xf32, #tpu.memory_space<vmem>>, vector<16xf32>,
            tpu.vector_store %arg17[%swap3A_1864, %swap3A_1865, %swap3A_1866], %mul3A_1863 {strides = array<i32>} : memref<2x64x144xf32, #tpu.memory_space<vmem>>, vector<16xf32>,
            %mul3A_1868 = vector.broadcast %squeeze3A_1857 : f32 to vector<16xf32>
            %mul3A_1869 = arith.mulf %get3A_1861, %mul3A_1868 : vector<16xf32>
            %swap3A_1870 = arith.index_cast %select_n3A_266 : i32 to index
            %swap3A_1871 = arith.index_cast %add3A_1836 : i32 to index
            %swap3A_1872 = arith.constant 64 : index
            %swap3A_1873 = tpu.vector_load %arg17[%swap3A_1870, %swap3A_1871, %swap3A_1872] {strides = array<i32>} : memref<2x64x144xf32, #tpu.memory_space<vmem>>, vector<16xf32>,
            tpu.vector_store %arg17[%swap3A_1870, %swap3A_1871, %swap3A_1872], %mul3A_1869 {strides = array<i32>} : memref<2x64x144xf32, #tpu.memory_space<vmem>>, vector<16xf32>,
            %get3A_1874 = arith.index_cast %select_n3A_266 : i32 to index
            %get3A_1875 = arith.index_cast %add3A_1836 : i32 to index
            %get3A_1876 = arith.constant 16 : index
            %get3A_1877 = tpu.vector_load %arg14[%get3A_1874, %get3A_1875, %get3A_1876] {strides = array<i32>} : memref<2x64x64xf32, #tpu.memory_space<vmem>>, vector<16xf32>,
            %mul3A_1878 = vector.broadcast %squeeze3A_1855 : f32 to vector<16xf32>
            %mul3A_1879 = arith.mulf %get3A_1877, %mul3A_1878 : vector<16xf32>
            %swap3A_1880 = arith.index_cast %select_n3A_266 : i32 to index
            %swap3A_1881 = arith.index_cast %add3A_1836 : i32 to index
            %swap3A_1882 = arith.constant 16 : index
            %swap3A_1883 = tpu.vector_load %arg17[%swap3A_1880, %swap3A_1881, %swap3A_1882] {strides = array<i32>} : memref<2x64x144xf32, #tpu.memory_space<vmem>>, vector<16xf32>,
            tpu.vector_store %arg17[%swap3A_1880, %swap3A_1881, %swap3A_1882], %mul3A_1879 {strides = array<i32>} : memref<2x64x144xf32, #tpu.memory_space<vmem>>, vector<16xf32>,
            %mul3A_1884 = vector.broadcast %squeeze3A_1857 : f32 to vector<16xf32>
            %mul3A_1885 = arith.mulf %get3A_1877, %mul3A_1884 : vector<16xf32>
            %swap3A_1886 = arith.index_cast %select_n3A_266 : i32 to index
            %swap3A_1887 = arith.index_cast %add3A_1836 : i32 to index
            %swap3A_1888 = arith.constant 80 : index
            %swap3A_1889 = tpu.vector_load %arg17[%swap3A_1886, %swap3A_1887, %swap3A_1888] {strides = array<i32>} : memref<2x64x144xf32, #tpu.memory_space<vmem>>, vector<16xf32>,
            tpu.vector_store %arg17[%swap3A_1886, %swap3A_1887, %swap3A_1888], %mul3A_1885 {strides = array<i32>} : memref<2x64x144xf32, #tpu.memory_space<vmem>>, vector<16xf32>,
            %get3A_1890 = arith.index_cast %select_n3A_266 : i32 to index
            %get3A_1891 = arith.index_cast %add3A_1836 : i32 to index
            %get3A_1892 = arith.constant 32 : index
            %get3A_1893 = tpu.vector_load %arg14[%get3A_1890, %get3A_1891, %get3A_1892] {strides = array<i32>} : memref<2x64x64xf32, #tpu.memory_space<vmem>>, vector<16xf32>,
            %mul3A_1894 = vector.broadcast %squeeze3A_1855 : f32 to vector<16xf32>
            %mul3A_1895 = arith.mulf %get3A_1893, %mul3A_1894 : vector<16xf32>
            %swap3A_1896 = arith.index_cast %select_n3A_266 : i32 to index
            %swap3A_1897 = arith.index_cast %add3A_1836 : i32 to index
            %swap3A_1898 = arith.constant 32 : index
            %swap3A_1899 = tpu.vector_load %arg17[%swap3A_1896, %swap3A_1897, %swap3A_1898] {strides = array<i32>} : memref<2x64x144xf32, #tpu.memory_space<vmem>>, vector<16xf32>,
            tpu.vector_store %arg17[%swap3A_1896, %swap3A_1897, %swap3A_1898], %mul3A_1895 {strides = array<i32>} : memref<2x64x144xf32, #tpu.memory_space<vmem>>, vector<16xf32>,
            %mul3A_1900 = vector.broadcast %squeeze3A_1857 : f32 to vector<16xf32>
            %mul3A_1901 = arith.mulf %get3A_1893, %mul3A_1900 : vector<16xf32>
            %swap3A_1902 = arith.index_cast %select_n3A_266 : i32 to index
            %swap3A_1903 = arith.index_cast %add3A_1836 : i32 to index
            %swap3A_1904 = arith.constant 96 : index
            %swap3A_1905 = tpu.vector_load %arg17[%swap3A_1902, %swap3A_1903, %swap3A_1904] {strides = array<i32>} : memref<2x64x144xf32, #tpu.memory_space<vmem>>, vector<16xf32>,
            tpu.vector_store %arg17[%swap3A_1902, %swap3A_1903, %swap3A_1904], %mul3A_1901 {strides = array<i32>} : memref<2x64x144xf32, #tpu.memory_space<vmem>>, vector<16xf32>,
            %get3A_1906 = arith.index_cast %select_n3A_266 : i32 to index
            %get3A_1907 = arith.index_cast %add3A_1836 : i32 to index
            %get3A_1908 = arith.constant 48 : index
            %get3A_1909 = tpu.vector_load %arg14[%get3A_1906, %get3A_1907, %get3A_1908] {strides = array<i32>} : memref<2x64x64xf32, #tpu.memory_space<vmem>>, vector<16xf32>,
            %mul3A_1910 = vector.broadcast %squeeze3A_1855 : f32 to vector<16xf32>
            %mul3A_1911 = arith.mulf %get3A_1909, %mul3A_1910 : vector<16xf32>
            %swap3A_1912 = arith.index_cast %select_n3A_266 : i32 to index
            %swap3A_1913 = arith.index_cast %add3A_1836 : i32 to index
            %swap3A_1914 = arith.constant 48 : index
            %swap3A_1915 = tpu.vector_load %arg17[%swap3A_1912, %swap3A_1913, %swap3A_1914] {strides = array<i32>} : memref<2x64x144xf32, #tpu.memory_space<vmem>>, vector<16xf32>,
            tpu.vector_store %arg17[%swap3A_1912, %swap3A_1913, %swap3A_1914], %mul3A_1911 {strides = array<i32>} : memref<2x64x144xf32, #tpu.memory_space<vmem>>, vector<16xf32>,
            %mul3A_1916 = vector.broadcast %squeeze3A_1857 : f32 to vector<16xf32>
            %mul3A_1917 = arith.mulf %get3A_1909, %mul3A_1916 : vector<16xf32>
            %swap3A_1918 = arith.index_cast %select_n3A_266 : i32 to index
            %swap3A_1919 = arith.index_cast %add3A_1836 : i32 to index
            %swap3A_1920 = arith.constant 112 : index
            %swap3A_1921 = tpu.vector_load %arg17[%swap3A_1918, %swap3A_1919, %swap3A_1920] {strides = array<i32>} : memref<2x64x144xf32, #tpu.memory_space<vmem>>, vector<16xf32>,
            tpu.vector_store %arg17[%swap3A_1918, %swap3A_1919, %swap3A_1920], %mul3A_1917 {strides = array<i32>} : memref<2x64x144xf32, #tpu.memory_space<vmem>>, vector<16xf32>,
            %lt3A_1922 = arith.constant 2 : i32
            %lt3A_1923 = vector.broadcast %lt3A_1922 : i32 to vector<16xi32>
            %lt3A_1924 = arith.cmpi slt, %iota3A, %lt3A_1923 : vector<16xi32>
            %jit3A_1925 = arith.constant 0.000000e+00 : f32
            %broadcast_in_dim3A_1926 = vector.broadcast %jit3A_1925 : f32 to vector<16xf32>
            %select_n3A_1927 = arith.select %lt3A_1924, %exp3A_1853, %broadcast_in_dim3A_1926 : vector<16xi1>, vector<16xf32>
            %swap3A_1928 = arith.index_cast %select_n3A_266 : i32 to index
            %swap3A_1929 = arith.index_cast %add3A_1836 : i32 to index
            %swap3A_1930 = arith.constant 128 : index
            %swap3A_1931 = tpu.vector_load %arg17[%swap3A_1928, %swap3A_1929, %swap3A_1930] {strides = array<i32>} : memref<2x64x144xf32, #tpu.memory_space<vmem>>, vector<16xf32>,
            tpu.vector_store %arg17[%swap3A_1928, %swap3A_1929, %swap3A_1930], %select_n3A_1927 {strides = array<i32>} : memref<2x64x144xf32, #tpu.memory_space<vmem>>, vector<16xf32>,
            %scan3A_1932 = arith.constant 0 : i32
            scf.yield %scan3A_1932 : i32
          }
          %scan3A_340 = arith.constant 4 : i32
          %dma_start3A = arith.constant 0 : i32
          %dma_start3A_341 = arith.constant 0 : i32
          %dma_start3A_342 = tpu.memref_slice %arg17[%select_n3A_266, %dma_start3A, %dma_start3A_341] : memref<2x64x144xf32, #tpu.memory_space<vmem>> -> memref<1x64x144xf32, #tpu.memory_space<vmem>>
          %dma_start3A_343 = tpu.memref_squeeze %dma_start3A_342 : memref<1x64x144xf32, #tpu.memory_space<vmem>> -> memref<64x144xf32, #tpu.memory_space<vmem>>
          %dma_start3A_344 = arith.constant 0 : i32
          %dma_start3A_345 = tpu.memref_slice %arg13[%select_n3A_282, %dma_start3A_344] : memref<3x64xi32, #tpu.memory_space<vmem>> -> memref<1x64xi32, #tpu.memory_space<vmem>>
          %dma_start3A_346 = tpu.memref_squeeze %dma_start3A_345 : memref<1x64xi32, #tpu.memory_space<vmem>> -> memref<64xi32, #tpu.memory_space<vmem>>
          %dma_start3A_347 = arith.constant 0 : i32
          %dma_start3A_348 = arith.constant 0 : i32
          %dma_start3A_349 = tpu.memref_slice %arg18[%dma_start3A_347, %dma_start3A_348] : memref<9280x144xf32, #tpu.memory_space<vmem_shared>> -> memref<9280x144xf32, #tpu.memory_space<vmem_shared>>
          tpu.enqueue_indirect_dma source(%dma_start3A_343 : memref<64x144xf32, #tpu.memory_space<vmem>>) target(%dma_start3A_349 : memref<9280x144xf32, #tpu.memory_space<vmem_shared>>) offsets(%dma_start3A_346 : memref<64xi32, #tpu.memory_space<vmem>>) semaphore(%arg20 : memref<!tpu.dma_semaphore, #tpu.memory_space<semaphore_mem>>) {add = true}
          %while3A_350 = arith.constant 0 : i32
          scf.yield %while3A_350 : i32
        }
        %min3A = arith.constant 2 : i32
        %min3A_236 = arith.minsi %select_n3A_162, %min3A : i32
        %while3A_237 = arith.constant 0 : i32
        %while3A_238 = arith.constant 0 : i32
        %while3A_239 = arith.subi %min3A_236, %while3A_237 : i32
        %while3A_240 = arith.addi %while3A_237, %while3A_239 : i32
        %while3A_241 = arith.constant 1 : i32
        %while3A_242 = arith.divsi %while3A_239, %while3A_241 : i32
        %while3A_243 = arith.muli %while3A_242, %while3A_241 : i32
        %while3A_244 = arith.addi %while3A_237, %while3A_243 : i32
        %while3A_245 = arith.constant 1 : i32
        %while3A_246 = scf.for %while3A_250 = %while3A_237 to %while3A_244 step %while3A_245 iter_args(%while3A_251 = %while3A_238) -> (i32)  : i32 {
          %dma_wait3A = arith.constant 0 : i32
          %dma_wait3A_252 = arith.constant 0 : i32
          %dma_wait3A_253 = arith.constant 0 : i32
          %dma_wait3A_254 = tpu.memref_slice %arg17[%dma_wait3A, %dma_wait3A_252, %dma_wait3A_253] : memref<2x64x144xf32, #tpu.memory_space<vmem>> -> memref<1x64x144xf32, #tpu.memory_space<vmem>>
          %dma_wait3A_255 = tpu.memref_squeeze %dma_wait3A_254 : memref<1x64x144xf32, #tpu.memory_space<vmem>> -> memref<64x144xf32, #tpu.memory_space<vmem>>
          %dma_wait3A_256 = arith.constant 0 : i32
          %dma_wait3A_257 = arith.constant 0 : i32
          %dma_wait3A_258 = tpu.memref_slice %arg18[%dma_wait3A_256, %dma_wait3A_257] : memref<9280x144xf32, #tpu.memory_space<vmem_shared>> -> memref<64x144xf32, #tpu.memory_space<vmem_shared>>
          %dma_wait3A_259 = arith.constant 0 : i32
          %dma_wait3A_260 = arith.constant 0 : i32
          %dma_wait3A_261 = tpu.memref_slice %arg18[%dma_wait3A_259, %dma_wait3A_260] : memref<9280x144xf32, #tpu.memory_space<vmem_shared>> -> memref<64x144xf32, #tpu.memory_space<vmem_shared>>
          %dma_wait3A_262 = arith.constant 0 : i32
          %dma_wait3A_263 = arith.constant 0 : i32
          %dma_wait3A_264 = tpu.memref_slice %arg17[%dma_wait3A, %dma_wait3A_262, %dma_wait3A_263] : memref<2x64x144xf32, #tpu.memory_space<vmem>> -> memref<1x64x144xf32, #tpu.memory_space<vmem>>
          %dma_wait3A_265 = tpu.memref_squeeze %dma_wait3A_264 : memref<1x64x144xf32, #tpu.memory_space<vmem>> -> memref<64x144xf32, #tpu.memory_space<vmem>>
          tpu.wait_dma2 semaphore(%arg20 : memref<!tpu.dma_semaphore, #tpu.memory_space<semaphore_mem>>) src(%dma_wait3A_265 : memref<64x144xf32, #tpu.memory_space<vmem>>) dst(%dma_wait3A_261 : memref<64x144xf32, #tpu.memory_space<vmem_shared>>)
          %while3A_266 = arith.constant 0 : i32
          scf.yield %while3A_266 : i32
        }
        %while3A_247 = arith.constant 1 : i32
        %while3A_248 = scf.for %while3A_250 = %while3A_244 to %while3A_240 step %while3A_247 iter_args(%while3A_251 = %while3A_246) -> (i32)  : i32 {
          %dma_wait3A = arith.constant 0 : i32
          %dma_wait3A_252 = arith.constant 0 : i32
          %dma_wait3A_253 = arith.constant 0 : i32
          %dma_wait3A_254 = tpu.memref_slice %arg17[%dma_wait3A, %dma_wait3A_252, %dma_wait3A_253] : memref<2x64x144xf32, #tpu.memory_space<vmem>> -> memref<1x64x144xf32, #tpu.memory_space<vmem>>
          %dma_wait3A_255 = tpu.memref_squeeze %dma_wait3A_254 : memref<1x64x144xf32, #tpu.memory_space<vmem>> -> memref<64x144xf32, #tpu.memory_space<vmem>>
          %dma_wait3A_256 = arith.constant 0 : i32
          %dma_wait3A_257 = arith.constant 0 : i32
          %dma_wait3A_258 = tpu.memref_slice %arg18[%dma_wait3A_256, %dma_wait3A_257] : memref<9280x144xf32, #tpu.memory_space<vmem_shared>> -> memref<64x144xf32, #tpu.memory_space<vmem_shared>>
          %dma_wait3A_259 = arith.constant 0 : i32
          %dma_wait3A_260 = arith.constant 0 : i32
          %dma_wait3A_261 = tpu.memref_slice %arg18[%dma_wait3A_259, %dma_wait3A_260] : memref<9280x144xf32, #tpu.memory_space<vmem_shared>> -> memref<64x144xf32, #tpu.memory_space<vmem_shared>>
          %dma_wait3A_262 = arith.constant 0 : i32
          %dma_wait3A_263 = arith.constant 0 : i32
          %dma_wait3A_264 = tpu.memref_slice %arg17[%dma_wait3A, %dma_wait3A_262, %dma_wait3A_263] : memref<2x64x144xf32, #tpu.memory_space<vmem>> -> memref<1x64x144xf32, #tpu.memory_space<vmem>>
          %dma_wait3A_265 = tpu.memref_squeeze %dma_wait3A_264 : memref<1x64x144xf32, #tpu.memory_space<vmem>> -> memref<64x144xf32, #tpu.memory_space<vmem>>
          tpu.wait_dma2 semaphore(%arg20 : memref<!tpu.dma_semaphore, #tpu.memory_space<semaphore_mem>>) src(%dma_wait3A_265 : memref<64x144xf32, #tpu.memory_space<vmem>>) dst(%dma_wait3A_261 : memref<64x144xf32, #tpu.memory_space<vmem_shared>>)
          %while3A_266 = arith.constant 0 : i32
          scf.yield %while3A_266 : i32
        }
        %scan3A_249 = arith.constant 0 : i32
        scf.yield %scan3A_249 : i32
      }
      %scan3A_82 = arith.constant 16 : i32
      %barrier3A_83 = arith.constant 0 : index
      tpu.barrier barrier_id(%barrier3A_83)
      %while3A_84 = arith.constant 0 : i32
      %while3A_85 = arith.constant 0 : i32
      %while3A_86 = arith.subi %select_n3A_46, %while3A_84 : i32
      %while3A_87 = arith.addi %while3A_84, %while3A_86 : i32
      %while3A_88 = arith.constant 1 : i32
      %while3A_89 = arith.divsi %while3A_86, %while3A_88 : i32
      %while3A_90 = arith.muli %while3A_89, %while3A_88 : i32
      %while3A_91 = arith.addi %while3A_84, %while3A_90 : i32
      %while3A_92 = arith.constant 1 : i32
      %while3A_93 = scf.for %while3A_97 = %while3A_84 to %while3A_91 step %while3A_92 iter_args(%while3A_98 = %while3A_85) -> (i32)  : i32 {
        %mul3A_99 = arith.muli %arg1, %select_n3A_22 : i32
        %mul3A_100 = arith.constant 64 : i32
        %mul3A_101 = arith.muli %while3A_97, %mul3A_100 : i32
        %add3A_102 = arith.addi %mul3A_99, %mul3A_101 : i32
        %add3A_103 = arith.addi %add3A, %add3A_102 : i32
        "tpu.region"() ({
          %run_scoped3A = tpu.sem_alloc : memref<!tpu.dma_semaphore, #tpu.memory_space<semaphore_mem>>
          %dma_start3A = arith.constant 0 : i32
          %dma_start3A_105 = tpu.memref_slice %arg7[%add3A_103, %dma_start3A] : memref<73728x144xf32, #tpu.memory_space<hbm>> -> memref<64x144xf32, #tpu.memory_space<hbm>>
          %dma_start3A_106 = arith.constant 0 : i32
          %dma_start3A_107 = tpu.memref_slice %arg18[%add3A_102, %dma_start3A_106] : memref<9280x144xf32, #tpu.memory_space<vmem_shared>> -> memref<64x144xf32, #tpu.memory_space<vmem_shared>>
          tpu.enqueue_dma source(%dma_start3A_107 : memref<64x144xf32, #tpu.memory_space<vmem_shared>>) target(%dma_start3A_105 : memref<64x144xf32, #tpu.memory_space<hbm>>) target_semaphore(%run_scoped3A : memref<!tpu.dma_semaphore, #tpu.memory_space<semaphore_mem>>)
          %dma_wait3A = arith.constant 0 : i32
          %dma_wait3A_108 = tpu.memref_slice %arg7[%add3A_103, %dma_wait3A] : memref<73728x144xf32, #tpu.memory_space<hbm>> -> memref<64x144xf32, #tpu.memory_space<hbm>>
          %dma_wait3A_109 = arith.constant 0 : i32
          %dma_wait3A_110 = tpu.memref_slice %arg18[%add3A_102, %dma_wait3A_109] : memref<9280x144xf32, #tpu.memory_space<vmem_shared>> -> memref<64x144xf32, #tpu.memory_space<vmem_shared>>
          tpu.wait_dma2 semaphore(%run_scoped3A : memref<!tpu.dma_semaphore, #tpu.memory_space<semaphore_mem>>) src(%dma_wait3A_110 : memref<64x144xf32, #tpu.memory_space<vmem_shared>>) dst(%dma_wait3A_108 : memref<64x144xf32, #tpu.memory_space<hbm>>)
          tpu.yield
        }) : () -> ()
        %while3A_104 = arith.constant 0 : i32
        scf.yield %while3A_104 : i32
      }
      %while3A_94 = arith.constant 1 : i32
      %while3A_95 = scf.for %while3A_97 = %while3A_91 to %while3A_87 step %while3A_94 iter_args(%while3A_98 = %while3A_93) -> (i32)  : i32 {
        %mul3A_99 = arith.muli %arg1, %select_n3A_22 : i32
        %mul3A_100 = arith.constant 64 : i32
        %mul3A_101 = arith.muli %while3A_97, %mul3A_100 : i32
        %add3A_102 = arith.addi %mul3A_99, %mul3A_101 : i32
        %add3A_103 = arith.addi %add3A, %add3A_102 : i32
        "tpu.region"() ({
          %run_scoped3A = tpu.sem_alloc : memref<!tpu.dma_semaphore, #tpu.memory_space<semaphore_mem>>
          %dma_start3A = arith.constant 0 : i32
          %dma_start3A_105 = tpu.memref_slice %arg7[%add3A_103, %dma_start3A] : memref<73728x144xf32, #tpu.memory_space<hbm>> -> memref<64x144xf32, #tpu.memory_space<hbm>>
          %dma_start3A_106 = arith.constant 0 : i32
          %dma_start3A_107 = tpu.memref_slice %arg18[%add3A_102, %dma_start3A_106] : memref<9280x144xf32, #tpu.memory_space<vmem_shared>> -> memref<64x144xf32, #tpu.memory_space<vmem_shared>>
          tpu.enqueue_dma source(%dma_start3A_107 : memref<64x144xf32, #tpu.memory_space<vmem_shared>>) target(%dma_start3A_105 : memref<64x144xf32, #tpu.memory_space<hbm>>) target_semaphore(%run_scoped3A : memref<!tpu.dma_semaphore, #tpu.memory_space<semaphore_mem>>)
          %dma_wait3A = arith.constant 0 : i32
          %dma_wait3A_108 = tpu.memref_slice %arg7[%add3A_103, %dma_wait3A] : memref<73728x144xf32, #tpu.memory_space<hbm>> -> memref<64x144xf32, #tpu.memory_space<hbm>>
          %dma_wait3A_109 = arith.constant 0 : i32
          %dma_wait3A_110 = tpu.memref_slice %arg18[%add3A_102, %dma_wait3A_109] : memref<9280x144xf32, #tpu.memory_space<vmem_shared>> -> memref<64x144xf32, #tpu.memory_space<vmem_shared>>
          tpu.wait_dma2 semaphore(%run_scoped3A : memref<!tpu.dma_semaphore, #tpu.memory_space<semaphore_mem>>) src(%dma_wait3A_110 : memref<64x144xf32, #tpu.memory_space<vmem_shared>>) dst(%dma_wait3A_108 : memref<64x144xf32, #tpu.memory_space<hbm>>)
          tpu.yield
        }) : () -> ()
        %while3A_104 = arith.constant 0 : i32
        scf.yield %while3A_104 : i32
      }
      %scan3A_96 = arith.constant 0 : i32
      scf.yield %scan3A_96 : i32
    }
    %scan3A_53 = arith.constant 4 : i32
    return
  }
}

module attributes {stable_mosaic.version = 14 : i64} {
  func.func @_prep_body(%arg0: i32, %arg1: memref<2048x64xf32, #tpu.memory_space<vmem>>, %arg2: memref<128x64xf32, #tpu.memory_space<vmem>>, %arg3: memref<1x2x64xf32, #tpu.memory_space<vmem>>, %arg4: memref<1x2x64xf32, #tpu.memory_space<vmem>>, %arg5: memref<2048x16xf32, #tpu.memory_space<vmem>>, %arg6: memref<2048x16xf32, #tpu.memory_space<vmem>>) attributes {dimension_semantics = [#tpu.dimension_semantics<arbitrary>], iteration_bounds = array<i64: 33>, scalar_prefetch = 0 : i64, scratch_operands = 0 : i64, tpu.core_type = #tpu.core_type<tc>, window_params = [{transform_indices = @transform_0, window_bounds = array<i64: 2048, 64>}, {pipeline_mode = #tpu.pipeline_mode<synchronous>, transform_indices = @transform_1, window_bounds = array<i64: 128, 64>}, {pipeline_mode = #tpu.pipeline_mode<synchronous>, transform_indices = @transform_2, window_bounds = array<i64: 1, 2, 64>}, {pipeline_mode = #tpu.pipeline_mode<synchronous>, transform_indices = @transform_3, window_bounds = array<i64: 1, 2, 64>}, {transform_indices = @transform_4, window_bounds = array<i64: 2048, 16>}, {transform_indices = @transform_5, window_bounds = array<i64: 2048, 16>}]} {
    %get3A = arith.constant 0 : index
    %get3A_0 = arith.constant 0 : index
    %get3A_1 = vector.load %arg1[%get3A, %get3A_0] : memref<2048x64xf32, #tpu.memory_space<vmem>>, vector<2048x64xf32>
    %get3A_2 = arith.constant 0 : index
    %get3A_3 = arith.constant 0 : index
    %get3A_4 = vector.load %arg2[%get3A_2, %get3A_3] : memref<128x64xf32, #tpu.memory_space<vmem>>, vector<128x64xf32>
    %dot_general3A = arith.constant dense<0.000000e+00> : vector<2048x128xf32>
    %dot_general3A_5 = tpu.matmul %get3A_1, %get3A_4, %dot_general3A {dimension_numbers = #tpu.dot_dimension_numbers<[1], [1], [0], [0], [0, 0, 1, 0], [], []>, transpose_lhs_hint = false} : vector<2048x64xf32>, vector<128x64xf32>, vector<2048x128xf32> -> vector<2048x128xf32>
    %get3A_6 = arith.constant 0 : index
    %get3A_7 = arith.constant 0 : index
    %get3A_8 = arith.constant 0 : index
    %get3A_9 = vector.load %arg3[%get3A_6, %get3A_7, %get3A_8] : memref<1x2x64xf32, #tpu.memory_space<vmem>>, vector<1x2x64xf32>
    %reshape3A = vector.shape_cast %get3A_9 : vector<1x2x64xf32> to vector<2x64xf32>
    %get3A_10 = arith.constant 0 : index
    %get3A_11 = arith.constant 0 : index
    %get3A_12 = arith.constant 0 : index
    %get3A_13 = vector.load %arg4[%get3A_10, %get3A_11, %get3A_12] : memref<1x2x64xf32, #tpu.memory_space<vmem>>, vector<1x2x64xf32>
    %reshape3A_14 = vector.shape_cast %get3A_13 : vector<1x2x64xf32> to vector<2x64xf32>
    %slice3A = vector.extract_strided_slice %dot_general3A_5 {offsets = [0, 0], sizes = [2048, 64], strides = [1, 1]} : vector<2048x128xf32> to vector<2048x64xf32>
    %slice3A_15 = vector.extract_strided_slice %reshape3A {offsets = [0, 0], sizes = [1, 64], strides = [1, 1]} : vector<2x64xf32> to vector<1x64xf32>
    %squeeze3A = vector.shape_cast %slice3A_15 : vector<1x64xf32> to vector<64xf32>
    %broadcast_in_dim3A = vector.shape_cast %squeeze3A : vector<64xf32> to vector<1x64xf32>
    %mul3A = vector.broadcast %broadcast_in_dim3A : vector<1x64xf32> to vector<2048x64xf32>
    %mul3A_16 = arith.mulf %slice3A, %mul3A : vector<2048x64xf32>
    %reduce_sum3A = arith.constant dense<0.000000e+00> : vector<2048xf32>
    %reduce_sum3A_17 = vector.multi_reduction <add>, %mul3A_16, %reduce_sum3A [1] : vector<2048x64xf32> to vector<2048xf32>
    %reshape3A_18 = vector.shape_cast %reduce_sum3A_17 : vector<2048xf32> to vector<2048x1xf32>
    %slice3A_19 = vector.extract_strided_slice %dot_general3A_5 {offsets = [0, 64], sizes = [2048, 64], strides = [1, 1]} : vector<2048x128xf32> to vector<2048x64xf32>
    %slice3A_20 = vector.extract_strided_slice %reshape3A {offsets = [1, 0], sizes = [1, 64], strides = [1, 1]} : vector<2x64xf32> to vector<1x64xf32>
    %squeeze3A_21 = vector.shape_cast %slice3A_20 : vector<1x64xf32> to vector<64xf32>
    %broadcast_in_dim3A_22 = vector.shape_cast %squeeze3A_21 : vector<64xf32> to vector<1x64xf32>
    %mul3A_23 = vector.broadcast %broadcast_in_dim3A_22 : vector<1x64xf32> to vector<2048x64xf32>
    %mul3A_24 = arith.mulf %slice3A_19, %mul3A_23 : vector<2048x64xf32>
    %reduce_sum3A_25 = arith.constant dense<0.000000e+00> : vector<2048xf32>
    %reduce_sum3A_26 = vector.multi_reduction <add>, %mul3A_24, %reduce_sum3A_25 [1] : vector<2048x64xf32> to vector<2048xf32>
    %reshape3A_27 = vector.shape_cast %reduce_sum3A_26 : vector<2048xf32> to vector<2048x1xf32>
    %slice3A_28 = vector.extract_strided_slice %dot_general3A_5 {offsets = [0, 0], sizes = [2048, 64], strides = [1, 1]} : vector<2048x128xf32> to vector<2048x64xf32>
    %slice3A_29 = vector.extract_strided_slice %reshape3A_14 {offsets = [0, 0], sizes = [1, 64], strides = [1, 1]} : vector<2x64xf32> to vector<1x64xf32>
    %squeeze3A_30 = vector.shape_cast %slice3A_29 : vector<1x64xf32> to vector<64xf32>
    %broadcast_in_dim3A_31 = vector.shape_cast %squeeze3A_30 : vector<64xf32> to vector<1x64xf32>
    %mul3A_32 = vector.broadcast %broadcast_in_dim3A_31 : vector<1x64xf32> to vector<2048x64xf32>
    %mul3A_33 = arith.mulf %slice3A_28, %mul3A_32 : vector<2048x64xf32>
    %reduce_sum3A_34 = arith.constant dense<0.000000e+00> : vector<2048xf32>
    %reduce_sum3A_35 = vector.multi_reduction <add>, %mul3A_33, %reduce_sum3A_34 [1] : vector<2048x64xf32> to vector<2048xf32>
    %reshape3A_36 = vector.shape_cast %reduce_sum3A_35 : vector<2048xf32> to vector<2048x1xf32>
    %slice3A_37 = vector.extract_strided_slice %dot_general3A_5 {offsets = [0, 64], sizes = [2048, 64], strides = [1, 1]} : vector<2048x128xf32> to vector<2048x64xf32>
    %slice3A_38 = vector.extract_strided_slice %reshape3A_14 {offsets = [1, 0], sizes = [1, 64], strides = [1, 1]} : vector<2x64xf32> to vector<1x64xf32>
    %squeeze3A_39 = vector.shape_cast %slice3A_38 : vector<1x64xf32> to vector<64xf32>
    %broadcast_in_dim3A_40 = vector.shape_cast %squeeze3A_39 : vector<64xf32> to vector<1x64xf32>
    %mul3A_41 = vector.broadcast %broadcast_in_dim3A_40 : vector<1x64xf32> to vector<2048x64xf32>
    %mul3A_42 = arith.mulf %slice3A_37, %mul3A_41 : vector<2048x64xf32>
    %reduce_sum3A_43 = arith.constant dense<0.000000e+00> : vector<2048xf32>
    %reduce_sum3A_44 = vector.multi_reduction <add>, %mul3A_42, %reduce_sum3A_43 [1] : vector<2048x64xf32> to vector<2048xf32>
    %reshape3A_45 = vector.shape_cast %reduce_sum3A_44 : vector<2048xf32> to vector<2048x1xf32>
    %concatenate3A = tpu.concatenate %reshape3A_18, %reshape3A_27, %reshape3A_18, %reshape3A_27, %reshape3A_18, %reshape3A_27, %reshape3A_18, %reshape3A_27, %reshape3A_18, %reshape3A_27, %reshape3A_18, %reshape3A_27, %reshape3A_18, %reshape3A_27, %reshape3A_18, %reshape3A_27 in 1 : vector<2048x1xf32>, vector<2048x1xf32>, vector<2048x1xf32>, vector<2048x1xf32>, vector<2048x1xf32>, vector<2048x1xf32>, vector<2048x1xf32>, vector<2048x1xf32>, vector<2048x1xf32>, vector<2048x1xf32>, vector<2048x1xf32>, vector<2048x1xf32>, vector<2048x1xf32>, vector<2048x1xf32>, vector<2048x1xf32>, vector<2048x1xf32> -> vector<2048x16xf32>
    %swap3A = arith.constant 0 : index
    %swap3A_46 = arith.constant 0 : index
    %swap3A_47 = vector.load %arg5[%swap3A, %swap3A_46] : memref<2048x16xf32, #tpu.memory_space<vmem>>, vector<2048x16xf32>
    tpu.vector_store %arg5[%swap3A, %swap3A_46], %concatenate3A {strides = array<i32>} : memref<2048x16xf32, #tpu.memory_space<vmem>>, vector<2048x16xf32>,
    %concatenate3A_48 = tpu.concatenate %reshape3A_36, %reshape3A_45, %reshape3A_36, %reshape3A_45, %reshape3A_36, %reshape3A_45, %reshape3A_36, %reshape3A_45, %reshape3A_36, %reshape3A_45, %reshape3A_36, %reshape3A_45, %reshape3A_36, %reshape3A_45, %reshape3A_36, %reshape3A_45 in 1 : vector<2048x1xf32>, vector<2048x1xf32>, vector<2048x1xf32>, vector<2048x1xf32>, vector<2048x1xf32>, vector<2048x1xf32>, vector<2048x1xf32>, vector<2048x1xf32>, vector<2048x1xf32>, vector<2048x1xf32>, vector<2048x1xf32>, vector<2048x1xf32>, vector<2048x1xf32>, vector<2048x1xf32>, vector<2048x1xf32>, vector<2048x1xf32> -> vector<2048x16xf32>
    %swap3A_49 = arith.constant 0 : index
    %swap3A_50 = arith.constant 0 : index
    %swap3A_51 = vector.load %arg6[%swap3A_49, %swap3A_50] : memref<2048x16xf32, #tpu.memory_space<vmem>>, vector<2048x16xf32>
    tpu.vector_store %arg6[%swap3A_49, %swap3A_50], %concatenate3A_48 {strides = array<i32>} : memref<2048x16xf32, #tpu.memory_space<vmem>>, vector<2048x16xf32>,
    return
  }
  func.func @transform_0(%arg0: i32) -> (i32, i32) {
    %c0_i32 = arith.constant 0 : i32
    %c0_i32_0 = arith.constant 0 : i32
    return %arg0, %c0_i32 : i32, i32
  }
  func.func @transform_1(%arg0: i32) -> (i32, i32) {
    %c0_i32 = arith.constant 0 : i32
    %c0_i32_0 = arith.constant 0 : i32
    %c0_i32_1 = arith.constant 0 : i32
    return %c0_i32, %c0_i32_0 : i32, i32
  }
  func.func @transform_2(%arg0: i32) -> (i32, i32, i32) {
    %c0_i32 = arith.constant 0 : i32
    %c0_i32_0 = arith.constant 0 : i32
    %c0_i32_1 = arith.constant 0 : i32
    %c0_i32_2 = arith.constant 0 : i32
    return %c0_i32, %c0_i32_0, %c0_i32_1 : i32, i32, i32
  }
  func.func @transform_3(%arg0: i32) -> (i32, i32, i32) {
    %c0_i32 = arith.constant 0 : i32
    %c0_i32_0 = arith.constant 0 : i32
    %c0_i32_1 = arith.constant 0 : i32
    %c0_i32_2 = arith.constant 0 : i32
    return %c0_i32, %c0_i32_0, %c0_i32_1 : i32, i32, i32
  }
  func.func @transform_4(%arg0: i32) -> (i32, i32) {
    %c0_i32 = arith.constant 0 : i32
    %c0_i32_0 = arith.constant 0 : i32
    return %arg0, %c0_i32 : i32, i32
  }
  func.func @transform_5(%arg0: i32) -> (i32, i32) {
    %c0_i32 = arith.constant 0 : i32
    %c0_i32_0 = arith.constant 0 : i32
    return %arg0, %c0_i32 : i32, i32
  }
}

module attributes {stable_mosaic.version = 14 : i64} {
  func.func @_final_body(%arg0: i32, %arg1: memref<1024x144xf32, #tpu.memory_space<vmem>>, %arg2: memref<128x64xf32, #tpu.memory_space<vmem>>, %arg3: memref<128xf32, #tpu.memory_space<vmem>>, %arg4: memref<1024x128xf32, #tpu.memory_space<vmem>>) attributes {dimension_semantics = [#tpu.dimension_semantics<arbitrary>], iteration_bounds = array<i64: 65>, scalar_prefetch = 0 : i64, scratch_operands = 0 : i64, tpu.core_type = #tpu.core_type<tc>, window_params = [{transform_indices = @transform_0, window_bounds = array<i64: 1024, 144>}, {pipeline_mode = #tpu.pipeline_mode<synchronous>, transform_indices = @transform_1, window_bounds = array<i64: 128, 64>}, {pipeline_mode = #tpu.pipeline_mode<synchronous>, transform_indices = @transform_2, window_bounds = array<i64: 128>}, {transform_indices = @transform_3, window_bounds = array<i64: 1024, 128>}]} {
    %get3A = arith.constant 0 : index
    %get3A_0 = arith.constant 0 : index
    %get3A_1 = vector.load %arg1[%get3A, %get3A_0] : memref<1024x144xf32, #tpu.memory_space<vmem>>, vector<1024x144xf32>
    %get3A_2 = arith.constant 0 : index
    %get3A_3 = arith.constant 0 : index
    %get3A_4 = vector.load %arg2[%get3A_2, %get3A_3] : memref<128x64xf32, #tpu.memory_space<vmem>>, vector<128x64xf32>
    %slice3A = vector.extract_strided_slice %get3A_1 {offsets = [0, 128], sizes = [1024, 1], strides = [1, 1]} : vector<1024x144xf32> to vector<1024x1xf32>
    %add3A = arith.constant 1.000000e-16 : f32
    %add3A_5 = vector.broadcast %add3A : f32 to vector<1024x1xf32>
    %add3A_6 = arith.addf %slice3A, %add3A_5 : vector<1024x1xf32>
    %slice3A_7 = vector.extract_strided_slice %get3A_1 {offsets = [0, 0], sizes = [1024, 64], strides = [1, 1]} : vector<1024x144xf32> to vector<1024x64xf32>
    %div3A = vector.broadcast %add3A_6 : vector<1024x1xf32> to vector<1024x64xf32>
    %div3A_8 = arith.divf %slice3A_7, %div3A : vector<1024x64xf32>
    %slice3A_9 = vector.extract_strided_slice %get3A_4 {offsets = [0, 0], sizes = [64, 64], strides = [1, 1]} : vector<128x64xf32> to vector<64x64xf32>
    %dot_general3A = arith.constant dense<0.000000e+00> : vector<1024x64xf32>
    %dot_general3A_10 = tpu.matmul %div3A_8, %slice3A_9, %dot_general3A {dimension_numbers = #tpu.dot_dimension_numbers<[1], [1], [0], [0], [0, 0, 1, 0], [], []>, transpose_lhs_hint = false} : vector<1024x64xf32>, vector<64x64xf32>, vector<1024x64xf32> -> vector<1024x64xf32>
    %slice3A_11 = vector.extract_strided_slice %get3A_1 {offsets = [0, 129], sizes = [1024, 1], strides = [1, 1]} : vector<1024x144xf32> to vector<1024x1xf32>
    %add3A_12 = arith.constant 1.000000e-16 : f32
    %add3A_13 = vector.broadcast %add3A_12 : f32 to vector<1024x1xf32>
    %add3A_14 = arith.addf %slice3A_11, %add3A_13 : vector<1024x1xf32>
    %slice3A_15 = vector.extract_strided_slice %get3A_1 {offsets = [0, 64], sizes = [1024, 64], strides = [1, 1]} : vector<1024x144xf32> to vector<1024x64xf32>
    %div3A_16 = vector.broadcast %add3A_14 : vector<1024x1xf32> to vector<1024x64xf32>
    %div3A_17 = arith.divf %slice3A_15, %div3A_16 : vector<1024x64xf32>
    %slice3A_18 = vector.extract_strided_slice %get3A_4 {offsets = [64, 0], sizes = [64, 64], strides = [1, 1]} : vector<128x64xf32> to vector<64x64xf32>
    %dot_general3A_19 = arith.constant dense<0.000000e+00> : vector<1024x64xf32>
    %dot_general3A_20 = tpu.matmul %div3A_17, %slice3A_18, %dot_general3A_19 {dimension_numbers = #tpu.dot_dimension_numbers<[1], [1], [0], [0], [0, 0, 1, 0], [], []>, transpose_lhs_hint = false} : vector<1024x64xf32>, vector<64x64xf32>, vector<1024x64xf32> -> vector<1024x64xf32>
    %concatenate3A = tpu.concatenate %dot_general3A_10, %dot_general3A_20 in 1 : vector<1024x64xf32>, vector<1024x64xf32> -> vector<1024x128xf32>
    %get3A_21 = arith.constant 0 : index
    %get3A_22 = vector.load %arg3[%get3A_21] : memref<128xf32, #tpu.memory_space<vmem>>, vector<128xf32>
    %broadcast_in_dim3A = vector.shape_cast %get3A_22 : vector<128xf32> to vector<1x128xf32>
    %add3A_23 = vector.broadcast %broadcast_in_dim3A : vector<1x128xf32> to vector<1024x128xf32>
    %add3A_24 = arith.addf %concatenate3A, %add3A_23 : vector<1024x128xf32>
    %swap3A = arith.constant 0 : index
    %swap3A_25 = arith.constant 0 : index
    %swap3A_26 = vector.load %arg4[%swap3A, %swap3A_25] : memref<1024x128xf32, #tpu.memory_space<vmem>>, vector<1024x128xf32>
    tpu.vector_store %arg4[%swap3A, %swap3A_25], %add3A_24 {strides = array<i32>} : memref<1024x128xf32, #tpu.memory_space<vmem>>, vector<1024x128xf32>,
    return
  }
  func.func @transform_0(%arg0: i32) -> (i32, i32) {
    %c0_i32 = arith.constant 0 : i32
    %c0_i32_0 = arith.constant 0 : i32
    return %arg0, %c0_i32 : i32, i32
  }
  func.func @transform_1(%arg0: i32) -> (i32, i32) {
    %c0_i32 = arith.constant 0 : i32
    %c0_i32_0 = arith.constant 0 : i32
    %c0_i32_1 = arith.constant 0 : i32
    return %c0_i32, %c0_i32_0 : i32, i32
  }
  func.func @transform_2(%arg0: i32) -> i32 {
    %c0_i32 = arith.constant 0 : i32
    %c0_i32_0 = arith.constant 0 : i32
    return %c0_i32 : i32
  }
  func.func @transform_3(%arg0: i32) -> (i32, i32) {
    %c0_i32 = arith.constant 0 : i32
    %c0_i32_0 = arith.constant 0 : i32
    return %arg0, %c0_i32 : i32, i32
  }
}

</mosaic_0001>

<sc_bundles>
// kernel: kernel.5.cloned.1.call-start
scs
__scs_entry_jumppad:
0x0: {  	(pc) =	sbr.rel $0x88, $3  }
0x1: {  	(tag) =	ssettag $0x0;
	lr =	simm.s32 $0x1  }
0x2: {  	[smem:$0x3F9B] =	sst lr;
	_ =	strace $0xD0000000  }
0x3: {  	_ = 	snop  }
0x4: {  	_ = 	snop  }
0x5: {  	_ = 	snop  }
0x6: {  	_ = 	snop  }
0x7: {  	_ = 	snop  }
__scs_overlays_trampoline_lowered:
0x8: {  	[smem:$0x3FAA] =	sst s0  }
0x9: {  	[smem:$0x3FAB] =	sst s1  }
0xa: {  	[smem:$0x3FAC] =	sst s2  }
0xb: {  	[smem:$0x3FAD] =	sst s3  }
0xc: {  	[smem:$0x3FAE] =	sst s4  }
0xd: {  	[smem:$0x3FAF] =	sst s5  }
0xe: {  	[smem:$0x3FB0] =	sst s6  }
0xf: {  	[smem:$0x3FB1] =	sst s7  }
0x10: {  	[smem:$0x3FB2] =	sst s8  }
0x11: {  	[smem:$0x3FB3] =	sst s9;
	s0 =	simm.s32 @!p0 $0x0  }
0x12: {  	s1 =	sld [smem:$0x3F99];
	s0 =	simm.s32 @p0 $0x1  }
0x13: {  	[smem:$0x3FB4] =	sst s0;
	s0 =	simm.s32 @!p1 $0x0  }
0x14: {  	s2 =	sld [smem:$0x3F98];
	s0 =	simm.s32 @p1 $0x1  }
0x15: {  	[smem:$0x3FB5] =	sst s0;
	s0 =	simm.s32 @!p2 $0x0  }
0x16: {  	s3 =	sld [smem:$0x3FDB];
	s0 =	simm.s32 @p2 $0x1  }
0x17: {  	s4 =	simm.s32 $0x1BF5;
	[smem:$0x3FB7] =	sst s0  }
0x18: {  	s0 =	sld [smem:$0x3F9A];
	_ =	swait.ge [sflag:s4], $0x0  }
0x19: {  	s7 =	sld [smem:$0x3F9B]  }
0x1a: {  	s8 =	sadd.s32 $0xFFFFE003, lr  }
0x1b: {  	s9 =	sadd.s32 $0xFFFFFEF7, lr;
	s5 =	simm.s32 $0xFFFFFFFF;
	p2 =	slt.u32 s8, $0xFFFFF086  }
0x1c: {  	p1 =	slt.u32 s9, $0xF7A;
	s5 =	simm.s32 @!p2 $0x0  }
0x1d: {  	s5 =	simm.s32 @p1 $0x1;
	p0 =	seq.s32 s7, s2  }
0x1e: {  	s7 =	smul.u32 @!p0 $0xF7A, s2;
	p2 =	seq.s32 @!p0 s5, $0x0  }
0x1f: {  	s9 =	smul.u32 $0xF7A, s1;
	s8 =	simm.s32 @!p0 $0x1BF5;
	p2 =	por !p2, p0  }
0x20: {  	[sflag:s8] =	ssyncset.s32 @!p0 $0xFFFFF086;
	s6 =	sadd.s32 @!p0 s3, s7;
	s7 =	simm.s32 @!p0 $0x108  }
0x21: {  	s3 =	sadd.s32 s3, s9;
	s6 =	sadd.s32 @!p0 $0x88, s6;
	s7 =	simm.s32 @p2 $0x1082  }
0x22: {  	[simem:s7], [sflag:s8] =	dma.local @!p0 [hbm:s6], $0xF7A  }
0x23: {  	s9 =	sor.u32 $0xD0000000, s2;
	s6 =	simm.s32 $0x108;
	_ =	swait.ge @!p0 [sflag:s8], $0x0  }
0x24: {  	s3 =	sadd.s32 $0x88, s3;
	s6 =	simm.s32 @!p1 $0x1082;
	[sflag:s4] =	ssyncset.s32 $0xFFFFF086  }
0x25: {  	[simem:s6], [sflag:s4] =	dma.local [hbm:s3], $0xF7A  }
0x26: {  	[smem:$0x3F9B] =	sst s1;
	(tag) =	ssettag s2;
	_ =	strace s9  }
0x27: {  	s1 =	sld [smem:$0x3FAB]  }
0x28: {  	s2 =	sld [smem:$0x3FAC]  }
0x29: {  	s4 =	sld [smem:$0x3FAE]  }
0x2a: {  	p0 =	seq.s32 s5, $0x0;
	s5 =	sld [smem:$0x3FAF]  }
0x2b: {  	s6 =	sld [smem:$0x3FB0]  }
0x2c: {  	s7 =	sld [smem:$0x3FB1]  }
0x2d: {  	s3 =	simm.s32 $0x108;
	s8 =	sld [smem:$0x3FB2]  }
0x2e: {  	s3 =	simm.s32 @!p0 $0x1082;
	s9 =	sld [smem:$0x3FB3]  }
0x2f: {  	lr =	sadd.s32 s0, s3;
	s0 =	sld [smem:$0x3FAA]  }
0x30: {  	s3 =	sld [smem:$0x3FAD]  }
0x31: {  	[smem:$0x3FB6] =	sst s10  }
0x32: {  	s10 =	sld [smem:$0x3FB4];
	_ =	sdelay $0x3  }
0x33: {  	p0 =	seq.s32 s10, $0x1;
	s10 =	sld [smem:$0x3FB6];
	_ =	sdelay $0x3  }
0x34: {  	[smem:$0x3FB6] =	sst s10  }
0x35: {  	s10 =	sld [smem:$0x3FB5];
	_ =	sdelay $0x3  }
0x36: {  	p1 =	seq.s32 s10, $0x1;
	s10 =	sld [smem:$0x3FB6];
	_ =	sdelay $0x3  }
0x37: {  	[smem:$0x3FB6] =	sst s10  }
0x38: {  	s10 =	sld [smem:$0x3FB7]  }
0x39: {  	_ = 	snop;
	(pc) =	sbr.ind lr, $3  }
0x3a: {  	_ = 	snop  }
0x3b: {  	_ = 	snop  }
0x3c: {  	p2 =	seq.s32 s10, $0x1;
	s10 =	sld [smem:$0x3FB6]  }
0x3d: {  	_ =	shalt  }
0x3e: {  	_ =	shalt  }
0x3f: {  	_ =	shalt  }
0x40: {  	_ =	shalt  }
0x41: {  	_ =	shalt  }
0x42: {  	_ =	shalt  }
0x43: {  	_ =	shalt  }
0x44: {  	_ =	shalt  }
0x45: {  	_ =	shalt  }
0x46: {  	_ =	shalt  }
0x47: {  	_ =	shalt  }
0x48: {  	_ =	shalt  }
0x49: {  	_ =	shalt  }
0x4a: {  	_ =	shalt  }
0x4b: {  	_ =	shalt  }
0x4c: {  	_ =	shalt  }
0x4d: {  	_ =	shalt  }
0x4e: {  	_ =	shalt  }
0x4f: {  	_ =	shalt  }
0x50: {  	_ =	shalt  }
0x51: {  	_ =	shalt  }
0x52: {  	_ =	shalt  }
0x53: {  	_ =	shalt  }
0x54: {  	_ =	shalt  }
0x55: {  	_ =	shalt  }
0x56: {  	_ =	shalt  }
0x57: {  	_ =	shalt  }
0x58: {  	_ =	shalt  }
0x59: {  	_ =	shalt  }
0x5a: {  	_ =	shalt  }
0x5b: {  	_ =	shalt  }
0x5c: {  	_ =	shalt  }
0x5d: {  	_ =	shalt  }
0x5e: {  	_ =	shalt  }
0x5f: {  	_ =	shalt  }
0x60: {  	_ =	shalt  }
0x61: {  	_ =	shalt  }
0x62: {  	_ =	shalt  }
0x63: {  	_ =	shalt  }
0x64: {  	_ =	shalt  }
0x65: {  	_ =	shalt  }
0x66: {  	_ =	shalt  }
0x67: {  	_ =	shalt  }
0x68: {  	_ =	shalt  }
0x69: {  	_ =	shalt  }
0x6a: {  	_ =	shalt  }
0x6b: {  	_ =	shalt  }
0x6c: {  	_ =	shalt  }
0x6d: {  	_ =	shalt  }
0x6e: {  	_ =	shalt  }
0x6f: {  	_ =	shalt  }
0x70: {  	_ =	shalt  }
0x71: {  	_ =	shalt  }
0x72: {  	_ =	shalt  }
0x73: {  	_ =	shalt  }
0x74: {  	_ =	shalt  }
0x75: {  	_ =	shalt  }
0x76: {  	_ =	shalt  }
0x77: {  	_ =	shalt  }
0x78: {  	_ =	shalt  }
0x79: {  	_ =	shalt  }
0x7a: {  	_ =	shalt  }
0x7b: {  	_ =	shalt  }
0x7c: {  	_ =	shalt  }
0x7d: {  	_ =	shalt  }
0x7e: {  	_ =	shalt  }
0x7f: {  	_ =	shalt  }
0x80: {  	_ =	shalt  }
0x81: {  	_ =	shalt  }
0x82: {  	_ =	shalt  }
0x83: {  	_ =	shalt  }
0x84: {  	_ =	shalt  }
0x85: {  	_ =	shalt  }
0x86: {  	_ =	shalt  }
0x87: {  	_ =	shalt  }
.Lfunc_end0:
.L_simem_size_0:
called_computation_lowered:
.L_overlay_start_0:
0x88: {  	s2 =	sld [smem:$0x3FD9]  }
0x89: {  	s3 =	sld [smem:$0x3FFE];
	_ =	sdelay $0x1  }
0x8a: {  	s1 =	srdreg.scid  }
0x8b: {  	s0 =	sand.u32 $0x1, s1  }
0x8c: {  	s17 =	sshll.u32 s0, $0xA;
	s2 =	sadd.s32 s3, s2  }
0x8d: {  	s2 =	sadd.s32 s2, s17  }
0x8e: {  	[smem:$0x3FC2] =	sst s2  }
0x8f: {  	_ = 	snop  }
0x90: {  	s2 =	sld [smem:$0x3FD0];
	(tm) =	ssettm $0x1  }
0x91: {  	s18 =	sld [smem:$0x3FFB];
	_ =	sdelay $0x3  }
0x92: {  	_ =	strace s18  }
0x93: {  	s3 =	sld [smem:$0x3FFC];
	_ =	sdelay $0x3  }
0x94: {  	_ =	strace s3  }
0x95: {  	s3 =	sld [smem:$0x3FFD];
	_ =	sdelay $0x3  }
0x96: {  	_ =	strace s3  }
0x97: {  	_ =	strace $0x8FFFFFFF  }
0x98: {  	s19 =	sld [smem:$0x3FDB];
	_ =	sdelay $0x1  }
0x99: {  	s4 =	simm.s32 $_scs_section_size  }
0x9a: {  	s5 =	simm.s32 $_size__tile_overlayer_lowered;
	s6 =	simm.s32 $_tile_overlayer_lowered  }
0x9b: {  	s22 =	simm.s32 $0x1BFF;
	s21 =	sshll.u32 s6, $0x1;
	s3 =	sadd.s32 s4, s19  }
0x9c: {  	s7 =	simm.s32 $0x0;
	s20 =	sshll.u32 s5, $0x1;
	s5 =	sadd.s32 s21, s3  }
0x9d: {  	[timem:s7], [sflag:s22] =	dma.local [hbm:s5], s20  }
0x9e: {  	_ =	swait.ge [sflag:s22], s20  }
0x9f: {  	s4 =	ssub.s32 $0x0, s20;
	[sflag:s22] =	ssyncset.done $0x0  }
0xa0: {  	[sflag:s22] =	ssyncadd.s32 s4;
	_ =	sdelay $0x1  }
0xa1: {  	s23 =	simm.s32 $0x1B8B  }
0xa2: {  	_ =	swait.ge [sflag:s23], $0x1  }
0xa3: {  	[sflag:s23] =	ssyncset.done $0x0  }
0xa4: {  	s25 =	simm.s32 $0x1B8E;
	s24 =	sld [smem:$0x3FFE];
	[sflag:s23] =	ssyncadd.s32 $0xFFFFFFFF  }
0xa5: {  	s26 =	simm.s32 $execute0_lowered;
	[smem:$0x3FD2] =	sst s25  }
0xa6: {  	s5 =	sshll.u32 s26, $0x1;
	_ =	strace $0x80000046;
	[dreg:$0x1] =	wrdreg $0xFFFFFFFF  }
0xa7: {  	s28 =	simm.s32 $_size_execute0_lowered;
	s3 =	sadd.s32 s3, s5;
	[dreg:$0x0] =	wrdreg $0x0  }
0xa8: {  	s5 =	sshll.u32 s28, $0x1;
	[dreg:$0x2] =	wrdreg s3  }
0xa9: {  	[dreg:$0x3] =	wrdreg s5  }
0xaa: {  	[dreg:$0x4] =	wrdreg $0xC0  }
0xab: {  	_ =	task [dreg:s7], $0x5FFFF  }
0xac: {  	[dreg:$0x1] =	wrdreg $0xFFFFFFFF  }
0xad: {  	[dreg:$0x0] =	wrdreg $0x60  }
0xae: {  	[dreg:$0x2] =	wrdreg s24  }
0xaf: {  	[dreg:$0x3] =	wrdreg s2  }
0xb0: {  	[dreg:$0x4] =	wrdreg $0xADC00  }
0xb1: {  	[dreg:$0x5] =	wrdreg $0x9  }
0xb2: {  	_ =	task.clear_ibuf [dreg:s7], $0x6FFFF;
	_ =	strace $0x90000046  }
0xb3: {  	s29 =	simm.s32 $0x9;
	_ =	strace $0x80000048  }
0xb4: {  	_ =	swait.ge [sflag:s29], $0x1  }
0xb5: {  	[sflag:s29] =	ssyncadd.s32 $0xFFFFFFFF  }
0xb6: {  	_ =	strace $0x90000048  }
0xb7: {  	_ =	sfence  }
0xb8: {  	s30 =	sld [smem:$0x0];
	_ =	sdelay $0x2  }
0xb9: {  	s31 =	sshll.u32 s1, $0xD;
	s1 =	sshrl.u32 s1, $0x2  }
0xba: {  	s3 =	sand.u32 $0x4000, s31;
	s1 =	sadd.s32 s1, s30  }
0xbb: {  	s0 =	sor.u32 s3, s0;
	s1 =	sshll.u32 s1, $0x11  }
0xbc: {  	s0 =	sor.u32 s1, s0  }
0xbd: {  	s0 =	sadd.s32 $0x8F2B, s0  }
0xbe: {  	[sflag:s0] =	ssyncadd.remote.s32 $0x1  }
0xbf: {  	_ =	sfence.sel $0xFFFF  }
0xc0: {  	[dreg:$0x0] =	wrdreg $0xFFFFFFFF;
	(pc) =	sbr.abs _section_cstart, $3  }
0xc1: {  	[dreg:$0x1] =	wrdreg $0xFFFFFFFF  }
0xc2: {  	_ =	task.clear_ibuf [dreg:s7], $0x2FFFF;
	_ =	strace $0x9FFFFFFF  }
0xc3: {  	(tm) =	ssettm $0x7FFFFFFF  }
tec
execute0_lowered:
.L_overlay_start_1:
0x0: {  	(tag) =	ssettag $0x1  }
0x1: {  	s0 =	rddreg [dreg:$0x0]  }
0x2: {  	s2 =	srdreg.scid;
	s1 =	rddreg [dreg:$0x1];
	s11 =	simm.s32 $0x2000  }
0x3: {  	s14 =	simm.s32 $0x0;
	s12 =	stileid.u32;
	s18 =	simm.s32 $0x65C0  }
0x4: {  	s19 =	simm.s32 $0x3;
	s20 =	simm.s32 $0x1140;
	s21 =	simm.s32 $0x1  }
0x5: {  	s22 =	simm.s32 $0x40;
	s3 =	sand.u32 $0x1, s2;
	s2 =	rddreg [dreg:$0x2]  }
0x6: {  	s23 =	simm.s32 $0x3400;
	s28 =	simm.s32 $0x5DC0;
	[smem:$0x7FF] =	sst s14  }
0x7: {  	s6 =	sadd.s32 $0x1200, s0;
	s7 =	sadd.s32 $0x82600, s0;
	s8 =	sadd.s32 $0x292600, s0  }
0x8: {  	s9 =	sadd.s32 $0xA3600, s0;
	s0 =	sadd.s32 $0xC5E00, s0;
	p0 =	seq.s32 s3, $0x0  }
0x9: {  	_ =	strace $0x80000047;
	s5 =	ssub.s32 $0x2, s3;
	s11 =	simm.s32 @!p0 $0x2400  }
0xa: {  	[dreg:$0x6] =	wrdreg s0;
	s25 =	smul.u32 $0x480000, s3;
	s4 =	sshrl.u32 s11, $0x4  }
0xb: {  	s3 =	sshll.u32 s3, $0xF;
	s24 =	sshrl.u32 s5, $0x1;
	s4 =	smul.u32 s4, s12  }
0xc: {  	[dreg:$0x8] =	wrdreg s3;
	s0 =	ssub.s32 s5, s24;
	s31 =	smul.u32 $0x90, s11  }
0xd: {  	s15 =	sshrl.u32 s11, $0xA;
	[dreg:$0x4] =	wrdreg s11;
	s10 =	smul.u32 $0x240, s4  }
0xe: {  	s0 =	smax.u32 s0, $0x1;
	[dreg:$0x7] =	wrdreg s15;
	s4 =	smul.u32 $0x90, s4  }
0xf: {  	s29 =	simm.s32 $0x2;
	s13 =	smul.u32 $0x11400, s12;
	[dreg:$0x9] =	wrdreg s0  }
0x10: {  	[dreg:$0xc] =	wrdreg s31;
	s26 =	sshrl.u32 s10, $0x2;
	s30 =	sadd.s32 s25, s4  }
0x11: {  	v0 =	vlaneseq.u32;
	v1 =	vimm.f32 $0.0e+00;
	vm0 =	vmmov $0x3;
	s24 =	simm.s32 $0x35C0;
	s12 =	sadd.s32 s26, s2;
	[dreg:$0xb] =	wrdreg s30  }
0x12: {  	v2 =	vor.u32 $0x10, v0;
	v3 =	vor.u32 $0x20, v0;
	v4 =	vor.u32 $0x30, v0;
	s25 =	simm.s32 $0x55C0;
	s26 =	simm.s32 $0x3480;
	[dreg:$0xa] =	wrdreg s12  }
.LBB2_1:
0x13: {  	[dreg:$0x5] =	wrdreg s14  }
0x14: {  	s0 =	rddreg [dreg:$0xb];
	s31 =	simm.s32 $0x0  }
.LBB2_2:
0x15: {  	[dreg:$0xd] =	wrdreg s0  }
0x16: {  	s30 =	sshrl.u32 s0, $0x3;
	s3 =	rddreg [dreg:$0x6]  }
0x17: {  	s4 =	simm.s32 $0x240;
	s0 =	sadd.s32 s30, s3;
	s3 =	simm.s32 $0x0  }
.LBB2_3:
0x18: {  	p0 =	sne.s32 s4, $0x8DC0;
	[tilespmem:s3+$0x6640] =	vst v1  }
0x19: {  	[tilespmem:s3+$0x65C0] =	vst v1  }
0x1a: {  	[tilespmem:s3+$0x65D0] =	vst v1  }
0x1b: {  	[tilespmem:s3+$0x65E0] =	vst v1  }
.Ltmp0:
0x1c: {  	[tilespmem:s3+$0x65F0] =	vst v1;
	(pc) =	sbr.rel @p0 .LBB2_3-.Ltmp0, $4  }
0x1d: {  	[tilespmem:s3+$0x6600] =	vst v1  }
0x1e: {  	[tilespmem:s3+$0x6610] =	vst v1  }
0x1f: {  	[tilespmem:s3+$0x6620] =	vst v1  }
0x20: {  	[tilespmem:s3+$0x6630] =	vst v1;
	s3 =	sshra.s32 s4, $0x2;
	s4 =	sadd.s32 $0x240, s4  }
0x21: {  	[tilespmem:s3+$0x6640] =	vst v1  }
0x22: {  	[tilespmem:s3+$0x65C0] =	vst v1  }
0x23: {  	[tilespmem:s3+$0x65D0] =	vst v1  }
0x24: {  	[tilespmem:s3+$0x65E0] =	vst v1  }
0x25: {  	[tilespmem:s3+$0x65F0] =	vst v1  }
0x26: {  	[tilespmem:s3+$0x6600] =	vst v1  }
0x27: {  	[tilespmem:s3+$0x6610] =	vst v1;
	p0 =	sne.s32 s15, $0x1  }
.Ltmp1:
0x28: {  	[tilespmem:s3+$0x6620] =	vst v1;
	(pc) =	sbr.rel @!p0 .LBB2_6-.Ltmp1, $4  }
0x29: {  	[tilespmem:s3+$0x6630] =	vst v1  }
0x2a: {  	[spmem:s12] =	stream.linear.scatter [tilespmem:s18], [sflag:$0x3], $0x2400, $0x38;
	[tilespmem:$0x1F400] =	vst v63  }
0x2b: {  	_ =	swait.ge [sflag:s19], $0x2400  }
0x2c: {  	s3 =	sadd.s32 $0xFFFFFFFF, s15;
	s4 =	smov.u32 s12;
	[sflag:s19] =	ssyncset.done $0x0  }
.LBB2_5:
0x2d: {  	p1 =	sne.s32 s3, $0x1;
	[sflag:s19] =	ssyncadd.s32 $0xFFFFDC00;
	s4 =	sadd.s32 $0x2400, s4  }
.Ltmp2:
0x2e: {  	s3 =	sadd.s32 $0xFFFFFFFF, s3;
	(pc) =	sbr.rel @p1 .LBB2_5-.Ltmp2, $4  }
0x2f: {  	_ = 	snop  }
0x30: {  	[spmem:s4] =	stream.linear.scatter [tilespmem:s18], [sflag:$0x3], $0x2400, $0x38;
	[tilespmem:$0x1F400] =	vst v63  }
0x31: {  	_ =	swait.ge [sflag:s19], $0x2400  }
0x32: {  	[sflag:s19] =	ssyncset.done $0x0  }
.LBB2_6:
0x33: {  	s4 =	rddreg [dreg:$0x4]  }
0x34: {  	s3 =	smul.u32 s4, s31  }
.Ltmp3:
0x35: {  	_ = 	snop;
	(pc) =	sbr.rel .LBB2_7-.Ltmp3, $4  }
0x36: {  	s5 =	rddreg [dreg:$0x8]  }
0x37: {  	[sflag:s19] =	ssyncadd.s32 $0xFFFFDC00;
	s3 =	sadd.s32 s5, s3  }
0x38: {  	[bflag:$0x0] =	sbarrier.arrive $0xFFFF;
	s4 =	sadd.s32 s4, s3  }
0x39: {  	s14 =	simm.s32 $0x0;
	s16 =	simm.s32 $0x0;
	v5 =	vmov s3;
	v6 =	vmov s4  }
.LBB2_21:
0x3a: {  	[sflag:s29] =	ssyncadd.s32 $0xFFFFDC00  }
.LBB2_22:
0x3b: {  	s16 =	sadd.s32 $0x1, s16  }
0x3c: {  	p1 =	sne.s32 s16, $0x10  }
.Ltmp4:
0x3d: {  	_ = 	snop;
	(pc) =	sbr.rel @!p1 .LBB2_23-.Ltmp4, $1  }
0x3e: {  	_ =	sdelay $0x3  }
.LBB2_7:
0x3f: {  	s3 =	smul.u32 $0x1140, s16;
	_ =	sdelay $0x1  }
0x40: {  	s3 =	sadd.s32 s13, s3  }
0x41: {  	s3 =	sshrl.u32 s3, $0x3  }
0x42: {  	s4 =	sadd.s32 s1, s3  }
0x43: {  	[tilespmem:s14], [sflag:$0x3] =	stream.linear.gather [hbm4b:s4+s14], $0x1140, $0x38;
	[tilespmem:$0x1F400] =	vst v63  }
0x44: {  	_ =	swait.ge [sflag:s19], $0x1140  }
0x45: {  	[sflag:s19] =	ssyncset.done $0x0  }
0x46: {  	s3 =	sadd.s32 s9, s3;
	[sflag:s19] =	ssyncadd.s32 $0xFFFFEEC0  }
0x47: {  	[tilespmem:s20], [sflag:$0x3] =	stream.linear.gather [hbm4b:s3+s14], $0x1140, $0x38;
	[tilespmem:$0x1F400] =	vst v63  }
0x48: {  	_ =	swait.ge [sflag:s19], $0x1140  }
0x49: {  	[sflag:s19] =	ssyncset.done $0x0  }
0x4a: {  	s5 =	simm.s32 $0x0;
	[sflag:s19] =	ssyncadd.s32 $0xFFFFEEC0  }
0x4b: {  	v7 =	vld [tilespmem:s5+$0x10]  }
0x4c: {  	v9 =	vld [tilespmem:s5+$0x0]  }
0x4d: {  	s4 =	simm.s32 $0x80;
	s3 =	simm.s32 $0x0;
	v8 =	vld [tilespmem:s5+$0x1150]  }
.LBB2_8:
0x4e: {  	p1 =	sne.s32 s4, $0x4480;
	v10 =	vld [tilespmem:s5+$0x1140];
	_ =	sdelay $0x2  }
0x4f: {  	v7 =	vshll.u32 v7, $0xE;
	v9 =	vshll.u32 v9, $0xE  }
0x50: {  	vm1 =	vge.s32 v8, v5;
	vm2 =	vlt.s32 v8, v6;
	v8 =	vsub.s32 v8, v5  }
0x51: {  	vm3 =	vge.s32 v10, v5;
	vm4 =	vlt.s32 v10, v6;
	v10 =	vsub.s32 v10, v5  }
0x52: {  	vm1 =	vmand vm1, vm2;
	vm3 =	vmand vm3, vm4;
	v9 =	vor.u32 v9, v10  }
0x53: {  	v7 =	vor.u32 v7, v8;
	v9 =	vnsel vm3, $0x7FFFFFFF, v9;
	v8 =	vmpcnt.ones.xlane vm3  }
0x54: {  	v7 =	vnsel vm1, $0x7FFFFFFF, v7;
	v11 =	vmpcnt.ones.xlane vm1;
	v10 =	vxor.u32 $0x80000000, v9  }
0x55: {  	v12 =	vxor.u32 $0x80000000, v7;
	(xrf1) =	vsort.ascd.msk.u32 $0xffff, v10, v9;
	(v2sf) =	vpush v8, $0x0  }
0x56: {  	(xrf1) =	vsort.ascd.msk.u32 $0xffff, v12, v7;
	(v2sf) =	vpush v11, $0x0;
	_ =	sdelay $0xc  }
0x57: {  	v7, _, _ =	vpop (xrf1)  }
0x58: {  	v7 =	vxor.u32 $0x80000000, v7;
	v8, _, _ =	vpop (xrf1);
	s5 =	spop (v2sf)  }
.Ltmp5:
0x59: {  	v8 =	vxor.u32 $0x80000000, v8;
	[tilespmem:s3+$0x2280] =	vst v7;
	s3 =	sadd.s32 s3, s5;
	s10 =	spop (v2sf);
	(pc) =	sbr.rel @p1 .LBB2_8-.Ltmp5, $4  }
0x5a: {  	s5 =	sshra.s32 s4, $0x2;
	[tilespmem:s3+$0x2280] =	vst v8;
	s3 =	sadd.s32 s10, s3  }
0x5b: {  	v7 =	vld [tilespmem:s5+$0x10]  }
0x5c: {  	v9 =	vld [tilespmem:s5+$0x0]  }
0x5d: {  	s4 =	sadd.s32 $0x80, s4;
	v8 =	vld [tilespmem:s5+$0x1150]  }
0x5e: {  	v10 =	vld [tilespmem:s5+$0x1140];
	_ =	sdelay $0x4  }
0x5f: {  	vm1 =	vge.s32 v10, v5;
	vm2 =	vlt.s32 v10, v6  }
0x60: {  	vm3 =	vge.s32 v8, v5;
	vm4 =	vlt.s32 v8, v6;
	vm1 =	vmand vm1, vm2  }
0x61: {  	vm2 =	vmand vm3, vm4;
	v11 =	vmpcnt.ones.xlane vm1  }
0x62: {  	v12 =	vmpcnt.ones.xlane vm2  }
0x63: {  	(v2sf) =	vpush v11, $0x0  }
0x64: {  	(v2sf) =	vpush v12, $0x0;
	_ =	sdelay $0x9  }
0x65: {  	v9 =	vshll.u32 v9, $0xE;
	v10 =	vsub.s32 v10, v5  }
0x66: {  	v7 =	vshll.u32 v7, $0xE;
	v8 =	vsub.s32 v8, v5;
	v9 =	vor.u32 v9, v10  }
0x67: {  	v7 =	vor.u32 v7, v8;
	v9 =	vnsel vm1, $0x7FFFFFFF, v9  }
0x68: {  	v7 =	vnsel vm2, $0x7FFFFFFF, v7;
	v8 =	vxor.u32 $0x80000000, v9  }
0x69: {  	v63 =	vxor.u32 $0x80000000, v7;
	(xrf1) =	vsort.ascd.msk.u32 $0xffff, v8, v9;
	s4 =	spop (v2sf)  }
0x6a: {  	(xrf1) =	vsort.ascd.msk.u32 $0xffff, v63, v7;
	s12 =	sadd.s32 s3, s4;
	s17 =	spop (v2sf)  }
0x6b: {  	s5 =	simm.s32 $0x1;
	s17 =	sadd.s32 s17, s12  }
0x6c: {  	s4 =	sadd.s32 $0x3F, s17;
	s11 =	sand.u32 $0xF, s17;
	s15 =	sshra.s32 s17, $0x1F  }
0x6d: {  	p6 =	slt.s32 s17, $0x1;
	s30 =	sand.u32 $0x3F, s4;
	s10 =	sshra.s32 s4, $0x1F  }
0x6e: {  	p1 =	slt.s32 s4, $0x1;
	p5 =	sne.s32 s11, $0x0;
	p2 =	sne.s32 s30, $0x0  }
0x6f: {  	s10 =	sshrl.u32 s10, $0x1A;
	s30 =	sshrl.u32 s15, $0x1C;
	p1 =	por !p1, !p2  }
0x70: {  	s4 =	sadd.s32 s10, s4;
	s10 =	simm.s32 $0x1;
	p1 =	por !p1, !p1  }
0x71: {  	s4 =	sshrl.u32 s4, $0x6;
	s5 =	simm.s32 @!p1 $0x0;
	p1 =	por !p6, !p5  }
0x72: {  	s4 =	ssub.s32 s4, s5;
	s5 =	sadd.s32 s30, s17;
	p1 =	por !p1, !p1  }
0x73: {  	s4 =	sshll.u32 s4, $0x6;
	s5 =	sshra.s32 s5, $0x4;
	s10 =	simm.s32 @!p1 $0x0  }
0x74: {  	s10 =	ssub.s32 s5, s10;
	s5 =	sshra.s32 s4, $0x4  }
0x75: {  	p1 =	sge.s32 s10, s5  }
.Ltmp6:
0x76: {  	_ = 	snop;
	(pc) =	sbr.rel @p1 .LBB2_12-.Ltmp6, $4  }
0x77: {  	v7, _, _ =	vpop (xrf1)  }
0x78: {  	v7 =	vxor.u32 $0x80000000, v7;
	v8, _, _ =	vpop (xrf1)  }
0x79: {  	[tilespmem:s3+$0x2280] =	vst v7;
	v7 =	vxor.u32 $0x80000000, v8  }
0x7a: {  	[tilespmem:s12+$0x2280] =	vst v7;
	v7 =	vmov s17  }
0x7b: {  	s3 =	sshll.u32 s10, $0x6  }
0x7c: {  	s3 =	sshra.s32 s3, $0x2  }
0x7d: {  	s12 =	sadd.s32 $0x2280, s3  }
0x7e: {  	s3 =	sshll.u32 s10, $0x4;
	s10 =	sadd.s32 $0x1, s10;
	v8 =	vld [tilespmem:s12+$0x0]  }
0x7f: {  	p1 =	slt.s32 s10, s5  }
.Ltmp7:
0x80: {  	_ = 	snop;
	(pc) =	sbr.rel @!p1 .LBB2_12-.Ltmp7, $4  }
0x81: {  	v9 =	vor.u32 s3, v0  }
0x82: {  	vm1 =	vlt.s32 v9, v7  }
0x83: {  	v8 =	vnsel vm1, $0x0, v8  }
0x84: {  	[tilespmem:s12+$0x0] =	vst v8;
	s12 =	sadd.s32 $0x10, s12  }
.LBB2_11:
0x85: {  	v8 =	vld [tilespmem:s12+$0x0];
	s10 =	sadd.s32 $0x1, s10  }
0x86: {  	p1 =	slt.s32 s10, s5  }
.Ltmp8:
0x87: {  	s3 =	sadd.s32 $0x10, s3;
	(pc) =	sbr.rel @p1 .LBB2_11-.Ltmp8, $4  }
0x88: {  	v9 =	vor.u32 s3, v0  }
0x89: {  	vm1 =	vlt.s32 v9, v7  }
0x8a: {  	v8 =	vnsel vm1, $0x0, v8  }
0x8b: {  	[tilespmem:s12+$0x0] =	vst v8;
	s12 =	sadd.s32 $0x10, s12  }
.LBB2_12:
0x8c: {  	s5 =	sshra.s32 s4, $0x6  }
0x8d: {  	p1 =	slt.s32 s5, $0x1  }
.Ltmp9:
0x8e: {  	_ = 	snop;
	(pc) =	sbr.rel @p1 .LBB2_22-.Ltmp9, $1  }
0x8f: {  	_ =	sdelay $0x3  }
0x90: {  	v8 =	vld [tilespmem:$0x2280];
	_ =	sdelay $0x2  }
0x91: {  	v9 =	vld [tilespmem:$0x2290];
	_ =	sdelay $0x1  }
0x92: {  	v10 =	vshrl.u32 v8, $0xE;
	v8 =	vand.u32 $0x3FFF, v8  }
0x93: {  	vm1 =	vgt.s32 v7, v0;
	v11 =	vld [tilespmem:$0x22A0];
	[tilespmem:$0x3400] =	vst v10;
	v60 =	vadd.s32 v5, v8  }
0x94: {  	v8 =	vnsel vm1, $0x2400, v8;
	[tilespmem:$0x3480] =	vst v60  }
0x95: {  	[tilespmem:$0x3500] =	vst v8;
	v8 =	vshrl.u32 v9, $0xE;
	v9 =	vand.u32 $0x3FFF, v9  }
0x96: {  	v61 =	vld [tilespmem:$0x22B0];
	vm1 =	vgt.s32 v7, v2;
	[tilespmem:$0x3410] =	vst v8;
	v8 =	vadd.s32 v5, v9  }
0x97: {  	[tilespmem:$0x3490] =	vst v8;
	v8 =	vnsel vm1, $0x2400, v9  }
0x98: {  	v62 =	vand.u32 $0x3FFF, v11;
	[tilespmem:$0x3510] =	vst v8;
	v8 =	vshrl.u32 v11, $0xE  }
0x99: {  	vm1 =	vgt.s32 v7, v3;
	[tilespmem:$0x3420] =	vst v8;
	v8 =	vadd.s32 v5, v62  }
0x9a: {  	[tilespmem:$0x34A0] =	vst v8;
	v8 =	vnsel vm1, $0x2400, v62  }
0x9b: {  	v63 =	vand.u32 $0x3FFF, v61;
	[tilespmem:$0x3520] =	vst v8;
	v8 =	vshrl.u32 v61, $0xE  }
0x9c: {  	vm1 =	vgt.s32 v7, v4;
	[tilespmem:$0x3430] =	vst v8;
	v8 =	vadd.s32 v5, v63  }
0x9d: {  	[tilespmem:$0x34B0] =	vst v8;
	v8 =	vnsel vm1, $0x2400, v63  }
0x9e: {  	[tilespmem:$0x3530] =	vst v8  }
0x9f: {  	[tilespmem:s24], [sflag:$0x1] =	stream.indirect.gather [hbm4b:s6+s22], $0x40, s23, s22, $0xb8;
	[tilespmem:$0x1F400] =	vst v63  }
0xa0: {  	_ = 	snop  }
0xa1: {  	[tilespmem:s25], [sflag:$0x1] =	stream.indirect.gather [hbm4b:s7+s22], $0x10, s23, s22, $0xb8;
	[tilespmem:$0x1F400] =	vst v63  }
0xa2: {  	s3 =	simm.s32 $0x0  }
0xa3: {  	[tilespmem:s28], [sflag:$0x1] =	stream.indirect.gather [hbm4b:s8+s22], $0x10, s26, s22, $0xb8;
	[tilespmem:$0x1F400] =	vst v63  }
.LBB2_14:
0xa4: {  	s4 =	sadd.s32 $0x1, s3  }
0xa5: {  	p2 =	sge.s32 s4, s5  }
.Ltmp10:
0xa6: {  	p1 =	slt.u32 s3, $0x2;
	(pc) =	sbr.rel @p2 .LBB2_16-.Ltmp10, $4  }
0xa7: {  	s10 =	simm.s32 @!p1 $0x2  }
0xa8: {  	_ =	swait.ge @!p1 [sflag:s10], $0x2400  }
0xa9: {  	[sflag:s10] =	ssyncset.done @!p1 $0x0  }
0xaa: {  	[sflag:s10] =	ssyncadd.s32 @!p1 $0xFFFFDC00  }
0xab: {  	s10 =	sshll.u32 s4, $0x6  }
0xac: {  	s12 =	smulhi.u32 $0xAAAAAAAB, s4;
	v8 =	vld [tilespmem:s10+$0x2280];
	_ =	sdelay $0x1  }
0xad: {  	s12 =	sshrl.u32 s12, $0x1  }
0xae: {  	s12 =	smul.u32 $0x3, s12  }
0xaf: {  	s17 =	sand.u32 $0x1, s4  }
0xb0: {  	s11 =	sshll.u32 s17, $0x6;
	v10 =	vor.u32 s10, v0;
	s12 =	ssub.s32 s4, s12;
	v9 =	vshrl.u32 v8, $0xE;
	v8 =	vand.u32 $0x3FFF, v8  }
0xb1: {  	vm1 =	vlt.s32 v10, v7;
	s12 =	sshll.u32 s12, $0x6;
	[tilespmem:s11+$0x3400] =	vst v9;
	v54 =	vadd.s32 v5, v8  }
0xb2: {  	s15 =	sor.u32 $0x3500, s12;
	v8 =	vnsel vm1, $0x2400, v8;
	[tilespmem:s11+$0x3480] =	vst v54  }
0xb3: {  	[tilespmem:s15+$0x0] =	vst v8  }
0xb4: {  	v8 =	vld [tilespmem:s10+$0x2290];
	_ =	sdelay $0x3  }
0xb5: {  	s30 =	sor.u32 $0x10, s10  }
0xb6: {  	v56 =	vor.u32 s30, v0;
	v55 =	vshrl.u32 v8, $0xE;
	v8 =	vand.u32 $0x3FFF, v8  }
0xb7: {  	vm1 =	vlt.s32 v56, v7;
	[tilespmem:s11+$0x3410] =	vst v55;
	v57 =	vadd.s32 v5, v8  }
0xb8: {  	s30 =	sor.u32 $0x3510, s12;
	v8 =	vnsel vm1, $0x2400, v8;
	[tilespmem:s11+$0x3490] =	vst v57  }
0xb9: {  	[tilespmem:s30+$0x0] =	vst v8  }
0xba: {  	v8 =	vld [tilespmem:s10+$0x22A0];
	_ =	sdelay $0x3  }
0xbb: {  	s30 =	sor.u32 $0x20, s10  }
0xbc: {  	v59 =	vor.u32 s30, v0;
	v58 =	vshrl.u32 v8, $0xE;
	v8 =	vand.u32 $0x3FFF, v8  }
0xbd: {  	vm1 =	vlt.s32 v59, v7;
	[tilespmem:s11+$0x3420] =	vst v58;
	v60 =	vadd.s32 v5, v8  }
0xbe: {  	s30 =	sor.u32 $0x3520, s12;
	v8 =	vnsel vm1, $0x2400, v8;
	[tilespmem:s11+$0x34A0] =	vst v60  }
0xbf: {  	[tilespmem:s30+$0x0] =	vst v8  }
0xc0: {  	v8 =	vld [tilespmem:s10+$0x22B0];
	_ =	sdelay $0x3  }
0xc1: {  	s10 =	sor.u32 $0x30, s10  }
0xc2: {  	v62 =	vor.u32 s10, v0;
	v61 =	vshrl.u32 v8, $0xE;
	v8 =	vand.u32 $0x3FFF, v8  }
0xc3: {  	vm1 =	vlt.s32 v62, v7;
	[tilespmem:s11+$0x3430] =	vst v61;
	v63 =	vadd.s32 v5, v8  }
0xc4: {  	s12 =	sor.u32 $0x3530, s12;
	s30 =	sshll.u32 s17, $0xC;
	v8 =	vnsel vm1, $0x2400, v8;
	[tilespmem:s11+$0x34B0] =	vst v63  }
0xc5: {  	s15 =	sor.u32 $0x3400, s11;
	s17 =	sshll.u32 s17, $0xA;
	[tilespmem:s12+$0x0] =	vst v8;
	s12 =	sadd.s32 $0x35C0, s30  }
0xc6: {  	[tilespmem:s12], [sflag:$0x1] =	stream.indirect.gather [hbm4b:s6+s22], $0x40, s15, s22, $0xb8;
	[tilespmem:$0x1F400] =	vst v63  }
0xc7: {  	s30 =	sadd.s32 $0x55C0, s17  }
0xc8: {  	[tilespmem:s30], [sflag:$0x1] =	stream.indirect.gather [hbm4b:s7+s22], $0x10, s15, s22, $0xb8;
	[tilespmem:$0x1F400] =	vst v63  }
0xc9: {  	s10 =	sadd.s32 $0x5DC0, s17;
	s11 =	sor.u32 $0x3480, s11  }
0xca: {  	[tilespmem:s10], [sflag:$0x1] =	stream.indirect.gather [hbm4b:s8+s22], $0x10, s11, s22, $0xb8;
	[tilespmem:$0x1F400] =	vst v63  }
.LBB2_16:
0xcb: {  	_ =	swait.ge [sflag:s21], $0x1000  }
0xcc: {  	[sflag:s21] =	ssyncset.done $0x0  }
0xcd: {  	s10 =	smulhi.u32 $0xAAAAAAAB, s3;
	s11 =	sand.u32 $0x1, s3;
	[sflag:s21] =	ssyncadd.s32 $0xFFFFF000  }
0xce: {  	s12 =	smul.u32 $0x9000, s11;
	_ =	swait.ge [sflag:s21], $0x400  }
0xcf: {  	s30 =	sshll.u32 s11, $0xC;
	s11 =	sshll.u32 s11, $0xA;
	[sflag:s21] =	ssyncset.done $0x0  }
0xd0: {  	s10 =	sshrl.u32 s10, $0x1;
	v8 =	vmov s11;
	[sflag:s21] =	ssyncadd.s32 $0xFFFFFC00  }
0xd1: {  	s15 =	smul.u32 $0x3, s10;
	s12 =	sshrl.u32 s12, $0x2;
	_ =	swait.ge [sflag:s21], $0x400  }
0xd2: {  	s30 =	sadd.s32 $0x35C0, s30;
	s10 =	sadd.s32 $0x65C0, s12;
	[sflag:s21] =	ssyncset.done $0x0  }
0xd3: {  	s17 =	simm.s32 $0x0;
	v9 =	vmov s30;
	s12 =	ssub.s32 s3, s15;
	v10 =	vmov s10;
	[sflag:s21] =	ssyncadd.s32 $0xFFFFFC00  }
.LBB2_17:
0xd4: {  	s3 =	sshll.u32 s17, $0x8  }
0xd5: {  	v11 =	vld.idx.msk [tilespmem:v8+s3+$0x55C0 ss:$0x1], $0xffff  }
0xd6: {  	v12 =	vld.idx.msk [tilespmem:v8+s3+$0x5DC0 ss:$0x1], $0xffff;
	_ =	sdelay $0x4  }
0xd7: {  	v11 =	vadd.f32 v12, v11;
	_ =	sdelay $0x1  }
0xd8: {  	v12 =	vmul.f32 $2.000000030e-01, v11  }
0xd9: {  	vm1 =	vge.f32 v11, $0.0e+00  }
0xda: {  	v11 =	vsel vm1, v11, v12  }
0xdb: {  	v11 =	vmul.f32 $1.442695020e+00, v11;
	_ =	sdelay $0x1  }
0xdc: {  	(erf) = vpow2.f32 v11;
	_ =	sdelay $0x4  }
0xdd: {  	s15 =	sshll.u32 s17, $0xA  }
0xde: {  	s3 =	sand.u32 $0x3FFFFC00, s15  }
0xdf: {  	v11 =	vld.idx.msk [tilespmem:v9+s3+$0x0 ss:$0x1], $0xffff;
	_ =	sdelay $0x1  }
0xe0: {  	v48 =	vpop (erf)  }
0xe1: {  	v13 =	vbroadcast v48, $0x0  }
0xe2: {  	s11 =	smul.u32 $0x2400, s17;
	v14 =	vbroadcast v48, $0x1  }
0xe3: {  	v15 =	vmul.f32 v13, v11  }
0xe4: {  	s11 =	sshra.s32 s11, $0x2;
	v11 =	vmul.f32 v14, v11  }
0xe5: {  	[tilespmem:v10+s11+$0x0 ss:$0x1] =	vst.idx.msk $0xffff, v15  }
0xe6: {  	[tilespmem:v10+s11+$0x40 ss:$0x1] =	vst.idx.msk $0xffff, v11  }
0xe7: {  	v11 =	vld.idx.msk [tilespmem:v9+s3+$0x10 ss:$0x1], $0xffff;
	_ =	sdelay $0x4  }
0xe8: {  	v49 =	vmul.f32 v13, v11  }
0xe9: {  	v11 =	vmul.f32 v14, v11  }
0xea: {  	[tilespmem:v10+s11+$0x10 ss:$0x1] =	vst.idx.msk $0xffff, v49  }
0xeb: {  	[tilespmem:v10+s11+$0x50 ss:$0x1] =	vst.idx.msk $0xffff, v11  }
0xec: {  	v11 =	vld.idx.msk [tilespmem:v9+s3+$0x20 ss:$0x1], $0xffff;
	_ =	sdelay $0x4  }
0xed: {  	v50 =	vmul.f32 v11, v13  }
0xee: {  	v11 =	vmul.f32 v11, v14  }
0xef: {  	[tilespmem:v10+s11+$0x20 ss:$0x1] =	vst.idx.msk $0xffff, v50  }
0xf0: {  	[tilespmem:v10+s11+$0x60 ss:$0x1] =	vst.idx.msk $0xffff, v11  }
0xf1: {  	v11 =	vld.idx.msk [tilespmem:v9+s3+$0x30 ss:$0x1], $0xffff;
	_ =	sdelay $0x4  }
0xf2: {  	v13 =	vmul.f32 v11, v13  }
0xf3: {  	v11 =	vmul.f32 v11, v14  }
0xf4: {  	s3 =	sshll.u32 s17, $0x4;
	[tilespmem:v10+s11+$0x30 ss:$0x1] =	vst.idx.msk $0xffff, v13  }
0xf5: {  	s15 =	sor.u32 $0x1, s3;
	[tilespmem:v10+s11+$0x70 ss:$0x1] =	vst.idx.msk $0xffff, v11;
	v11 =	vnsel vm0, $0x0, v48  }
0xf6: {  	s30 =	sshll.u32 s15, $0x4;
	[tilespmem:v10+s11+$0x80 ss:$0x1] =	vst.idx.msk $0xffff, v11  }
0xf7: {  	v11 =	vld.idx.msk [tilespmem:v8+s30+$0x55C0 ss:$0x1], $0xffff  }
0xf8: {  	v51 =	vld.idx.msk [tilespmem:v8+s30+$0x5DC0 ss:$0x1], $0xffff;
	_ =	sdelay $0x4  }
0xf9: {  	v11 =	vadd.f32 v51, v11;
	_ =	sdelay $0x1  }
0xfa: {  	v12 =	vmul.f32 $2.000000030e-01, v11  }
0xfb: {  	vm1 =	vge.f32 v11, $0.0e+00  }
0xfc: {  	v11 =	vsel vm1, v11, v12  }
0xfd: {  	v11 =	vmul.f32 $1.442695020e+00, v11;
	_ =	sdelay $0x1  }
0xfe: {  	(erf) = vpow2.f32 v11;
	_ =	sdelay $0x4  }
0xff: {  	s30 =	sshll.u32 s15, $0x6  }
0x100: {  	s11 =	sand.u32 $0x3FFFFC40, s30  }
0x101: {  	v11 =	vld.idx.msk [tilespmem:v9+s11+$0x0 ss:$0x1], $0xffff;
	_ =	sdelay $0x1  }
0x102: {  	v52 =	vpop (erf)  }
0x103: {  	v53 =	vbroadcast v52, $0x0  }
0x104: {  	s15 =	smul.u32 $0x240, s15;
	v54 =	vbroadcast v52, $0x1  }
0x105: {  	v55 =	vmul.f32 v53, v11  }
0x106: {  	s15 =	sshra.s32 s15, $0x2;
	v11 =	vmul.f32 v54, v11  }
0x107: {  	[tilespmem:v10+s15+$0x0 ss:$0x1] =	vst.idx.msk $0xffff, v55  }
0x108: {  	[tilespmem:v10+s15+$0x40 ss:$0x1] =	vst.idx.msk $0xffff, v11  }
0x109: {  	v11 =	vld.idx.msk [tilespmem:v9+s11+$0x10 ss:$0x1], $0xffff;
	_ =	sdelay $0x4  }
0x10a: {  	v56 =	vmul.f32 v53, v11  }
0x10b: {  	v11 =	vmul.f32 v54, v11  }
0x10c: {  	[tilespmem:v10+s15+$0x10 ss:$0x1] =	vst.idx.msk $0xffff, v56  }
0x10d: {  	[tilespmem:v10+s15+$0x50 ss:$0x1] =	vst.idx.msk $0xffff, v11  }
0x10e: {  	v11 =	vld.idx.msk [tilespmem:v9+s11+$0x20 ss:$0x1], $0xffff;
	_ =	sdelay $0x4  }
0x10f: {  	v57 =	vmul.f32 v11, v53  }
0x110: {  	v11 =	vmul.f32 v11, v54  }
0x111: {  	[tilespmem:v10+s15+$0x20 ss:$0x1] =	vst.idx.msk $0xffff, v57  }
0x112: {  	[tilespmem:v10+s15+$0x60 ss:$0x1] =	vst.idx.msk $0xffff, v11  }
0x113: {  	v11 =	vld.idx.msk [tilespmem:v9+s11+$0x30 ss:$0x1], $0xffff;
	_ =	sdelay $0x4  }
0x114: {  	v13 =	vmul.f32 v11, v53  }
0x115: {  	v11 =	vmul.f32 v11, v54  }
0x116: {  	[tilespmem:v10+s15+$0x30 ss:$0x1] =	vst.idx.msk $0xffff, v13  }
0x117: {  	s11 =	sor.u32 $0x2, s3;
	[tilespmem:v10+s15+$0x70 ss:$0x1] =	vst.idx.msk $0xffff, v11;
	v11 =	vnsel vm0, $0x0, v52  }
0x118: {  	s30 =	sshll.u32 s11, $0x4;
	[tilespmem:v10+s15+$0x80 ss:$0x1] =	vst.idx.msk $0xffff, v11  }
0x119: {  	v11 =	vld.idx.msk [tilespmem:v8+s30+$0x55C0 ss:$0x1], $0xffff  }
0x11a: {  	v58 =	vld.idx.msk [tilespmem:v8+s30+$0x5DC0 ss:$0x1], $0xffff;
	_ =	sdelay $0x4  }
0x11b: {  	v11 =	vadd.f32 v58, v11;
	_ =	sdelay $0x1  }
0x11c: {  	v12 =	vmul.f32 $2.000000030e-01, v11  }
0x11d: {  	vm1 =	vge.f32 v11, $0.0e+00  }
0x11e: {  	v11 =	vsel vm1, v11, v12  }
0x11f: {  	v11 =	vmul.f32 $1.442695020e+00, v11;
	_ =	sdelay $0x1  }
0x120: {  	(erf) = vpow2.f32 v11;
	_ =	sdelay $0x4  }
0x121: {  	s30 =	sshll.u32 s11, $0x6  }
0x122: {  	s15 =	sand.u32 $0x3FFFFC80, s30  }
0x123: {  	v11 =	vld.idx.msk [tilespmem:v9+s15+$0x0 ss:$0x1], $0xffff;
	_ =	sdelay $0x1  }
0x124: {  	v59 =	vpop (erf)  }
0x125: {  	v60 =	vbroadcast v59, $0x0  }
0x126: {  	s11 =	smul.u32 $0x240, s11;
	v61 =	vbroadcast v59, $0x1  }
0x127: {  	v62 =	vmul.f32 v60, v11  }
0x128: {  	s11 =	sshra.s32 s11, $0x2;
	v11 =	vmul.f32 v61, v11  }
0x129: {  	[tilespmem:v10+s11+$0x0 ss:$0x1] =	vst.idx.msk $0xffff, v62  }
0x12a: {  	[tilespmem:v10+s11+$0x40 ss:$0x1] =	vst.idx.msk $0xffff, v11  }
0x12b: {  	v11 =	vld.idx.msk [tilespmem:v9+s15+$0x10 ss:$0x1], $0xffff;
	_ =	sdelay $0x4  }
0x12c: {  	v63 =	vmul.f32 v60, v11  }
0x12d: {  	v11 =	vmul.f32 v61, v11  }
0x12e: {  	[tilespmem:v10+s11+$0x10 ss:$0x1] =	vst.idx.msk $0xffff, v63  }
0x12f: {  	[tilespmem:v10+s11+$0x50 ss:$0x1] =	vst.idx.msk $0xffff, v11  }
0x130: {  	v11 =	vld.idx.msk [tilespmem:v9+s15+$0x20 ss:$0x1], $0xffff;
	_ =	sdelay $0x4  }
0x131: {  	v18 =	vmul.f32 v11, v60  }
0x132: {  	v11 =	vmul.f32 v11, v61  }
0x133: {  	[tilespmem:v10+s11+$0x20 ss:$0x1] =	vst.idx.msk $0xffff, v18  }
0x134: {  	[tilespmem:v10+s11+$0x60 ss:$0x1] =	vst.idx.msk $0xffff, v11  }
0x135: {  	v11 =	vld.idx.msk [tilespmem:v9+s15+$0x30 ss:$0x1], $0xffff;
	_ =	sdelay $0x4  }
0x136: {  	v13 =	vmul.f32 v11, v60  }
0x137: {  	v11 =	vmul.f32 v11, v61  }
0x138: {  	[tilespmem:v10+s11+$0x30 ss:$0x1] =	vst.idx.msk $0xffff, v13  }
0x139: {  	s15 =	sor.u32 $0x3, s3;
	[tilespmem:v10+s11+$0x70 ss:$0x1] =	vst.idx.msk $0xffff, v11;
	v11 =	vnsel vm0, $0x0, v59  }
0x13a: {  	s30 =	sshll.u32 s15, $0x4;
	[tilespmem:v10+s11+$0x80 ss:$0x1] =	vst.idx.msk $0xffff, v11  }
0x13b: {  	v11 =	vld.idx.msk [tilespmem:v8+s30+$0x55C0 ss:$0x1], $0xffff  }
0x13c: {  	v19 =	vld.idx.msk [tilespmem:v8+s30+$0x5DC0 ss:$0x1], $0xffff;
	_ =	sdelay $0x4  }
0x13d: {  	v11 =	vadd.f32 v19, v11;
	_ =	sdelay $0x1  }
0x13e: {  	v12 =	vmul.f32 $2.000000030e-01, v11  }
0x13f: {  	vm1 =	vge.f32 v11, $0.0e+00  }
0x140: {  	v11 =	vsel vm1, v11, v12  }
0x141: {  	v11 =	vmul.f32 $1.442695020e+00, v11;
	_ =	sdelay $0x1  }
0x142: {  	(erf) = vpow2.f32 v11;
	_ =	sdelay $0x4  }
0x143: {  	s30 =	sshll.u32 s15, $0x6  }
0x144: {  	s11 =	sand.u32 $0x3FFFFCC0, s30  }
0x145: {  	v11 =	vld.idx.msk [tilespmem:v9+s11+$0x0 ss:$0x1], $0xffff;
	_ =	sdelay $0x1  }
0x146: {  	v20 =	vpop (erf)  }
0x147: {  	v21 =	vbroadcast v20, $0x0  }
0x148: {  	s15 =	smul.u32 $0x240, s15;
	v22 =	vbroadcast v20, $0x1  }
0x149: {  	v23 =	vmul.f32 v21, v11  }
0x14a: {  	s15 =	sshra.s32 s15, $0x2;
	v11 =	vmul.f32 v22, v11  }
0x14b: {  	[tilespmem:v10+s15+$0x0 ss:$0x1] =	vst.idx.msk $0xffff, v23  }
0x14c: {  	[tilespmem:v10+s15+$0x40 ss:$0x1] =	vst.idx.msk $0xffff, v11  }
0x14d: {  	v11 =	vld.idx.msk [tilespmem:v9+s11+$0x10 ss:$0x1], $0xffff;
	_ =	sdelay $0x4  }
0x14e: {  	v24 =	vmul.f32 v21, v11  }
0x14f: {  	v11 =	vmul.f32 v22, v11  }
0x150: {  	[tilespmem:v10+s15+$0x10 ss:$0x1] =	vst.idx.msk $0xffff, v24  }
0x151: {  	[tilespmem:v10+s15+$0x50 ss:$0x1] =	vst.idx.msk $0xffff, v11  }
0x152: {  	v11 =	vld.idx.msk [tilespmem:v9+s11+$0x20 ss:$0x1], $0xffff;
	_ =	sdelay $0x4  }
0x153: {  	v25 =	vmul.f32 v11, v21  }
0x154: {  	v11 =	vmul.f32 v11, v22  }
0x155: {  	[tilespmem:v10+s15+$0x20 ss:$0x1] =	vst.idx.msk $0xffff, v25  }
0x156: {  	[tilespmem:v10+s15+$0x60 ss:$0x1] =	vst.idx.msk $0xffff, v11  }
0x157: {  	v11 =	vld.idx.msk [tilespmem:v9+s11+$0x30 ss:$0x1], $0xffff;
	_ =	sdelay $0x4  }
0x158: {  	v13 =	vmul.f32 v11, v21  }
0x159: {  	v11 =	vmul.f32 v11, v22  }
0x15a: {  	[tilespmem:v10+s15+$0x30 ss:$0x1] =	vst.idx.msk $0xffff, v13  }
0x15b: {  	s11 =	sor.u32 $0x4, s3;
	[tilespmem:v10+s15+$0x70 ss:$0x1] =	vst.idx.msk $0xffff, v11;
	v11 =	vnsel vm0, $0x0, v20  }
0x15c: {  	s30 =	sshll.u32 s11, $0x4;
	[tilespmem:v10+s15+$0x80 ss:$0x1] =	vst.idx.msk $0xffff, v11  }
0x15d: {  	v11 =	vld.idx.msk [tilespmem:v8+s30+$0x55C0 ss:$0x1], $0xffff  }
0x15e: {  	v26 =	vld.idx.msk [tilespmem:v8+s30+$0x5DC0 ss:$0x1], $0xffff;
	_ =	sdelay $0x4  }
0x15f: {  	v11 =	vadd.f32 v26, v11;
	_ =	sdelay $0x1  }
0x160: {  	v12 =	vmul.f32 $2.000000030e-01, v11  }
0x161: {  	vm1 =	vge.f32 v11, $0.0e+00  }
0x162: {  	v11 =	vsel vm1, v11, v12  }
0x163: {  	v11 =	vmul.f32 $1.442695020e+00, v11;
	_ =	sdelay $0x1  }
0x164: {  	(erf) = vpow2.f32 v11;
	_ =	sdelay $0x4  }
0x165: {  	s30 =	sshll.u32 s11, $0x6  }
0x166: {  	s15 =	sand.u32 $0x3FFFFD00, s30  }
0x167: {  	v11 =	vld.idx.msk [tilespmem:v9+s15+$0x0 ss:$0x1], $0xffff;
	_ =	sdelay $0x1  }
0x168: {  	v27 =	vpop (erf)  }
0x169: {  	v28 =	vbroadcast v27, $0x0  }
0x16a: {  	s11 =	smul.u32 $0x240, s11;
	v29 =	vbroadcast v27, $0x1  }
0x16b: {  	v30 =	vmul.f32 v28, v11  }
0x16c: {  	s11 =	sshra.s32 s11, $0x2;
	v11 =	vmul.f32 v29, v11  }
0x16d: {  	[tilespmem:v10+s11+$0x0 ss:$0x1] =	vst.idx.msk $0xffff, v30  }
0x16e: {  	[tilespmem:v10+s11+$0x40 ss:$0x1] =	vst.idx.msk $0xffff, v11  }
0x16f: {  	v11 =	vld.idx.msk [tilespmem:v9+s15+$0x10 ss:$0x1], $0xffff;
	_ =	sdelay $0x4  }
0x170: {  	v31 =	vmul.f32 v28, v11  }
0x171: {  	v11 =	vmul.f32 v29, v11  }
0x172: {  	[tilespmem:v10+s11+$0x10 ss:$0x1] =	vst.idx.msk $0xffff, v31  }
0x173: {  	[tilespmem:v10+s11+$0x50 ss:$0x1] =	vst.idx.msk $0xffff, v11  }
0x174: {  	v11 =	vld.idx.msk [tilespmem:v9+s15+$0x20 ss:$0x1], $0xffff;
	_ =	sdelay $0x4  }
0x175: {  	v32 =	vmul.f32 v11, v28  }
0x176: {  	v11 =	vmul.f32 v11, v29  }
0x177: {  	[tilespmem:v10+s11+$0x20 ss:$0x1] =	vst.idx.msk $0xffff, v32  }
0x178: {  	[tilespmem:v10+s11+$0x60 ss:$0x1] =	vst.idx.msk $0xffff, v11  }
0x179: {  	v11 =	vld.idx.msk [tilespmem:v9+s15+$0x30 ss:$0x1], $0xffff;
	_ =	sdelay $0x4  }
0x17a: {  	v13 =	vmul.f32 v11, v28  }
0x17b: {  	v11 =	vmul.f32 v11, v29  }
0x17c: {  	[tilespmem:v10+s11+$0x30 ss:$0x1] =	vst.idx.msk $0xffff, v13  }
0x17d: {  	s15 =	sor.u32 $0x5, s3;
	[tilespmem:v10+s11+$0x70 ss:$0x1] =	vst.idx.msk $0xffff, v11;
	v11 =	vnsel vm0, $0x0, v27  }
0x17e: {  	s30 =	sshll.u32 s15, $0x4;
	[tilespmem:v10+s11+$0x80 ss:$0x1] =	vst.idx.msk $0xffff, v11  }
0x17f: {  	v11 =	vld.idx.msk [tilespmem:v8+s30+$0x55C0 ss:$0x1], $0xffff  }
0x180: {  	v33 =	vld.idx.msk [tilespmem:v8+s30+$0x5DC0 ss:$0x1], $0xffff;
	_ =	sdelay $0x4  }
0x181: {  	v11 =	vadd.f32 v33, v11;
	_ =	sdelay $0x1  }
0x182: {  	v12 =	vmul.f32 $2.000000030e-01, v11  }
0x183: {  	vm1 =	vge.f32 v11, $0.0e+00  }
0x184: {  	v11 =	vsel vm1, v11, v12  }
0x185: {  	v11 =	vmul.f32 $1.442695020e+00, v11;
	_ =	sdelay $0x1  }
0x186: {  	(erf) = vpow2.f32 v11;
	_ =	sdelay $0x4  }
0x187: {  	s30 =	sshll.u32 s15, $0x6  }
0x188: {  	s11 =	sand.u32 $0x3FFFFD40, s30  }
0x189: {  	v11 =	vld.idx.msk [tilespmem:v9+s11+$0x0 ss:$0x1], $0xffff;
	_ =	sdelay $0x1  }
0x18a: {  	v34 =	vpop (erf)  }
0x18b: {  	v35 =	vbroadcast v34, $0x0  }
0x18c: {  	s15 =	smul.u32 $0x240, s15;
	v36 =	vbroadcast v34, $0x1  }
0x18d: {  	v37 =	vmul.f32 v35, v11  }
0x18e: {  	s15 =	sshra.s32 s15, $0x2;
	v11 =	vmul.f32 v36, v11  }
0x18f: {  	[tilespmem:v10+s15+$0x0 ss:$0x1] =	vst.idx.msk $0xffff, v37  }
0x190: {  	[tilespmem:v10+s15+$0x40 ss:$0x1] =	vst.idx.msk $0xffff, v11  }
0x191: {  	v11 =	vld.idx.msk [tilespmem:v9+s11+$0x10 ss:$0x1], $0xffff;
	_ =	sdelay $0x4  }
0x192: {  	v38 =	vmul.f32 v35, v11  }
0x193: {  	v11 =	vmul.f32 v36, v11  }
0x194: {  	[tilespmem:v10+s15+$0x10 ss:$0x1] =	vst.idx.msk $0xffff, v38  }
0x195: {  	[tilespmem:v10+s15+$0x50 ss:$0x1] =	vst.idx.msk $0xffff, v11  }
0x196: {  	v11 =	vld.idx.msk [tilespmem:v9+s11+$0x20 ss:$0x1], $0xffff;
	_ =	sdelay $0x4  }
0x197: {  	v39 =	vmul.f32 v11, v35  }
0x198: {  	v11 =	vmul.f32 v11, v36  }
0x199: {  	[tilespmem:v10+s15+$0x20 ss:$0x1] =	vst.idx.msk $0xffff, v39  }
0x19a: {  	[tilespmem:v10+s15+$0x60 ss:$0x1] =	vst.idx.msk $0xffff, v11  }
0x19b: {  	v11 =	vld.idx.msk [tilespmem:v9+s11+$0x30 ss:$0x1], $0xffff;
	_ =	sdelay $0x4  }
0x19c: {  	v13 =	vmul.f32 v11, v35  }
0x19d: {  	v11 =	vmul.f32 v11, v36  }
0x19e: {  	[tilespmem:v10+s15+$0x30 ss:$0x1] =	vst.idx.msk $0xffff, v13  }
0x19f: {  	s11 =	sor.u32 $0x6, s3;
	[tilespmem:v10+s15+$0x70 ss:$0x1] =	vst.idx.msk $0xffff, v11;
	v11 =	vnsel vm0, $0x0, v34  }
0x1a0: {  	s30 =	sshll.u32 s11, $0x4;
	[tilespmem:v10+s15+$0x80 ss:$0x1] =	vst.idx.msk $0xffff, v11  }
0x1a1: {  	v11 =	vld.idx.msk [tilespmem:v8+s30+$0x55C0 ss:$0x1], $0xffff  }
0x1a2: {  	v40 =	vld.idx.msk [tilespmem:v8+s30+$0x5DC0 ss:$0x1], $0xffff;
	_ =	sdelay $0x4  }
0x1a3: {  	v11 =	vadd.f32 v40, v11;
	_ =	sdelay $0x1  }
0x1a4: {  	v12 =	vmul.f32 $2.000000030e-01, v11  }
0x1a5: {  	vm1 =	vge.f32 v11, $0.0e+00  }
0x1a6: {  	v11 =	vsel vm1, v11, v12  }
0x1a7: {  	v11 =	vmul.f32 $1.442695020e+00, v11;
	_ =	sdelay $0x1  }
0x1a8: {  	(erf) = vpow2.f32 v11;
	_ =	sdelay $0x4  }
0x1a9: {  	s30 =	sshll.u32 s11, $0x6  }
0x1aa: {  	s15 =	sand.u32 $0x3FFFFD80, s30  }
0x1ab: {  	v11 =	vld.idx.msk [tilespmem:v9+s15+$0x0 ss:$0x1], $0xffff;
	_ =	sdelay $0x1  }
0x1ac: {  	v41 =	vpop (erf)  }
0x1ad: {  	v42 =	vbroadcast v41, $0x0  }
0x1ae: {  	s11 =	smul.u32 $0x240, s11;
	v43 =	vbroadcast v41, $0x1  }
0x1af: {  	v44 =	vmul.f32 v42, v11  }
0x1b0: {  	s11 =	sshra.s32 s11, $0x2;
	v11 =	vmul.f32 v43, v11  }
0x1b1: {  	[tilespmem:v10+s11+$0x0 ss:$0x1] =	vst.idx.msk $0xffff, v44  }
0x1b2: {  	[tilespmem:v10+s11+$0x40 ss:$0x1] =	vst.idx.msk $0xffff, v11  }
0x1b3: {  	v11 =	vld.idx.msk [tilespmem:v9+s15+$0x10 ss:$0x1], $0xffff;
	_ =	sdelay $0x4  }
0x1b4: {  	v45 =	vmul.f32 v42, v11  }
0x1b5: {  	v11 =	vmul.f32 v43, v11  }
0x1b6: {  	[tilespmem:v10+s11+$0x10 ss:$0x1] =	vst.idx.msk $0xffff, v45  }
0x1b7: {  	[tilespmem:v10+s11+$0x50 ss:$0x1] =	vst.idx.msk $0xffff, v11  }
0x1b8: {  	v11 =	vld.idx.msk [tilespmem:v9+s15+$0x20 ss:$0x1], $0xffff;
	_ =	sdelay $0x4  }
0x1b9: {  	v46 =	vmul.f32 v11, v42  }
0x1ba: {  	v11 =	vmul.f32 v11, v43  }
0x1bb: {  	[tilespmem:v10+s11+$0x20 ss:$0x1] =	vst.idx.msk $0xffff, v46  }
0x1bc: {  	[tilespmem:v10+s11+$0x60 ss:$0x1] =	vst.idx.msk $0xffff, v11  }
0x1bd: {  	v11 =	vld.idx.msk [tilespmem:v9+s15+$0x30 ss:$0x1], $0xffff;
	_ =	sdelay $0x4  }
0x1be: {  	v13 =	vmul.f32 v11, v42  }
0x1bf: {  	v11 =	vmul.f32 v11, v43  }
0x1c0: {  	[tilespmem:v10+s11+$0x30 ss:$0x1] =	vst.idx.msk $0xffff, v13  }
0x1c1: {  	s15 =	sor.u32 $0x7, s3;
	[tilespmem:v10+s11+$0x70 ss:$0x1] =	vst.idx.msk $0xffff, v11;
	v11 =	vnsel vm0, $0x0, v41  }
0x1c2: {  	s30 =	sshll.u32 s15, $0x4;
	[tilespmem:v10+s11+$0x80 ss:$0x1] =	vst.idx.msk $0xffff, v11  }
0x1c3: {  	v11 =	vld.idx.msk [tilespmem:v8+s30+$0x55C0 ss:$0x1], $0xffff  }
0x1c4: {  	v47 =	vld.idx.msk [tilespmem:v8+s30+$0x5DC0 ss:$0x1], $0xffff;
	_ =	sdelay $0x4  }
0x1c5: {  	v11 =	vadd.f32 v47, v11;
	_ =	sdelay $0x1  }
0x1c6: {  	v12 =	vmul.f32 $2.000000030e-01, v11  }
0x1c7: {  	vm1 =	vge.f32 v11, $0.0e+00  }
0x1c8: {  	v11 =	vsel vm1, v11, v12  }
0x1c9: {  	v11 =	vmul.f32 $1.442695020e+00, v11;
	_ =	sdelay $0x1  }
0x1ca: {  	(erf) = vpow2.f32 v11;
	_ =	sdelay $0x4  }
0x1cb: {  	s30 =	sshll.u32 s15, $0x6  }
0x1cc: {  	s11 =	sand.u32 $0x3FFFFDC0, s30  }
0x1cd: {  	v11 =	vld.idx.msk [tilespmem:v9+s11+$0x0 ss:$0x1], $0xffff;
	_ =	sdelay $0x1  }
0x1ce: {  	v48 =	vpop (erf)  }
0x1cf: {  	v49 =	vbroadcast v48, $0x0  }
0x1d0: {  	s15 =	smul.u32 $0x240, s15;
	v50 =	vbroadcast v48, $0x1  }
0x1d1: {  	v51 =	vmul.f32 v49, v11  }
0x1d2: {  	s15 =	sshra.s32 s15, $0x2;
	v11 =	vmul.f32 v50, v11  }
0x1d3: {  	[tilespmem:v10+s15+$0x0 ss:$0x1] =	vst.idx.msk $0xffff, v51  }
0x1d4: {  	[tilespmem:v10+s15+$0x40 ss:$0x1] =	vst.idx.msk $0xffff, v11  }
0x1d5: {  	v11 =	vld.idx.msk [tilespmem:v9+s11+$0x10 ss:$0x1], $0xffff;
	_ =	sdelay $0x4  }
0x1d6: {  	v52 =	vmul.f32 v49, v11  }
0x1d7: {  	v11 =	vmul.f32 v50, v11  }
0x1d8: {  	[tilespmem:v10+s15+$0x10 ss:$0x1] =	vst.idx.msk $0xffff, v52  }
0x1d9: {  	[tilespmem:v10+s15+$0x50 ss:$0x1] =	vst.idx.msk $0xffff, v11  }
0x1da: {  	v11 =	vld.idx.msk [tilespmem:v9+s11+$0x20 ss:$0x1], $0xffff;
	_ =	sdelay $0x4  }
0x1db: {  	v53 =	vmul.f32 v11, v49  }
0x1dc: {  	v11 =	vmul.f32 v11, v50  }
0x1dd: {  	[tilespmem:v10+s15+$0x20 ss:$0x1] =	vst.idx.msk $0xffff, v53  }
0x1de: {  	[tilespmem:v10+s15+$0x60 ss:$0x1] =	vst.idx.msk $0xffff, v11  }
0x1df: {  	v11 =	vld.idx.msk [tilespmem:v9+s11+$0x30 ss:$0x1], $0xffff;
	_ =	sdelay $0x4  }
0x1e0: {  	v13 =	vmul.f32 v11, v49  }
0x1e1: {  	v11 =	vmul.f32 v11, v50  }
0x1e2: {  	[tilespmem:v10+s15+$0x30 ss:$0x1] =	vst.idx.msk $0xffff, v13  }
0x1e3: {  	s11 =	sor.u32 $0x8, s3;
	[tilespmem:v10+s15+$0x70 ss:$0x1] =	vst.idx.msk $0xffff, v11;
	v11 =	vnsel vm0, $0x0, v48  }
0x1e4: {  	s30 =	sshll.u32 s11, $0x4;
	[tilespmem:v10+s15+$0x80 ss:$0x1] =	vst.idx.msk $0xffff, v11  }
0x1e5: {  	v11 =	vld.idx.msk [tilespmem:v8+s30+$0x55C0 ss:$0x1], $0xffff  }
0x1e6: {  	v54 =	vld.idx.msk [tilespmem:v8+s30+$0x5DC0 ss:$0x1], $0xffff;
	_ =	sdelay $0x4  }
0x1e7: {  	v11 =	vadd.f32 v54, v11;
	_ =	sdelay $0x1  }
0x1e8: {  	v12 =	vmul.f32 $2.000000030e-01, v11  }
0x1e9: {  	vm1 =	vge.f32 v11, $0.0e+00  }
0x1ea: {  	v11 =	vsel vm1, v11, v12  }
0x1eb: {  	v11 =	vmul.f32 $1.442695020e+00, v11;
	_ =	sdelay $0x1  }
0x1ec: {  	(erf) = vpow2.f32 v11;
	_ =	sdelay $0x4  }
0x1ed: {  	s30 =	sshll.u32 s11, $0x6  }
0x1ee: {  	s15 =	sand.u32 $0x3FFFFE00, s30  }
0x1ef: {  	v11 =	vld.idx.msk [tilespmem:v9+s15+$0x0 ss:$0x1], $0xffff;
	_ =	sdelay $0x1  }
0x1f0: {  	v55 =	vpop (erf)  }
0x1f1: {  	v56 =	vbroadcast v55, $0x0  }
0x1f2: {  	s11 =	smul.u32 $0x240, s11;
	v57 =	vbroadcast v55, $0x1  }
0x1f3: {  	v58 =	vmul.f32 v56, v11  }
0x1f4: {  	s11 =	sshra.s32 s11, $0x2;
	v11 =	vmul.f32 v57, v11  }
0x1f5: {  	[tilespmem:v10+s11+$0x0 ss:$0x1] =	vst.idx.msk $0xffff, v58  }
0x1f6: {  	[tilespmem:v10+s11+$0x40 ss:$0x1] =	vst.idx.msk $0xffff, v11  }
0x1f7: {  	v11 =	vld.idx.msk [tilespmem:v9+s15+$0x10 ss:$0x1], $0xffff;
	_ =	sdelay $0x4  }
0x1f8: {  	v59 =	vmul.f32 v56, v11  }
0x1f9: {  	v11 =	vmul.f32 v57, v11  }
0x1fa: {  	[tilespmem:v10+s11+$0x10 ss:$0x1] =	vst.idx.msk $0xffff, v59  }
0x1fb: {  	[tilespmem:v10+s11+$0x50 ss:$0x1] =	vst.idx.msk $0xffff, v11  }
0x1fc: {  	v11 =	vld.idx.msk [tilespmem:v9+s15+$0x20 ss:$0x1], $0xffff;
	_ =	sdelay $0x4  }
0x1fd: {  	v60 =	vmul.f32 v11, v56  }
0x1fe: {  	v11 =	vmul.f32 v11, v57  }
0x1ff: {  	[tilespmem:v10+s11+$0x20 ss:$0x1] =	vst.idx.msk $0xffff, v60  }
0x200: {  	[tilespmem:v10+s11+$0x60 ss:$0x1] =	vst.idx.msk $0xffff, v11  }
0x201: {  	v11 =	vld.idx.msk [tilespmem:v9+s15+$0x30 ss:$0x1], $0xffff;
	_ =	sdelay $0x4  }
0x202: {  	v13 =	vmul.f32 v11, v56  }
0x203: {  	v11 =	vmul.f32 v11, v57  }
0x204: {  	[tilespmem:v10+s11+$0x30 ss:$0x1] =	vst.idx.msk $0xffff, v13  }
0x205: {  	s15 =	sor.u32 $0x9, s3;
	[tilespmem:v10+s11+$0x70 ss:$0x1] =	vst.idx.msk $0xffff, v11;
	v11 =	vnsel vm0, $0x0, v55  }
0x206: {  	s30 =	sshll.u32 s15, $0x4;
	[tilespmem:v10+s11+$0x80 ss:$0x1] =	vst.idx.msk $0xffff, v11  }
0x207: {  	v11 =	vld.idx.msk [tilespmem:v8+s30+$0x55C0 ss:$0x1], $0xffff  }
0x208: {  	v61 =	vld.idx.msk [tilespmem:v8+s30+$0x5DC0 ss:$0x1], $0xffff;
	_ =	sdelay $0x4  }
0x209: {  	v11 =	vadd.f32 v61, v11;
	_ =	sdelay $0x1  }
0x20a: {  	v12 =	vmul.f32 $2.000000030e-01, v11  }
0x20b: {  	vm1 =	vge.f32 v11, $0.0e+00  }
0x20c: {  	v11 =	vsel vm1, v11, v12  }
0x20d: {  	v11 =	vmul.f32 $1.442695020e+00, v11;
	_ =	sdelay $0x1  }
0x20e: {  	(erf) = vpow2.f32 v11;
	_ =	sdelay $0x4  }
0x20f: {  	s30 =	sshll.u32 s15, $0x6  }
0x210: {  	s11 =	sand.u32 $0x3FFFFE40, s30  }
0x211: {  	v11 =	vld.idx.msk [tilespmem:v9+s11+$0x0 ss:$0x1], $0xffff;
	_ =	sdelay $0x1  }
0x212: {  	v62 =	vpop (erf)  }
0x213: {  	v63 =	vbroadcast v62, $0x0  }
0x214: {  	s15 =	smul.u32 $0x240, s15;
	v18 =	vbroadcast v62, $0x1  }
0x215: {  	v19 =	vmul.f32 v63, v11  }
0x216: {  	s15 =	sshra.s32 s15, $0x2;
	v11 =	vmul.f32 v18, v11  }
0x217: {  	[tilespmem:v10+s15+$0x0 ss:$0x1] =	vst.idx.msk $0xffff, v19  }
0x218: {  	[tilespmem:v10+s15+$0x40 ss:$0x1] =	vst.idx.msk $0xffff, v11  }
0x219: {  	v11 =	vld.idx.msk [tilespmem:v9+s11+$0x10 ss:$0x1], $0xffff;
	_ =	sdelay $0x4  }
0x21a: {  	v20 =	vmul.f32 v63, v11  }
0x21b: {  	v11 =	vmul.f32 v18, v11  }
0x21c: {  	[tilespmem:v10+s15+$0x10 ss:$0x1] =	vst.idx.msk $0xffff, v20  }
0x21d: {  	[tilespmem:v10+s15+$0x50 ss:$0x1] =	vst.idx.msk $0xffff, v11  }
0x21e: {  	v11 =	vld.idx.msk [tilespmem:v9+s11+$0x20 ss:$0x1], $0xffff;
	_ =	sdelay $0x4  }
0x21f: {  	v21 =	vmul.f32 v11, v63  }
0x220: {  	v11 =	vmul.f32 v11, v18  }
0x221: {  	[tilespmem:v10+s15+$0x20 ss:$0x1] =	vst.idx.msk $0xffff, v21  }
0x222: {  	[tilespmem:v10+s15+$0x60 ss:$0x1] =	vst.idx.msk $0xffff, v11  }
0x223: {  	v11 =	vld.idx.msk [tilespmem:v9+s11+$0x30 ss:$0x1], $0xffff;
	_ =	sdelay $0x4  }
0x224: {  	v13 =	vmul.f32 v11, v63  }
0x225: {  	v11 =	vmul.f32 v11, v18  }
0x226: {  	[tilespmem:v10+s15+$0x30 ss:$0x1] =	vst.idx.msk $0xffff, v13  }
0x227: {  	s11 =	sor.u32 $0xA, s3;
	[tilespmem:v10+s15+$0x70 ss:$0x1] =	vst.idx.msk $0xffff, v11;
	v11 =	vnsel vm0, $0x0, v62  }
0x228: {  	s30 =	sshll.u32 s11, $0x4;
	[tilespmem:v10+s15+$0x80 ss:$0x1] =	vst.idx.msk $0xffff, v11  }
0x229: {  	v11 =	vld.idx.msk [tilespmem:v8+s30+$0x55C0 ss:$0x1], $0xffff  }
0x22a: {  	v22 =	vld.idx.msk [tilespmem:v8+s30+$0x5DC0 ss:$0x1], $0xffff;
	_ =	sdelay $0x4  }
0x22b: {  	v11 =	vadd.f32 v22, v11;
	_ =	sdelay $0x1  }
0x22c: {  	v12 =	vmul.f32 $2.000000030e-01, v11  }
0x22d: {  	vm1 =	vge.f32 v11, $0.0e+00  }
0x22e: {  	v11 =	vsel vm1, v11, v12  }
0x22f: {  	v11 =	vmul.f32 $1.442695020e+00, v11;
	_ =	sdelay $0x1  }
0x230: {  	(erf) = vpow2.f32 v11;
	_ =	sdelay $0x4  }
0x231: {  	s30 =	sshll.u32 s11, $0x6  }
0x232: {  	s15 =	sand.u32 $0x3FFFFE80, s30  }
0x233: {  	v11 =	vld.idx.msk [tilespmem:v9+s15+$0x0 ss:$0x1], $0xffff;
	_ =	sdelay $0x1  }
0x234: {  	v23 =	vpop (erf)  }
0x235: {  	v24 =	vbroadcast v23, $0x0  }
0x236: {  	s11 =	smul.u32 $0x240, s11;
	v25 =	vbroadcast v23, $0x1  }
0x237: {  	v26 =	vmul.f32 v24, v11  }
0x238: {  	s11 =	sshra.s32 s11, $0x2;
	v11 =	vmul.f32 v25, v11  }
0x239: {  	[tilespmem:v10+s11+$0x0 ss:$0x1] =	vst.idx.msk $0xffff, v26  }
0x23a: {  	[tilespmem:v10+s11+$0x40 ss:$0x1] =	vst.idx.msk $0xffff, v11  }
0x23b: {  	v11 =	vld.idx.msk [tilespmem:v9+s15+$0x10 ss:$0x1], $0xffff;
	_ =	sdelay $0x4  }
0x23c: {  	v27 =	vmul.f32 v24, v11  }
0x23d: {  	v11 =	vmul.f32 v25, v11  }
0x23e: {  	[tilespmem:v10+s11+$0x10 ss:$0x1] =	vst.idx.msk $0xffff, v27  }
0x23f: {  	[tilespmem:v10+s11+$0x50 ss:$0x1] =	vst.idx.msk $0xffff, v11  }
0x240: {  	v11 =	vld.idx.msk [tilespmem:v9+s15+$0x20 ss:$0x1], $0xffff;
	_ =	sdelay $0x4  }
0x241: {  	v28 =	vmul.f32 v11, v24  }
0x242: {  	v11 =	vmul.f32 v11, v25  }
0x243: {  	[tilespmem:v10+s11+$0x20 ss:$0x1] =	vst.idx.msk $0xffff, v28  }
0x244: {  	[tilespmem:v10+s11+$0x60 ss:$0x1] =	vst.idx.msk $0xffff, v11  }
0x245: {  	v11 =	vld.idx.msk [tilespmem:v9+s15+$0x30 ss:$0x1], $0xffff;
	_ =	sdelay $0x4  }
0x246: {  	v13 =	vmul.f32 v11, v24  }
0x247: {  	v11 =	vmul.f32 v11, v25  }
0x248: {  	[tilespmem:v10+s11+$0x30 ss:$0x1] =	vst.idx.msk $0xffff, v13  }
0x249: {  	s15 =	sor.u32 $0xB, s3;
	[tilespmem:v10+s11+$0x70 ss:$0x1] =	vst.idx.msk $0xffff, v11;
	v11 =	vnsel vm0, $0x0, v23  }
0x24a: {  	s30 =	sshll.u32 s15, $0x4;
	[tilespmem:v10+s11+$0x80 ss:$0x1] =	vst.idx.msk $0xffff, v11  }
0x24b: {  	v11 =	vld.idx.msk [tilespmem:v8+s30+$0x55C0 ss:$0x1], $0xffff  }
0x24c: {  	v29 =	vld.idx.msk [tilespmem:v8+s30+$0x5DC0 ss:$0x1], $0xffff;
	_ =	sdelay $0x4  }
0x24d: {  	v11 =	vadd.f32 v29, v11;
	_ =	sdelay $0x1  }
0x24e: {  	v12 =	vmul.f32 $2.000000030e-01, v11  }
0x24f: {  	vm1 =	vge.f32 v11, $0.0e+00  }
0x250: {  	v11 =	vsel vm1, v11, v12  }
0x251: {  	v11 =	vmul.f32 $1.442695020e+00, v11;
	_ =	sdelay $0x1  }
0x252: {  	(erf) = vpow2.f32 v11;
	_ =	sdelay $0x4  }
0x253: {  	s30 =	sshll.u32 s15, $0x6  }
0x254: {  	s11 =	sand.u32 $0x3FFFFEC0, s30  }
0x255: {  	v11 =	vld.idx.msk [tilespmem:v9+s11+$0x0 ss:$0x1], $0xffff;
	_ =	sdelay $0x1  }
0x256: {  	v30 =	vpop (erf)  }
0x257: {  	v31 =	vbroadcast v30, $0x0  }
0x258: {  	s15 =	smul.u32 $0x240, s15;
	v32 =	vbroadcast v30, $0x1  }
0x259: {  	v33 =	vmul.f32 v31, v11  }
0x25a: {  	s15 =	sshra.s32 s15, $0x2;
	v11 =	vmul.f32 v32, v11  }
0x25b: {  	[tilespmem:v10+s15+$0x0 ss:$0x1] =	vst.idx.msk $0xffff, v33  }
0x25c: {  	[tilespmem:v10+s15+$0x40 ss:$0x1] =	vst.idx.msk $0xffff, v11  }
0x25d: {  	v11 =	vld.idx.msk [tilespmem:v9+s11+$0x10 ss:$0x1], $0xffff;
	_ =	sdelay $0x4  }
0x25e: {  	v34 =	vmul.f32 v31, v11  }
0x25f: {  	v11 =	vmul.f32 v32, v11  }
0x260: {  	[tilespmem:v10+s15+$0x10 ss:$0x1] =	vst.idx.msk $0xffff, v34  }
0x261: {  	[tilespmem:v10+s15+$0x50 ss:$0x1] =	vst.idx.msk $0xffff, v11  }
0x262: {  	v11 =	vld.idx.msk [tilespmem:v9+s11+$0x20 ss:$0x1], $0xffff;
	_ =	sdelay $0x4  }
0x263: {  	v35 =	vmul.f32 v11, v31  }
0x264: {  	v11 =	vmul.f32 v11, v32  }
0x265: {  	[tilespmem:v10+s15+$0x20 ss:$0x1] =	vst.idx.msk $0xffff, v35  }
0x266: {  	[tilespmem:v10+s15+$0x60 ss:$0x1] =	vst.idx.msk $0xffff, v11  }
0x267: {  	v11 =	vld.idx.msk [tilespmem:v9+s11+$0x30 ss:$0x1], $0xffff;
	_ =	sdelay $0x4  }
0x268: {  	v13 =	vmul.f32 v11, v31  }
0x269: {  	v11 =	vmul.f32 v11, v32  }
0x26a: {  	[tilespmem:v10+s15+$0x30 ss:$0x1] =	vst.idx.msk $0xffff, v13  }
0x26b: {  	s11 =	sor.u32 $0xC, s3;
	[tilespmem:v10+s15+$0x70 ss:$0x1] =	vst.idx.msk $0xffff, v11;
	v11 =	vnsel vm0, $0x0, v30  }
0x26c: {  	s30 =	sshll.u32 s11, $0x4;
	[tilespmem:v10+s15+$0x80 ss:$0x1] =	vst.idx.msk $0xffff, v11  }
0x26d: {  	v11 =	vld.idx.msk [tilespmem:v8+s30+$0x55C0 ss:$0x1], $0xffff  }
0x26e: {  	v36 =	vld.idx.msk [tilespmem:v8+s30+$0x5DC0 ss:$0x1], $0xffff;
	_ =	sdelay $0x4  }
0x26f: {  	v11 =	vadd.f32 v36, v11;
	_ =	sdelay $0x1  }
0x270: {  	v12 =	vmul.f32 $2.000000030e-01, v11  }
0x271: {  	vm1 =	vge.f32 v11, $0.0e+00  }
0x272: {  	v11 =	vsel vm1, v11, v12  }
0x273: {  	v11 =	vmul.f32 $1.442695020e+00, v11;
	_ =	sdelay $0x1  }
0x274: {  	(erf) = vpow2.f32 v11;
	_ =	sdelay $0x4  }
0x275: {  	s30 =	sshll.u32 s11, $0x6  }
0x276: {  	s15 =	sand.u32 $0x3FFFFF00, s30  }
0x277: {  	v11 =	vld.idx.msk [tilespmem:v9+s15+$0x0 ss:$0x1], $0xffff;
	_ =	sdelay $0x1  }
0x278: {  	v37 =	vpop (erf)  }
0x279: {  	v38 =	vbroadcast v37, $0x0  }
0x27a: {  	s11 =	smul.u32 $0x240, s11;
	v39 =	vbroadcast v37, $0x1  }
0x27b: {  	v40 =	vmul.f32 v38, v11  }
0x27c: {  	s11 =	sshra.s32 s11, $0x2;
	v11 =	vmul.f32 v39, v11  }
0x27d: {  	[tilespmem:v10+s11+$0x0 ss:$0x1] =	vst.idx.msk $0xffff, v40  }
0x27e: {  	[tilespmem:v10+s11+$0x40 ss:$0x1] =	vst.idx.msk $0xffff, v11  }
0x27f: {  	v11 =	vld.idx.msk [tilespmem:v9+s15+$0x10 ss:$0x1], $0xffff;
	_ =	sdelay $0x4  }
0x280: {  	v41 =	vmul.f32 v38, v11  }
0x281: {  	v11 =	vmul.f32 v39, v11  }
0x282: {  	[tilespmem:v10+s11+$0x10 ss:$0x1] =	vst.idx.msk $0xffff, v41  }
0x283: {  	[tilespmem:v10+s11+$0x50 ss:$0x1] =	vst.idx.msk $0xffff, v11  }
0x284: {  	v11 =	vld.idx.msk [tilespmem:v9+s15+$0x20 ss:$0x1], $0xffff;
	_ =	sdelay $0x4  }
0x285: {  	v42 =	vmul.f32 v11, v38  }
0x286: {  	v11 =	vmul.f32 v11, v39  }
0x287: {  	[tilespmem:v10+s11+$0x20 ss:$0x1] =	vst.idx.msk $0xffff, v42  }
0x288: {  	[tilespmem:v10+s11+$0x60 ss:$0x1] =	vst.idx.msk $0xffff, v11  }
0x289: {  	v11 =	vld.idx.msk [tilespmem:v9+s15+$0x30 ss:$0x1], $0xffff;
	_ =	sdelay $0x4  }
0x28a: {  	v13 =	vmul.f32 v11, v38  }
0x28b: {  	v11 =	vmul.f32 v11, v39  }
0x28c: {  	[tilespmem:v10+s11+$0x30 ss:$0x1] =	vst.idx.msk $0xffff, v13  }
0x28d: {  	s15 =	sor.u32 $0xD, s3;
	[tilespmem:v10+s11+$0x70 ss:$0x1] =	vst.idx.msk $0xffff, v11;
	v11 =	vnsel vm0, $0x0, v37  }
0x28e: {  	s30 =	sshll.u32 s15, $0x4;
	[tilespmem:v10+s11+$0x80 ss:$0x1] =	vst.idx.msk $0xffff, v11  }
0x28f: {  	v11 =	vld.idx.msk [tilespmem:v8+s30+$0x55C0 ss:$0x1], $0xffff  }
0x290: {  	v43 =	vld.idx.msk [tilespmem:v8+s30+$0x5DC0 ss:$0x1], $0xffff;
	_ =	sdelay $0x4  }
0x291: {  	v11 =	vadd.f32 v43, v11;
	_ =	sdelay $0x1  }
0x292: {  	v12 =	vmul.f32 $2.000000030e-01, v11  }
0x293: {  	vm1 =	vge.f32 v11, $0.0e+00  }
0x294: {  	v11 =	vsel vm1, v11, v12  }
0x295: {  	v11 =	vmul.f32 $1.442695020e+00, v11;
	_ =	sdelay $0x1  }
0x296: {  	(erf) = vpow2.f32 v11;
	_ =	sdelay $0x4  }
0x297: {  	s30 =	sshll.u32 s15, $0x6  }
0x298: {  	s11 =	sand.u32 $0x3FFFFF40, s30  }
0x299: {  	v11 =	vld.idx.msk [tilespmem:v9+s11+$0x0 ss:$0x1], $0xffff;
	_ =	sdelay $0x1  }
0x29a: {  	v44 =	vpop (erf)  }
0x29b: {  	v45 =	vbroadcast v44, $0x0  }
0x29c: {  	s15 =	smul.u32 $0x240, s15;
	v46 =	vbroadcast v44, $0x1  }
0x29d: {  	v47 =	vmul.f32 v45, v11  }
0x29e: {  	s15 =	sshra.s32 s15, $0x2;
	v11 =	vmul.f32 v46, v11  }
0x29f: {  	[tilespmem:v10+s15+$0x0 ss:$0x1] =	vst.idx.msk $0xffff, v47  }
0x2a0: {  	[tilespmem:v10+s15+$0x40 ss:$0x1] =	vst.idx.msk $0xffff, v11  }
0x2a1: {  	v11 =	vld.idx.msk [tilespmem:v9+s11+$0x10 ss:$0x1], $0xffff;
	_ =	sdelay $0x4  }
0x2a2: {  	v48 =	vmul.f32 v45, v11  }
0x2a3: {  	v11 =	vmul.f32 v46, v11  }
0x2a4: {  	[tilespmem:v10+s15+$0x10 ss:$0x1] =	vst.idx.msk $0xffff, v48  }
0x2a5: {  	[tilespmem:v10+s15+$0x50 ss:$0x1] =	vst.idx.msk $0xffff, v11  }
0x2a6: {  	v11 =	vld.idx.msk [tilespmem:v9+s11+$0x20 ss:$0x1], $0xffff;
	_ =	sdelay $0x4  }
0x2a7: {  	v49 =	vmul.f32 v11, v45  }
0x2a8: {  	v11 =	vmul.f32 v11, v46  }
0x2a9: {  	[tilespmem:v10+s15+$0x20 ss:$0x1] =	vst.idx.msk $0xffff, v49  }
0x2aa: {  	[tilespmem:v10+s15+$0x60 ss:$0x1] =	vst.idx.msk $0xffff, v11  }
0x2ab: {  	v11 =	vld.idx.msk [tilespmem:v9+s11+$0x30 ss:$0x1], $0xffff;
	_ =	sdelay $0x4  }
0x2ac: {  	v13 =	vmul.f32 v11, v45  }
0x2ad: {  	v11 =	vmul.f32 v11, v46  }
0x2ae: {  	[tilespmem:v10+s15+$0x30 ss:$0x1] =	vst.idx.msk $0xffff, v13  }
0x2af: {  	s3 =	sor.u32 $0xE, s3;
	[tilespmem:v10+s15+$0x70 ss:$0x1] =	vst.idx.msk $0xffff, v11;
	v11 =	vnsel vm0, $0x0, v44  }
0x2b0: {  	[tilespmem:v10+s15+$0x80 ss:$0x1] =	vst.idx.msk $0xffff, v11;
	s15 =	sshll.u32 s3, $0x4  }
0x2b1: {  	v11 =	vld.idx.msk [tilespmem:v8+s15+$0x55C0 ss:$0x1], $0xffff  }
0x2b2: {  	v50 =	vld.idx.msk [tilespmem:v8+s15+$0x5DC0 ss:$0x1], $0xffff;
	_ =	sdelay $0x4  }
0x2b3: {  	v11 =	vadd.f32 v50, v11;
	_ =	sdelay $0x1  }
0x2b4: {  	v12 =	vmul.f32 $2.000000030e-01, v11  }
0x2b5: {  	vm1 =	vge.f32 v11, $0.0e+00  }
0x2b6: {  	v11 =	vsel vm1, v11, v12  }
0x2b7: {  	v11 =	vmul.f32 $1.442695020e+00, v11;
	_ =	sdelay $0x1  }
0x2b8: {  	(erf) = vpow2.f32 v11;
	_ =	sdelay $0x4  }
0x2b9: {  	s30 =	sshll.u32 s3, $0x6  }
0x2ba: {  	s11 =	sand.u32 $0x3FFFFF80, s30  }
0x2bb: {  	v11 =	vld.idx.msk [tilespmem:v9+s11+$0x0 ss:$0x1], $0xffff;
	_ =	sdelay $0x1  }
0x2bc: {  	v51 =	vpop (erf)  }
0x2bd: {  	v52 =	vbroadcast v51, $0x0  }
0x2be: {  	s3 =	smul.u32 $0x240, s3;
	v53 =	vbroadcast v51, $0x1  }
0x2bf: {  	v54 =	vmul.f32 v52, v11  }
0x2c0: {  	s3 =	sshra.s32 s3, $0x2;
	v11 =	vmul.f32 v53, v11  }
0x2c1: {  	[tilespmem:v10+s3+$0x0 ss:$0x1] =	vst.idx.msk $0xffff, v54  }
0x2c2: {  	[tilespmem:v10+s3+$0x40 ss:$0x1] =	vst.idx.msk $0xffff, v11  }
0x2c3: {  	v11 =	vld.idx.msk [tilespmem:v9+s11+$0x10 ss:$0x1], $0xffff;
	_ =	sdelay $0x4  }
0x2c4: {  	v55 =	vmul.f32 v52, v11  }
0x2c5: {  	v11 =	vmul.f32 v53, v11  }
0x2c6: {  	[tilespmem:v10+s3+$0x10 ss:$0x1] =	vst.idx.msk $0xffff, v55  }
0x2c7: {  	[tilespmem:v10+s3+$0x50 ss:$0x1] =	vst.idx.msk $0xffff, v11  }
0x2c8: {  	v11 =	vld.idx.msk [tilespmem:v9+s11+$0x20 ss:$0x1], $0xffff;
	_ =	sdelay $0x4  }
0x2c9: {  	v56 =	vmul.f32 v11, v52  }
0x2ca: {  	v11 =	vmul.f32 v11, v53  }
0x2cb: {  	[tilespmem:v10+s3+$0x20 ss:$0x1] =	vst.idx.msk $0xffff, v56  }
0x2cc: {  	[tilespmem:v10+s3+$0x60 ss:$0x1] =	vst.idx.msk $0xffff, v11  }
0x2cd: {  	v11 =	vld.idx.msk [tilespmem:v9+s11+$0x30 ss:$0x1], $0xffff;
	_ =	sdelay $0x4  }
0x2ce: {  	v13 =	vmul.f32 v11, v52  }
0x2cf: {  	v11 =	vmul.f32 v11, v53  }
0x2d0: {  	[tilespmem:v10+s3+$0x30 ss:$0x1] =	vst.idx.msk $0xffff, v13  }
0x2d1: {  	s11 =	sshllo.u32 s17, $0x4;
	[tilespmem:v10+s3+$0x70 ss:$0x1] =	vst.idx.msk $0xffff, v11;
	v11 =	vnsel vm0, $0x0, v51  }
0x2d2: {  	s15 =	sshll.u32 s11, $0x4;
	[tilespmem:v10+s3+$0x80 ss:$0x1] =	vst.idx.msk $0xffff, v11  }
0x2d3: {  	v11 =	vld.idx.msk [tilespmem:v8+s15+$0x55C0 ss:$0x1], $0xffff  }
0x2d4: {  	v57 =	vld.idx.msk [tilespmem:v8+s15+$0x5DC0 ss:$0x1], $0xffff;
	_ =	sdelay $0x4  }
0x2d5: {  	v11 =	vadd.f32 v57, v11;
	_ =	sdelay $0x1  }
0x2d6: {  	v12 =	vmul.f32 $2.000000030e-01, v11  }
0x2d7: {  	vm1 =	vge.f32 v11, $0.0e+00  }
0x2d8: {  	v11 =	vsel vm1, v11, v12  }
0x2d9: {  	v11 =	vmul.f32 $1.442695020e+00, v11;
	_ =	sdelay $0x1  }
0x2da: {  	(erf) = vpow2.f32 v11;
	_ =	sdelay $0x4  }
0x2db: {  	s30 =	sshll.u32 s11, $0x6  }
0x2dc: {  	s3 =	sand.u32 $0x3FFFFFC0, s30  }
0x2dd: {  	v11 =	vld.idx.msk [tilespmem:v9+s3+$0x0 ss:$0x1], $0xffff;
	_ =	sdelay $0x1  }
0x2de: {  	v58 =	vpop (erf)  }
0x2df: {  	v59 =	vbroadcast v58, $0x0  }
0x2e0: {  	s11 =	smul.u32 $0x240, s11;
	v60 =	vbroadcast v58, $0x1  }
0x2e1: {  	v61 =	vmul.f32 v59, v11  }
0x2e2: {  	s11 =	sshra.s32 s11, $0x2;
	v11 =	vmul.f32 v60, v11  }
0x2e3: {  	[tilespmem:v10+s11+$0x0 ss:$0x1] =	vst.idx.msk $0xffff, v61  }
0x2e4: {  	[tilespmem:v10+s11+$0x40 ss:$0x1] =	vst.idx.msk $0xffff, v11  }
0x2e5: {  	v11 =	vld.idx.msk [tilespmem:v9+s3+$0x10 ss:$0x1], $0xffff;
	_ =	sdelay $0x4  }
0x2e6: {  	v62 =	vmul.f32 v59, v11  }
0x2e7: {  	v11 =	vmul.f32 v60, v11  }
0x2e8: {  	[tilespmem:v10+s11+$0x10 ss:$0x1] =	vst.idx.msk $0xffff, v62  }
0x2e9: {  	[tilespmem:v10+s11+$0x50 ss:$0x1] =	vst.idx.msk $0xffff, v11  }
0x2ea: {  	v11 =	vld.idx.msk [tilespmem:v9+s3+$0x20 ss:$0x1], $0xffff;
	_ =	sdelay $0x4  }
0x2eb: {  	v63 =	vmul.f32 v11, v59  }
0x2ec: {  	v11 =	vmul.f32 v11, v60  }
0x2ed: {  	[tilespmem:v10+s11+$0x20 ss:$0x1] =	vst.idx.msk $0xffff, v63  }
0x2ee: {  	[tilespmem:v10+s11+$0x60 ss:$0x1] =	vst.idx.msk $0xffff, v11  }
0x2ef: {  	v11 =	vld.idx.msk [tilespmem:v9+s3+$0x30 ss:$0x1], $0xffff;
	_ =	sdelay $0x3  }
0x2f0: {  	p1 =	sne.s32 s17, $0x3  }
.Ltmp11:
0x2f1: {  	v13 =	vmul.f32 v11, v59;
	(pc) =	sbr.rel @p1 .LBB2_17-.Ltmp11, $4  }
0x2f2: {  	v11 =	vmul.f32 v11, v60  }
0x2f3: {  	[tilespmem:v10+s11+$0x30 ss:$0x1] =	vst.idx.msk $0xffff, v13  }
0x2f4: {  	[tilespmem:v10+s11+$0x70 ss:$0x1] =	vst.idx.msk $0xffff, v11;
	v11 =	vnsel vm0, $0x0, v58  }
0x2f5: {  	s17 =	sadd.s32 $0x1, s17;
	[tilespmem:v10+s11+$0x80 ss:$0x1] =	vst.idx.msk $0xffff, v11  }
0x2f6: {  	p1 =	sne.s32 s4, s5  }
.Ltmp12:
0x2f7: {  	s3 =	sshll.u32 s12, $0x6;
	(pc) =	sbr.rel @p1 .LBB2_14-.Ltmp12, $4  }
0x2f8: {  	s3 =	sand.u32 $0x3FFFFFC0, s3  }
0x2f9: {  	s3 =	sadd.s32 $0x3500, s3  }
0x2fa: {  	[spmem:s2] =	stream.indirect.scatter.add.f32 [tilespmem:s10], [sflag:$0x2], $0x90, s3, s22, $0xb8;
	[tilespmem:$0x1F400] =	vst v63  }
0x2fb: {  	s3 =	smov.u32 s4  }
0x2fc: {  	p1 =	slt.s32 s5, $0x2  }
0x2fd: {  	s5 =	simm.s32 @!p1 $0x2  }
0x2fe: {  	p1 =	sne.s32 s5, $0x1  }
.Ltmp13:
0x2ff: {  	_ = 	snop;
	(pc) =	sbr.rel @!p1 .LBB2_21-.Ltmp13, $3  }
0x300: {  	_ =	sdelay $0x1  }
0x301: {  	_ =	swait.ge [sflag:s29], $0x2400  }
0x302: {  	[sflag:s29] =	ssyncset.done $0x0;
	s3 =	sadd.s32 $0xFFFFFFFF, s5  }
.LBB2_20:
0x303: {  	p1 =	sne.s32 s3, $0x1;
	s3 =	sadd.s32 $0xFFFFFFFF, s3;
	[sflag:s29] =	ssyncadd.s32 $0xFFFFDC00  }
.Ltmp14:
0x304: {  	(pc) =	sbr.rel @p1 .LBB2_20-.Ltmp14, $3  }
0x305: {  	_ =	sdelay $0x1  }
0x306: {  	_ =	swait.ge [sflag:s29], $0x2400  }
0x307: {  	[sflag:s29] =	ssyncset.done $0x0  }
.Ltmp15:
0x308: {  	_ = 	snop;
	(pc) =	sbr.rel .LBB2_21-.Ltmp15, $1  }
0x309: {  	_ =	sdelay $0x3  }
.LBB2_23:
0x30a: {  	s3 =	stileid.u32;
	[bflag:$0x0] =	sbarrier.arrive $0xFFFF  }
.Ltmp16:
0x30b: {  	s3 =	sshll.u32 s3, $0x6;
	s12 =	rddreg [dreg:$0xa];
	(pc) =	sbr.rel @!p0 .LBB2_25-.Ltmp16, $4  }
0x30c: {  	s3 =	sor.u32 $0x1C03, s3;
	s4 =	sshrl.u32 s12, $0x3  }
0x30d: {  	[hbm:s0], [sflag:s3] =	dma.local [spmem:s4], $0x480  }
0x30e: {  	s15 =	rddreg [dreg:$0x7]  }
0x30f: {  	s5 =	sadd.s32 $0x2400, s12;
	_ =	swait.ge [sflag:s19], $0x480;
	s4 =	sadd.s32 $0xFFFFFFFF, s15  }
.LBB2_24:
0x310: {  	[sflag:s19] =	ssyncset.done $0x0;
	s0 =	sadd.s32 $0x480, s0;
	p0 =	sne.s32 s4, $0x1  }
.Ltmp17:
0x311: {  	s10 =	sshrl.u32 s5, $0x3;
	[sflag:s19] =	ssyncadd.s32 $0xFFFFFB80;
	(pc) =	sbr.rel @p0 .LBB2_24-.Ltmp17, $3  }
0x312: {  	[hbm:s0], [sflag:s3] =	dma.local [spmem:s10], $0x480  }
0x313: {  	s4 =	sadd.s32 $0xFFFFFFFF, s4;
	_ =	sdelay $0x1  }
0x314: {  	s5 =	sadd.s32 $0x2400, s5;
	_ =	swait.ge [sflag:s19], $0x480  }
.LBB2_25:
0x315: {  	s31 =	sadd.s32 $0x1, s31  }
0x316: {  	p0 =	sne.s32 s31, $0x4  }
.Ltmp18:
0x317: {  	_ = 	snop;
	(pc) =	sbr.rel @p0 .LBB2_2-.Ltmp18, $4  }
0x318: {  	_ = 	snop  }
0x319: {  	s0 =	rddreg [dreg:$0xc]  }
0x31a: {  	[sflag:s19] =	ssyncset.done $0x0;
	s3 =	rddreg [dreg:$0xd]  }
0x31b: {  	[sflag:s19] =	ssyncadd.s32 $0xFFFFFB80;
	s0 =	sadd.s32 s0, s3  }
0x31c: {  	s14 =	rddreg [dreg:$0x5]  }
0x31d: {  	s0 =	rddreg [dreg:$0x9];
	s14 =	sadd.s32 $0x1, s14  }
0x31e: {  	p0 =	sne.s32 s14, s0  }
.Ltmp19:
0x31f: {  	_ = 	snop;
	(pc) =	sbr.rel @p0 .LBB2_1-.Ltmp19, $1  }
0x320: {  	_ =	sdelay $0x3  }
0x321: {  	_ =	sfence.sel $0x180000  }
0x322: {  	[bflag:$0x0] =	sbarrier.arrive $0xFFFF  }
0x323: {  	_ =	strace $0x90000047  }
0x324: {  	s0 =	stileid.u32;
	[bflag:$0x2] =	sbarrier.arrive $0xFFFF  }
0x325: {  	p0 =	sne.s32 s0, $0x0;
	s0 =	rddreg [dreg:$0x3]  }
0x326: {  	s0 =	sadd.s32 @!p0 $0x100000, s0  }
0x327: {  	[sflag:s0] =	ssyncadd.tile.s32 @!p0 $0x1;
	_ =	shalt  }
.Lfunc_end2:
_tile_overlayer_lowered:
.L_overlay_start_2:
0x328: {  	(tag) =	ssettag $0x2  }
0x329: {  	s0 =	rddreg [dreg:$0x0];
	s2 =	stileid.u32  }
0x32a: {  	s1 =	rddreg [dreg:$0x1];
	p0 =	sne.s32 s2, $0x0  }
0x32b: {  	s3 =	rddreg [dreg:$0x2];
	[bflag:$0x3] =	sbarrier.arrive $0xFFFF;
	s2 =	simm.s32 @!p0 $0x1C03  }
0x32c: {  	[timem:s3], [sflag:s2] =	dma.local @!p0 [hbm:s0], s1  }
0x32d: {  	s0 =	simm.s32 @!p0 $0x3  }
0x32e: {  	_ =	swait.ge @!p0 [sflag:s0], s1  }
0x32f: {  	s1 =	ssub.s32 @!p0 $0x0, s1;
	[sflag:s0] =	ssyncset.done @!p0 $0x0  }
0x330: {  	[sflag:s0] =	ssyncadd.s32 @!p0 s1  }
0x331: {  	[bflag:$0x3] =	sbarrier.arrive $0xFFFF  }
0x332: {  	_ =	shalt  }

</sc_bundles>
